<compile_context>
chip_gen: v7x
topology: tpu7x:2x2x1
jax: 0.10.2.dev20260603
libtpu: 0.0.44.dev20260713+nightly
codegen_flags: <defaults>
</compile_context>

<pallas_src>
import jax
import jax.numpy as jnp
from jax import lax
from jax.experimental import pallas as pl
from jax.experimental.pallas import tpu as pltpu
from jax.experimental.pallas import tpu_sc as plsc

_NUM_CORES = 2
_NUM_SUBCORES = 16
_NUM_WORKERS = _NUM_CORES * _NUM_SUBCORES

_B = 4
_T = 8192
_H = 1024
_ROWS_PER_WORKER = _T // _NUM_WORKERS
_SUBS = (120, 120, 16)
_BUF = max(_SUBS)
_G = 16
_NGROUPS = _B * _ROWS_PER_WORKER // _G


def _body(x_hbm, pe_hbm, out_hbm, buf, pe0, x_v, wsem, xsem):
    wid = lax.axis_index("s") * _NUM_CORES + lax.axis_index("c")
    base = wid * _ROWS_PER_WORKER

    writes = []
    xread = None
    off = 0
    for sub in _SUBS:
        rb = base + off
        off += sub
        for h in writes:
            h.wait()
        pltpu.sync_copy(pe_hbm.at[pl.ds(rb, sub)], buf.at[pl.ds(0, sub)])
        writes = [
            pltpu.async_copy(
                buf.at[pl.ds(0, sub)],
                out_hbm.at[(wid + b) % _B, pl.ds(rb, sub)], wsem)
            for b in range(_B)
        ]
        if xread is None:
            xread = pltpu.async_copy(
                x_hbm.at[:, pl.ds(base, _ROWS_PER_WORKER)], x_v, xsem)
    xread.wait()

    acc = jnp.zeros((_G,), jnp.bool_)
    for b in range(_B):
        def scan(g, a, b=b):
            return a | (x_v[b, pl.ds(g * _G, _G)] == 0)

        acc = lax.fori_loop(0, _NGROUPS // _B, scan, acc)
    hit_any = jnp.any(acc)
    for h in writes:
        h.wait()

    @pl.when(hit_any)
    def _():
        pltpu.sync_copy(pe_hbm.at[pl.ds(0, 1)], pe0)
        for b in range(_B):
            def group(g, carry, b=b):
                xv = x_v[b, pl.ds(g * _G, _G)]

                @pl.when(jnp.any(xv == 0))
                def _():
                    for r in range(_G):
                        @pl.when(xv[r] == 0)
                        def _(b=b, r=r):
                            pltpu.sync_copy(
                                pe0,
                                out_hbm.at[b, pl.ds(base + g * _G + r, 1)])

                return carry

            lax.fori_loop(0, _NGROUPS // _B, group, 0)


@jax.jit
def kernel(x, pe):
    mesh = plsc.VectorSubcoreMesh(
        core_axis_name="c", subcore_axis_name="s",
        num_cores=_NUM_CORES, num_subcores=_NUM_SUBCORES)
    run = pl.kernel(
        _body,
        out_type=jax.ShapeDtypeStruct((_B, _T, _H), jnp.float32),
        mesh=mesh,
        compiler_params=pltpu.CompilerParams(needs_layout_passes=False),
        scratch_types=[
            pltpu.VMEM((_BUF, _H), jnp.float32),
            pltpu.VMEM((1, _H), jnp.float32),
            pltpu.VMEM((_B, _ROWS_PER_WORKER), jnp.int32),
            pltpu.SemaphoreType.DMA,
            pltpu.SemaphoreType.DMA,
        ],
    )
    return run(x, pe)

# --- scband reference (transcript-rebuilt; emitter-appended) ---
"""Pipeline reference for scband-learned-positional-encoding-79267916415639 (READ-ONLY COPY).

The authoritative reference and input builder live on the scoring server;
editing this copy changes nothing except your own understanding.
"""

import jax, jax.numpy as jnp
import numpy as np

PAD_IDX = 0


def setup_inputs(seed: int = 0) -> dict:
    key = jax.random.key(seed)
    k1, k2 = jax.random.split(key)
    # token ids (B=4, T=8192); values in [0, 32000)
    x = jax.random.randint(k1, (4, 8192), 0, 32000, dtype=jnp.int32)
    # learned positional embedding table: (max_len=8192, hidden_size=1024)
    pe = jax.random.normal(k2, (8192, 1024), dtype=jnp.float32) * 0.02
    return {"x": x, "pe": pe}


def reference(x, pe):
    B, T = x.shape
    pos = jnp.broadcast_to(jnp.arange(T, dtype=x.dtype)[None, :], (B, T))
    # positions at pad tokens are zeroed (masked_fill)
    pos = jnp.where(x == PAD_IDX, jnp.zeros_like(pos), pos)
    # embedding lookup: gather rows of pe by position index -> (B, T, H)
    return jnp.take(pe, pos, axis=0)

if __name__ == "__main__":
    import jax
    _d = setup_inputs()
    print(jax.jit(kernel)(*tuple(_d.values())))

</pallas_src>

<mosaic_0001>
#map = affine_map<(d0, d1) -> (0, 0)>
#map1 = affine_map<(d0, d1) -> (0, 0, 0)>
module attributes {stable_mosaic.version = 14 : i64} {
  func.func @_body(%arg0: i32, %arg1: i32, %arg2: memref<4x8192xi32, #tpu.memory_space<hbm>>, %arg3: memref<8192x1024xf32, #tpu.memory_space<hbm>>, %arg4: memref<4x8192x1024xf32, #tpu.memory_space<hbm>>, %arg5: memref<120x1024xf32, #tpu.memory_space<vmem>>, %arg6: memref<1x1024xf32, #tpu.memory_space<vmem>>, %arg7: memref<4x256xi32, #tpu.memory_space<vmem>>, %arg8: memref<!tpu.dma_semaphore, #tpu.memory_space<semaphore_mem>>, %arg9: memref<!tpu.dma_semaphore, #tpu.memory_space<semaphore_mem>>) attributes {dimension_semantics = [#tpu.dimension_semantics<core_parallel>, #tpu.dimension_semantics<subcore_parallel>], iteration_bounds = array<i64: 2, 16>, scalar_prefetch = 0 : i64, scratch_operands = 5 : i64, tpu.core_type = #tpu.core_type<sc_vector_subcore>, window_params = [{transform_indices = #map}, {transform_indices = #map}, {transform_indices = #map1}]} {
    %mul3A = arith.constant 2 : i32
    %mul3A_0 = arith.muli %arg1, %mul3A : i32
    %add3A = arith.addi %mul3A_0, %arg0 : i32
    %mul3A_1 = arith.constant 256 : i32
    %mul3A_2 = arith.muli %add3A, %mul3A_1 : i32
    %add3A_3 = arith.constant 0 : i32
    %add3A_4 = arith.addi %mul3A_2, %add3A_3 : i32
    "tpu.region"() ({
      %run_scoped3A = tpu.sem_alloc : memref<!tpu.dma_semaphore, #tpu.memory_space<semaphore_mem>>
      %dma_start3A_547 = arith.constant 0 : i32
      %dma_start3A_548 = arith.constant 0 : i32
      %dma_start3A_549 = tpu.memref_slice %arg5[%dma_start3A_547, %dma_start3A_548] : memref<120x1024xf32, #tpu.memory_space<vmem>> -> memref<120x1024xf32, #tpu.memory_space<vmem>>
      %dma_start3A_550 = arith.constant 0 : i32
      %dma_start3A_551 = tpu.memref_slice %arg3[%add3A_4, %dma_start3A_550] : memref<8192x1024xf32, #tpu.memory_space<hbm>> -> memref<120x1024xf32, #tpu.memory_space<hbm>>
      %dma_start3A_552 = arith.constant 0 : i32
      %dma_start3A_553 = arith.constant 0 : i32
      %dma_start3A_554 = tpu.memref_slice %arg5[%dma_start3A_552, %dma_start3A_553] : memref<120x1024xf32, #tpu.memory_space<vmem>> -> memref<120x1024xf32, #tpu.memory_space<vmem>>
      %dma_start3A_555 = arith.constant 0 : i32
      %dma_start3A_556 = tpu.memref_slice %arg3[%add3A_4, %dma_start3A_555] : memref<8192x1024xf32, #tpu.memory_space<hbm>> -> memref<120x1024xf32, #tpu.memory_space<hbm>>
      tpu.enqueue_dma source(%dma_start3A_556 : memref<120x1024xf32, #tpu.memory_space<hbm>>) target(%dma_start3A_554 : memref<120x1024xf32, #tpu.memory_space<vmem>>) target_semaphore(%run_scoped3A : memref<!tpu.dma_semaphore, #tpu.memory_space<semaphore_mem>>)
      %dma_wait3A_557 = arith.constant 0 : i32
      %dma_wait3A_558 = arith.constant 0 : i32
      %dma_wait3A_559 = tpu.memref_slice %arg5[%dma_wait3A_557, %dma_wait3A_558] : memref<120x1024xf32, #tpu.memory_space<vmem>> -> memref<120x1024xf32, #tpu.memory_space<vmem>>
      %dma_wait3A_560 = arith.constant 0 : i32
      %dma_wait3A_561 = tpu.memref_slice %arg3[%add3A_4, %dma_wait3A_560] : memref<8192x1024xf32, #tpu.memory_space<hbm>> -> memref<120x1024xf32, #tpu.memory_space<hbm>>
      %dma_wait3A_562 = arith.constant 0 : i32
      %dma_wait3A_563 = arith.constant 0 : i32
      %dma_wait3A_564 = tpu.memref_slice %arg5[%dma_wait3A_562, %dma_wait3A_563] : memref<120x1024xf32, #tpu.memory_space<vmem>> -> memref<120x1024xf32, #tpu.memory_space<vmem>>
      %dma_wait3A_565 = arith.constant 0 : i32
      %dma_wait3A_566 = tpu.memref_slice %arg3[%add3A_4, %dma_wait3A_565] : memref<8192x1024xf32, #tpu.memory_space<hbm>> -> memref<120x1024xf32, #tpu.memory_space<hbm>>
      tpu.wait_dma2 semaphore(%run_scoped3A : memref<!tpu.dma_semaphore, #tpu.memory_space<semaphore_mem>>) src(%dma_wait3A_566 : memref<120x1024xf32, #tpu.memory_space<hbm>>) dst(%dma_wait3A_564 : memref<120x1024xf32, #tpu.memory_space<vmem>>)
      tpu.yield
    }) : () -> ()
    %add3A_5 = arith.constant 0 : i32
    %add3A_6 = arith.addi %add3A, %add3A_5 : i32
    %jit3A = arith.constant 4 : i32
    %eq3A = arith.constant 0 : i32
    %eq3A_7 = arith.cmpi eq, %jit3A, %eq3A : i32
    %jit3A_8 = arith.constant 1 : i32
    %select_n3A = arith.select %eq3A_7, %jit3A_8, %jit3A : i32
    %rem3A = arith.remsi %add3A_6, %select_n3A : i32
    %ne3A = arith.constant 0 : i32
    %ne3A_9 = arith.cmpi ne, %rem3A, %ne3A : i32
    %lt3A = arith.constant 0 : i32
    %lt3A_10 = arith.cmpi slt, %rem3A, %lt3A : i32
    %lt3A_11 = arith.constant 0 : i32
    %lt3A_12 = arith.cmpi slt, %select_n3A, %lt3A_11 : i32
    %ne3A_13 = arith.xori %lt3A_10, %lt3A_12 : i1
    %and3A = arith.andi %ne3A_13, %ne3A_9 : i1
    %add3A_14 = arith.addi %rem3A, %select_n3A : i32
    %select_n3A_15 = arith.select %and3A, %add3A_14, %rem3A : i32
    %dma_start3A = arith.constant 0 : i32
    %dma_start3A_16 = arith.constant 0 : i32
    %dma_start3A_17 = tpu.memref_slice %arg5[%dma_start3A, %dma_start3A_16] : memref<120x1024xf32, #tpu.memory_space<vmem>> -> memref<120x1024xf32, #tpu.memory_space<vmem>>
    %dma_start3A_18 = arith.constant 0 : i32
    %dma_start3A_19 = tpu.memref_slice %arg4[%select_n3A_15, %add3A_4, %dma_start3A_18] : memref<4x8192x1024xf32, #tpu.memory_space<hbm>> -> memref<1x120x1024xf32, #tpu.memory_space<hbm>>
    %dma_start3A_20 = tpu.memref_squeeze %dma_start3A_19 : memref<1x120x1024xf32, #tpu.memory_space<hbm>> -> memref<120x1024xf32, #tpu.memory_space<hbm>>
    %dma_start3A_21 = arith.constant 0 : i32
    %dma_start3A_22 = tpu.memref_slice %arg4[%select_n3A_15, %add3A_4, %dma_start3A_21] : memref<4x8192x1024xf32, #tpu.memory_space<hbm>> -> memref<1x120x1024xf32, #tpu.memory_space<hbm>>
    %dma_start3A_23 = tpu.memref_squeeze %dma_start3A_22 : memref<1x120x1024xf32, #tpu.memory_space<hbm>> -> memref<120x1024xf32, #tpu.memory_space<hbm>>
    %dma_start3A_24 = arith.constant 0 : i32
    %dma_start3A_25 = arith.constant 0 : i32
    %dma_start3A_26 = tpu.memref_slice %arg5[%dma_start3A_24, %dma_start3A_25] : memref<120x1024xf32, #tpu.memory_space<vmem>> -> memref<120x1024xf32, #tpu.memory_space<vmem>>
    tpu.enqueue_dma source(%dma_start3A_26 : memref<120x1024xf32, #tpu.memory_space<vmem>>) target(%dma_start3A_23 : memref<120x1024xf32, #tpu.memory_space<hbm>>) target_semaphore(%arg8 : memref<!tpu.dma_semaphore, #tpu.memory_space<semaphore_mem>>)
    %add3A_27 = arith.constant 1 : i32
    %add3A_28 = arith.addi %add3A, %add3A_27 : i32
    %jit3A_29 = arith.constant 4 : i32
    %eq3A_30 = arith.constant 0 : i32
    %eq3A_31 = arith.cmpi eq, %jit3A_29, %eq3A_30 : i32
    %jit3A_32 = arith.constant 1 : i32
    %select_n3A_33 = arith.select %eq3A_31, %jit3A_32, %jit3A_29 : i32
    %rem3A_34 = arith.remsi %add3A_28, %select_n3A_33 : i32
    %ne3A_35 = arith.constant 0 : i32
    %ne3A_36 = arith.cmpi ne, %rem3A_34, %ne3A_35 : i32
    %lt3A_37 = arith.constant 0 : i32
    %lt3A_38 = arith.cmpi slt, %rem3A_34, %lt3A_37 : i32
    %lt3A_39 = arith.constant 0 : i32
    %lt3A_40 = arith.cmpi slt, %select_n3A_33, %lt3A_39 : i32
    %ne3A_41 = arith.xori %lt3A_38, %lt3A_40 : i1
    %and3A_42 = arith.andi %ne3A_41, %ne3A_36 : i1
    %add3A_43 = arith.addi %rem3A_34, %select_n3A_33 : i32
    %select_n3A_44 = arith.select %and3A_42, %add3A_43, %rem3A_34 : i32
    %dma_start3A_45 = arith.constant 0 : i32
    %dma_start3A_46 = arith.constant 0 : i32
    %dma_start3A_47 = tpu.memref_slice %arg5[%dma_start3A_45, %dma_start3A_46] : memref<120x1024xf32, #tpu.memory_space<vmem>> -> memref<120x1024xf32, #tpu.memory_space<vmem>>
    %dma_start3A_48 = arith.constant 0 : i32
    %dma_start3A_49 = tpu.memref_slice %arg4[%select_n3A_44, %add3A_4, %dma_start3A_48] : memref<4x8192x1024xf32, #tpu.memory_space<hbm>> -> memref<1x120x1024xf32, #tpu.memory_space<hbm>>
    %dma_start3A_50 = tpu.memref_squeeze %dma_start3A_49 : memref<1x120x1024xf32, #tpu.memory_space<hbm>> -> memref<120x1024xf32, #tpu.memory_space<hbm>>
    %dma_start3A_51 = arith.constant 0 : i32
    %dma_start3A_52 = tpu.memref_slice %arg4[%select_n3A_44, %add3A_4, %dma_start3A_51] : memref<4x8192x1024xf32, #tpu.memory_space<hbm>> -> memref<1x120x1024xf32, #tpu.memory_space<hbm>>
    %dma_start3A_53 = tpu.memref_squeeze %dma_start3A_52 : memref<1x120x1024xf32, #tpu.memory_space<hbm>> -> memref<120x1024xf32, #tpu.memory_space<hbm>>
    %dma_start3A_54 = arith.constant 0 : i32
    %dma_start3A_55 = arith.constant 0 : i32
    %dma_start3A_56 = tpu.memref_slice %arg5[%dma_start3A_54, %dma_start3A_55] : memref<120x1024xf32, #tpu.memory_space<vmem>> -> memref<120x1024xf32, #tpu.memory_space<vmem>>
    tpu.enqueue_dma source(%dma_start3A_56 : memref<120x1024xf32, #tpu.memory_space<vmem>>) target(%dma_start3A_53 : memref<120x1024xf32, #tpu.memory_space<hbm>>) target_semaphore(%arg8 : memref<!tpu.dma_semaphore, #tpu.memory_space<semaphore_mem>>)
    %add3A_57 = arith.constant 2 : i32
    %add3A_58 = arith.addi %add3A, %add3A_57 : i32
    %jit3A_59 = arith.constant 4 : i32
    %eq3A_60 = arith.constant 0 : i32
    %eq3A_61 = arith.cmpi eq, %jit3A_59, %eq3A_60 : i32
    %jit3A_62 = arith.constant 1 : i32
    %select_n3A_63 = arith.select %eq3A_61, %jit3A_62, %jit3A_59 : i32
    %rem3A_64 = arith.remsi %add3A_58, %select_n3A_63 : i32
    %ne3A_65 = arith.constant 0 : i32
    %ne3A_66 = arith.cmpi ne, %rem3A_64, %ne3A_65 : i32
    %lt3A_67 = arith.constant 0 : i32
    %lt3A_68 = arith.cmpi slt, %rem3A_64, %lt3A_67 : i32
    %lt3A_69 = arith.constant 0 : i32
    %lt3A_70 = arith.cmpi slt, %select_n3A_63, %lt3A_69 : i32
    %ne3A_71 = arith.xori %lt3A_68, %lt3A_70 : i1
    %and3A_72 = arith.andi %ne3A_71, %ne3A_66 : i1
    %add3A_73 = arith.addi %rem3A_64, %select_n3A_63 : i32
    %select_n3A_74 = arith.select %and3A_72, %add3A_73, %rem3A_64 : i32
    %dma_start3A_75 = arith.constant 0 : i32
    %dma_start3A_76 = arith.constant 0 : i32
    %dma_start3A_77 = tpu.memref_slice %arg5[%dma_start3A_75, %dma_start3A_76] : memref<120x1024xf32, #tpu.memory_space<vmem>> -> memref<120x1024xf32, #tpu.memory_space<vmem>>
    %dma_start3A_78 = arith.constant 0 : i32
    %dma_start3A_79 = tpu.memref_slice %arg4[%select_n3A_74, %add3A_4, %dma_start3A_78] : memref<4x8192x1024xf32, #tpu.memory_space<hbm>> -> memref<1x120x1024xf32, #tpu.memory_space<hbm>>
    %dma_start3A_80 = tpu.memref_squeeze %dma_start3A_79 : memref<1x120x1024xf32, #tpu.memory_space<hbm>> -> memref<120x1024xf32, #tpu.memory_space<hbm>>
    %dma_start3A_81 = arith.constant 0 : i32
    %dma_start3A_82 = tpu.memref_slice %arg4[%select_n3A_74, %add3A_4, %dma_start3A_81] : memref<4x8192x1024xf32, #tpu.memory_space<hbm>> -> memref<1x120x1024xf32, #tpu.memory_space<hbm>>
    %dma_start3A_83 = tpu.memref_squeeze %dma_start3A_82 : memref<1x120x1024xf32, #tpu.memory_space<hbm>> -> memref<120x1024xf32, #tpu.memory_space<hbm>>
    %dma_start3A_84 = arith.constant 0 : i32
    %dma_start3A_85 = arith.constant 0 : i32
    %dma_start3A_86 = tpu.memref_slice %arg5[%dma_start3A_84, %dma_start3A_85] : memref<120x1024xf32, #tpu.memory_space<vmem>> -> memref<120x1024xf32, #tpu.memory_space<vmem>>
    tpu.enqueue_dma source(%dma_start3A_86 : memref<120x1024xf32, #tpu.memory_space<vmem>>) target(%dma_start3A_83 : memref<120x1024xf32, #tpu.memory_space<hbm>>) target_semaphore(%arg8 : memref<!tpu.dma_semaphore, #tpu.memory_space<semaphore_mem>>)
    %add3A_87 = arith.constant 3 : i32
    %add3A_88 = arith.addi %add3A, %add3A_87 : i32
    %jit3A_89 = arith.constant 4 : i32
    %eq3A_90 = arith.constant 0 : i32
    %eq3A_91 = arith.cmpi eq, %jit3A_89, %eq3A_90 : i32
    %jit3A_92 = arith.constant 1 : i32
    %select_n3A_93 = arith.select %eq3A_91, %jit3A_92, %jit3A_89 : i32
    %rem3A_94 = arith.remsi %add3A_88, %select_n3A_93 : i32
    %ne3A_95 = arith.constant 0 : i32
    %ne3A_96 = arith.cmpi ne, %rem3A_94, %ne3A_95 : i32
    %lt3A_97 = arith.constant 0 : i32
    %lt3A_98 = arith.cmpi slt, %rem3A_94, %lt3A_97 : i32
    %lt3A_99 = arith.constant 0 : i32
    %lt3A_100 = arith.cmpi slt, %select_n3A_93, %lt3A_99 : i32
    %ne3A_101 = arith.xori %lt3A_98, %lt3A_100 : i1
    %and3A_102 = arith.andi %ne3A_101, %ne3A_96 : i1
    %add3A_103 = arith.addi %rem3A_94, %select_n3A_93 : i32
    %select_n3A_104 = arith.select %and3A_102, %add3A_103, %rem3A_94 : i32
    %dma_start3A_105 = arith.constant 0 : i32
    %dma_start3A_106 = arith.constant 0 : i32
    %dma_start3A_107 = tpu.memref_slice %arg5[%dma_start3A_105, %dma_start3A_106] : memref<120x1024xf32, #tpu.memory_space<vmem>> -> memref<120x1024xf32, #tpu.memory_space<vmem>>
    %dma_start3A_108 = arith.constant 0 : i32
    %dma_start3A_109 = tpu.memref_slice %arg4[%select_n3A_104, %add3A_4, %dma_start3A_108] : memref<4x8192x1024xf32, #tpu.memory_space<hbm>> -> memref<1x120x1024xf32, #tpu.memory_space<hbm>>
    %dma_start3A_110 = tpu.memref_squeeze %dma_start3A_109 : memref<1x120x1024xf32, #tpu.memory_space<hbm>> -> memref<120x1024xf32, #tpu.memory_space<hbm>>
    %dma_start3A_111 = arith.constant 0 : i32
    %dma_start3A_112 = tpu.memref_slice %arg4[%select_n3A_104, %add3A_4, %dma_start3A_111] : memref<4x8192x1024xf32, #tpu.memory_space<hbm>> -> memref<1x120x1024xf32, #tpu.memory_space<hbm>>
    %dma_start3A_113 = tpu.memref_squeeze %dma_start3A_112 : memref<1x120x1024xf32, #tpu.memory_space<hbm>> -> memref<120x1024xf32, #tpu.memory_space<hbm>>
    %dma_start3A_114 = arith.constant 0 : i32
    %dma_start3A_115 = arith.constant 0 : i32
    %dma_start3A_116 = tpu.memref_slice %arg5[%dma_start3A_114, %dma_start3A_115] : memref<120x1024xf32, #tpu.memory_space<vmem>> -> memref<120x1024xf32, #tpu.memory_space<vmem>>
    tpu.enqueue_dma source(%dma_start3A_116 : memref<120x1024xf32, #tpu.memory_space<vmem>>) target(%dma_start3A_113 : memref<120x1024xf32, #tpu.memory_space<hbm>>) target_semaphore(%arg8 : memref<!tpu.dma_semaphore, #tpu.memory_space<semaphore_mem>>)
    %dma_start3A_117 = arith.constant 0 : i32
    %dma_start3A_118 = tpu.memref_slice %arg2[%dma_start3A_117, %mul3A_2] : memref<4x8192xi32, #tpu.memory_space<hbm>> -> memref<4x256xi32, #tpu.memory_space<hbm>>
    %dma_start3A_119 = arith.constant 0 : i32
    %dma_start3A_120 = tpu.memref_slice %arg2[%dma_start3A_119, %mul3A_2] : memref<4x8192xi32, #tpu.memory_space<hbm>> -> memref<4x256xi32, #tpu.memory_space<hbm>>
    tpu.enqueue_dma source(%dma_start3A_120 : memref<4x256xi32, #tpu.memory_space<hbm>>) target(%arg7 : memref<4x256xi32, #tpu.memory_space<vmem>>) target_semaphore(%arg9 : memref<!tpu.dma_semaphore, #tpu.memory_space<semaphore_mem>>)
    %add3A_121 = arith.constant 120 : i32
    %add3A_122 = arith.addi %mul3A_2, %add3A_121 : i32
    %dma_wait3A = arith.constant 0 : i32
    %dma_wait3A_123 = arith.constant 0 : i32
    %dma_wait3A_124 = tpu.memref_slice %arg5[%dma_wait3A, %dma_wait3A_123] : memref<120x1024xf32, #tpu.memory_space<vmem>> -> memref<120x1024xf32, #tpu.memory_space<vmem>>
    %dma_wait3A_125 = arith.constant 0 : i32
    %dma_wait3A_126 = tpu.memref_slice %arg4[%select_n3A_15, %add3A_4, %dma_wait3A_125] : memref<4x8192x1024xf32, #tpu.memory_space<hbm>> -> memref<1x120x1024xf32, #tpu.memory_space<hbm>>
    %dma_wait3A_127 = tpu.memref_squeeze %dma_wait3A_126 : memref<1x120x1024xf32, #tpu.memory_space<hbm>> -> memref<120x1024xf32, #tpu.memory_space<hbm>>
    %dma_wait3A_128 = arith.constant 0 : i32
    %dma_wait3A_129 = tpu.memref_slice %arg4[%select_n3A_15, %add3A_4, %dma_wait3A_128] : memref<4x8192x1024xf32, #tpu.memory_space<hbm>> -> memref<1x120x1024xf32, #tpu.memory_space<hbm>>
    %dma_wait3A_130 = tpu.memref_squeeze %dma_wait3A_129 : memref<1x120x1024xf32, #tpu.memory_space<hbm>> -> memref<120x1024xf32, #tpu.memory_space<hbm>>
    %dma_wait3A_131 = arith.constant 0 : i32
    %dma_wait3A_132 = arith.constant 0 : i32
    %dma_wait3A_133 = tpu.memref_slice %arg5[%dma_wait3A_131, %dma_wait3A_132] : memref<120x1024xf32, #tpu.memory_space<vmem>> -> memref<120x1024xf32, #tpu.memory_space<vmem>>
    tpu.wait_dma2 semaphore(%arg8 : memref<!tpu.dma_semaphore, #tpu.memory_space<semaphore_mem>>) src(%dma_wait3A_133 : memref<120x1024xf32, #tpu.memory_space<vmem>>) dst(%dma_wait3A_130 : memref<120x1024xf32, #tpu.memory_space<hbm>>)
    %dma_wait3A_134 = arith.constant 0 : i32
    %dma_wait3A_135 = arith.constant 0 : i32
    %dma_wait3A_136 = tpu.memref_slice %arg5[%dma_wait3A_134, %dma_wait3A_135] : memref<120x1024xf32, #tpu.memory_space<vmem>> -> memref<120x1024xf32, #tpu.memory_space<vmem>>
    %dma_wait3A_137 = arith.constant 0 : i32
    %dma_wait3A_138 = tpu.memref_slice %arg4[%select_n3A_44, %add3A_4, %dma_wait3A_137] : memref<4x8192x1024xf32, #tpu.memory_space<hbm>> -> memref<1x120x1024xf32, #tpu.memory_space<hbm>>
    %dma_wait3A_139 = tpu.memref_squeeze %dma_wait3A_138 : memref<1x120x1024xf32, #tpu.memory_space<hbm>> -> memref<120x1024xf32, #tpu.memory_space<hbm>>
    %dma_wait3A_140 = arith.constant 0 : i32
    %dma_wait3A_141 = tpu.memref_slice %arg4[%select_n3A_44, %add3A_4, %dma_wait3A_140] : memref<4x8192x1024xf32, #tpu.memory_space<hbm>> -> memref<1x120x1024xf32, #tpu.memory_space<hbm>>
    %dma_wait3A_142 = tpu.memref_squeeze %dma_wait3A_141 : memref<1x120x1024xf32, #tpu.memory_space<hbm>> -> memref<120x1024xf32, #tpu.memory_space<hbm>>
    %dma_wait3A_143 = arith.constant 0 : i32
    %dma_wait3A_144 = arith.constant 0 : i32
    %dma_wait3A_145 = tpu.memref_slice %arg5[%dma_wait3A_143, %dma_wait3A_144] : memref<120x1024xf32, #tpu.memory_space<vmem>> -> memref<120x1024xf32, #tpu.memory_space<vmem>>
    tpu.wait_dma2 semaphore(%arg8 : memref<!tpu.dma_semaphore, #tpu.memory_space<semaphore_mem>>) src(%dma_wait3A_145 : memref<120x1024xf32, #tpu.memory_space<vmem>>) dst(%dma_wait3A_142 : memref<120x1024xf32, #tpu.memory_space<hbm>>)
    %dma_wait3A_146 = arith.constant 0 : i32
    %dma_wait3A_147 = arith.constant 0 : i32
    %dma_wait3A_148 = tpu.memref_slice %arg5[%dma_wait3A_146, %dma_wait3A_147] : memref<120x1024xf32, #tpu.memory_space<vmem>> -> memref<120x1024xf32, #tpu.memory_space<vmem>>
    %dma_wait3A_149 = arith.constant 0 : i32
    %dma_wait3A_150 = tpu.memref_slice %arg4[%select_n3A_74, %add3A_4, %dma_wait3A_149] : memref<4x8192x1024xf32, #tpu.memory_space<hbm>> -> memref<1x120x1024xf32, #tpu.memory_space<hbm>>
    %dma_wait3A_151 = tpu.memref_squeeze %dma_wait3A_150 : memref<1x120x1024xf32, #tpu.memory_space<hbm>> -> memref<120x1024xf32, #tpu.memory_space<hbm>>
    %dma_wait3A_152 = arith.constant 0 : i32
    %dma_wait3A_153 = tpu.memref_slice %arg4[%select_n3A_74, %add3A_4, %dma_wait3A_152] : memref<4x8192x1024xf32, #tpu.memory_space<hbm>> -> memref<1x120x1024xf32, #tpu.memory_space<hbm>>
    %dma_wait3A_154 = tpu.memref_squeeze %dma_wait3A_153 : memref<1x120x1024xf32, #tpu.memory_space<hbm>> -> memref<120x1024xf32, #tpu.memory_space<hbm>>
    %dma_wait3A_155 = arith.constant 0 : i32
    %dma_wait3A_156 = arith.constant 0 : i32
    %dma_wait3A_157 = tpu.memref_slice %arg5[%dma_wait3A_155, %dma_wait3A_156] : memref<120x1024xf32, #tpu.memory_space<vmem>> -> memref<120x1024xf32, #tpu.memory_space<vmem>>
    tpu.wait_dma2 semaphore(%arg8 : memref<!tpu.dma_semaphore, #tpu.memory_space<semaphore_mem>>) src(%dma_wait3A_157 : memref<120x1024xf32, #tpu.memory_space<vmem>>) dst(%dma_wait3A_154 : memref<120x1024xf32, #tpu.memory_space<hbm>>)
    %dma_wait3A_158 = arith.constant 0 : i32
    %dma_wait3A_159 = arith.constant 0 : i32
    %dma_wait3A_160 = tpu.memref_slice %arg5[%dma_wait3A_158, %dma_wait3A_159] : memref<120x1024xf32, #tpu.memory_space<vmem>> -> memref<120x1024xf32, #tpu.memory_space<vmem>>
    %dma_wait3A_161 = arith.constant 0 : i32
    %dma_wait3A_162 = tpu.memref_slice %arg4[%select_n3A_104, %add3A_4, %dma_wait3A_161] : memref<4x8192x1024xf32, #tpu.memory_space<hbm>> -> memref<1x120x1024xf32, #tpu.memory_space<hbm>>
    %dma_wait3A_163 = tpu.memref_squeeze %dma_wait3A_162 : memref<1x120x1024xf32, #tpu.memory_space<hbm>> -> memref<120x1024xf32, #tpu.memory_space<hbm>>
    %dma_wait3A_164 = arith.constant 0 : i32
    %dma_wait3A_165 = tpu.memref_slice %arg4[%select_n3A_104, %add3A_4, %dma_wait3A_164] : memref<4x8192x1024xf32, #tpu.memory_space<hbm>> -> memref<1x120x1024xf32, #tpu.memory_space<hbm>>
    %dma_wait3A_166 = tpu.memref_squeeze %dma_wait3A_165 : memref<1x120x1024xf32, #tpu.memory_space<hbm>> -> memref<120x1024xf32, #tpu.memory_space<hbm>>
    %dma_wait3A_167 = arith.constant 0 : i32
    %dma_wait3A_168 = arith.constant 0 : i32
    %dma_wait3A_169 = tpu.memref_slice %arg5[%dma_wait3A_167, %dma_wait3A_168] : memref<120x1024xf32, #tpu.memory_space<vmem>> -> memref<120x1024xf32, #tpu.memory_space<vmem>>
    tpu.wait_dma2 semaphore(%arg8 : memref<!tpu.dma_semaphore, #tpu.memory_space<semaphore_mem>>) src(%dma_wait3A_169 : memref<120x1024xf32, #tpu.memory_space<vmem>>) dst(%dma_wait3A_166 : memref<120x1024xf32, #tpu.memory_space<hbm>>)
    "tpu.region"() ({
      %run_scoped3A = tpu.sem_alloc : memref<!tpu.dma_semaphore, #tpu.memory_space<semaphore_mem>>
      %dma_start3A_547 = arith.constant 0 : i32
      %dma_start3A_548 = arith.constant 0 : i32
      %dma_start3A_549 = tpu.memref_slice %arg5[%dma_start3A_547, %dma_start3A_548] : memref<120x1024xf32, #tpu.memory_space<vmem>> -> memref<120x1024xf32, #tpu.memory_space<vmem>>
      %dma_start3A_550 = arith.constant 0 : i32
      %dma_start3A_551 = tpu.memref_slice %arg3[%add3A_122, %dma_start3A_550] : memref<8192x1024xf32, #tpu.memory_space<hbm>> -> memref<120x1024xf32, #tpu.memory_space<hbm>>
      %dma_start3A_552 = arith.constant 0 : i32
      %dma_start3A_553 = arith.constant 0 : i32
      %dma_start3A_554 = tpu.memref_slice %arg5[%dma_start3A_552, %dma_start3A_553] : memref<120x1024xf32, #tpu.memory_space<vmem>> -> memref<120x1024xf32, #tpu.memory_space<vmem>>
      %dma_start3A_555 = arith.constant 0 : i32
      %dma_start3A_556 = tpu.memref_slice %arg3[%add3A_122, %dma_start3A_555] : memref<8192x1024xf32, #tpu.memory_space<hbm>> -> memref<120x1024xf32, #tpu.memory_space<hbm>>
      tpu.enqueue_dma source(%dma_start3A_556 : memref<120x1024xf32, #tpu.memory_space<hbm>>) target(%dma_start3A_554 : memref<120x1024xf32, #tpu.memory_space<vmem>>) target_semaphore(%run_scoped3A : memref<!tpu.dma_semaphore, #tpu.memory_space<semaphore_mem>>)
      %dma_wait3A_557 = arith.constant 0 : i32
      %dma_wait3A_558 = arith.constant 0 : i32
      %dma_wait3A_559 = tpu.memref_slice %arg5[%dma_wait3A_557, %dma_wait3A_558] : memref<120x1024xf32, #tpu.memory_space<vmem>> -> memref<120x1024xf32, #tpu.memory_space<vmem>>
      %dma_wait3A_560 = arith.constant 0 : i32
      %dma_wait3A_561 = tpu.memref_slice %arg3[%add3A_122, %dma_wait3A_560] : memref<8192x1024xf32, #tpu.memory_space<hbm>> -> memref<120x1024xf32, #tpu.memory_space<hbm>>
      %dma_wait3A_562 = arith.constant 0 : i32
      %dma_wait3A_563 = arith.constant 0 : i32
      %dma_wait3A_564 = tpu.memref_slice %arg5[%dma_wait3A_562, %dma_wait3A_563] : memref<120x1024xf32, #tpu.memory_space<vmem>> -> memref<120x1024xf32, #tpu.memory_space<vmem>>
      %dma_wait3A_565 = arith.constant 0 : i32
      %dma_wait3A_566 = tpu.memref_slice %arg3[%add3A_122, %dma_wait3A_565] : memref<8192x1024xf32, #tpu.memory_space<hbm>> -> memref<120x1024xf32, #tpu.memory_space<hbm>>
      tpu.wait_dma2 semaphore(%run_scoped3A : memref<!tpu.dma_semaphore, #tpu.memory_space<semaphore_mem>>) src(%dma_wait3A_566 : memref<120x1024xf32, #tpu.memory_space<hbm>>) dst(%dma_wait3A_564 : memref<120x1024xf32, #tpu.memory_space<vmem>>)
      tpu.yield
    }) : () -> ()
    %add3A_170 = arith.constant 0 : i32
    %add3A_171 = arith.addi %add3A, %add3A_170 : i32
    %jit3A_172 = arith.constant 4 : i32
    %eq3A_173 = arith.constant 0 : i32
    %eq3A_174 = arith.cmpi eq, %jit3A_172, %eq3A_173 : i32
    %jit3A_175 = arith.constant 1 : i32
    %select_n3A_176 = arith.select %eq3A_174, %jit3A_175, %jit3A_172 : i32
    %rem3A_177 = arith.remsi %add3A_171, %select_n3A_176 : i32
    %ne3A_178 = arith.constant 0 : i32
    %ne3A_179 = arith.cmpi ne, %rem3A_177, %ne3A_178 : i32
    %lt3A_180 = arith.constant 0 : i32
    %lt3A_181 = arith.cmpi slt, %rem3A_177, %lt3A_180 : i32
    %lt3A_182 = arith.constant 0 : i32
    %lt3A_183 = arith.cmpi slt, %select_n3A_176, %lt3A_182 : i32
    %ne3A_184 = arith.xori %lt3A_181, %lt3A_183 : i1
    %and3A_185 = arith.andi %ne3A_184, %ne3A_179 : i1
    %add3A_186 = arith.addi %rem3A_177, %select_n3A_176 : i32
    %select_n3A_187 = arith.select %and3A_185, %add3A_186, %rem3A_177 : i32
    %dma_start3A_188 = arith.constant 0 : i32
    %dma_start3A_189 = arith.constant 0 : i32
    %dma_start3A_190 = tpu.memref_slice %arg5[%dma_start3A_188, %dma_start3A_189] : memref<120x1024xf32, #tpu.memory_space<vmem>> -> memref<120x1024xf32, #tpu.memory_space<vmem>>
    %dma_start3A_191 = arith.constant 0 : i32
    %dma_start3A_192 = tpu.memref_slice %arg4[%select_n3A_187, %add3A_122, %dma_start3A_191] : memref<4x8192x1024xf32, #tpu.memory_space<hbm>> -> memref<1x120x1024xf32, #tpu.memory_space<hbm>>
    %dma_start3A_193 = tpu.memref_squeeze %dma_start3A_192 : memref<1x120x1024xf32, #tpu.memory_space<hbm>> -> memref<120x1024xf32, #tpu.memory_space<hbm>>
    %dma_start3A_194 = arith.constant 0 : i32
    %dma_start3A_195 = tpu.memref_slice %arg4[%select_n3A_187, %add3A_122, %dma_start3A_194] : memref<4x8192x1024xf32, #tpu.memory_space<hbm>> -> memref<1x120x1024xf32, #tpu.memory_space<hbm>>
    %dma_start3A_196 = tpu.memref_squeeze %dma_start3A_195 : memref<1x120x1024xf32, #tpu.memory_space<hbm>> -> memref<120x1024xf32, #tpu.memory_space<hbm>>
    %dma_start3A_197 = arith.constant 0 : i32
    %dma_start3A_198 = arith.constant 0 : i32
    %dma_start3A_199 = tpu.memref_slice %arg5[%dma_start3A_197, %dma_start3A_198] : memref<120x1024xf32, #tpu.memory_space<vmem>> -> memref<120x1024xf32, #tpu.memory_space<vmem>>
    tpu.enqueue_dma source(%dma_start3A_199 : memref<120x1024xf32, #tpu.memory_space<vmem>>) target(%dma_start3A_196 : memref<120x1024xf32, #tpu.memory_space<hbm>>) target_semaphore(%arg8 : memref<!tpu.dma_semaphore, #tpu.memory_space<semaphore_mem>>)
    %add3A_200 = arith.constant 1 : i32
    %add3A_201 = arith.addi %add3A, %add3A_200 : i32
    %jit3A_202 = arith.constant 4 : i32
    %eq3A_203 = arith.constant 0 : i32
    %eq3A_204 = arith.cmpi eq, %jit3A_202, %eq3A_203 : i32
    %jit3A_205 = arith.constant 1 : i32
    %select_n3A_206 = arith.select %eq3A_204, %jit3A_205, %jit3A_202 : i32
    %rem3A_207 = arith.remsi %add3A_201, %select_n3A_206 : i32
    %ne3A_208 = arith.constant 0 : i32
    %ne3A_209 = arith.cmpi ne, %rem3A_207, %ne3A_208 : i32
    %lt3A_210 = arith.constant 0 : i32
    %lt3A_211 = arith.cmpi slt, %rem3A_207, %lt3A_210 : i32
    %lt3A_212 = arith.constant 0 : i32
    %lt3A_213 = arith.cmpi slt, %select_n3A_206, %lt3A_212 : i32
    %ne3A_214 = arith.xori %lt3A_211, %lt3A_213 : i1
    %and3A_215 = arith.andi %ne3A_214, %ne3A_209 : i1
    %add3A_216 = arith.addi %rem3A_207, %select_n3A_206 : i32
    %select_n3A_217 = arith.select %and3A_215, %add3A_216, %rem3A_207 : i32
    %dma_start3A_218 = arith.constant 0 : i32
    %dma_start3A_219 = arith.constant 0 : i32
    %dma_start3A_220 = tpu.memref_slice %arg5[%dma_start3A_218, %dma_start3A_219] : memref<120x1024xf32, #tpu.memory_space<vmem>> -> memref<120x1024xf32, #tpu.memory_space<vmem>>
    %dma_start3A_221 = arith.constant 0 : i32
    %dma_start3A_222 = tpu.memref_slice %arg4[%select_n3A_217, %add3A_122, %dma_start3A_221] : memref<4x8192x1024xf32, #tpu.memory_space<hbm>> -> memref<1x120x1024xf32, #tpu.memory_space<hbm>>
    %dma_start3A_223 = tpu.memref_squeeze %dma_start3A_222 : memref<1x120x1024xf32, #tpu.memory_space<hbm>> -> memref<120x1024xf32, #tpu.memory_space<hbm>>
    %dma_start3A_224 = arith.constant 0 : i32
    %dma_start3A_225 = tpu.memref_slice %arg4[%select_n3A_217, %add3A_122, %dma_start3A_224] : memref<4x8192x1024xf32, #tpu.memory_space<hbm>> -> memref<1x120x1024xf32, #tpu.memory_space<hbm>>
    %dma_start3A_226 = tpu.memref_squeeze %dma_start3A_225 : memref<1x120x1024xf32, #tpu.memory_space<hbm>> -> memref<120x1024xf32, #tpu.memory_space<hbm>>
    %dma_start3A_227 = arith.constant 0 : i32
    %dma_start3A_228 = arith.constant 0 : i32
    %dma_start3A_229 = tpu.memref_slice %arg5[%dma_start3A_227, %dma_start3A_228] : memref<120x1024xf32, #tpu.memory_space<vmem>> -> memref<120x1024xf32, #tpu.memory_space<vmem>>
    tpu.enqueue_dma source(%dma_start3A_229 : memref<120x1024xf32, #tpu.memory_space<vmem>>) target(%dma_start3A_226 : memref<120x1024xf32, #tpu.memory_space<hbm>>) target_semaphore(%arg8 : memref<!tpu.dma_semaphore, #tpu.memory_space<semaphore_mem>>)
    %add3A_230 = arith.constant 2 : i32
    %add3A_231 = arith.addi %add3A, %add3A_230 : i32
    %jit3A_232 = arith.constant 4 : i32
    %eq3A_233 = arith.constant 0 : i32
    %eq3A_234 = arith.cmpi eq, %jit3A_232, %eq3A_233 : i32
    %jit3A_235 = arith.constant 1 : i32
    %select_n3A_236 = arith.select %eq3A_234, %jit3A_235, %jit3A_232 : i32
    %rem3A_237 = arith.remsi %add3A_231, %select_n3A_236 : i32
    %ne3A_238 = arith.constant 0 : i32
    %ne3A_239 = arith.cmpi ne, %rem3A_237, %ne3A_238 : i32
    %lt3A_240 = arith.constant 0 : i32
    %lt3A_241 = arith.cmpi slt, %rem3A_237, %lt3A_240 : i32
    %lt3A_242 = arith.constant 0 : i32
    %lt3A_243 = arith.cmpi slt, %select_n3A_236, %lt3A_242 : i32
    %ne3A_244 = arith.xori %lt3A_241, %lt3A_243 : i1
    %and3A_245 = arith.andi %ne3A_244, %ne3A_239 : i1
    %add3A_246 = arith.addi %rem3A_237, %select_n3A_236 : i32
    %select_n3A_247 = arith.select %and3A_245, %add3A_246, %rem3A_237 : i32
    %dma_start3A_248 = arith.constant 0 : i32
    %dma_start3A_249 = arith.constant 0 : i32
    %dma_start3A_250 = tpu.memref_slice %arg5[%dma_start3A_248, %dma_start3A_249] : memref<120x1024xf32, #tpu.memory_space<vmem>> -> memref<120x1024xf32, #tpu.memory_space<vmem>>
    %dma_start3A_251 = arith.constant 0 : i32
    %dma_start3A_252 = tpu.memref_slice %arg4[%select_n3A_247, %add3A_122, %dma_start3A_251] : memref<4x8192x1024xf32, #tpu.memory_space<hbm>> -> memref<1x120x1024xf32, #tpu.memory_space<hbm>>
    %dma_start3A_253 = tpu.memref_squeeze %dma_start3A_252 : memref<1x120x1024xf32, #tpu.memory_space<hbm>> -> memref<120x1024xf32, #tpu.memory_space<hbm>>
    %dma_start3A_254 = arith.constant 0 : i32
    %dma_start3A_255 = tpu.memref_slice %arg4[%select_n3A_247, %add3A_122, %dma_start3A_254] : memref<4x8192x1024xf32, #tpu.memory_space<hbm>> -> memref<1x120x1024xf32, #tpu.memory_space<hbm>>
    %dma_start3A_256 = tpu.memref_squeeze %dma_start3A_255 : memref<1x120x1024xf32, #tpu.memory_space<hbm>> -> memref<120x1024xf32, #tpu.memory_space<hbm>>
    %dma_start3A_257 = arith.constant 0 : i32
    %dma_start3A_258 = arith.constant 0 : i32
    %dma_start3A_259 = tpu.memref_slice %arg5[%dma_start3A_257, %dma_start3A_258] : memref<120x1024xf32, #tpu.memory_space<vmem>> -> memref<120x1024xf32, #tpu.memory_space<vmem>>
    tpu.enqueue_dma source(%dma_start3A_259 : memref<120x1024xf32, #tpu.memory_space<vmem>>) target(%dma_start3A_256 : memref<120x1024xf32, #tpu.memory_space<hbm>>) target_semaphore(%arg8 : memref<!tpu.dma_semaphore, #tpu.memory_space<semaphore_mem>>)
    %add3A_260 = arith.constant 3 : i32
    %add3A_261 = arith.addi %add3A, %add3A_260 : i32
    %jit3A_262 = arith.constant 4 : i32
    %eq3A_263 = arith.constant 0 : i32
    %eq3A_264 = arith.cmpi eq, %jit3A_262, %eq3A_263 : i32
    %jit3A_265 = arith.constant 1 : i32
    %select_n3A_266 = arith.select %eq3A_264, %jit3A_265, %jit3A_262 : i32
    %rem3A_267 = arith.remsi %add3A_261, %select_n3A_266 : i32
    %ne3A_268 = arith.constant 0 : i32
    %ne3A_269 = arith.cmpi ne, %rem3A_267, %ne3A_268 : i32
    %lt3A_270 = arith.constant 0 : i32
    %lt3A_271 = arith.cmpi slt, %rem3A_267, %lt3A_270 : i32
    %lt3A_272 = arith.constant 0 : i32
    %lt3A_273 = arith.cmpi slt, %select_n3A_266, %lt3A_272 : i32
    %ne3A_274 = arith.xori %lt3A_271, %lt3A_273 : i1
    %and3A_275 = arith.andi %ne3A_274, %ne3A_269 : i1
    %add3A_276 = arith.addi %rem3A_267, %select_n3A_266 : i32
    %select_n3A_277 = arith.select %and3A_275, %add3A_276, %rem3A_267 : i32
    %dma_start3A_278 = arith.constant 0 : i32
    %dma_start3A_279 = arith.constant 0 : i32
    %dma_start3A_280 = tpu.memref_slice %arg5[%dma_start3A_278, %dma_start3A_279] : memref<120x1024xf32, #tpu.memory_space<vmem>> -> memref<120x1024xf32, #tpu.memory_space<vmem>>
    %dma_start3A_281 = arith.constant 0 : i32
    %dma_start3A_282 = tpu.memref_slice %arg4[%select_n3A_277, %add3A_122, %dma_start3A_281] : memref<4x8192x1024xf32, #tpu.memory_space<hbm>> -> memref<1x120x1024xf32, #tpu.memory_space<hbm>>
    %dma_start3A_283 = tpu.memref_squeeze %dma_start3A_282 : memref<1x120x1024xf32, #tpu.memory_space<hbm>> -> memref<120x1024xf32, #tpu.memory_space<hbm>>
    %dma_start3A_284 = arith.constant 0 : i32
    %dma_start3A_285 = tpu.memref_slice %arg4[%select_n3A_277, %add3A_122, %dma_start3A_284] : memref<4x8192x1024xf32, #tpu.memory_space<hbm>> -> memref<1x120x1024xf32, #tpu.memory_space<hbm>>
    %dma_start3A_286 = tpu.memref_squeeze %dma_start3A_285 : memref<1x120x1024xf32, #tpu.memory_space<hbm>> -> memref<120x1024xf32, #tpu.memory_space<hbm>>
    %dma_start3A_287 = arith.constant 0 : i32
    %dma_start3A_288 = arith.constant 0 : i32
    %dma_start3A_289 = tpu.memref_slice %arg5[%dma_start3A_287, %dma_start3A_288] : memref<120x1024xf32, #tpu.memory_space<vmem>> -> memref<120x1024xf32, #tpu.memory_space<vmem>>
    tpu.enqueue_dma source(%dma_start3A_289 : memref<120x1024xf32, #tpu.memory_space<vmem>>) target(%dma_start3A_286 : memref<120x1024xf32, #tpu.memory_space<hbm>>) target_semaphore(%arg8 : memref<!tpu.dma_semaphore, #tpu.memory_space<semaphore_mem>>)
    %add3A_290 = arith.constant 240 : i32
    %add3A_291 = arith.addi %mul3A_2, %add3A_290 : i32
    %dma_wait3A_292 = arith.constant 0 : i32
    %dma_wait3A_293 = arith.constant 0 : i32
    %dma_wait3A_294 = tpu.memref_slice %arg5[%dma_wait3A_292, %dma_wait3A_293] : memref<120x1024xf32, #tpu.memory_space<vmem>> -> memref<120x1024xf32, #tpu.memory_space<vmem>>
    %dma_wait3A_295 = arith.constant 0 : i32
    %dma_wait3A_296 = tpu.memref_slice %arg4[%select_n3A_187, %add3A_122, %dma_wait3A_295] : memref<4x8192x1024xf32, #tpu.memory_space<hbm>> -> memref<1x120x1024xf32, #tpu.memory_space<hbm>>
    %dma_wait3A_297 = tpu.memref_squeeze %dma_wait3A_296 : memref<1x120x1024xf32, #tpu.memory_space<hbm>> -> memref<120x1024xf32, #tpu.memory_space<hbm>>
    %dma_wait3A_298 = arith.constant 0 : i32
    %dma_wait3A_299 = tpu.memref_slice %arg4[%select_n3A_187, %add3A_122, %dma_wait3A_298] : memref<4x8192x1024xf32, #tpu.memory_space<hbm>> -> memref<1x120x1024xf32, #tpu.memory_space<hbm>>
    %dma_wait3A_300 = tpu.memref_squeeze %dma_wait3A_299 : memref<1x120x1024xf32, #tpu.memory_space<hbm>> -> memref<120x1024xf32, #tpu.memory_space<hbm>>
    %dma_wait3A_301 = arith.constant 0 : i32
    %dma_wait3A_302 = arith.constant 0 : i32
    %dma_wait3A_303 = tpu.memref_slice %arg5[%dma_wait3A_301, %dma_wait3A_302] : memref<120x1024xf32, #tpu.memory_space<vmem>> -> memref<120x1024xf32, #tpu.memory_space<vmem>>
    tpu.wait_dma2 semaphore(%arg8 : memref<!tpu.dma_semaphore, #tpu.memory_space<semaphore_mem>>) src(%dma_wait3A_303 : memref<120x1024xf32, #tpu.memory_space<vmem>>) dst(%dma_wait3A_300 : memref<120x1024xf32, #tpu.memory_space<hbm>>)
    %dma_wait3A_304 = arith.constant 0 : i32
    %dma_wait3A_305 = arith.constant 0 : i32
    %dma_wait3A_306 = tpu.memref_slice %arg5[%dma_wait3A_304, %dma_wait3A_305] : memref<120x1024xf32, #tpu.memory_space<vmem>> -> memref<120x1024xf32, #tpu.memory_space<vmem>>
    %dma_wait3A_307 = arith.constant 0 : i32
    %dma_wait3A_308 = tpu.memref_slice %arg4[%select_n3A_217, %add3A_122, %dma_wait3A_307] : memref<4x8192x1024xf32, #tpu.memory_space<hbm>> -> memref<1x120x1024xf32, #tpu.memory_space<hbm>>
    %dma_wait3A_309 = tpu.memref_squeeze %dma_wait3A_308 : memref<1x120x1024xf32, #tpu.memory_space<hbm>> -> memref<120x1024xf32, #tpu.memory_space<hbm>>
    %dma_wait3A_310 = arith.constant 0 : i32
    %dma_wait3A_311 = tpu.memref_slice %arg4[%select_n3A_217, %add3A_122, %dma_wait3A_310] : memref<4x8192x1024xf32, #tpu.memory_space<hbm>> -> memref<1x120x1024xf32, #tpu.memory_space<hbm>>
    %dma_wait3A_312 = tpu.memref_squeeze %dma_wait3A_311 : memref<1x120x1024xf32, #tpu.memory_space<hbm>> -> memref<120x1024xf32, #tpu.memory_space<hbm>>
    %dma_wait3A_313 = arith.constant 0 : i32
    %dma_wait3A_314 = arith.constant 0 : i32
    %dma_wait3A_315 = tpu.memref_slice %arg5[%dma_wait3A_313, %dma_wait3A_314] : memref<120x1024xf32, #tpu.memory_space<vmem>> -> memref<120x1024xf32, #tpu.memory_space<vmem>>
    tpu.wait_dma2 semaphore(%arg8 : memref<!tpu.dma_semaphore, #tpu.memory_space<semaphore_mem>>) src(%dma_wait3A_315 : memref<120x1024xf32, #tpu.memory_space<vmem>>) dst(%dma_wait3A_312 : memref<120x1024xf32, #tpu.memory_space<hbm>>)
    %dma_wait3A_316 = arith.constant 0 : i32
    %dma_wait3A_317 = arith.constant 0 : i32
    %dma_wait3A_318 = tpu.memref_slice %arg5[%dma_wait3A_316, %dma_wait3A_317] : memref<120x1024xf32, #tpu.memory_space<vmem>> -> memref<120x1024xf32, #tpu.memory_space<vmem>>
    %dma_wait3A_319 = arith.constant 0 : i32
    %dma_wait3A_320 = tpu.memref_slice %arg4[%select_n3A_247, %add3A_122, %dma_wait3A_319] : memref<4x8192x1024xf32, #tpu.memory_space<hbm>> -> memref<1x120x1024xf32, #tpu.memory_space<hbm>>
    %dma_wait3A_321 = tpu.memref_squeeze %dma_wait3A_320 : memref<1x120x1024xf32, #tpu.memory_space<hbm>> -> memref<120x1024xf32, #tpu.memory_space<hbm>>
    %dma_wait3A_322 = arith.constant 0 : i32
    %dma_wait3A_323 = tpu.memref_slice %arg4[%select_n3A_247, %add3A_122, %dma_wait3A_322] : memref<4x8192x1024xf32, #tpu.memory_space<hbm>> -> memref<1x120x1024xf32, #tpu.memory_space<hbm>>
    %dma_wait3A_324 = tpu.memref_squeeze %dma_wait3A_323 : memref<1x120x1024xf32, #tpu.memory_space<hbm>> -> memref<120x1024xf32, #tpu.memory_space<hbm>>
    %dma_wait3A_325 = arith.constant 0 : i32
    %dma_wait3A_326 = arith.constant 0 : i32
    %dma_wait3A_327 = tpu.memref_slice %arg5[%dma_wait3A_325, %dma_wait3A_326] : memref<120x1024xf32, #tpu.memory_space<vmem>> -> memref<120x1024xf32, #tpu.memory_space<vmem>>
    tpu.wait_dma2 semaphore(%arg8 : memref<!tpu.dma_semaphore, #tpu.memory_space<semaphore_mem>>) src(%dma_wait3A_327 : memref<120x1024xf32, #tpu.memory_space<vmem>>) dst(%dma_wait3A_324 : memref<120x1024xf32, #tpu.memory_space<hbm>>)
    %dma_wait3A_328 = arith.constant 0 : i32
    %dma_wait3A_329 = arith.constant 0 : i32
    %dma_wait3A_330 = tpu.memref_slice %arg5[%dma_wait3A_328, %dma_wait3A_329] : memref<120x1024xf32, #tpu.memory_space<vmem>> -> memref<120x1024xf32, #tpu.memory_space<vmem>>
    %dma_wait3A_331 = arith.constant 0 : i32
    %dma_wait3A_332 = tpu.memref_slice %arg4[%select_n3A_277, %add3A_122, %dma_wait3A_331] : memref<4x8192x1024xf32, #tpu.memory_space<hbm>> -> memref<1x120x1024xf32, #tpu.memory_space<hbm>>
    %dma_wait3A_333 = tpu.memref_squeeze %dma_wait3A_332 : memref<1x120x1024xf32, #tpu.memory_space<hbm>> -> memref<120x1024xf32, #tpu.memory_space<hbm>>
    %dma_wait3A_334 = arith.constant 0 : i32
    %dma_wait3A_335 = tpu.memref_slice %arg4[%select_n3A_277, %add3A_122, %dma_wait3A_334] : memref<4x8192x1024xf32, #tpu.memory_space<hbm>> -> memref<1x120x1024xf32, #tpu.memory_space<hbm>>
    %dma_wait3A_336 = tpu.memref_squeeze %dma_wait3A_335 : memref<1x120x1024xf32, #tpu.memory_space<hbm>> -> memref<120x1024xf32, #tpu.memory_space<hbm>>
    %dma_wait3A_337 = arith.constant 0 : i32
    %dma_wait3A_338 = arith.constant 0 : i32
    %dma_wait3A_339 = tpu.memref_slice %arg5[%dma_wait3A_337, %dma_wait3A_338] : memref<120x1024xf32, #tpu.memory_space<vmem>> -> memref<120x1024xf32, #tpu.memory_space<vmem>>
    tpu.wait_dma2 semaphore(%arg8 : memref<!tpu.dma_semaphore, #tpu.memory_space<semaphore_mem>>) src(%dma_wait3A_339 : memref<120x1024xf32, #tpu.memory_space<vmem>>) dst(%dma_wait3A_336 : memref<120x1024xf32, #tpu.memory_space<hbm>>)
    "tpu.region"() ({
      %run_scoped3A = tpu.sem_alloc : memref<!tpu.dma_semaphore, #tpu.memory_space<semaphore_mem>>
      %dma_start3A_547 = arith.constant 0 : i32
      %dma_start3A_548 = arith.constant 0 : i32
      %dma_start3A_549 = tpu.memref_slice %arg5[%dma_start3A_547, %dma_start3A_548] : memref<120x1024xf32, #tpu.memory_space<vmem>> -> memref<16x1024xf32, #tpu.memory_space<vmem>>
      %dma_start3A_550 = arith.constant 0 : i32
      %dma_start3A_551 = tpu.memref_slice %arg3[%add3A_291, %dma_start3A_550] : memref<8192x1024xf32, #tpu.memory_space<hbm>> -> memref<16x1024xf32, #tpu.memory_space<hbm>>
      %dma_start3A_552 = arith.constant 0 : i32
      %dma_start3A_553 = arith.constant 0 : i32
      %dma_start3A_554 = tpu.memref_slice %arg5[%dma_start3A_552, %dma_start3A_553] : memref<120x1024xf32, #tpu.memory_space<vmem>> -> memref<16x1024xf32, #tpu.memory_space<vmem>>
      %dma_start3A_555 = arith.constant 0 : i32
      %dma_start3A_556 = tpu.memref_slice %arg3[%add3A_291, %dma_start3A_555] : memref<8192x1024xf32, #tpu.memory_space<hbm>> -> memref<16x1024xf32, #tpu.memory_space<hbm>>
      tpu.enqueue_dma source(%dma_start3A_556 : memref<16x1024xf32, #tpu.memory_space<hbm>>) target(%dma_start3A_554 : memref<16x1024xf32, #tpu.memory_space<vmem>>) target_semaphore(%run_scoped3A : memref<!tpu.dma_semaphore, #tpu.memory_space<semaphore_mem>>)
      %dma_wait3A_557 = arith.constant 0 : i32
      %dma_wait3A_558 = arith.constant 0 : i32
      %dma_wait3A_559 = tpu.memref_slice %arg5[%dma_wait3A_557, %dma_wait3A_558] : memref<120x1024xf32, #tpu.memory_space<vmem>> -> memref<16x1024xf32, #tpu.memory_space<vmem>>
      %dma_wait3A_560 = arith.constant 0 : i32
      %dma_wait3A_561 = tpu.memref_slice %arg3[%add3A_291, %dma_wait3A_560] : memref<8192x1024xf32, #tpu.memory_space<hbm>> -> memref<16x1024xf32, #tpu.memory_space<hbm>>
      %dma_wait3A_562 = arith.constant 0 : i32
      %dma_wait3A_563 = arith.constant 0 : i32
      %dma_wait3A_564 = tpu.memref_slice %arg5[%dma_wait3A_562, %dma_wait3A_563] : memref<120x1024xf32, #tpu.memory_space<vmem>> -> memref<16x1024xf32, #tpu.memory_space<vmem>>
      %dma_wait3A_565 = arith.constant 0 : i32
      %dma_wait3A_566 = tpu.memref_slice %arg3[%add3A_291, %dma_wait3A_565] : memref<8192x1024xf32, #tpu.memory_space<hbm>> -> memref<16x1024xf32, #tpu.memory_space<hbm>>
      tpu.wait_dma2 semaphore(%run_scoped3A : memref<!tpu.dma_semaphore, #tpu.memory_space<semaphore_mem>>) src(%dma_wait3A_566 : memref<16x1024xf32, #tpu.memory_space<hbm>>) dst(%dma_wait3A_564 : memref<16x1024xf32, #tpu.memory_space<vmem>>)
      tpu.yield
    }) : () -> ()
    %add3A_340 = arith.constant 0 : i32
    %add3A_341 = arith.addi %add3A, %add3A_340 : i32
    %jit3A_342 = arith.constant 4 : i32
    %eq3A_343 = arith.constant 0 : i32
    %eq3A_344 = arith.cmpi eq, %jit3A_342, %eq3A_343 : i32
    %jit3A_345 = arith.constant 1 : i32
    %select_n3A_346 = arith.select %eq3A_344, %jit3A_345, %jit3A_342 : i32
    %rem3A_347 = arith.remsi %add3A_341, %select_n3A_346 : i32
    %ne3A_348 = arith.constant 0 : i32
    %ne3A_349 = arith.cmpi ne, %rem3A_347, %ne3A_348 : i32
    %lt3A_350 = arith.constant 0 : i32
    %lt3A_351 = arith.cmpi slt, %rem3A_347, %lt3A_350 : i32
    %lt3A_352 = arith.constant 0 : i32
    %lt3A_353 = arith.cmpi slt, %select_n3A_346, %lt3A_352 : i32
    %ne3A_354 = arith.xori %lt3A_351, %lt3A_353 : i1
    %and3A_355 = arith.andi %ne3A_354, %ne3A_349 : i1
    %add3A_356 = arith.addi %rem3A_347, %select_n3A_346 : i32
    %select_n3A_357 = arith.select %and3A_355, %add3A_356, %rem3A_347 : i32
    %dma_start3A_358 = arith.constant 0 : i32
    %dma_start3A_359 = arith.constant 0 : i32
    %dma_start3A_360 = tpu.memref_slice %arg5[%dma_start3A_358, %dma_start3A_359] : memref<120x1024xf32, #tpu.memory_space<vmem>> -> memref<16x1024xf32, #tpu.memory_space<vmem>>
    %dma_start3A_361 = arith.constant 0 : i32
    %dma_start3A_362 = tpu.memref_slice %arg4[%select_n3A_357, %add3A_291, %dma_start3A_361] : memref<4x8192x1024xf32, #tpu.memory_space<hbm>> -> memref<1x16x1024xf32, #tpu.memory_space<hbm>>
    %dma_start3A_363 = tpu.memref_squeeze %dma_start3A_362 : memref<1x16x1024xf32, #tpu.memory_space<hbm>> -> memref<16x1024xf32, #tpu.memory_space<hbm>>
    %dma_start3A_364 = arith.constant 0 : i32
    %dma_start3A_365 = tpu.memref_slice %arg4[%select_n3A_357, %add3A_291, %dma_start3A_364] : memref<4x8192x1024xf32, #tpu.memory_space<hbm>> -> memref<1x16x1024xf32, #tpu.memory_space<hbm>>
    %dma_start3A_366 = tpu.memref_squeeze %dma_start3A_365 : memref<1x16x1024xf32, #tpu.memory_space<hbm>> -> memref<16x1024xf32, #tpu.memory_space<hbm>>
    %dma_start3A_367 = arith.constant 0 : i32
    %dma_start3A_368 = arith.constant 0 : i32
    %dma_start3A_369 = tpu.memref_slice %arg5[%dma_start3A_367, %dma_start3A_368] : memref<120x1024xf32, #tpu.memory_space<vmem>> -> memref<16x1024xf32, #tpu.memory_space<vmem>>
    tpu.enqueue_dma source(%dma_start3A_369 : memref<16x1024xf32, #tpu.memory_space<vmem>>) target(%dma_start3A_366 : memref<16x1024xf32, #tpu.memory_space<hbm>>) target_semaphore(%arg8 : memref<!tpu.dma_semaphore, #tpu.memory_space<semaphore_mem>>)
    %add3A_370 = arith.constant 1 : i32
    %add3A_371 = arith.addi %add3A, %add3A_370 : i32
    %jit3A_372 = arith.constant 4 : i32
    %eq3A_373 = arith.constant 0 : i32
    %eq3A_374 = arith.cmpi eq, %jit3A_372, %eq3A_373 : i32
    %jit3A_375 = arith.constant 1 : i32
    %select_n3A_376 = arith.select %eq3A_374, %jit3A_375, %jit3A_372 : i32
    %rem3A_377 = arith.remsi %add3A_371, %select_n3A_376 : i32
    %ne3A_378 = arith.constant 0 : i32
    %ne3A_379 = arith.cmpi ne, %rem3A_377, %ne3A_378 : i32
    %lt3A_380 = arith.constant 0 : i32
    %lt3A_381 = arith.cmpi slt, %rem3A_377, %lt3A_380 : i32
    %lt3A_382 = arith.constant 0 : i32
    %lt3A_383 = arith.cmpi slt, %select_n3A_376, %lt3A_382 : i32
    %ne3A_384 = arith.xori %lt3A_381, %lt3A_383 : i1
    %and3A_385 = arith.andi %ne3A_384, %ne3A_379 : i1
    %add3A_386 = arith.addi %rem3A_377, %select_n3A_376 : i32
    %select_n3A_387 = arith.select %and3A_385, %add3A_386, %rem3A_377 : i32
    %dma_start3A_388 = arith.constant 0 : i32
    %dma_start3A_389 = arith.constant 0 : i32
    %dma_start3A_390 = tpu.memref_slice %arg5[%dma_start3A_388, %dma_start3A_389] : memref<120x1024xf32, #tpu.memory_space<vmem>> -> memref<16x1024xf32, #tpu.memory_space<vmem>>
    %dma_start3A_391 = arith.constant 0 : i32
    %dma_start3A_392 = tpu.memref_slice %arg4[%select_n3A_387, %add3A_291, %dma_start3A_391] : memref<4x8192x1024xf32, #tpu.memory_space<hbm>> -> memref<1x16x1024xf32, #tpu.memory_space<hbm>>
    %dma_start3A_393 = tpu.memref_squeeze %dma_start3A_392 : memref<1x16x1024xf32, #tpu.memory_space<hbm>> -> memref<16x1024xf32, #tpu.memory_space<hbm>>
    %dma_start3A_394 = arith.constant 0 : i32
    %dma_start3A_395 = tpu.memref_slice %arg4[%select_n3A_387, %add3A_291, %dma_start3A_394] : memref<4x8192x1024xf32, #tpu.memory_space<hbm>> -> memref<1x16x1024xf32, #tpu.memory_space<hbm>>
    %dma_start3A_396 = tpu.memref_squeeze %dma_start3A_395 : memref<1x16x1024xf32, #tpu.memory_space<hbm>> -> memref<16x1024xf32, #tpu.memory_space<hbm>>
    %dma_start3A_397 = arith.constant 0 : i32
    %dma_start3A_398 = arith.constant 0 : i32
    %dma_start3A_399 = tpu.memref_slice %arg5[%dma_start3A_397, %dma_start3A_398] : memref<120x1024xf32, #tpu.memory_space<vmem>> -> memref<16x1024xf32, #tpu.memory_space<vmem>>
    tpu.enqueue_dma source(%dma_start3A_399 : memref<16x1024xf32, #tpu.memory_space<vmem>>) target(%dma_start3A_396 : memref<16x1024xf32, #tpu.memory_space<hbm>>) target_semaphore(%arg8 : memref<!tpu.dma_semaphore, #tpu.memory_space<semaphore_mem>>)
    %add3A_400 = arith.constant 2 : i32
    %add3A_401 = arith.addi %add3A, %add3A_400 : i32
    %jit3A_402 = arith.constant 4 : i32
    %eq3A_403 = arith.constant 0 : i32
    %eq3A_404 = arith.cmpi eq, %jit3A_402, %eq3A_403 : i32
    %jit3A_405 = arith.constant 1 : i32
    %select_n3A_406 = arith.select %eq3A_404, %jit3A_405, %jit3A_402 : i32
    %rem3A_407 = arith.remsi %add3A_401, %select_n3A_406 : i32
    %ne3A_408 = arith.constant 0 : i32
    %ne3A_409 = arith.cmpi ne, %rem3A_407, %ne3A_408 : i32
    %lt3A_410 = arith.constant 0 : i32
    %lt3A_411 = arith.cmpi slt, %rem3A_407, %lt3A_410 : i32
    %lt3A_412 = arith.constant 0 : i32
    %lt3A_413 = arith.cmpi slt, %select_n3A_406, %lt3A_412 : i32
    %ne3A_414 = arith.xori %lt3A_411, %lt3A_413 : i1
    %and3A_415 = arith.andi %ne3A_414, %ne3A_409 : i1
    %add3A_416 = arith.addi %rem3A_407, %select_n3A_406 : i32
    %select_n3A_417 = arith.select %and3A_415, %add3A_416, %rem3A_407 : i32
    %dma_start3A_418 = arith.constant 0 : i32
    %dma_start3A_419 = arith.constant 0 : i32
    %dma_start3A_420 = tpu.memref_slice %arg5[%dma_start3A_418, %dma_start3A_419] : memref<120x1024xf32, #tpu.memory_space<vmem>> -> memref<16x1024xf32, #tpu.memory_space<vmem>>
    %dma_start3A_421 = arith.constant 0 : i32
    %dma_start3A_422 = tpu.memref_slice %arg4[%select_n3A_417, %add3A_291, %dma_start3A_421] : memref<4x8192x1024xf32, #tpu.memory_space<hbm>> -> memref<1x16x1024xf32, #tpu.memory_space<hbm>>
    %dma_start3A_423 = tpu.memref_squeeze %dma_start3A_422 : memref<1x16x1024xf32, #tpu.memory_space<hbm>> -> memref<16x1024xf32, #tpu.memory_space<hbm>>
    %dma_start3A_424 = arith.constant 0 : i32
    %dma_start3A_425 = tpu.memref_slice %arg4[%select_n3A_417, %add3A_291, %dma_start3A_424] : memref<4x8192x1024xf32, #tpu.memory_space<hbm>> -> memref<1x16x1024xf32, #tpu.memory_space<hbm>>
    %dma_start3A_426 = tpu.memref_squeeze %dma_start3A_425 : memref<1x16x1024xf32, #tpu.memory_space<hbm>> -> memref<16x1024xf32, #tpu.memory_space<hbm>>
    %dma_start3A_427 = arith.constant 0 : i32
    %dma_start3A_428 = arith.constant 0 : i32
    %dma_start3A_429 = tpu.memref_slice %arg5[%dma_start3A_427, %dma_start3A_428] : memref<120x1024xf32, #tpu.memory_space<vmem>> -> memref<16x1024xf32, #tpu.memory_space<vmem>>
    tpu.enqueue_dma source(%dma_start3A_429 : memref<16x1024xf32, #tpu.memory_space<vmem>>) target(%dma_start3A_426 : memref<16x1024xf32, #tpu.memory_space<hbm>>) target_semaphore(%arg8 : memref<!tpu.dma_semaphore, #tpu.memory_space<semaphore_mem>>)
    %add3A_430 = arith.constant 3 : i32
    %add3A_431 = arith.addi %add3A, %add3A_430 : i32
    %jit3A_432 = arith.constant 4 : i32
    %eq3A_433 = arith.constant 0 : i32
    %eq3A_434 = arith.cmpi eq, %jit3A_432, %eq3A_433 : i32
    %jit3A_435 = arith.constant 1 : i32
    %select_n3A_436 = arith.select %eq3A_434, %jit3A_435, %jit3A_432 : i32
    %rem3A_437 = arith.remsi %add3A_431, %select_n3A_436 : i32
    %ne3A_438 = arith.constant 0 : i32
    %ne3A_439 = arith.cmpi ne, %rem3A_437, %ne3A_438 : i32
    %lt3A_440 = arith.constant 0 : i32
    %lt3A_441 = arith.cmpi slt, %rem3A_437, %lt3A_440 : i32
    %lt3A_442 = arith.constant 0 : i32
    %lt3A_443 = arith.cmpi slt, %select_n3A_436, %lt3A_442 : i32
    %ne3A_444 = arith.xori %lt3A_441, %lt3A_443 : i1
    %and3A_445 = arith.andi %ne3A_444, %ne3A_439 : i1
    %add3A_446 = arith.addi %rem3A_437, %select_n3A_436 : i32
    %select_n3A_447 = arith.select %and3A_445, %add3A_446, %rem3A_437 : i32
    %dma_start3A_448 = arith.constant 0 : i32
    %dma_start3A_449 = arith.constant 0 : i32
    %dma_start3A_450 = tpu.memref_slice %arg5[%dma_start3A_448, %dma_start3A_449] : memref<120x1024xf32, #tpu.memory_space<vmem>> -> memref<16x1024xf32, #tpu.memory_space<vmem>>
    %dma_start3A_451 = arith.constant 0 : i32
    %dma_start3A_452 = tpu.memref_slice %arg4[%select_n3A_447, %add3A_291, %dma_start3A_451] : memref<4x8192x1024xf32, #tpu.memory_space<hbm>> -> memref<1x16x1024xf32, #tpu.memory_space<hbm>>
    %dma_start3A_453 = tpu.memref_squeeze %dma_start3A_452 : memref<1x16x1024xf32, #tpu.memory_space<hbm>> -> memref<16x1024xf32, #tpu.memory_space<hbm>>
    %dma_start3A_454 = arith.constant 0 : i32
    %dma_start3A_455 = tpu.memref_slice %arg4[%select_n3A_447, %add3A_291, %dma_start3A_454] : memref<4x8192x1024xf32, #tpu.memory_space<hbm>> -> memref<1x16x1024xf32, #tpu.memory_space<hbm>>
    %dma_start3A_456 = tpu.memref_squeeze %dma_start3A_455 : memref<1x16x1024xf32, #tpu.memory_space<hbm>> -> memref<16x1024xf32, #tpu.memory_space<hbm>>
    %dma_start3A_457 = arith.constant 0 : i32
    %dma_start3A_458 = arith.constant 0 : i32
    %dma_start3A_459 = tpu.memref_slice %arg5[%dma_start3A_457, %dma_start3A_458] : memref<120x1024xf32, #tpu.memory_space<vmem>> -> memref<16x1024xf32, #tpu.memory_space<vmem>>
    tpu.enqueue_dma source(%dma_start3A_459 : memref<16x1024xf32, #tpu.memory_space<vmem>>) target(%dma_start3A_456 : memref<16x1024xf32, #tpu.memory_space<hbm>>) target_semaphore(%arg8 : memref<!tpu.dma_semaphore, #tpu.memory_space<semaphore_mem>>)
    %dma_wait3A_460 = arith.constant 0 : i32
    %dma_wait3A_461 = tpu.memref_slice %arg2[%dma_wait3A_460, %mul3A_2] : memref<4x8192xi32, #tpu.memory_space<hbm>> -> memref<4x256xi32, #tpu.memory_space<hbm>>
    %dma_wait3A_462 = arith.constant 0 : i32
    %dma_wait3A_463 = tpu.memref_slice %arg2[%dma_wait3A_462, %mul3A_2] : memref<4x8192xi32, #tpu.memory_space<hbm>> -> memref<4x256xi32, #tpu.memory_space<hbm>>
    tpu.wait_dma2 semaphore(%arg9 : memref<!tpu.dma_semaphore, #tpu.memory_space<semaphore_mem>>) src(%dma_wait3A_463 : memref<4x256xi32, #tpu.memory_space<hbm>>) dst(%arg7 : memref<4x256xi32, #tpu.memory_space<vmem>>)
    %broadcast_in_dim3A = arith.constant false
    %broadcast_in_dim3A_464 = vector.broadcast %broadcast_in_dim3A : i1 to vector<16xi1>
    %scan3A = arith.constant 0 : i32
    %scan3A_465 = arith.constant 16 : i32
    %scan3A_466 = arith.addi %scan3A, %scan3A_465 : i32
    %scan3A_467 = arith.constant 1 : i32
    %scan3A_468 = scf.for %scan3A_547 = %scan3A to %scan3A_466 step %scan3A_467 iter_args(%scan3A_548 = %broadcast_in_dim3A_464) -> (vector<16xi1>)  : i32 {
      %mul3A_549 = arith.constant 16 : i32
      %mul3A_550 = arith.muli %scan3A_547, %mul3A_549 : i32
      %get3A = arith.constant 0 : i32
      %get3A_551 = arith.index_cast %get3A : i32 to index
      %get3A_552 = arith.index_cast %mul3A_550 : i32 to index
      %get3A_553 = tpu.vector_load %arg7[%get3A_551, %get3A_552] {strides = array<i32>} : memref<4x256xi32, #tpu.memory_space<vmem>>, vector<16xi32>,
      %eq3A_554 = arith.constant 0 : i32
      %eq3A_555 = vector.broadcast %eq3A_554 : i32 to vector<16xi32>
      %eq3A_556 = arith.cmpi eq, %get3A_553, %eq3A_555 : vector<16xi32>
      %or3A = arith.ori %scan3A_548, %eq3A_556 : vector<16xi1>
      scf.yield %or3A : vector<16xi1>
    }
    %scan3A_469 = arith.constant 16 : i32
    %scan3A_470 = arith.constant 0 : i32
    %scan3A_471 = arith.constant 16 : i32
    %scan3A_472 = arith.addi %scan3A_470, %scan3A_471 : i32
    %scan3A_473 = arith.constant 1 : i32
    %scan3A_474 = scf.for %scan3A_547 = %scan3A_470 to %scan3A_472 step %scan3A_473 iter_args(%scan3A_548 = %scan3A_468) -> (vector<16xi1>)  : i32 {
      %mul3A_549 = arith.constant 16 : i32
      %mul3A_550 = arith.muli %scan3A_547, %mul3A_549 : i32
      %get3A = arith.constant 1 : i32
      %get3A_551 = arith.index_cast %get3A : i32 to index
      %get3A_552 = arith.index_cast %mul3A_550 : i32 to index
      %get3A_553 = tpu.vector_load %arg7[%get3A_551, %get3A_552] {strides = array<i32>} : memref<4x256xi32, #tpu.memory_space<vmem>>, vector<16xi32>,
      %eq3A_554 = arith.constant 0 : i32
      %eq3A_555 = vector.broadcast %eq3A_554 : i32 to vector<16xi32>
      %eq3A_556 = arith.cmpi eq, %get3A_553, %eq3A_555 : vector<16xi32>
      %or3A = arith.ori %scan3A_548, %eq3A_556 : vector<16xi1>
      scf.yield %or3A : vector<16xi1>
    }
    %scan3A_475 = arith.constant 16 : i32
    %scan3A_476 = arith.constant 0 : i32
    %scan3A_477 = arith.constant 16 : i32
    %scan3A_478 = arith.addi %scan3A_476, %scan3A_477 : i32
    %scan3A_479 = arith.constant 1 : i32
    %scan3A_480 = scf.for %scan3A_547 = %scan3A_476 to %scan3A_478 step %scan3A_479 iter_args(%scan3A_548 = %scan3A_474) -> (vector<16xi1>)  : i32 {
      %mul3A_549 = arith.constant 16 : i32
      %mul3A_550 = arith.muli %scan3A_547, %mul3A_549 : i32
      %get3A = arith.constant 2 : i32
      %get3A_551 = arith.index_cast %get3A : i32 to index
      %get3A_552 = arith.index_cast %mul3A_550 : i32 to index
      %get3A_553 = tpu.vector_load %arg7[%get3A_551, %get3A_552] {strides = array<i32>} : memref<4x256xi32, #tpu.memory_space<vmem>>, vector<16xi32>,
      %eq3A_554 = arith.constant 0 : i32
      %eq3A_555 = vector.broadcast %eq3A_554 : i32 to vector<16xi32>
      %eq3A_556 = arith.cmpi eq, %get3A_553, %eq3A_555 : vector<16xi32>
      %or3A = arith.ori %scan3A_548, %eq3A_556 : vector<16xi1>
      scf.yield %or3A : vector<16xi1>
    }
    %scan3A_481 = arith.constant 16 : i32
    %scan3A_482 = arith.constant 0 : i32
    %scan3A_483 = arith.constant 16 : i32
    %scan3A_484 = arith.addi %scan3A_482, %scan3A_483 : i32
    %scan3A_485 = arith.constant 1 : i32
    %scan3A_486 = scf.for %scan3A_547 = %scan3A_482 to %scan3A_484 step %scan3A_485 iter_args(%scan3A_548 = %scan3A_480) -> (vector<16xi1>)  : i32 {
      %mul3A_549 = arith.constant 16 : i32
      %mul3A_550 = arith.muli %scan3A_547, %mul3A_549 : i32
      %get3A = arith.constant 3 : i32
      %get3A_551 = arith.index_cast %get3A : i32 to index
      %get3A_552 = arith.index_cast %mul3A_550 : i32 to index
      %get3A_553 = tpu.vector_load %arg7[%get3A_551, %get3A_552] {strides = array<i32>} : memref<4x256xi32, #tpu.memory_space<vmem>>, vector<16xi32>,
      %eq3A_554 = arith.constant 0 : i32
      %eq3A_555 = vector.broadcast %eq3A_554 : i32 to vector<16xi32>
      %eq3A_556 = arith.cmpi eq, %get3A_553, %eq3A_555 : vector<16xi32>
      %or3A = arith.ori %scan3A_548, %eq3A_556 : vector<16xi1>
      scf.yield %or3A : vector<16xi1>
    }
    %scan3A_487 = arith.constant 16 : i32
    %reduce_or3A = arith.constant 1.000000e+00 : f32
    %reduce_or3A_488 = arith.constant 0.000000e+00 : f32
    %reduce_or3A_489 = vector.broadcast %reduce_or3A : f32 to vector<16xf32>
    %reduce_or3A_490 = vector.broadcast %reduce_or3A_488 : f32 to vector<16xf32>
    %reduce_or3A_491 = arith.select %scan3A_486, %reduce_or3A_489, %reduce_or3A_490 : vector<16xi1>, vector<16xf32>
    %reduce_or3A_492 = arith.constant true
    %reduce_or3A_493 = vector.broadcast %reduce_or3A_492 : i1 to vector<16xi1>
    %reduce_or3A_494 = tpu.scan <max>, %reduce_or3A_491 masked %reduce_or3A_493 : vector<16xf32>, vector<16xi1> -> vector<16xf32>
    %reduce_or3A_495 = vector.extract %reduce_or3A_494[15] : f32 from vector<16xf32>
    %reduce_or3A_496 = arith.constant 0.000000e+00 : f32
    %reduce_or3A_497 = arith.cmpf ogt, %reduce_or3A_495, %reduce_or3A_496 : f32
    %dma_wait3A_498 = arith.constant 0 : i32
    %dma_wait3A_499 = arith.constant 0 : i32
    %dma_wait3A_500 = tpu.memref_slice %arg5[%dma_wait3A_498, %dma_wait3A_499] : memref<120x1024xf32, #tpu.memory_space<vmem>> -> memref<16x1024xf32, #tpu.memory_space<vmem>>
    %dma_wait3A_501 = arith.constant 0 : i32
    %dma_wait3A_502 = tpu.memref_slice %arg4[%select_n3A_357, %add3A_291, %dma_wait3A_501] : memref<4x8192x1024xf32, #tpu.memory_space<hbm>> -> memref<1x16x1024xf32, #tpu.memory_space<hbm>>
    %dma_wait3A_503 = tpu.memref_squeeze %dma_wait3A_502 : memref<1x16x1024xf32, #tpu.memory_space<hbm>> -> memref<16x1024xf32, #tpu.memory_space<hbm>>
    %dma_wait3A_504 = arith.constant 0 : i32
    %dma_wait3A_505 = tpu.memref_slice %arg4[%select_n3A_357, %add3A_291, %dma_wait3A_504] : memref<4x8192x1024xf32, #tpu.memory_space<hbm>> -> memref<1x16x1024xf32, #tpu.memory_space<hbm>>
    %dma_wait3A_506 = tpu.memref_squeeze %dma_wait3A_505 : memref<1x16x1024xf32, #tpu.memory_space<hbm>> -> memref<16x1024xf32, #tpu.memory_space<hbm>>
    %dma_wait3A_507 = arith.constant 0 : i32
    %dma_wait3A_508 = arith.constant 0 : i32
    %dma_wait3A_509 = tpu.memref_slice %arg5[%dma_wait3A_507, %dma_wait3A_508] : memref<120x1024xf32, #tpu.memory_space<vmem>> -> memref<16x1024xf32, #tpu.memory_space<vmem>>
    tpu.wait_dma2 semaphore(%arg8 : memref<!tpu.dma_semaphore, #tpu.memory_space<semaphore_mem>>) src(%dma_wait3A_509 : memref<16x1024xf32, #tpu.memory_space<vmem>>) dst(%dma_wait3A_506 : memref<16x1024xf32, #tpu.memory_space<hbm>>)
    %dma_wait3A_510 = arith.constant 0 : i32
    %dma_wait3A_511 = arith.constant 0 : i32
    %dma_wait3A_512 = tpu.memref_slice %arg5[%dma_wait3A_510, %dma_wait3A_511] : memref<120x1024xf32, #tpu.memory_space<vmem>> -> memref<16x1024xf32, #tpu.memory_space<vmem>>
    %dma_wait3A_513 = arith.constant 0 : i32
    %dma_wait3A_514 = tpu.memref_slice %arg4[%select_n3A_387, %add3A_291, %dma_wait3A_513] : memref<4x8192x1024xf32, #tpu.memory_space<hbm>> -> memref<1x16x1024xf32, #tpu.memory_space<hbm>>
    %dma_wait3A_515 = tpu.memref_squeeze %dma_wait3A_514 : memref<1x16x1024xf32, #tpu.memory_space<hbm>> -> memref<16x1024xf32, #tpu.memory_space<hbm>>
    %dma_wait3A_516 = arith.constant 0 : i32
    %dma_wait3A_517 = tpu.memref_slice %arg4[%select_n3A_387, %add3A_291, %dma_wait3A_516] : memref<4x8192x1024xf32, #tpu.memory_space<hbm>> -> memref<1x16x1024xf32, #tpu.memory_space<hbm>>
    %dma_wait3A_518 = tpu.memref_squeeze %dma_wait3A_517 : memref<1x16x1024xf32, #tpu.memory_space<hbm>> -> memref<16x1024xf32, #tpu.memory_space<hbm>>
    %dma_wait3A_519 = arith.constant 0 : i32
    %dma_wait3A_520 = arith.constant 0 : i32
    %dma_wait3A_521 = tpu.memref_slice %arg5[%dma_wait3A_519, %dma_wait3A_520] : memref<120x1024xf32, #tpu.memory_space<vmem>> -> memref<16x1024xf32, #tpu.memory_space<vmem>>
    tpu.wait_dma2 semaphore(%arg8 : memref<!tpu.dma_semaphore, #tpu.memory_space<semaphore_mem>>) src(%dma_wait3A_521 : memref<16x1024xf32, #tpu.memory_space<vmem>>) dst(%dma_wait3A_518 : memref<16x1024xf32, #tpu.memory_space<hbm>>)
    %dma_wait3A_522 = arith.constant 0 : i32
    %dma_wait3A_523 = arith.constant 0 : i32
    %dma_wait3A_524 = tpu.memref_slice %arg5[%dma_wait3A_522, %dma_wait3A_523] : memref<120x1024xf32, #tpu.memory_space<vmem>> -> memref<16x1024xf32, #tpu.memory_space<vmem>>
    %dma_wait3A_525 = arith.constant 0 : i32
    %dma_wait3A_526 = tpu.memref_slice %arg4[%select_n3A_417, %add3A_291, %dma_wait3A_525] : memref<4x8192x1024xf32, #tpu.memory_space<hbm>> -> memref<1x16x1024xf32, #tpu.memory_space<hbm>>
    %dma_wait3A_527 = tpu.memref_squeeze %dma_wait3A_526 : memref<1x16x1024xf32, #tpu.memory_space<hbm>> -> memref<16x1024xf32, #tpu.memory_space<hbm>>
    %dma_wait3A_528 = arith.constant 0 : i32
    %dma_wait3A_529 = tpu.memref_slice %arg4[%select_n3A_417, %add3A_291, %dma_wait3A_528] : memref<4x8192x1024xf32, #tpu.memory_space<hbm>> -> memref<1x16x1024xf32, #tpu.memory_space<hbm>>
    %dma_wait3A_530 = tpu.memref_squeeze %dma_wait3A_529 : memref<1x16x1024xf32, #tpu.memory_space<hbm>> -> memref<16x1024xf32, #tpu.memory_space<hbm>>
    %dma_wait3A_531 = arith.constant 0 : i32
    %dma_wait3A_532 = arith.constant 0 : i32
    %dma_wait3A_533 = tpu.memref_slice %arg5[%dma_wait3A_531, %dma_wait3A_532] : memref<120x1024xf32, #tpu.memory_space<vmem>> -> memref<16x1024xf32, #tpu.memory_space<vmem>>
    tpu.wait_dma2 semaphore(%arg8 : memref<!tpu.dma_semaphore, #tpu.memory_space<semaphore_mem>>) src(%dma_wait3A_533 : memref<16x1024xf32, #tpu.memory_space<vmem>>) dst(%dma_wait3A_530 : memref<16x1024xf32, #tpu.memory_space<hbm>>)
    %dma_wait3A_534 = arith.constant 0 : i32
    %dma_wait3A_535 = arith.constant 0 : i32
    %dma_wait3A_536 = tpu.memref_slice %arg5[%dma_wait3A_534, %dma_wait3A_535] : memref<120x1024xf32, #tpu.memory_space<vmem>> -> memref<16x1024xf32, #tpu.memory_space<vmem>>
    %dma_wait3A_537 = arith.constant 0 : i32
    %dma_wait3A_538 = tpu.memref_slice %arg4[%select_n3A_447, %add3A_291, %dma_wait3A_537] : memref<4x8192x1024xf32, #tpu.memory_space<hbm>> -> memref<1x16x1024xf32, #tpu.memory_space<hbm>>
    %dma_wait3A_539 = tpu.memref_squeeze %dma_wait3A_538 : memref<1x16x1024xf32, #tpu.memory_space<hbm>> -> memref<16x1024xf32, #tpu.memory_space<hbm>>
    %dma_wait3A_540 = arith.constant 0 : i32
    %dma_wait3A_541 = tpu.memref_slice %arg4[%select_n3A_447, %add3A_291, %dma_wait3A_540] : memref<4x8192x1024xf32, #tpu.memory_space<hbm>> -> memref<1x16x1024xf32, #tpu.memory_space<hbm>>
    %dma_wait3A_542 = tpu.memref_squeeze %dma_wait3A_541 : memref<1x16x1024xf32, #tpu.memory_space<hbm>> -> memref<16x1024xf32, #tpu.memory_space<hbm>>
    %dma_wait3A_543 = arith.constant 0 : i32
    %dma_wait3A_544 = arith.constant 0 : i32
    %dma_wait3A_545 = tpu.memref_slice %arg5[%dma_wait3A_543, %dma_wait3A_544] : memref<120x1024xf32, #tpu.memory_space<vmem>> -> memref<16x1024xf32, #tpu.memory_space<vmem>>
    tpu.wait_dma2 semaphore(%arg8 : memref<!tpu.dma_semaphore, #tpu.memory_space<semaphore_mem>>) src(%dma_wait3A_545 : memref<16x1024xf32, #tpu.memory_space<vmem>>) dst(%dma_wait3A_542 : memref<16x1024xf32, #tpu.memory_space<hbm>>)
    %convert_element_type3A = arith.extui %reduce_or3A_497 : i1 to i32
    %cond3A = arith.constant 0 : i32
    %cond3A_546 = arith.cmpi ne, %convert_element_type3A, %cond3A : i32
    scf.if %cond3A_546 {
      "tpu.region"() ({
        %run_scoped3A = tpu.sem_alloc : memref<!tpu.dma_semaphore, #tpu.memory_space<semaphore_mem>>
        %dma_start3A_571 = arith.constant 0 : i32
        %dma_start3A_572 = arith.constant 0 : i32
        %dma_start3A_573 = tpu.memref_slice %arg3[%dma_start3A_571, %dma_start3A_572] : memref<8192x1024xf32, #tpu.memory_space<hbm>> -> memref<1x1024xf32, #tpu.memory_space<hbm>>
        %dma_start3A_574 = arith.constant 0 : i32
        %dma_start3A_575 = arith.constant 0 : i32
        %dma_start3A_576 = tpu.memref_slice %arg3[%dma_start3A_574, %dma_start3A_575] : memref<8192x1024xf32, #tpu.memory_space<hbm>> -> memref<1x1024xf32, #tpu.memory_space<hbm>>
        tpu.enqueue_dma source(%dma_start3A_576 : memref<1x1024xf32, #tpu.memory_space<hbm>>) target(%arg6 : memref<1x1024xf32, #tpu.memory_space<vmem>>) target_semaphore(%run_scoped3A : memref<!tpu.dma_semaphore, #tpu.memory_space<semaphore_mem>>)
        %dma_wait3A_577 = arith.constant 0 : i32
        %dma_wait3A_578 = arith.constant 0 : i32
        %dma_wait3A_579 = tpu.memref_slice %arg3[%dma_wait3A_577, %dma_wait3A_578] : memref<8192x1024xf32, #tpu.memory_space<hbm>> -> memref<1x1024xf32, #tpu.memory_space<hbm>>
        %dma_wait3A_580 = arith.constant 0 : i32
        %dma_wait3A_581 = arith.constant 0 : i32
        %dma_wait3A_582 = tpu.memref_slice %arg3[%dma_wait3A_580, %dma_wait3A_581] : memref<8192x1024xf32, #tpu.memory_space<hbm>> -> memref<1x1024xf32, #tpu.memory_space<hbm>>
        tpu.wait_dma2 semaphore(%run_scoped3A : memref<!tpu.dma_semaphore, #tpu.memory_space<semaphore_mem>>) src(%dma_wait3A_582 : memref<1x1024xf32, #tpu.memory_space<hbm>>) dst(%arg6 : memref<1x1024xf32, #tpu.memory_space<vmem>>)
        tpu.yield
      }) : () -> ()
      %scan3A_547 = arith.constant 0 : i32
      %scan3A_548 = arith.constant 0 : i32
      %scan3A_549 = arith.constant 16 : i32
      %scan3A_550 = arith.addi %scan3A_548, %scan3A_549 : i32
      %scan3A_551 = arith.constant 1 : i32
      scf.for %scan3A_571 = %scan3A_548 to %scan3A_550 step %scan3A_551  : i32 {
        %mul3A_572 = arith.constant 16 : i32
        %mul3A_573 = arith.muli %scan3A_571, %mul3A_572 : i32
        %get3A = arith.constant 0 : i32
        %get3A_574 = arith.index_cast %get3A : i32 to index
        %get3A_575 = arith.index_cast %mul3A_573 : i32 to index
        %get3A_576 = tpu.vector_load %arg7[%get3A_574, %get3A_575] {strides = array<i32>} : memref<4x256xi32, #tpu.memory_space<vmem>>, vector<16xi32>,
        %eq3A_577 = arith.constant 0 : i32
        %eq3A_578 = vector.broadcast %eq3A_577 : i32 to vector<16xi32>
        %eq3A_579 = arith.cmpi eq, %get3A_576, %eq3A_578 : vector<16xi32>
        %reduce_or3A_580 = arith.constant 1.000000e+00 : f32
        %reduce_or3A_581 = arith.constant 0.000000e+00 : f32
        %reduce_or3A_582 = vector.broadcast %reduce_or3A_580 : f32 to vector<16xf32>
        %reduce_or3A_583 = vector.broadcast %reduce_or3A_581 : f32 to vector<16xf32>
        %reduce_or3A_584 = arith.select %eq3A_579, %reduce_or3A_582, %reduce_or3A_583 : vector<16xi1>, vector<16xf32>
        %reduce_or3A_585 = arith.constant true
        %reduce_or3A_586 = vector.broadcast %reduce_or3A_585 : i1 to vector<16xi1>
        %reduce_or3A_587 = tpu.scan <max>, %reduce_or3A_584 masked %reduce_or3A_586 : vector<16xf32>, vector<16xi1> -> vector<16xf32>
        %reduce_or3A_588 = vector.extract %reduce_or3A_587[15] : f32 from vector<16xf32>
        %reduce_or3A_589 = arith.constant 0.000000e+00 : f32
        %reduce_or3A_590 = arith.cmpf ogt, %reduce_or3A_588, %reduce_or3A_589 : f32
        %convert_element_type3A_591 = arith.extui %reduce_or3A_590 : i1 to i32
        %cond3A_592 = arith.constant 0 : i32
        %cond3A_593 = arith.cmpi ne, %convert_element_type3A_591, %cond3A_592 : i32
        scf.if %cond3A_593 {
          %slice3A = vector.extract_strided_slice %get3A_576 {offsets = [0], sizes = [1], strides = [1]} : vector<16xi32> to vector<1xi32>
          %squeeze3A = vector.extract %slice3A[0] : i32 from vector<1xi32>
          %eq3A_594 = arith.constant 0 : i32
          %eq3A_595 = arith.cmpi eq, %squeeze3A, %eq3A_594 : i32
          %convert_element_type3A_596 = arith.extui %eq3A_595 : i1 to i32
          %cond3A_597 = arith.constant 0 : i32
          %cond3A_598 = arith.cmpi ne, %convert_element_type3A_596, %cond3A_597 : i32
          scf.if %cond3A_598 {
            %mul3A_704 = arith.constant 16 : i32
            %mul3A_705 = arith.muli %scan3A_571, %mul3A_704 : i32
            %add3A_706 = arith.addi %mul3A_2, %mul3A_705 : i32
            %add3A_707 = arith.constant 0 : i32
            %add3A_708 = arith.addi %add3A_706, %add3A_707 : i32
            %run_scoped3A = arith.constant 0 : i32
            "tpu.region"() ({
              %run_scoped3A_709 = tpu.sem_alloc : memref<!tpu.dma_semaphore, #tpu.memory_space<semaphore_mem>>
              %dma_start3A_710 = arith.constant 0 : i32
              %dma_start3A_711 = tpu.memref_slice %arg4[%run_scoped3A, %add3A_708, %dma_start3A_710] : memref<4x8192x1024xf32, #tpu.memory_space<hbm>> -> memref<1x1x1024xf32, #tpu.memory_space<hbm>>
              %dma_start3A_712 = tpu.memref_squeeze %dma_start3A_711 : memref<1x1x1024xf32, #tpu.memory_space<hbm>> -> memref<1x1024xf32, #tpu.memory_space<hbm>>
              %dma_start3A_713 = arith.constant 0 : i32
              %dma_start3A_714 = tpu.memref_slice %arg4[%run_scoped3A, %add3A_708, %dma_start3A_713] : memref<4x8192x1024xf32, #tpu.memory_space<hbm>> -> memref<1x1x1024xf32, #tpu.memory_space<hbm>>
              %dma_start3A_715 = tpu.memref_squeeze %dma_start3A_714 : memref<1x1x1024xf32, #tpu.memory_space<hbm>> -> memref<1x1024xf32, #tpu.memory_space<hbm>>
              tpu.enqueue_dma source(%arg6 : memref<1x1024xf32, #tpu.memory_space<vmem>>) target(%dma_start3A_715 : memref<1x1024xf32, #tpu.memory_space<hbm>>) target_semaphore(%run_scoped3A_709 : memref<!tpu.dma_semaphore, #tpu.memory_space<semaphore_mem>>)
              %dma_wait3A_716 = arith.constant 0 : i32
              %dma_wait3A_717 = tpu.memref_slice %arg4[%run_scoped3A, %add3A_708, %dma_wait3A_716] : memref<4x8192x1024xf32, #tpu.memory_space<hbm>> -> memref<1x1x1024xf32, #tpu.memory_space<hbm>>
              %dma_wait3A_718 = tpu.memref_squeeze %dma_wait3A_717 : memref<1x1x1024xf32, #tpu.memory_space<hbm>> -> memref<1x1024xf32, #tpu.memory_space<hbm>>
              %dma_wait3A_719 = arith.constant 0 : i32
              %dma_wait3A_720 = tpu.memref_slice %arg4[%run_scoped3A, %add3A_708, %dma_wait3A_719] : memref<4x8192x1024xf32, #tpu.memory_space<hbm>> -> memref<1x1x1024xf32, #tpu.memory_space<hbm>>
              %dma_wait3A_721 = tpu.memref_squeeze %dma_wait3A_720 : memref<1x1x1024xf32, #tpu.memory_space<hbm>> -> memref<1x1024xf32, #tpu.memory_space<hbm>>
              tpu.wait_dma2 semaphore(%run_scoped3A_709 : memref<!tpu.dma_semaphore, #tpu.memory_space<semaphore_mem>>) src(%arg6 : memref<1x1024xf32, #tpu.memory_space<vmem>>) dst(%dma_wait3A_721 : memref<1x1024xf32, #tpu.memory_space<hbm>>)
              tpu.yield
            }) : () -> ()
          } else {
          }
          %slice3A_599 = vector.extract_strided_slice %get3A_576 {offsets = [1], sizes = [1], strides = [1]} : vector<16xi32> to vector<1xi32>
          %squeeze3A_600 = vector.extract %slice3A_599[0] : i32 from vector<1xi32>
          %eq3A_601 = arith.constant 0 : i32
          %eq3A_602 = arith.cmpi eq, %squeeze3A_600, %eq3A_601 : i32
          %convert_element_type3A_603 = arith.extui %eq3A_602 : i1 to i32
          %cond3A_604 = arith.constant 0 : i32
          %cond3A_605 = arith.cmpi ne, %convert_element_type3A_603, %cond3A_604 : i32
          scf.if %cond3A_605 {
            %mul3A_704 = arith.constant 16 : i32
            %mul3A_705 = arith.muli %scan3A_571, %mul3A_704 : i32
            %add3A_706 = arith.addi %mul3A_2, %mul3A_705 : i32
            %add3A_707 = arith.constant 1 : i32
            %add3A_708 = arith.addi %add3A_706, %add3A_707 : i32
            %run_scoped3A = arith.constant 0 : i32
            "tpu.region"() ({
              %run_scoped3A_709 = tpu.sem_alloc : memref<!tpu.dma_semaphore, #tpu.memory_space<semaphore_mem>>
              %dma_start3A_710 = arith.constant 0 : i32
              %dma_start3A_711 = tpu.memref_slice %arg4[%run_scoped3A, %add3A_708, %dma_start3A_710] : memref<4x8192x1024xf32, #tpu.memory_space<hbm>> -> memref<1x1x1024xf32, #tpu.memory_space<hbm>>
              %dma_start3A_712 = tpu.memref_squeeze %dma_start3A_711 : memref<1x1x1024xf32, #tpu.memory_space<hbm>> -> memref<1x1024xf32, #tpu.memory_space<hbm>>
              %dma_start3A_713 = arith.constant 0 : i32
              %dma_start3A_714 = tpu.memref_slice %arg4[%run_scoped3A, %add3A_708, %dma_start3A_713] : memref<4x8192x1024xf32, #tpu.memory_space<hbm>> -> memref<1x1x1024xf32, #tpu.memory_space<hbm>>
              %dma_start3A_715 = tpu.memref_squeeze %dma_start3A_714 : memref<1x1x1024xf32, #tpu.memory_space<hbm>> -> memref<1x1024xf32, #tpu.memory_space<hbm>>
              tpu.enqueue_dma source(%arg6 : memref<1x1024xf32, #tpu.memory_space<vmem>>) target(%dma_start3A_715 : memref<1x1024xf32, #tpu.memory_space<hbm>>) target_semaphore(%run_scoped3A_709 : memref<!tpu.dma_semaphore, #tpu.memory_space<semaphore_mem>>)
              %dma_wait3A_716 = arith.constant 0 : i32
              %dma_wait3A_717 = tpu.memref_slice %arg4[%run_scoped3A, %add3A_708, %dma_wait3A_716] : memref<4x8192x1024xf32, #tpu.memory_space<hbm>> -> memref<1x1x1024xf32, #tpu.memory_space<hbm>>
              %dma_wait3A_718 = tpu.memref_squeeze %dma_wait3A_717 : memref<1x1x1024xf32, #tpu.memory_space<hbm>> -> memref<1x1024xf32, #tpu.memory_space<hbm>>
              %dma_wait3A_719 = arith.constant 0 : i32
              %dma_wait3A_720 = tpu.memref_slice %arg4[%run_scoped3A, %add3A_708, %dma_wait3A_719] : memref<4x8192x1024xf32, #tpu.memory_space<hbm>> -> memref<1x1x1024xf32, #tpu.memory_space<hbm>>
              %dma_wait3A_721 = tpu.memref_squeeze %dma_wait3A_720 : memref<1x1x1024xf32, #tpu.memory_space<hbm>> -> memref<1x1024xf32, #tpu.memory_space<hbm>>
              tpu.wait_dma2 semaphore(%run_scoped3A_709 : memref<!tpu.dma_semaphore, #tpu.memory_space<semaphore_mem>>) src(%arg6 : memref<1x1024xf32, #tpu.memory_space<vmem>>) dst(%dma_wait3A_721 : memref<1x1024xf32, #tpu.memory_space<hbm>>)
              tpu.yield
            }) : () -> ()
          } else {
          }
          %slice3A_606 = vector.extract_strided_slice %get3A_576 {offsets = [2], sizes = [1], strides = [1]} : vector<16xi32> to vector<1xi32>
          %squeeze3A_607 = vector.extract %slice3A_606[0] : i32 from vector<1xi32>
          %eq3A_608 = arith.constant 0 : i32
          %eq3A_609 = arith.cmpi eq, %squeeze3A_607, %eq3A_608 : i32
          %convert_element_type3A_610 = arith.extui %eq3A_609 : i1 to i32
          %cond3A_611 = arith.constant 0 : i32
          %cond3A_612 = arith.cmpi ne, %convert_element_type3A_610, %cond3A_611 : i32
          scf.if %cond3A_612 {
            %mul3A_704 = arith.constant 16 : i32
            %mul3A_705 = arith.muli %scan3A_571, %mul3A_704 : i32
            %add3A_706 = arith.addi %mul3A_2, %mul3A_705 : i32
            %add3A_707 = arith.constant 2 : i32
            %add3A_708 = arith.addi %add3A_706, %add3A_707 : i32
            %run_scoped3A = arith.constant 0 : i32
            "tpu.region"() ({
              %run_scoped3A_709 = tpu.sem_alloc : memref<!tpu.dma_semaphore, #tpu.memory_space<semaphore_mem>>
              %dma_start3A_710 = arith.constant 0 : i32
              %dma_start3A_711 = tpu.memref_slice %arg4[%run_scoped3A, %add3A_708, %dma_start3A_710] : memref<4x8192x1024xf32, #tpu.memory_space<hbm>> -> memref<1x1x1024xf32, #tpu.memory_space<hbm>>
              %dma_start3A_712 = tpu.memref_squeeze %dma_start3A_711 : memref<1x1x1024xf32, #tpu.memory_space<hbm>> -> memref<1x1024xf32, #tpu.memory_space<hbm>>
              %dma_start3A_713 = arith.constant 0 : i32
              %dma_start3A_714 = tpu.memref_slice %arg4[%run_scoped3A, %add3A_708, %dma_start3A_713] : memref<4x8192x1024xf32, #tpu.memory_space<hbm>> -> memref<1x1x1024xf32, #tpu.memory_space<hbm>>
              %dma_start3A_715 = tpu.memref_squeeze %dma_start3A_714 : memref<1x1x1024xf32, #tpu.memory_space<hbm>> -> memref<1x1024xf32, #tpu.memory_space<hbm>>
              tpu.enqueue_dma source(%arg6 : memref<1x1024xf32, #tpu.memory_space<vmem>>) target(%dma_start3A_715 : memref<1x1024xf32, #tpu.memory_space<hbm>>) target_semaphore(%run_scoped3A_709 : memref<!tpu.dma_semaphore, #tpu.memory_space<semaphore_mem>>)
              %dma_wait3A_716 = arith.constant 0 : i32
              %dma_wait3A_717 = tpu.memref_slice %arg4[%run_scoped3A, %add3A_708, %dma_wait3A_716] : memref<4x8192x1024xf32, #tpu.memory_space<hbm>> -> memref<1x1x1024xf32, #tpu.memory_space<hbm>>
              %dma_wait3A_718 = tpu.memref_squeeze %dma_wait3A_717 : memref<1x1x1024xf32, #tpu.memory_space<hbm>> -> memref<1x1024xf32, #tpu.memory_space<hbm>>
              %dma_wait3A_719 = arith.constant 0 : i32
              %dma_wait3A_720 = tpu.memref_slice %arg4[%run_scoped3A, %add3A_708, %dma_wait3A_719] : memref<4x8192x1024xf32, #tpu.memory_space<hbm>> -> memref<1x1x1024xf32, #tpu.memory_space<hbm>>
              %dma_wait3A_721 = tpu.memref_squeeze %dma_wait3A_720 : memref<1x1x1024xf32, #tpu.memory_space<hbm>> -> memref<1x1024xf32, #tpu.memory_space<hbm>>
              tpu.wait_dma2 semaphore(%run_scoped3A_709 : memref<!tpu.dma_semaphore, #tpu.memory_space<semaphore_mem>>) src(%arg6 : memref<1x1024xf32, #tpu.memory_space<vmem>>) dst(%dma_wait3A_721 : memref<1x1024xf32, #tpu.memory_space<hbm>>)
              tpu.yield
            }) : () -> ()
          } else {
          }
          %slice3A_613 = vector.extract_strided_slice %get3A_576 {offsets = [3], sizes = [1], strides = [1]} : vector<16xi32> to vector<1xi32>
          %squeeze3A_614 = vector.extract %slice3A_613[0] : i32 from vector<1xi32>
          %eq3A_615 = arith.constant 0 : i32
          %eq3A_616 = arith.cmpi eq, %squeeze3A_614, %eq3A_615 : i32
          %convert_element_type3A_617 = arith.extui %eq3A_616 : i1 to i32
          %cond3A_618 = arith.constant 0 : i32
          %cond3A_619 = arith.cmpi ne, %convert_element_type3A_617, %cond3A_618 : i32
          scf.if %cond3A_619 {
            %mul3A_704 = arith.constant 16 : i32
            %mul3A_705 = arith.muli %scan3A_571, %mul3A_704 : i32
            %add3A_706 = arith.addi %mul3A_2, %mul3A_705 : i32
            %add3A_707 = arith.constant 3 : i32
            %add3A_708 = arith.addi %add3A_706, %add3A_707 : i32
            %run_scoped3A = arith.constant 0 : i32
            "tpu.region"() ({
              %run_scoped3A_709 = tpu.sem_alloc : memref<!tpu.dma_semaphore, #tpu.memory_space<semaphore_mem>>
              %dma_start3A_710 = arith.constant 0 : i32
              %dma_start3A_711 = tpu.memref_slice %arg4[%run_scoped3A, %add3A_708, %dma_start3A_710] : memref<4x8192x1024xf32, #tpu.memory_space<hbm>> -> memref<1x1x1024xf32, #tpu.memory_space<hbm>>
              %dma_start3A_712 = tpu.memref_squeeze %dma_start3A_711 : memref<1x1x1024xf32, #tpu.memory_space<hbm>> -> memref<1x1024xf32, #tpu.memory_space<hbm>>
              %dma_start3A_713 = arith.constant 0 : i32
              %dma_start3A_714 = tpu.memref_slice %arg4[%run_scoped3A, %add3A_708, %dma_start3A_713] : memref<4x8192x1024xf32, #tpu.memory_space<hbm>> -> memref<1x1x1024xf32, #tpu.memory_space<hbm>>
              %dma_start3A_715 = tpu.memref_squeeze %dma_start3A_714 : memref<1x1x1024xf32, #tpu.memory_space<hbm>> -> memref<1x1024xf32, #tpu.memory_space<hbm>>
              tpu.enqueue_dma source(%arg6 : memref<1x1024xf32, #tpu.memory_space<vmem>>) target(%dma_start3A_715 : memref<1x1024xf32, #tpu.memory_space<hbm>>) target_semaphore(%run_scoped3A_709 : memref<!tpu.dma_semaphore, #tpu.memory_space<semaphore_mem>>)
              %dma_wait3A_716 = arith.constant 0 : i32
              %dma_wait3A_717 = tpu.memref_slice %arg4[%run_scoped3A, %add3A_708, %dma_wait3A_716] : memref<4x8192x1024xf32, #tpu.memory_space<hbm>> -> memref<1x1x1024xf32, #tpu.memory_space<hbm>>
              %dma_wait3A_718 = tpu.memref_squeeze %dma_wait3A_717 : memref<1x1x1024xf32, #tpu.memory_space<hbm>> -> memref<1x1024xf32, #tpu.memory_space<hbm>>
              %dma_wait3A_719 = arith.constant 0 : i32
              %dma_wait3A_720 = tpu.memref_slice %arg4[%run_scoped3A, %add3A_708, %dma_wait3A_719] : memref<4x8192x1024xf32, #tpu.memory_space<hbm>> -> memref<1x1x1024xf32, #tpu.memory_space<hbm>>
              %dma_wait3A_721 = tpu.memref_squeeze %dma_wait3A_720 : memref<1x1x1024xf32, #tpu.memory_space<hbm>> -> memref<1x1024xf32, #tpu.memory_space<hbm>>
              tpu.wait_dma2 semaphore(%run_scoped3A_709 : memref<!tpu.dma_semaphore, #tpu.memory_space<semaphore_mem>>) src(%arg6 : memref<1x1024xf32, #tpu.memory_space<vmem>>) dst(%dma_wait3A_721 : memref<1x1024xf32, #tpu.memory_space<hbm>>)
              tpu.yield
            }) : () -> ()
          } else {
          }
          %slice3A_620 = vector.extract_strided_slice %get3A_576 {offsets = [4], sizes = [1], strides = [1]} : vector<16xi32> to vector<1xi32>
          %squeeze3A_621 = vector.extract %slice3A_620[0] : i32 from vector<1xi32>
          %eq3A_622 = arith.constant 0 : i32
          %eq3A_623 = arith.cmpi eq, %squeeze3A_621, %eq3A_622 : i32
          %convert_element_type3A_624 = arith.extui %eq3A_623 : i1 to i32
          %cond3A_625 = arith.constant 0 : i32
          %cond3A_626 = arith.cmpi ne, %convert_element_type3A_624, %cond3A_625 : i32
          scf.if %cond3A_626 {
            %mul3A_704 = arith.constant 16 : i32
            %mul3A_705 = arith.muli %scan3A_571, %mul3A_704 : i32
            %add3A_706 = arith.addi %mul3A_2, %mul3A_705 : i32
            %add3A_707 = arith.constant 4 : i32
            %add3A_708 = arith.addi %add3A_706, %add3A_707 : i32
            %run_scoped3A = arith.constant 0 : i32
            "tpu.region"() ({
              %run_scoped3A_709 = tpu.sem_alloc : memref<!tpu.dma_semaphore, #tpu.memory_space<semaphore_mem>>
              %dma_start3A_710 = arith.constant 0 : i32
              %dma_start3A_711 = tpu.memref_slice %arg4[%run_scoped3A, %add3A_708, %dma_start3A_710] : memref<4x8192x1024xf32, #tpu.memory_space<hbm>> -> memref<1x1x1024xf32, #tpu.memory_space<hbm>>
              %dma_start3A_712 = tpu.memref_squeeze %dma_start3A_711 : memref<1x1x1024xf32, #tpu.memory_space<hbm>> -> memref<1x1024xf32, #tpu.memory_space<hbm>>
              %dma_start3A_713 = arith.constant 0 : i32
              %dma_start3A_714 = tpu.memref_slice %arg4[%run_scoped3A, %add3A_708, %dma_start3A_713] : memref<4x8192x1024xf32, #tpu.memory_space<hbm>> -> memref<1x1x1024xf32, #tpu.memory_space<hbm>>
              %dma_start3A_715 = tpu.memref_squeeze %dma_start3A_714 : memref<1x1x1024xf32, #tpu.memory_space<hbm>> -> memref<1x1024xf32, #tpu.memory_space<hbm>>
              tpu.enqueue_dma source(%arg6 : memref<1x1024xf32, #tpu.memory_space<vmem>>) target(%dma_start3A_715 : memref<1x1024xf32, #tpu.memory_space<hbm>>) target_semaphore(%run_scoped3A_709 : memref<!tpu.dma_semaphore, #tpu.memory_space<semaphore_mem>>)
              %dma_wait3A_716 = arith.constant 0 : i32
              %dma_wait3A_717 = tpu.memref_slice %arg4[%run_scoped3A, %add3A_708, %dma_wait3A_716] : memref<4x8192x1024xf32, #tpu.memory_space<hbm>> -> memref<1x1x1024xf32, #tpu.memory_space<hbm>>
              %dma_wait3A_718 = tpu.memref_squeeze %dma_wait3A_717 : memref<1x1x1024xf32, #tpu.memory_space<hbm>> -> memref<1x1024xf32, #tpu.memory_space<hbm>>
              %dma_wait3A_719 = arith.constant 0 : i32
              %dma_wait3A_720 = tpu.memref_slice %arg4[%run_scoped3A, %add3A_708, %dma_wait3A_719] : memref<4x8192x1024xf32, #tpu.memory_space<hbm>> -> memref<1x1x1024xf32, #tpu.memory_space<hbm>>
              %dma_wait3A_721 = tpu.memref_squeeze %dma_wait3A_720 : memref<1x1x1024xf32, #tpu.memory_space<hbm>> -> memref<1x1024xf32, #tpu.memory_space<hbm>>
              tpu.wait_dma2 semaphore(%run_scoped3A_709 : memref<!tpu.dma_semaphore, #tpu.memory_space<semaphore_mem>>) src(%arg6 : memref<1x1024xf32, #tpu.memory_space<vmem>>) dst(%dma_wait3A_721 : memref<1x1024xf32, #tpu.memory_space<hbm>>)
              tpu.yield
            }) : () -> ()
          } else {
          }
          %slice3A_627 = vector.extract_strided_slice %get3A_576 {offsets = [5], sizes = [1], strides = [1]} : vector<16xi32> to vector<1xi32>
          %squeeze3A_628 = vector.extract %slice3A_627[0] : i32 from vector<1xi32>
          %eq3A_629 = arith.constant 0 : i32
          %eq3A_630 = arith.cmpi eq, %squeeze3A_628, %eq3A_629 : i32
          %convert_element_type3A_631 = arith.extui %eq3A_630 : i1 to i32
          %cond3A_632 = arith.constant 0 : i32
          %cond3A_633 = arith.cmpi ne, %convert_element_type3A_631, %cond3A_632 : i32
          scf.if %cond3A_633 {
            %mul3A_704 = arith.constant 16 : i32
            %mul3A_705 = arith.muli %scan3A_571, %mul3A_704 : i32
            %add3A_706 = arith.addi %mul3A_2, %mul3A_705 : i32
            %add3A_707 = arith.constant 5 : i32
            %add3A_708 = arith.addi %add3A_706, %add3A_707 : i32
            %run_scoped3A = arith.constant 0 : i32
            "tpu.region"() ({
              %run_scoped3A_709 = tpu.sem_alloc : memref<!tpu.dma_semaphore, #tpu.memory_space<semaphore_mem>>
              %dma_start3A_710 = arith.constant 0 : i32
              %dma_start3A_711 = tpu.memref_slice %arg4[%run_scoped3A, %add3A_708, %dma_start3A_710] : memref<4x8192x1024xf32, #tpu.memory_space<hbm>> -> memref<1x1x1024xf32, #tpu.memory_space<hbm>>
              %dma_start3A_712 = tpu.memref_squeeze %dma_start3A_711 : memref<1x1x1024xf32, #tpu.memory_space<hbm>> -> memref<1x1024xf32, #tpu.memory_space<hbm>>
              %dma_start3A_713 = arith.constant 0 : i32
              %dma_start3A_714 = tpu.memref_slice %arg4[%run_scoped3A, %add3A_708, %dma_start3A_713] : memref<4x8192x1024xf32, #tpu.memory_space<hbm>> -> memref<1x1x1024xf32, #tpu.memory_space<hbm>>
              %dma_start3A_715 = tpu.memref_squeeze %dma_start3A_714 : memref<1x1x1024xf32, #tpu.memory_space<hbm>> -> memref<1x1024xf32, #tpu.memory_space<hbm>>
              tpu.enqueue_dma source(%arg6 : memref<1x1024xf32, #tpu.memory_space<vmem>>) target(%dma_start3A_715 : memref<1x1024xf32, #tpu.memory_space<hbm>>) target_semaphore(%run_scoped3A_709 : memref<!tpu.dma_semaphore, #tpu.memory_space<semaphore_mem>>)
              %dma_wait3A_716 = arith.constant 0 : i32
              %dma_wait3A_717 = tpu.memref_slice %arg4[%run_scoped3A, %add3A_708, %dma_wait3A_716] : memref<4x8192x1024xf32, #tpu.memory_space<hbm>> -> memref<1x1x1024xf32, #tpu.memory_space<hbm>>
              %dma_wait3A_718 = tpu.memref_squeeze %dma_wait3A_717 : memref<1x1x1024xf32, #tpu.memory_space<hbm>> -> memref<1x1024xf32, #tpu.memory_space<hbm>>
              %dma_wait3A_719 = arith.constant 0 : i32
              %dma_wait3A_720 = tpu.memref_slice %arg4[%run_scoped3A, %add3A_708, %dma_wait3A_719] : memref<4x8192x1024xf32, #tpu.memory_space<hbm>> -> memref<1x1x1024xf32, #tpu.memory_space<hbm>>
              %dma_wait3A_721 = tpu.memref_squeeze %dma_wait3A_720 : memref<1x1x1024xf32, #tpu.memory_space<hbm>> -> memref<1x1024xf32, #tpu.memory_space<hbm>>
              tpu.wait_dma2 semaphore(%run_scoped3A_709 : memref<!tpu.dma_semaphore, #tpu.memory_space<semaphore_mem>>) src(%arg6 : memref<1x1024xf32, #tpu.memory_space<vmem>>) dst(%dma_wait3A_721 : memref<1x1024xf32, #tpu.memory_space<hbm>>)
              tpu.yield
            }) : () -> ()
          } else {
          }
          %slice3A_634 = vector.extract_strided_slice %get3A_576 {offsets = [6], sizes = [1], strides = [1]} : vector<16xi32> to vector<1xi32>
          %squeeze3A_635 = vector.extract %slice3A_634[0] : i32 from vector<1xi32>
          %eq3A_636 = arith.constant 0 : i32
          %eq3A_637 = arith.cmpi eq, %squeeze3A_635, %eq3A_636 : i32
          %convert_element_type3A_638 = arith.extui %eq3A_637 : i1 to i32
          %cond3A_639 = arith.constant 0 : i32
          %cond3A_640 = arith.cmpi ne, %convert_element_type3A_638, %cond3A_639 : i32
          scf.if %cond3A_640 {
            %mul3A_704 = arith.constant 16 : i32
            %mul3A_705 = arith.muli %scan3A_571, %mul3A_704 : i32
            %add3A_706 = arith.addi %mul3A_2, %mul3A_705 : i32
            %add3A_707 = arith.constant 6 : i32
            %add3A_708 = arith.addi %add3A_706, %add3A_707 : i32
            %run_scoped3A = arith.constant 0 : i32
            "tpu.region"() ({
              %run_scoped3A_709 = tpu.sem_alloc : memref<!tpu.dma_semaphore, #tpu.memory_space<semaphore_mem>>
              %dma_start3A_710 = arith.constant 0 : i32
              %dma_start3A_711 = tpu.memref_slice %arg4[%run_scoped3A, %add3A_708, %dma_start3A_710] : memref<4x8192x1024xf32, #tpu.memory_space<hbm>> -> memref<1x1x1024xf32, #tpu.memory_space<hbm>>
              %dma_start3A_712 = tpu.memref_squeeze %dma_start3A_711 : memref<1x1x1024xf32, #tpu.memory_space<hbm>> -> memref<1x1024xf32, #tpu.memory_space<hbm>>
              %dma_start3A_713 = arith.constant 0 : i32
              %dma_start3A_714 = tpu.memref_slice %arg4[%run_scoped3A, %add3A_708, %dma_start3A_713] : memref<4x8192x1024xf32, #tpu.memory_space<hbm>> -> memref<1x1x1024xf32, #tpu.memory_space<hbm>>
              %dma_start3A_715 = tpu.memref_squeeze %dma_start3A_714 : memref<1x1x1024xf32, #tpu.memory_space<hbm>> -> memref<1x1024xf32, #tpu.memory_space<hbm>>
              tpu.enqueue_dma source(%arg6 : memref<1x1024xf32, #tpu.memory_space<vmem>>) target(%dma_start3A_715 : memref<1x1024xf32, #tpu.memory_space<hbm>>) target_semaphore(%run_scoped3A_709 : memref<!tpu.dma_semaphore, #tpu.memory_space<semaphore_mem>>)
              %dma_wait3A_716 = arith.constant 0 : i32
              %dma_wait3A_717 = tpu.memref_slice %arg4[%run_scoped3A, %add3A_708, %dma_wait3A_716] : memref<4x8192x1024xf32, #tpu.memory_space<hbm>> -> memref<1x1x1024xf32, #tpu.memory_space<hbm>>
              %dma_wait3A_718 = tpu.memref_squeeze %dma_wait3A_717 : memref<1x1x1024xf32, #tpu.memory_space<hbm>> -> memref<1x1024xf32, #tpu.memory_space<hbm>>
              %dma_wait3A_719 = arith.constant 0 : i32
              %dma_wait3A_720 = tpu.memref_slice %arg4[%run_scoped3A, %add3A_708, %dma_wait3A_719] : memref<4x8192x1024xf32, #tpu.memory_space<hbm>> -> memref<1x1x1024xf32, #tpu.memory_space<hbm>>
              %dma_wait3A_721 = tpu.memref_squeeze %dma_wait3A_720 : memref<1x1x1024xf32, #tpu.memory_space<hbm>> -> memref<1x1024xf32, #tpu.memory_space<hbm>>
              tpu.wait_dma2 semaphore(%run_scoped3A_709 : memref<!tpu.dma_semaphore, #tpu.memory_space<semaphore_mem>>) src(%arg6 : memref<1x1024xf32, #tpu.memory_space<vmem>>) dst(%dma_wait3A_721 : memref<1x1024xf32, #tpu.memory_space<hbm>>)
              tpu.yield
            }) : () -> ()
          } else {
          }
          %slice3A_641 = vector.extract_strided_slice %get3A_576 {offsets = [7], sizes = [1], strides = [1]} : vector<16xi32> to vector<1xi32>
          %squeeze3A_642 = vector.extract %slice3A_641[0] : i32 from vector<1xi32>
          %eq3A_643 = arith.constant 0 : i32
          %eq3A_644 = arith.cmpi eq, %squeeze3A_642, %eq3A_643 : i32
          %convert_element_type3A_645 = arith.extui %eq3A_644 : i1 to i32
          %cond3A_646 = arith.constant 0 : i32
          %cond3A_647 = arith.cmpi ne, %convert_element_type3A_645, %cond3A_646 : i32
          scf.if %cond3A_647 {
            %mul3A_704 = arith.constant 16 : i32
            %mul3A_705 = arith.muli %scan3A_571, %mul3A_704 : i32
            %add3A_706 = arith.addi %mul3A_2, %mul3A_705 : i32
            %add3A_707 = arith.constant 7 : i32
            %add3A_708 = arith.addi %add3A_706, %add3A_707 : i32
            %run_scoped3A = arith.constant 0 : i32
            "tpu.region"() ({
              %run_scoped3A_709 = tpu.sem_alloc : memref<!tpu.dma_semaphore, #tpu.memory_space<semaphore_mem>>
              %dma_start3A_710 = arith.constant 0 : i32
              %dma_start3A_711 = tpu.memref_slice %arg4[%run_scoped3A, %add3A_708, %dma_start3A_710] : memref<4x8192x1024xf32, #tpu.memory_space<hbm>> -> memref<1x1x1024xf32, #tpu.memory_space<hbm>>
              %dma_start3A_712 = tpu.memref_squeeze %dma_start3A_711 : memref<1x1x1024xf32, #tpu.memory_space<hbm>> -> memref<1x1024xf32, #tpu.memory_space<hbm>>
              %dma_start3A_713 = arith.constant 0 : i32
              %dma_start3A_714 = tpu.memref_slice %arg4[%run_scoped3A, %add3A_708, %dma_start3A_713] : memref<4x8192x1024xf32, #tpu.memory_space<hbm>> -> memref<1x1x1024xf32, #tpu.memory_space<hbm>>
              %dma_start3A_715 = tpu.memref_squeeze %dma_start3A_714 : memref<1x1x1024xf32, #tpu.memory_space<hbm>> -> memref<1x1024xf32, #tpu.memory_space<hbm>>
              tpu.enqueue_dma source(%arg6 : memref<1x1024xf32, #tpu.memory_space<vmem>>) target(%dma_start3A_715 : memref<1x1024xf32, #tpu.memory_space<hbm>>) target_semaphore(%run_scoped3A_709 : memref<!tpu.dma_semaphore, #tpu.memory_space<semaphore_mem>>)
              %dma_wait3A_716 = arith.constant 0 : i32
              %dma_wait3A_717 = tpu.memref_slice %arg4[%run_scoped3A, %add3A_708, %dma_wait3A_716] : memref<4x8192x1024xf32, #tpu.memory_space<hbm>> -> memref<1x1x1024xf32, #tpu.memory_space<hbm>>
              %dma_wait3A_718 = tpu.memref_squeeze %dma_wait3A_717 : memref<1x1x1024xf32, #tpu.memory_space<hbm>> -> memref<1x1024xf32, #tpu.memory_space<hbm>>
              %dma_wait3A_719 = arith.constant 0 : i32
              %dma_wait3A_720 = tpu.memref_slice %arg4[%run_scoped3A, %add3A_708, %dma_wait3A_719] : memref<4x8192x1024xf32, #tpu.memory_space<hbm>> -> memref<1x1x1024xf32, #tpu.memory_space<hbm>>
              %dma_wait3A_721 = tpu.memref_squeeze %dma_wait3A_720 : memref<1x1x1024xf32, #tpu.memory_space<hbm>> -> memref<1x1024xf32, #tpu.memory_space<hbm>>
              tpu.wait_dma2 semaphore(%run_scoped3A_709 : memref<!tpu.dma_semaphore, #tpu.memory_space<semaphore_mem>>) src(%arg6 : memref<1x1024xf32, #tpu.memory_space<vmem>>) dst(%dma_wait3A_721 : memref<1x1024xf32, #tpu.memory_space<hbm>>)
              tpu.yield
            }) : () -> ()
          } else {
          }
          %slice3A_648 = vector.extract_strided_slice %get3A_576 {offsets = [8], sizes = [1], strides = [1]} : vector<16xi32> to vector<1xi32>
          %squeeze3A_649 = vector.extract %slice3A_648[0] : i32 from vector<1xi32>
          %eq3A_650 = arith.constant 0 : i32
          %eq3A_651 = arith.cmpi eq, %squeeze3A_649, %eq3A_650 : i32
          %convert_element_type3A_652 = arith.extui %eq3A_651 : i1 to i32
          %cond3A_653 = arith.constant 0 : i32
          %cond3A_654 = arith.cmpi ne, %convert_element_type3A_652, %cond3A_653 : i32
          scf.if %cond3A_654 {
            %mul3A_704 = arith.constant 16 : i32
            %mul3A_705 = arith.muli %scan3A_571, %mul3A_704 : i32
            %add3A_706 = arith.addi %mul3A_2, %mul3A_705 : i32
            %add3A_707 = arith.constant 8 : i32
            %add3A_708 = arith.addi %add3A_706, %add3A_707 : i32
            %run_scoped3A = arith.constant 0 : i32
            "tpu.region"() ({
              %run_scoped3A_709 = tpu.sem_alloc : memref<!tpu.dma_semaphore, #tpu.memory_space<semaphore_mem>>
              %dma_start3A_710 = arith.constant 0 : i32
              %dma_start3A_711 = tpu.memref_slice %arg4[%run_scoped3A, %add3A_708, %dma_start3A_710] : memref<4x8192x1024xf32, #tpu.memory_space<hbm>> -> memref<1x1x1024xf32, #tpu.memory_space<hbm>>
              %dma_start3A_712 = tpu.memref_squeeze %dma_start3A_711 : memref<1x1x1024xf32, #tpu.memory_space<hbm>> -> memref<1x1024xf32, #tpu.memory_space<hbm>>
              %dma_start3A_713 = arith.constant 0 : i32
              %dma_start3A_714 = tpu.memref_slice %arg4[%run_scoped3A, %add3A_708, %dma_start3A_713] : memref<4x8192x1024xf32, #tpu.memory_space<hbm>> -> memref<1x1x1024xf32, #tpu.memory_space<hbm>>
              %dma_start3A_715 = tpu.memref_squeeze %dma_start3A_714 : memref<1x1x1024xf32, #tpu.memory_space<hbm>> -> memref<1x1024xf32, #tpu.memory_space<hbm>>
              tpu.enqueue_dma source(%arg6 : memref<1x1024xf32, #tpu.memory_space<vmem>>) target(%dma_start3A_715 : memref<1x1024xf32, #tpu.memory_space<hbm>>) target_semaphore(%run_scoped3A_709 : memref<!tpu.dma_semaphore, #tpu.memory_space<semaphore_mem>>)
              %dma_wait3A_716 = arith.constant 0 : i32
              %dma_wait3A_717 = tpu.memref_slice %arg4[%run_scoped3A, %add3A_708, %dma_wait3A_716] : memref<4x8192x1024xf32, #tpu.memory_space<hbm>> -> memref<1x1x1024xf32, #tpu.memory_space<hbm>>
              %dma_wait3A_718 = tpu.memref_squeeze %dma_wait3A_717 : memref<1x1x1024xf32, #tpu.memory_space<hbm>> -> memref<1x1024xf32, #tpu.memory_space<hbm>>
              %dma_wait3A_719 = arith.constant 0 : i32
              %dma_wait3A_720 = tpu.memref_slice %arg4[%run_scoped3A, %add3A_708, %dma_wait3A_719] : memref<4x8192x1024xf32, #tpu.memory_space<hbm>> -> memref<1x1x1024xf32, #tpu.memory_space<hbm>>
              %dma_wait3A_721 = tpu.memref_squeeze %dma_wait3A_720 : memref<1x1x1024xf32, #tpu.memory_space<hbm>> -> memref<1x1024xf32, #tpu.memory_space<hbm>>
              tpu.wait_dma2 semaphore(%run_scoped3A_709 : memref<!tpu.dma_semaphore, #tpu.memory_space<semaphore_mem>>) src(%arg6 : memref<1x1024xf32, #tpu.memory_space<vmem>>) dst(%dma_wait3A_721 : memref<1x1024xf32, #tpu.memory_space<hbm>>)
              tpu.yield
            }) : () -> ()
          } else {
          }
          %slice3A_655 = vector.extract_strided_slice %get3A_576 {offsets = [9], sizes = [1], strides = [1]} : vector<16xi32> to vector<1xi32>
          %squeeze3A_656 = vector.extract %slice3A_655[0] : i32 from vector<1xi32>
          %eq3A_657 = arith.constant 0 : i32
          %eq3A_658 = arith.cmpi eq, %squeeze3A_656, %eq3A_657 : i32
          %convert_element_type3A_659 = arith.extui %eq3A_658 : i1 to i32
          %cond3A_660 = arith.constant 0 : i32
          %cond3A_661 = arith.cmpi ne, %convert_element_type3A_659, %cond3A_660 : i32
          scf.if %cond3A_661 {
            %mul3A_704 = arith.constant 16 : i32
            %mul3A_705 = arith.muli %scan3A_571, %mul3A_704 : i32
            %add3A_706 = arith.addi %mul3A_2, %mul3A_705 : i32
            %add3A_707 = arith.constant 9 : i32
            %add3A_708 = arith.addi %add3A_706, %add3A_707 : i32
            %run_scoped3A = arith.constant 0 : i32
            "tpu.region"() ({
              %run_scoped3A_709 = tpu.sem_alloc : memref<!tpu.dma_semaphore, #tpu.memory_space<semaphore_mem>>
              %dma_start3A_710 = arith.constant 0 : i32
              %dma_start3A_711 = tpu.memref_slice %arg4[%run_scoped3A, %add3A_708, %dma_start3A_710] : memref<4x8192x1024xf32, #tpu.memory_space<hbm>> -> memref<1x1x1024xf32, #tpu.memory_space<hbm>>
              %dma_start3A_712 = tpu.memref_squeeze %dma_start3A_711 : memref<1x1x1024xf32, #tpu.memory_space<hbm>> -> memref<1x1024xf32, #tpu.memory_space<hbm>>
              %dma_start3A_713 = arith.constant 0 : i32
              %dma_start3A_714 = tpu.memref_slice %arg4[%run_scoped3A, %add3A_708, %dma_start3A_713] : memref<4x8192x1024xf32, #tpu.memory_space<hbm>> -> memref<1x1x1024xf32, #tpu.memory_space<hbm>>
              %dma_start3A_715 = tpu.memref_squeeze %dma_start3A_714 : memref<1x1x1024xf32, #tpu.memory_space<hbm>> -> memref<1x1024xf32, #tpu.memory_space<hbm>>
              tpu.enqueue_dma source(%arg6 : memref<1x1024xf32, #tpu.memory_space<vmem>>) target(%dma_start3A_715 : memref<1x1024xf32, #tpu.memory_space<hbm>>) target_semaphore(%run_scoped3A_709 : memref<!tpu.dma_semaphore, #tpu.memory_space<semaphore_mem>>)
              %dma_wait3A_716 = arith.constant 0 : i32
              %dma_wait3A_717 = tpu.memref_slice %arg4[%run_scoped3A, %add3A_708, %dma_wait3A_716] : memref<4x8192x1024xf32, #tpu.memory_space<hbm>> -> memref<1x1x1024xf32, #tpu.memory_space<hbm>>
              %dma_wait3A_718 = tpu.memref_squeeze %dma_wait3A_717 : memref<1x1x1024xf32, #tpu.memory_space<hbm>> -> memref<1x1024xf32, #tpu.memory_space<hbm>>
              %dma_wait3A_719 = arith.constant 0 : i32
              %dma_wait3A_720 = tpu.memref_slice %arg4[%run_scoped3A, %add3A_708, %dma_wait3A_719] : memref<4x8192x1024xf32, #tpu.memory_space<hbm>> -> memref<1x1x1024xf32, #tpu.memory_space<hbm>>
              %dma_wait3A_721 = tpu.memref_squeeze %dma_wait3A_720 : memref<1x1x1024xf32, #tpu.memory_space<hbm>> -> memref<1x1024xf32, #tpu.memory_space<hbm>>
              tpu.wait_dma2 semaphore(%run_scoped3A_709 : memref<!tpu.dma_semaphore, #tpu.memory_space<semaphore_mem>>) src(%arg6 : memref<1x1024xf32, #tpu.memory_space<vmem>>) dst(%dma_wait3A_721 : memref<1x1024xf32, #tpu.memory_space<hbm>>)
              tpu.yield
            }) : () -> ()
          } else {
          }
          %slice3A_662 = vector.extract_strided_slice %get3A_576 {offsets = [10], sizes = [1], strides = [1]} : vector<16xi32> to vector<1xi32>
          %squeeze3A_663 = vector.extract %slice3A_662[0] : i32 from vector<1xi32>
          %eq3A_664 = arith.constant 0 : i32
          %eq3A_665 = arith.cmpi eq, %squeeze3A_663, %eq3A_664 : i32
          %convert_element_type3A_666 = arith.extui %eq3A_665 : i1 to i32
          %cond3A_667 = arith.constant 0 : i32
          %cond3A_668 = arith.cmpi ne, %convert_element_type3A_666, %cond3A_667 : i32
          scf.if %cond3A_668 {
            %mul3A_704 = arith.constant 16 : i32
            %mul3A_705 = arith.muli %scan3A_571, %mul3A_704 : i32
            %add3A_706 = arith.addi %mul3A_2, %mul3A_705 : i32
            %add3A_707 = arith.constant 10 : i32
            %add3A_708 = arith.addi %add3A_706, %add3A_707 : i32
            %run_scoped3A = arith.constant 0 : i32
            "tpu.region"() ({
              %run_scoped3A_709 = tpu.sem_alloc : memref<!tpu.dma_semaphore, #tpu.memory_space<semaphore_mem>>
              %dma_start3A_710 = arith.constant 0 : i32
              %dma_start3A_711 = tpu.memref_slice %arg4[%run_scoped3A, %add3A_708, %dma_start3A_710] : memref<4x8192x1024xf32, #tpu.memory_space<hbm>> -> memref<1x1x1024xf32, #tpu.memory_space<hbm>>
              %dma_start3A_712 = tpu.memref_squeeze %dma_start3A_711 : memref<1x1x1024xf32, #tpu.memory_space<hbm>> -> memref<1x1024xf32, #tpu.memory_space<hbm>>
              %dma_start3A_713 = arith.constant 0 : i32
              %dma_start3A_714 = tpu.memref_slice %arg4[%run_scoped3A, %add3A_708, %dma_start3A_713] : memref<4x8192x1024xf32, #tpu.memory_space<hbm>> -> memref<1x1x1024xf32, #tpu.memory_space<hbm>>
              %dma_start3A_715 = tpu.memref_squeeze %dma_start3A_714 : memref<1x1x1024xf32, #tpu.memory_space<hbm>> -> memref<1x1024xf32, #tpu.memory_space<hbm>>
              tpu.enqueue_dma source(%arg6 : memref<1x1024xf32, #tpu.memory_space<vmem>>) target(%dma_start3A_715 : memref<1x1024xf32, #tpu.memory_space<hbm>>) target_semaphore(%run_scoped3A_709 : memref<!tpu.dma_semaphore, #tpu.memory_space<semaphore_mem>>)
              %dma_wait3A_716 = arith.constant 0 : i32
              %dma_wait3A_717 = tpu.memref_slice %arg4[%run_scoped3A, %add3A_708, %dma_wait3A_716] : memref<4x8192x1024xf32, #tpu.memory_space<hbm>> -> memref<1x1x1024xf32, #tpu.memory_space<hbm>>
              %dma_wait3A_718 = tpu.memref_squeeze %dma_wait3A_717 : memref<1x1x1024xf32, #tpu.memory_space<hbm>> -> memref<1x1024xf32, #tpu.memory_space<hbm>>
              %dma_wait3A_719 = arith.constant 0 : i32
              %dma_wait3A_720 = tpu.memref_slice %arg4[%run_scoped3A, %add3A_708, %dma_wait3A_719] : memref<4x8192x1024xf32, #tpu.memory_space<hbm>> -> memref<1x1x1024xf32, #tpu.memory_space<hbm>>
              %dma_wait3A_721 = tpu.memref_squeeze %dma_wait3A_720 : memref<1x1x1024xf32, #tpu.memory_space<hbm>> -> memref<1x1024xf32, #tpu.memory_space<hbm>>
              tpu.wait_dma2 semaphore(%run_scoped3A_709 : memref<!tpu.dma_semaphore, #tpu.memory_space<semaphore_mem>>) src(%arg6 : memref<1x1024xf32, #tpu.memory_space<vmem>>) dst(%dma_wait3A_721 : memref<1x1024xf32, #tpu.memory_space<hbm>>)
              tpu.yield
            }) : () -> ()
          } else {
          }
          %slice3A_669 = vector.extract_strided_slice %get3A_576 {offsets = [11], sizes = [1], strides = [1]} : vector<16xi32> to vector<1xi32>
          %squeeze3A_670 = vector.extract %slice3A_669[0] : i32 from vector<1xi32>
          %eq3A_671 = arith.constant 0 : i32
          %eq3A_672 = arith.cmpi eq, %squeeze3A_670, %eq3A_671 : i32
          %convert_element_type3A_673 = arith.extui %eq3A_672 : i1 to i32
          %cond3A_674 = arith.constant 0 : i32
          %cond3A_675 = arith.cmpi ne, %convert_element_type3A_673, %cond3A_674 : i32
          scf.if %cond3A_675 {
            %mul3A_704 = arith.constant 16 : i32
            %mul3A_705 = arith.muli %scan3A_571, %mul3A_704 : i32
            %add3A_706 = arith.addi %mul3A_2, %mul3A_705 : i32
            %add3A_707 = arith.constant 11 : i32
            %add3A_708 = arith.addi %add3A_706, %add3A_707 : i32
            %run_scoped3A = arith.constant 0 : i32
            "tpu.region"() ({
              %run_scoped3A_709 = tpu.sem_alloc : memref<!tpu.dma_semaphore, #tpu.memory_space<semaphore_mem>>
              %dma_start3A_710 = arith.constant 0 : i32
              %dma_start3A_711 = tpu.memref_slice %arg4[%run_scoped3A, %add3A_708, %dma_start3A_710] : memref<4x8192x1024xf32, #tpu.memory_space<hbm>> -> memref<1x1x1024xf32, #tpu.memory_space<hbm>>
              %dma_start3A_712 = tpu.memref_squeeze %dma_start3A_711 : memref<1x1x1024xf32, #tpu.memory_space<hbm>> -> memref<1x1024xf32, #tpu.memory_space<hbm>>
              %dma_start3A_713 = arith.constant 0 : i32
              %dma_start3A_714 = tpu.memref_slice %arg4[%run_scoped3A, %add3A_708, %dma_start3A_713] : memref<4x8192x1024xf32, #tpu.memory_space<hbm>> -> memref<1x1x1024xf32, #tpu.memory_space<hbm>>
              %dma_start3A_715 = tpu.memref_squeeze %dma_start3A_714 : memref<1x1x1024xf32, #tpu.memory_space<hbm>> -> memref<1x1024xf32, #tpu.memory_space<hbm>>
              tpu.enqueue_dma source(%arg6 : memref<1x1024xf32, #tpu.memory_space<vmem>>) target(%dma_start3A_715 : memref<1x1024xf32, #tpu.memory_space<hbm>>) target_semaphore(%run_scoped3A_709 : memref<!tpu.dma_semaphore, #tpu.memory_space<semaphore_mem>>)
              %dma_wait3A_716 = arith.constant 0 : i32
              %dma_wait3A_717 = tpu.memref_slice %arg4[%run_scoped3A, %add3A_708, %dma_wait3A_716] : memref<4x8192x1024xf32, #tpu.memory_space<hbm>> -> memref<1x1x1024xf32, #tpu.memory_space<hbm>>
              %dma_wait3A_718 = tpu.memref_squeeze %dma_wait3A_717 : memref<1x1x1024xf32, #tpu.memory_space<hbm>> -> memref<1x1024xf32, #tpu.memory_space<hbm>>
              %dma_wait3A_719 = arith.constant 0 : i32
              %dma_wait3A_720 = tpu.memref_slice %arg4[%run_scoped3A, %add3A_708, %dma_wait3A_719] : memref<4x8192x1024xf32, #tpu.memory_space<hbm>> -> memref<1x1x1024xf32, #tpu.memory_space<hbm>>
              %dma_wait3A_721 = tpu.memref_squeeze %dma_wait3A_720 : memref<1x1x1024xf32, #tpu.memory_space<hbm>> -> memref<1x1024xf32, #tpu.memory_space<hbm>>
              tpu.wait_dma2 semaphore(%run_scoped3A_709 : memref<!tpu.dma_semaphore, #tpu.memory_space<semaphore_mem>>) src(%arg6 : memref<1x1024xf32, #tpu.memory_space<vmem>>) dst(%dma_wait3A_721 : memref<1x1024xf32, #tpu.memory_space<hbm>>)
              tpu.yield
            }) : () -> ()
          } else {
          }
          %slice3A_676 = vector.extract_strided_slice %get3A_576 {offsets = [12], sizes = [1], strides = [1]} : vector<16xi32> to vector<1xi32>
          %squeeze3A_677 = vector.extract %slice3A_676[0] : i32 from vector<1xi32>
          %eq3A_678 = arith.constant 0 : i32
          %eq3A_679 = arith.cmpi eq, %squeeze3A_677, %eq3A_678 : i32
          %convert_element_type3A_680 = arith.extui %eq3A_679 : i1 to i32
          %cond3A_681 = arith.constant 0 : i32
          %cond3A_682 = arith.cmpi ne, %convert_element_type3A_680, %cond3A_681 : i32
          scf.if %cond3A_682 {
            %mul3A_704 = arith.constant 16 : i32
            %mul3A_705 = arith.muli %scan3A_571, %mul3A_704 : i32
            %add3A_706 = arith.addi %mul3A_2, %mul3A_705 : i32
            %add3A_707 = arith.constant 12 : i32
            %add3A_708 = arith.addi %add3A_706, %add3A_707 : i32
            %run_scoped3A = arith.constant 0 : i32
            "tpu.region"() ({
              %run_scoped3A_709 = tpu.sem_alloc : memref<!tpu.dma_semaphore, #tpu.memory_space<semaphore_mem>>
              %dma_start3A_710 = arith.constant 0 : i32
              %dma_start3A_711 = tpu.memref_slice %arg4[%run_scoped3A, %add3A_708, %dma_start3A_710] : memref<4x8192x1024xf32, #tpu.memory_space<hbm>> -> memref<1x1x1024xf32, #tpu.memory_space<hbm>>
              %dma_start3A_712 = tpu.memref_squeeze %dma_start3A_711 : memref<1x1x1024xf32, #tpu.memory_space<hbm>> -> memref<1x1024xf32, #tpu.memory_space<hbm>>
              %dma_start3A_713 = arith.constant 0 : i32
              %dma_start3A_714 = tpu.memref_slice %arg4[%run_scoped3A, %add3A_708, %dma_start3A_713] : memref<4x8192x1024xf32, #tpu.memory_space<hbm>> -> memref<1x1x1024xf32, #tpu.memory_space<hbm>>
              %dma_start3A_715 = tpu.memref_squeeze %dma_start3A_714 : memref<1x1x1024xf32, #tpu.memory_space<hbm>> -> memref<1x1024xf32, #tpu.memory_space<hbm>>
              tpu.enqueue_dma source(%arg6 : memref<1x1024xf32, #tpu.memory_space<vmem>>) target(%dma_start3A_715 : memref<1x1024xf32, #tpu.memory_space<hbm>>) target_semaphore(%run_scoped3A_709 : memref<!tpu.dma_semaphore, #tpu.memory_space<semaphore_mem>>)
              %dma_wait3A_716 = arith.constant 0 : i32
              %dma_wait3A_717 = tpu.memref_slice %arg4[%run_scoped3A, %add3A_708, %dma_wait3A_716] : memref<4x8192x1024xf32, #tpu.memory_space<hbm>> -> memref<1x1x1024xf32, #tpu.memory_space<hbm>>
              %dma_wait3A_718 = tpu.memref_squeeze %dma_wait3A_717 : memref<1x1x1024xf32, #tpu.memory_space<hbm>> -> memref<1x1024xf32, #tpu.memory_space<hbm>>
              %dma_wait3A_719 = arith.constant 0 : i32
              %dma_wait3A_720 = tpu.memref_slice %arg4[%run_scoped3A, %add3A_708, %dma_wait3A_719] : memref<4x8192x1024xf32, #tpu.memory_space<hbm>> -> memref<1x1x1024xf32, #tpu.memory_space<hbm>>
              %dma_wait3A_721 = tpu.memref_squeeze %dma_wait3A_720 : memref<1x1x1024xf32, #tpu.memory_space<hbm>> -> memref<1x1024xf32, #tpu.memory_space<hbm>>
              tpu.wait_dma2 semaphore(%run_scoped3A_709 : memref<!tpu.dma_semaphore, #tpu.memory_space<semaphore_mem>>) src(%arg6 : memref<1x1024xf32, #tpu.memory_space<vmem>>) dst(%dma_wait3A_721 : memref<1x1024xf32, #tpu.memory_space<hbm>>)
              tpu.yield
            }) : () -> ()
          } else {
          }
          %slice3A_683 = vector.extract_strided_slice %get3A_576 {offsets = [13], sizes = [1], strides = [1]} : vector<16xi32> to vector<1xi32>
          %squeeze3A_684 = vector.extract %slice3A_683[0] : i32 from vector<1xi32>
          %eq3A_685 = arith.constant 0 : i32
          %eq3A_686 = arith.cmpi eq, %squeeze3A_684, %eq3A_685 : i32
          %convert_element_type3A_687 = arith.extui %eq3A_686 : i1 to i32
          %cond3A_688 = arith.constant 0 : i32
          %cond3A_689 = arith.cmpi ne, %convert_element_type3A_687, %cond3A_688 : i32
          scf.if %cond3A_689 {
            %mul3A_704 = arith.constant 16 : i32
            %mul3A_705 = arith.muli %scan3A_571, %mul3A_704 : i32
            %add3A_706 = arith.addi %mul3A_2, %mul3A_705 : i32
            %add3A_707 = arith.constant 13 : i32
            %add3A_708 = arith.addi %add3A_706, %add3A_707 : i32
            %run_scoped3A = arith.constant 0 : i32
            "tpu.region"() ({
              %run_scoped3A_709 = tpu.sem_alloc : memref<!tpu.dma_semaphore, #tpu.memory_space<semaphore_mem>>
              %dma_start3A_710 = arith.constant 0 : i32
              %dma_start3A_711 = tpu.memref_slice %arg4[%run_scoped3A, %add3A_708, %dma_start3A_710] : memref<4x8192x1024xf32, #tpu.memory_space<hbm>> -> memref<1x1x1024xf32, #tpu.memory_space<hbm>>
              %dma_start3A_712 = tpu.memref_squeeze %dma_start3A_711 : memref<1x1x1024xf32, #tpu.memory_space<hbm>> -> memref<1x1024xf32, #tpu.memory_space<hbm>>
              %dma_start3A_713 = arith.constant 0 : i32
              %dma_start3A_714 = tpu.memref_slice %arg4[%run_scoped3A, %add3A_708, %dma_start3A_713] : memref<4x8192x1024xf32, #tpu.memory_space<hbm>> -> memref<1x1x1024xf32, #tpu.memory_space<hbm>>
              %dma_start3A_715 = tpu.memref_squeeze %dma_start3A_714 : memref<1x1x1024xf32, #tpu.memory_space<hbm>> -> memref<1x1024xf32, #tpu.memory_space<hbm>>
              tpu.enqueue_dma source(%arg6 : memref<1x1024xf32, #tpu.memory_space<vmem>>) target(%dma_start3A_715 : memref<1x1024xf32, #tpu.memory_space<hbm>>) target_semaphore(%run_scoped3A_709 : memref<!tpu.dma_semaphore, #tpu.memory_space<semaphore_mem>>)
              %dma_wait3A_716 = arith.constant 0 : i32
              %dma_wait3A_717 = tpu.memref_slice %arg4[%run_scoped3A, %add3A_708, %dma_wait3A_716] : memref<4x8192x1024xf32, #tpu.memory_space<hbm>> -> memref<1x1x1024xf32, #tpu.memory_space<hbm>>
              %dma_wait3A_718 = tpu.memref_squeeze %dma_wait3A_717 : memref<1x1x1024xf32, #tpu.memory_space<hbm>> -> memref<1x1024xf32, #tpu.memory_space<hbm>>
              %dma_wait3A_719 = arith.constant 0 : i32
              %dma_wait3A_720 = tpu.memref_slice %arg4[%run_scoped3A, %add3A_708, %dma_wait3A_719] : memref<4x8192x1024xf32, #tpu.memory_space<hbm>> -> memref<1x1x1024xf32, #tpu.memory_space<hbm>>
              %dma_wait3A_721 = tpu.memref_squeeze %dma_wait3A_720 : memref<1x1x1024xf32, #tpu.memory_space<hbm>> -> memref<1x1024xf32, #tpu.memory_space<hbm>>
              tpu.wait_dma2 semaphore(%run_scoped3A_709 : memref<!tpu.dma_semaphore, #tpu.memory_space<semaphore_mem>>) src(%arg6 : memref<1x1024xf32, #tpu.memory_space<vmem>>) dst(%dma_wait3A_721 : memref<1x1024xf32, #tpu.memory_space<hbm>>)
              tpu.yield
            }) : () -> ()
          } else {
          }
          %slice3A_690 = vector.extract_strided_slice %get3A_576 {offsets = [14], sizes = [1], strides = [1]} : vector<16xi32> to vector<1xi32>
          %squeeze3A_691 = vector.extract %slice3A_690[0] : i32 from vector<1xi32>
          %eq3A_692 = arith.constant 0 : i32
          %eq3A_693 = arith.cmpi eq, %squeeze3A_691, %eq3A_692 : i32
          %convert_element_type3A_694 = arith.extui %eq3A_693 : i1 to i32
          %cond3A_695 = arith.constant 0 : i32
          %cond3A_696 = arith.cmpi ne, %convert_element_type3A_694, %cond3A_695 : i32
          scf.if %cond3A_696 {
            %mul3A_704 = arith.constant 16 : i32
            %mul3A_705 = arith.muli %scan3A_571, %mul3A_704 : i32
            %add3A_706 = arith.addi %mul3A_2, %mul3A_705 : i32
            %add3A_707 = arith.constant 14 : i32
            %add3A_708 = arith.addi %add3A_706, %add3A_707 : i32
            %run_scoped3A = arith.constant 0 : i32
            "tpu.region"() ({
              %run_scoped3A_709 = tpu.sem_alloc : memref<!tpu.dma_semaphore, #tpu.memory_space<semaphore_mem>>
              %dma_start3A_710 = arith.constant 0 : i32
              %dma_start3A_711 = tpu.memref_slice %arg4[%run_scoped3A, %add3A_708, %dma_start3A_710] : memref<4x8192x1024xf32, #tpu.memory_space<hbm>> -> memref<1x1x1024xf32, #tpu.memory_space<hbm>>
              %dma_start3A_712 = tpu.memref_squeeze %dma_start3A_711 : memref<1x1x1024xf32, #tpu.memory_space<hbm>> -> memref<1x1024xf32, #tpu.memory_space<hbm>>
              %dma_start3A_713 = arith.constant 0 : i32
              %dma_start3A_714 = tpu.memref_slice %arg4[%run_scoped3A, %add3A_708, %dma_start3A_713] : memref<4x8192x1024xf32, #tpu.memory_space<hbm>> -> memref<1x1x1024xf32, #tpu.memory_space<hbm>>
              %dma_start3A_715 = tpu.memref_squeeze %dma_start3A_714 : memref<1x1x1024xf32, #tpu.memory_space<hbm>> -> memref<1x1024xf32, #tpu.memory_space<hbm>>
              tpu.enqueue_dma source(%arg6 : memref<1x1024xf32, #tpu.memory_space<vmem>>) target(%dma_start3A_715 : memref<1x1024xf32, #tpu.memory_space<hbm>>) target_semaphore(%run_scoped3A_709 : memref<!tpu.dma_semaphore, #tpu.memory_space<semaphore_mem>>)
              %dma_wait3A_716 = arith.constant 0 : i32
              %dma_wait3A_717 = tpu.memref_slice %arg4[%run_scoped3A, %add3A_708, %dma_wait3A_716] : memref<4x8192x1024xf32, #tpu.memory_space<hbm>> -> memref<1x1x1024xf32, #tpu.memory_space<hbm>>
              %dma_wait3A_718 = tpu.memref_squeeze %dma_wait3A_717 : memref<1x1x1024xf32, #tpu.memory_space<hbm>> -> memref<1x1024xf32, #tpu.memory_space<hbm>>
              %dma_wait3A_719 = arith.constant 0 : i32
              %dma_wait3A_720 = tpu.memref_slice %arg4[%run_scoped3A, %add3A_708, %dma_wait3A_719] : memref<4x8192x1024xf32, #tpu.memory_space<hbm>> -> memref<1x1x1024xf32, #tpu.memory_space<hbm>>
              %dma_wait3A_721 = tpu.memref_squeeze %dma_wait3A_720 : memref<1x1x1024xf32, #tpu.memory_space<hbm>> -> memref<1x1024xf32, #tpu.memory_space<hbm>>
              tpu.wait_dma2 semaphore(%run_scoped3A_709 : memref<!tpu.dma_semaphore, #tpu.memory_space<semaphore_mem>>) src(%arg6 : memref<1x1024xf32, #tpu.memory_space<vmem>>) dst(%dma_wait3A_721 : memref<1x1024xf32, #tpu.memory_space<hbm>>)
              tpu.yield
            }) : () -> ()
          } else {
          }
          %slice3A_697 = vector.extract_strided_slice %get3A_576 {offsets = [15], sizes = [1], strides = [1]} : vector<16xi32> to vector<1xi32>
          %squeeze3A_698 = vector.extract %slice3A_697[0] : i32 from vector<1xi32>
          %eq3A_699 = arith.constant 0 : i32
          %eq3A_700 = arith.cmpi eq, %squeeze3A_698, %eq3A_699 : i32
          %convert_element_type3A_701 = arith.extui %eq3A_700 : i1 to i32
          %cond3A_702 = arith.constant 0 : i32
          %cond3A_703 = arith.cmpi ne, %convert_element_type3A_701, %cond3A_702 : i32
          scf.if %cond3A_703 {
            %mul3A_704 = arith.constant 16 : i32
            %mul3A_705 = arith.muli %scan3A_571, %mul3A_704 : i32
            %add3A_706 = arith.addi %mul3A_2, %mul3A_705 : i32
            %add3A_707 = arith.constant 15 : i32
            %add3A_708 = arith.addi %add3A_706, %add3A_707 : i32
            %run_scoped3A = arith.constant 0 : i32
            "tpu.region"() ({
              %run_scoped3A_709 = tpu.sem_alloc : memref<!tpu.dma_semaphore, #tpu.memory_space<semaphore_mem>>
              %dma_start3A_710 = arith.constant 0 : i32
              %dma_start3A_711 = tpu.memref_slice %arg4[%run_scoped3A, %add3A_708, %dma_start3A_710] : memref<4x8192x1024xf32, #tpu.memory_space<hbm>> -> memref<1x1x1024xf32, #tpu.memory_space<hbm>>
              %dma_start3A_712 = tpu.memref_squeeze %dma_start3A_711 : memref<1x1x1024xf32, #tpu.memory_space<hbm>> -> memref<1x1024xf32, #tpu.memory_space<hbm>>
              %dma_start3A_713 = arith.constant 0 : i32
              %dma_start3A_714 = tpu.memref_slice %arg4[%run_scoped3A, %add3A_708, %dma_start3A_713] : memref<4x8192x1024xf32, #tpu.memory_space<hbm>> -> memref<1x1x1024xf32, #tpu.memory_space<hbm>>
              %dma_start3A_715 = tpu.memref_squeeze %dma_start3A_714 : memref<1x1x1024xf32, #tpu.memory_space<hbm>> -> memref<1x1024xf32, #tpu.memory_space<hbm>>
              tpu.enqueue_dma source(%arg6 : memref<1x1024xf32, #tpu.memory_space<vmem>>) target(%dma_start3A_715 : memref<1x1024xf32, #tpu.memory_space<hbm>>) target_semaphore(%run_scoped3A_709 : memref<!tpu.dma_semaphore, #tpu.memory_space<semaphore_mem>>)
              %dma_wait3A_716 = arith.constant 0 : i32
              %dma_wait3A_717 = tpu.memref_slice %arg4[%run_scoped3A, %add3A_708, %dma_wait3A_716] : memref<4x8192x1024xf32, #tpu.memory_space<hbm>> -> memref<1x1x1024xf32, #tpu.memory_space<hbm>>
              %dma_wait3A_718 = tpu.memref_squeeze %dma_wait3A_717 : memref<1x1x1024xf32, #tpu.memory_space<hbm>> -> memref<1x1024xf32, #tpu.memory_space<hbm>>
              %dma_wait3A_719 = arith.constant 0 : i32
              %dma_wait3A_720 = tpu.memref_slice %arg4[%run_scoped3A, %add3A_708, %dma_wait3A_719] : memref<4x8192x1024xf32, #tpu.memory_space<hbm>> -> memref<1x1x1024xf32, #tpu.memory_space<hbm>>
              %dma_wait3A_721 = tpu.memref_squeeze %dma_wait3A_720 : memref<1x1x1024xf32, #tpu.memory_space<hbm>> -> memref<1x1024xf32, #tpu.memory_space<hbm>>
              tpu.wait_dma2 semaphore(%run_scoped3A_709 : memref<!tpu.dma_semaphore, #tpu.memory_space<semaphore_mem>>) src(%arg6 : memref<1x1024xf32, #tpu.memory_space<vmem>>) dst(%dma_wait3A_721 : memref<1x1024xf32, #tpu.memory_space<hbm>>)
              tpu.yield
            }) : () -> ()
          } else {
          }
        } else {
        }
      }
      %scan3A_552 = arith.constant 16 : i32
      %scan3A_553 = arith.constant 0 : i32
      %scan3A_554 = arith.constant 0 : i32
      %scan3A_555 = arith.constant 16 : i32
      %scan3A_556 = arith.addi %scan3A_554, %scan3A_555 : i32
      %scan3A_557 = arith.constant 1 : i32
      scf.for %scan3A_571 = %scan3A_554 to %scan3A_556 step %scan3A_557  : i32 {
        %mul3A_572 = arith.constant 16 : i32
        %mul3A_573 = arith.muli %scan3A_571, %mul3A_572 : i32
        %get3A = arith.constant 1 : i32
        %get3A_574 = arith.index_cast %get3A : i32 to index
        %get3A_575 = arith.index_cast %mul3A_573 : i32 to index
        %get3A_576 = tpu.vector_load %arg7[%get3A_574, %get3A_575] {strides = array<i32>} : memref<4x256xi32, #tpu.memory_space<vmem>>, vector<16xi32>,
        %eq3A_577 = arith.constant 0 : i32
        %eq3A_578 = vector.broadcast %eq3A_577 : i32 to vector<16xi32>
        %eq3A_579 = arith.cmpi eq, %get3A_576, %eq3A_578 : vector<16xi32>
        %reduce_or3A_580 = arith.constant 1.000000e+00 : f32
        %reduce_or3A_581 = arith.constant 0.000000e+00 : f32
        %reduce_or3A_582 = vector.broadcast %reduce_or3A_580 : f32 to vector<16xf32>
        %reduce_or3A_583 = vector.broadcast %reduce_or3A_581 : f32 to vector<16xf32>
        %reduce_or3A_584 = arith.select %eq3A_579, %reduce_or3A_582, %reduce_or3A_583 : vector<16xi1>, vector<16xf32>
        %reduce_or3A_585 = arith.constant true
        %reduce_or3A_586 = vector.broadcast %reduce_or3A_585 : i1 to vector<16xi1>
        %reduce_or3A_587 = tpu.scan <max>, %reduce_or3A_584 masked %reduce_or3A_586 : vector<16xf32>, vector<16xi1> -> vector<16xf32>
        %reduce_or3A_588 = vector.extract %reduce_or3A_587[15] : f32 from vector<16xf32>
        %reduce_or3A_589 = arith.constant 0.000000e+00 : f32
        %reduce_or3A_590 = arith.cmpf ogt, %reduce_or3A_588, %reduce_or3A_589 : f32
        %convert_element_type3A_591 = arith.extui %reduce_or3A_590 : i1 to i32
        %cond3A_592 = arith.constant 0 : i32
        %cond3A_593 = arith.cmpi ne, %convert_element_type3A_591, %cond3A_592 : i32
        scf.if %cond3A_593 {
          %slice3A = vector.extract_strided_slice %get3A_576 {offsets = [0], sizes = [1], strides = [1]} : vector<16xi32> to vector<1xi32>
          %squeeze3A = vector.extract %slice3A[0] : i32 from vector<1xi32>
          %eq3A_594 = arith.constant 0 : i32
          %eq3A_595 = arith.cmpi eq, %squeeze3A, %eq3A_594 : i32
          %convert_element_type3A_596 = arith.extui %eq3A_595 : i1 to i32
          %cond3A_597 = arith.constant 0 : i32
          %cond3A_598 = arith.cmpi ne, %convert_element_type3A_596, %cond3A_597 : i32
          scf.if %cond3A_598 {
            %mul3A_704 = arith.constant 16 : i32
            %mul3A_705 = arith.muli %scan3A_571, %mul3A_704 : i32
            %add3A_706 = arith.addi %mul3A_2, %mul3A_705 : i32
            %add3A_707 = arith.constant 0 : i32
            %add3A_708 = arith.addi %add3A_706, %add3A_707 : i32
            %run_scoped3A = arith.constant 1 : i32
            "tpu.region"() ({
              %run_scoped3A_709 = tpu.sem_alloc : memref<!tpu.dma_semaphore, #tpu.memory_space<semaphore_mem>>
              %dma_start3A_710 = arith.constant 0 : i32
              %dma_start3A_711 = tpu.memref_slice %arg4[%run_scoped3A, %add3A_708, %dma_start3A_710] : memref<4x8192x1024xf32, #tpu.memory_space<hbm>> -> memref<1x1x1024xf32, #tpu.memory_space<hbm>>
              %dma_start3A_712 = tpu.memref_squeeze %dma_start3A_711 : memref<1x1x1024xf32, #tpu.memory_space<hbm>> -> memref<1x1024xf32, #tpu.memory_space<hbm>>
              %dma_start3A_713 = arith.constant 0 : i32
              %dma_start3A_714 = tpu.memref_slice %arg4[%run_scoped3A, %add3A_708, %dma_start3A_713] : memref<4x8192x1024xf32, #tpu.memory_space<hbm>> -> memref<1x1x1024xf32, #tpu.memory_space<hbm>>
              %dma_start3A_715 = tpu.memref_squeeze %dma_start3A_714 : memref<1x1x1024xf32, #tpu.memory_space<hbm>> -> memref<1x1024xf32, #tpu.memory_space<hbm>>
              tpu.enqueue_dma source(%arg6 : memref<1x1024xf32, #tpu.memory_space<vmem>>) target(%dma_start3A_715 : memref<1x1024xf32, #tpu.memory_space<hbm>>) target_semaphore(%run_scoped3A_709 : memref<!tpu.dma_semaphore, #tpu.memory_space<semaphore_mem>>)
              %dma_wait3A_716 = arith.constant 0 : i32
              %dma_wait3A_717 = tpu.memref_slice %arg4[%run_scoped3A, %add3A_708, %dma_wait3A_716] : memref<4x8192x1024xf32, #tpu.memory_space<hbm>> -> memref<1x1x1024xf32, #tpu.memory_space<hbm>>
              %dma_wait3A_718 = tpu.memref_squeeze %dma_wait3A_717 : memref<1x1x1024xf32, #tpu.memory_space<hbm>> -> memref<1x1024xf32, #tpu.memory_space<hbm>>
              %dma_wait3A_719 = arith.constant 0 : i32
              %dma_wait3A_720 = tpu.memref_slice %arg4[%run_scoped3A, %add3A_708, %dma_wait3A_719] : memref<4x8192x1024xf32, #tpu.memory_space<hbm>> -> memref<1x1x1024xf32, #tpu.memory_space<hbm>>
              %dma_wait3A_721 = tpu.memref_squeeze %dma_wait3A_720 : memref<1x1x1024xf32, #tpu.memory_space<hbm>> -> memref<1x1024xf32, #tpu.memory_space<hbm>>
              tpu.wait_dma2 semaphore(%run_scoped3A_709 : memref<!tpu.dma_semaphore, #tpu.memory_space<semaphore_mem>>) src(%arg6 : memref<1x1024xf32, #tpu.memory_space<vmem>>) dst(%dma_wait3A_721 : memref<1x1024xf32, #tpu.memory_space<hbm>>)
              tpu.yield
            }) : () -> ()
          } else {
          }
          %slice3A_599 = vector.extract_strided_slice %get3A_576 {offsets = [1], sizes = [1], strides = [1]} : vector<16xi32> to vector<1xi32>
          %squeeze3A_600 = vector.extract %slice3A_599[0] : i32 from vector<1xi32>
          %eq3A_601 = arith.constant 0 : i32
          %eq3A_602 = arith.cmpi eq, %squeeze3A_600, %eq3A_601 : i32
          %convert_element_type3A_603 = arith.extui %eq3A_602 : i1 to i32
          %cond3A_604 = arith.constant 0 : i32
          %cond3A_605 = arith.cmpi ne, %convert_element_type3A_603, %cond3A_604 : i32
          scf.if %cond3A_605 {
            %mul3A_704 = arith.constant 16 : i32
            %mul3A_705 = arith.muli %scan3A_571, %mul3A_704 : i32
            %add3A_706 = arith.addi %mul3A_2, %mul3A_705 : i32
            %add3A_707 = arith.constant 1 : i32
            %add3A_708 = arith.addi %add3A_706, %add3A_707 : i32
            %run_scoped3A = arith.constant 1 : i32
            "tpu.region"() ({
              %run_scoped3A_709 = tpu.sem_alloc : memref<!tpu.dma_semaphore, #tpu.memory_space<semaphore_mem>>
              %dma_start3A_710 = arith.constant 0 : i32
              %dma_start3A_711 = tpu.memref_slice %arg4[%run_scoped3A, %add3A_708, %dma_start3A_710] : memref<4x8192x1024xf32, #tpu.memory_space<hbm>> -> memref<1x1x1024xf32, #tpu.memory_space<hbm>>
              %dma_start3A_712 = tpu.memref_squeeze %dma_start3A_711 : memref<1x1x1024xf32, #tpu.memory_space<hbm>> -> memref<1x1024xf32, #tpu.memory_space<hbm>>
              %dma_start3A_713 = arith.constant 0 : i32
              %dma_start3A_714 = tpu.memref_slice %arg4[%run_scoped3A, %add3A_708, %dma_start3A_713] : memref<4x8192x1024xf32, #tpu.memory_space<hbm>> -> memref<1x1x1024xf32, #tpu.memory_space<hbm>>
              %dma_start3A_715 = tpu.memref_squeeze %dma_start3A_714 : memref<1x1x1024xf32, #tpu.memory_space<hbm>> -> memref<1x1024xf32, #tpu.memory_space<hbm>>
              tpu.enqueue_dma source(%arg6 : memref<1x1024xf32, #tpu.memory_space<vmem>>) target(%dma_start3A_715 : memref<1x1024xf32, #tpu.memory_space<hbm>>) target_semaphore(%run_scoped3A_709 : memref<!tpu.dma_semaphore, #tpu.memory_space<semaphore_mem>>)
              %dma_wait3A_716 = arith.constant 0 : i32
              %dma_wait3A_717 = tpu.memref_slice %arg4[%run_scoped3A, %add3A_708, %dma_wait3A_716] : memref<4x8192x1024xf32, #tpu.memory_space<hbm>> -> memref<1x1x1024xf32, #tpu.memory_space<hbm>>
              %dma_wait3A_718 = tpu.memref_squeeze %dma_wait3A_717 : memref<1x1x1024xf32, #tpu.memory_space<hbm>> -> memref<1x1024xf32, #tpu.memory_space<hbm>>
              %dma_wait3A_719 = arith.constant 0 : i32
              %dma_wait3A_720 = tpu.memref_slice %arg4[%run_scoped3A, %add3A_708, %dma_wait3A_719] : memref<4x8192x1024xf32, #tpu.memory_space<hbm>> -> memref<1x1x1024xf32, #tpu.memory_space<hbm>>
              %dma_wait3A_721 = tpu.memref_squeeze %dma_wait3A_720 : memref<1x1x1024xf32, #tpu.memory_space<hbm>> -> memref<1x1024xf32, #tpu.memory_space<hbm>>
              tpu.wait_dma2 semaphore(%run_scoped3A_709 : memref<!tpu.dma_semaphore, #tpu.memory_space<semaphore_mem>>) src(%arg6 : memref<1x1024xf32, #tpu.memory_space<vmem>>) dst(%dma_wait3A_721 : memref<1x1024xf32, #tpu.memory_space<hbm>>)
              tpu.yield
            }) : () -> ()
          } else {
          }
          %slice3A_606 = vector.extract_strided_slice %get3A_576 {offsets = [2], sizes = [1], strides = [1]} : vector<16xi32> to vector<1xi32>
          %squeeze3A_607 = vector.extract %slice3A_606[0] : i32 from vector<1xi32>
          %eq3A_608 = arith.constant 0 : i32
          %eq3A_609 = arith.cmpi eq, %squeeze3A_607, %eq3A_608 : i32
          %convert_element_type3A_610 = arith.extui %eq3A_609 : i1 to i32
          %cond3A_611 = arith.constant 0 : i32
          %cond3A_612 = arith.cmpi ne, %convert_element_type3A_610, %cond3A_611 : i32
          scf.if %cond3A_612 {
            %mul3A_704 = arith.constant 16 : i32
            %mul3A_705 = arith.muli %scan3A_571, %mul3A_704 : i32
            %add3A_706 = arith.addi %mul3A_2, %mul3A_705 : i32
            %add3A_707 = arith.constant 2 : i32
            %add3A_708 = arith.addi %add3A_706, %add3A_707 : i32
            %run_scoped3A = arith.constant 1 : i32
            "tpu.region"() ({
              %run_scoped3A_709 = tpu.sem_alloc : memref<!tpu.dma_semaphore, #tpu.memory_space<semaphore_mem>>
              %dma_start3A_710 = arith.constant 0 : i32
              %dma_start3A_711 = tpu.memref_slice %arg4[%run_scoped3A, %add3A_708, %dma_start3A_710] : memref<4x8192x1024xf32, #tpu.memory_space<hbm>> -> memref<1x1x1024xf32, #tpu.memory_space<hbm>>
              %dma_start3A_712 = tpu.memref_squeeze %dma_start3A_711 : memref<1x1x1024xf32, #tpu.memory_space<hbm>> -> memref<1x1024xf32, #tpu.memory_space<hbm>>
              %dma_start3A_713 = arith.constant 0 : i32
              %dma_start3A_714 = tpu.memref_slice %arg4[%run_scoped3A, %add3A_708, %dma_start3A_713] : memref<4x8192x1024xf32, #tpu.memory_space<hbm>> -> memref<1x1x1024xf32, #tpu.memory_space<hbm>>
              %dma_start3A_715 = tpu.memref_squeeze %dma_start3A_714 : memref<1x1x1024xf32, #tpu.memory_space<hbm>> -> memref<1x1024xf32, #tpu.memory_space<hbm>>
              tpu.enqueue_dma source(%arg6 : memref<1x1024xf32, #tpu.memory_space<vmem>>) target(%dma_start3A_715 : memref<1x1024xf32, #tpu.memory_space<hbm>>) target_semaphore(%run_scoped3A_709 : memref<!tpu.dma_semaphore, #tpu.memory_space<semaphore_mem>>)
              %dma_wait3A_716 = arith.constant 0 : i32
              %dma_wait3A_717 = tpu.memref_slice %arg4[%run_scoped3A, %add3A_708, %dma_wait3A_716] : memref<4x8192x1024xf32, #tpu.memory_space<hbm>> -> memref<1x1x1024xf32, #tpu.memory_space<hbm>>
              %dma_wait3A_718 = tpu.memref_squeeze %dma_wait3A_717 : memref<1x1x1024xf32, #tpu.memory_space<hbm>> -> memref<1x1024xf32, #tpu.memory_space<hbm>>
              %dma_wait3A_719 = arith.constant 0 : i32
              %dma_wait3A_720 = tpu.memref_slice %arg4[%run_scoped3A, %add3A_708, %dma_wait3A_719] : memref<4x8192x1024xf32, #tpu.memory_space<hbm>> -> memref<1x1x1024xf32, #tpu.memory_space<hbm>>
              %dma_wait3A_721 = tpu.memref_squeeze %dma_wait3A_720 : memref<1x1x1024xf32, #tpu.memory_space<hbm>> -> memref<1x1024xf32, #tpu.memory_space<hbm>>
              tpu.wait_dma2 semaphore(%run_scoped3A_709 : memref<!tpu.dma_semaphore, #tpu.memory_space<semaphore_mem>>) src(%arg6 : memref<1x1024xf32, #tpu.memory_space<vmem>>) dst(%dma_wait3A_721 : memref<1x1024xf32, #tpu.memory_space<hbm>>)
              tpu.yield
            }) : () -> ()
          } else {
          }
          %slice3A_613 = vector.extract_strided_slice %get3A_576 {offsets = [3], sizes = [1], strides = [1]} : vector<16xi32> to vector<1xi32>
          %squeeze3A_614 = vector.extract %slice3A_613[0] : i32 from vector<1xi32>
          %eq3A_615 = arith.constant 0 : i32
          %eq3A_616 = arith.cmpi eq, %squeeze3A_614, %eq3A_615 : i32
          %convert_element_type3A_617 = arith.extui %eq3A_616 : i1 to i32
          %cond3A_618 = arith.constant 0 : i32
          %cond3A_619 = arith.cmpi ne, %convert_element_type3A_617, %cond3A_618 : i32
          scf.if %cond3A_619 {
            %mul3A_704 = arith.constant 16 : i32
            %mul3A_705 = arith.muli %scan3A_571, %mul3A_704 : i32
            %add3A_706 = arith.addi %mul3A_2, %mul3A_705 : i32
            %add3A_707 = arith.constant 3 : i32
            %add3A_708 = arith.addi %add3A_706, %add3A_707 : i32
            %run_scoped3A = arith.constant 1 : i32
            "tpu.region"() ({
              %run_scoped3A_709 = tpu.sem_alloc : memref<!tpu.dma_semaphore, #tpu.memory_space<semaphore_mem>>
              %dma_start3A_710 = arith.constant 0 : i32
              %dma_start3A_711 = tpu.memref_slice %arg4[%run_scoped3A, %add3A_708, %dma_start3A_710] : memref<4x8192x1024xf32, #tpu.memory_space<hbm>> -> memref<1x1x1024xf32, #tpu.memory_space<hbm>>
              %dma_start3A_712 = tpu.memref_squeeze %dma_start3A_711 : memref<1x1x1024xf32, #tpu.memory_space<hbm>> -> memref<1x1024xf32, #tpu.memory_space<hbm>>
              %dma_start3A_713 = arith.constant 0 : i32
              %dma_start3A_714 = tpu.memref_slice %arg4[%run_scoped3A, %add3A_708, %dma_start3A_713] : memref<4x8192x1024xf32, #tpu.memory_space<hbm>> -> memref<1x1x1024xf32, #tpu.memory_space<hbm>>
              %dma_start3A_715 = tpu.memref_squeeze %dma_start3A_714 : memref<1x1x1024xf32, #tpu.memory_space<hbm>> -> memref<1x1024xf32, #tpu.memory_space<hbm>>
              tpu.enqueue_dma source(%arg6 : memref<1x1024xf32, #tpu.memory_space<vmem>>) target(%dma_start3A_715 : memref<1x1024xf32, #tpu.memory_space<hbm>>) target_semaphore(%run_scoped3A_709 : memref<!tpu.dma_semaphore, #tpu.memory_space<semaphore_mem>>)
              %dma_wait3A_716 = arith.constant 0 : i32
              %dma_wait3A_717 = tpu.memref_slice %arg4[%run_scoped3A, %add3A_708, %dma_wait3A_716] : memref<4x8192x1024xf32, #tpu.memory_space<hbm>> -> memref<1x1x1024xf32, #tpu.memory_space<hbm>>
              %dma_wait3A_718 = tpu.memref_squeeze %dma_wait3A_717 : memref<1x1x1024xf32, #tpu.memory_space<hbm>> -> memref<1x1024xf32, #tpu.memory_space<hbm>>
              %dma_wait3A_719 = arith.constant 0 : i32
              %dma_wait3A_720 = tpu.memref_slice %arg4[%run_scoped3A, %add3A_708, %dma_wait3A_719] : memref<4x8192x1024xf32, #tpu.memory_space<hbm>> -> memref<1x1x1024xf32, #tpu.memory_space<hbm>>
              %dma_wait3A_721 = tpu.memref_squeeze %dma_wait3A_720 : memref<1x1x1024xf32, #tpu.memory_space<hbm>> -> memref<1x1024xf32, #tpu.memory_space<hbm>>
              tpu.wait_dma2 semaphore(%run_scoped3A_709 : memref<!tpu.dma_semaphore, #tpu.memory_space<semaphore_mem>>) src(%arg6 : memref<1x1024xf32, #tpu.memory_space<vmem>>) dst(%dma_wait3A_721 : memref<1x1024xf32, #tpu.memory_space<hbm>>)
              tpu.yield
            }) : () -> ()
          } else {
          }
          %slice3A_620 = vector.extract_strided_slice %get3A_576 {offsets = [4], sizes = [1], strides = [1]} : vector<16xi32> to vector<1xi32>
          %squeeze3A_621 = vector.extract %slice3A_620[0] : i32 from vector<1xi32>
          %eq3A_622 = arith.constant 0 : i32
          %eq3A_623 = arith.cmpi eq, %squeeze3A_621, %eq3A_622 : i32
          %convert_element_type3A_624 = arith.extui %eq3A_623 : i1 to i32
          %cond3A_625 = arith.constant 0 : i32
          %cond3A_626 = arith.cmpi ne, %convert_element_type3A_624, %cond3A_625 : i32
          scf.if %cond3A_626 {
            %mul3A_704 = arith.constant 16 : i32
            %mul3A_705 = arith.muli %scan3A_571, %mul3A_704 : i32
            %add3A_706 = arith.addi %mul3A_2, %mul3A_705 : i32
            %add3A_707 = arith.constant 4 : i32
            %add3A_708 = arith.addi %add3A_706, %add3A_707 : i32
            %run_scoped3A = arith.constant 1 : i32
            "tpu.region"() ({
              %run_scoped3A_709 = tpu.sem_alloc : memref<!tpu.dma_semaphore, #tpu.memory_space<semaphore_mem>>
              %dma_start3A_710 = arith.constant 0 : i32
              %dma_start3A_711 = tpu.memref_slice %arg4[%run_scoped3A, %add3A_708, %dma_start3A_710] : memref<4x8192x1024xf32, #tpu.memory_space<hbm>> -> memref<1x1x1024xf32, #tpu.memory_space<hbm>>
              %dma_start3A_712 = tpu.memref_squeeze %dma_start3A_711 : memref<1x1x1024xf32, #tpu.memory_space<hbm>> -> memref<1x1024xf32, #tpu.memory_space<hbm>>
              %dma_start3A_713 = arith.constant 0 : i32
              %dma_start3A_714 = tpu.memref_slice %arg4[%run_scoped3A, %add3A_708, %dma_start3A_713] : memref<4x8192x1024xf32, #tpu.memory_space<hbm>> -> memref<1x1x1024xf32, #tpu.memory_space<hbm>>
              %dma_start3A_715 = tpu.memref_squeeze %dma_start3A_714 : memref<1x1x1024xf32, #tpu.memory_space<hbm>> -> memref<1x1024xf32, #tpu.memory_space<hbm>>
              tpu.enqueue_dma source(%arg6 : memref<1x1024xf32, #tpu.memory_space<vmem>>) target(%dma_start3A_715 : memref<1x1024xf32, #tpu.memory_space<hbm>>) target_semaphore(%run_scoped3A_709 : memref<!tpu.dma_semaphore, #tpu.memory_space<semaphore_mem>>)
              %dma_wait3A_716 = arith.constant 0 : i32
              %dma_wait3A_717 = tpu.memref_slice %arg4[%run_scoped3A, %add3A_708, %dma_wait3A_716] : memref<4x8192x1024xf32, #tpu.memory_space<hbm>> -> memref<1x1x1024xf32, #tpu.memory_space<hbm>>
              %dma_wait3A_718 = tpu.memref_squeeze %dma_wait3A_717 : memref<1x1x1024xf32, #tpu.memory_space<hbm>> -> memref<1x1024xf32, #tpu.memory_space<hbm>>
              %dma_wait3A_719 = arith.constant 0 : i32
              %dma_wait3A_720 = tpu.memref_slice %arg4[%run_scoped3A, %add3A_708, %dma_wait3A_719] : memref<4x8192x1024xf32, #tpu.memory_space<hbm>> -> memref<1x1x1024xf32, #tpu.memory_space<hbm>>
              %dma_wait3A_721 = tpu.memref_squeeze %dma_wait3A_720 : memref<1x1x1024xf32, #tpu.memory_space<hbm>> -> memref<1x1024xf32, #tpu.memory_space<hbm>>
              tpu.wait_dma2 semaphore(%run_scoped3A_709 : memref<!tpu.dma_semaphore, #tpu.memory_space<semaphore_mem>>) src(%arg6 : memref<1x1024xf32, #tpu.memory_space<vmem>>) dst(%dma_wait3A_721 : memref<1x1024xf32, #tpu.memory_space<hbm>>)
              tpu.yield
            }) : () -> ()
          } else {
          }
          %slice3A_627 = vector.extract_strided_slice %get3A_576 {offsets = [5], sizes = [1], strides = [1]} : vector<16xi32> to vector<1xi32>
          %squeeze3A_628 = vector.extract %slice3A_627[0] : i32 from vector<1xi32>
          %eq3A_629 = arith.constant 0 : i32
          %eq3A_630 = arith.cmpi eq, %squeeze3A_628, %eq3A_629 : i32
          %convert_element_type3A_631 = arith.extui %eq3A_630 : i1 to i32
          %cond3A_632 = arith.constant 0 : i32
          %cond3A_633 = arith.cmpi ne, %convert_element_type3A_631, %cond3A_632 : i32
          scf.if %cond3A_633 {
            %mul3A_704 = arith.constant 16 : i32
            %mul3A_705 = arith.muli %scan3A_571, %mul3A_704 : i32
            %add3A_706 = arith.addi %mul3A_2, %mul3A_705 : i32
            %add3A_707 = arith.constant 5 : i32
            %add3A_708 = arith.addi %add3A_706, %add3A_707 : i32
            %run_scoped3A = arith.constant 1 : i32
            "tpu.region"() ({
              %run_scoped3A_709 = tpu.sem_alloc : memref<!tpu.dma_semaphore, #tpu.memory_space<semaphore_mem>>
              %dma_start3A_710 = arith.constant 0 : i32
              %dma_start3A_711 = tpu.memref_slice %arg4[%run_scoped3A, %add3A_708, %dma_start3A_710] : memref<4x8192x1024xf32, #tpu.memory_space<hbm>> -> memref<1x1x1024xf32, #tpu.memory_space<hbm>>
              %dma_start3A_712 = tpu.memref_squeeze %dma_start3A_711 : memref<1x1x1024xf32, #tpu.memory_space<hbm>> -> memref<1x1024xf32, #tpu.memory_space<hbm>>
              %dma_start3A_713 = arith.constant 0 : i32
              %dma_start3A_714 = tpu.memref_slice %arg4[%run_scoped3A, %add3A_708, %dma_start3A_713] : memref<4x8192x1024xf32, #tpu.memory_space<hbm>> -> memref<1x1x1024xf32, #tpu.memory_space<hbm>>
              %dma_start3A_715 = tpu.memref_squeeze %dma_start3A_714 : memref<1x1x1024xf32, #tpu.memory_space<hbm>> -> memref<1x1024xf32, #tpu.memory_space<hbm>>
              tpu.enqueue_dma source(%arg6 : memref<1x1024xf32, #tpu.memory_space<vmem>>) target(%dma_start3A_715 : memref<1x1024xf32, #tpu.memory_space<hbm>>) target_semaphore(%run_scoped3A_709 : memref<!tpu.dma_semaphore, #tpu.memory_space<semaphore_mem>>)
              %dma_wait3A_716 = arith.constant 0 : i32
              %dma_wait3A_717 = tpu.memref_slice %arg4[%run_scoped3A, %add3A_708, %dma_wait3A_716] : memref<4x8192x1024xf32, #tpu.memory_space<hbm>> -> memref<1x1x1024xf32, #tpu.memory_space<hbm>>
              %dma_wait3A_718 = tpu.memref_squeeze %dma_wait3A_717 : memref<1x1x1024xf32, #tpu.memory_space<hbm>> -> memref<1x1024xf32, #tpu.memory_space<hbm>>
              %dma_wait3A_719 = arith.constant 0 : i32
              %dma_wait3A_720 = tpu.memref_slice %arg4[%run_scoped3A, %add3A_708, %dma_wait3A_719] : memref<4x8192x1024xf32, #tpu.memory_space<hbm>> -> memref<1x1x1024xf32, #tpu.memory_space<hbm>>
              %dma_wait3A_721 = tpu.memref_squeeze %dma_wait3A_720 : memref<1x1x1024xf32, #tpu.memory_space<hbm>> -> memref<1x1024xf32, #tpu.memory_space<hbm>>
              tpu.wait_dma2 semaphore(%run_scoped3A_709 : memref<!tpu.dma_semaphore, #tpu.memory_space<semaphore_mem>>) src(%arg6 : memref<1x1024xf32, #tpu.memory_space<vmem>>) dst(%dma_wait3A_721 : memref<1x1024xf32, #tpu.memory_space<hbm>>)
              tpu.yield
            }) : () -> ()
          } else {
          }
          %slice3A_634 = vector.extract_strided_slice %get3A_576 {offsets = [6], sizes = [1], strides = [1]} : vector<16xi32> to vector<1xi32>
          %squeeze3A_635 = vector.extract %slice3A_634[0] : i32 from vector<1xi32>
          %eq3A_636 = arith.constant 0 : i32
          %eq3A_637 = arith.cmpi eq, %squeeze3A_635, %eq3A_636 : i32
          %convert_element_type3A_638 = arith.extui %eq3A_637 : i1 to i32
          %cond3A_639 = arith.constant 0 : i32
          %cond3A_640 = arith.cmpi ne, %convert_element_type3A_638, %cond3A_639 : i32
          scf.if %cond3A_640 {
            %mul3A_704 = arith.constant 16 : i32
            %mul3A_705 = arith.muli %scan3A_571, %mul3A_704 : i32
            %add3A_706 = arith.addi %mul3A_2, %mul3A_705 : i32
            %add3A_707 = arith.constant 6 : i32
            %add3A_708 = arith.addi %add3A_706, %add3A_707 : i32
            %run_scoped3A = arith.constant 1 : i32
            "tpu.region"() ({
              %run_scoped3A_709 = tpu.sem_alloc : memref<!tpu.dma_semaphore, #tpu.memory_space<semaphore_mem>>
              %dma_start3A_710 = arith.constant 0 : i32
              %dma_start3A_711 = tpu.memref_slice %arg4[%run_scoped3A, %add3A_708, %dma_start3A_710] : memref<4x8192x1024xf32, #tpu.memory_space<hbm>> -> memref<1x1x1024xf32, #tpu.memory_space<hbm>>
              %dma_start3A_712 = tpu.memref_squeeze %dma_start3A_711 : memref<1x1x1024xf32, #tpu.memory_space<hbm>> -> memref<1x1024xf32, #tpu.memory_space<hbm>>
              %dma_start3A_713 = arith.constant 0 : i32
              %dma_start3A_714 = tpu.memref_slice %arg4[%run_scoped3A, %add3A_708, %dma_start3A_713] : memref<4x8192x1024xf32, #tpu.memory_space<hbm>> -> memref<1x1x1024xf32, #tpu.memory_space<hbm>>
              %dma_start3A_715 = tpu.memref_squeeze %dma_start3A_714 : memref<1x1x1024xf32, #tpu.memory_space<hbm>> -> memref<1x1024xf32, #tpu.memory_space<hbm>>
              tpu.enqueue_dma source(%arg6 : memref<1x1024xf32, #tpu.memory_space<vmem>>) target(%dma_start3A_715 : memref<1x1024xf32, #tpu.memory_space<hbm>>) target_semaphore(%run_scoped3A_709 : memref<!tpu.dma_semaphore, #tpu.memory_space<semaphore_mem>>)
              %dma_wait3A_716 = arith.constant 0 : i32
              %dma_wait3A_717 = tpu.memref_slice %arg4[%run_scoped3A, %add3A_708, %dma_wait3A_716] : memref<4x8192x1024xf32, #tpu.memory_space<hbm>> -> memref<1x1x1024xf32, #tpu.memory_space<hbm>>
              %dma_wait3A_718 = tpu.memref_squeeze %dma_wait3A_717 : memref<1x1x1024xf32, #tpu.memory_space<hbm>> -> memref<1x1024xf32, #tpu.memory_space<hbm>>
              %dma_wait3A_719 = arith.constant 0 : i32
              %dma_wait3A_720 = tpu.memref_slice %arg4[%run_scoped3A, %add3A_708, %dma_wait3A_719] : memref<4x8192x1024xf32, #tpu.memory_space<hbm>> -> memref<1x1x1024xf32, #tpu.memory_space<hbm>>
              %dma_wait3A_721 = tpu.memref_squeeze %dma_wait3A_720 : memref<1x1x1024xf32, #tpu.memory_space<hbm>> -> memref<1x1024xf32, #tpu.memory_space<hbm>>
              tpu.wait_dma2 semaphore(%run_scoped3A_709 : memref<!tpu.dma_semaphore, #tpu.memory_space<semaphore_mem>>) src(%arg6 : memref<1x1024xf32, #tpu.memory_space<vmem>>) dst(%dma_wait3A_721 : memref<1x1024xf32, #tpu.memory_space<hbm>>)
              tpu.yield
            }) : () -> ()
          } else {
          }
          %slice3A_641 = vector.extract_strided_slice %get3A_576 {offsets = [7], sizes = [1], strides = [1]} : vector<16xi32> to vector<1xi32>
          %squeeze3A_642 = vector.extract %slice3A_641[0] : i32 from vector<1xi32>
          %eq3A_643 = arith.constant 0 : i32
          %eq3A_644 = arith.cmpi eq, %squeeze3A_642, %eq3A_643 : i32
          %convert_element_type3A_645 = arith.extui %eq3A_644 : i1 to i32
          %cond3A_646 = arith.constant 0 : i32
          %cond3A_647 = arith.cmpi ne, %convert_element_type3A_645, %cond3A_646 : i32
          scf.if %cond3A_647 {
            %mul3A_704 = arith.constant 16 : i32
            %mul3A_705 = arith.muli %scan3A_571, %mul3A_704 : i32
            %add3A_706 = arith.addi %mul3A_2, %mul3A_705 : i32
            %add3A_707 = arith.constant 7 : i32
            %add3A_708 = arith.addi %add3A_706, %add3A_707 : i32
            %run_scoped3A = arith.constant 1 : i32
            "tpu.region"() ({
              %run_scoped3A_709 = tpu.sem_alloc : memref<!tpu.dma_semaphore, #tpu.memory_space<semaphore_mem>>
              %dma_start3A_710 = arith.constant 0 : i32
              %dma_start3A_711 = tpu.memref_slice %arg4[%run_scoped3A, %add3A_708, %dma_start3A_710] : memref<4x8192x1024xf32, #tpu.memory_space<hbm>> -> memref<1x1x1024xf32, #tpu.memory_space<hbm>>
              %dma_start3A_712 = tpu.memref_squeeze %dma_start3A_711 : memref<1x1x1024xf32, #tpu.memory_space<hbm>> -> memref<1x1024xf32, #tpu.memory_space<hbm>>
              %dma_start3A_713 = arith.constant 0 : i32
              %dma_start3A_714 = tpu.memref_slice %arg4[%run_scoped3A, %add3A_708, %dma_start3A_713] : memref<4x8192x1024xf32, #tpu.memory_space<hbm>> -> memref<1x1x1024xf32, #tpu.memory_space<hbm>>
              %dma_start3A_715 = tpu.memref_squeeze %dma_start3A_714 : memref<1x1x1024xf32, #tpu.memory_space<hbm>> -> memref<1x1024xf32, #tpu.memory_space<hbm>>
              tpu.enqueue_dma source(%arg6 : memref<1x1024xf32, #tpu.memory_space<vmem>>) target(%dma_start3A_715 : memref<1x1024xf32, #tpu.memory_space<hbm>>) target_semaphore(%run_scoped3A_709 : memref<!tpu.dma_semaphore, #tpu.memory_space<semaphore_mem>>)
              %dma_wait3A_716 = arith.constant 0 : i32
              %dma_wait3A_717 = tpu.memref_slice %arg4[%run_scoped3A, %add3A_708, %dma_wait3A_716] : memref<4x8192x1024xf32, #tpu.memory_space<hbm>> -> memref<1x1x1024xf32, #tpu.memory_space<hbm>>
              %dma_wait3A_718 = tpu.memref_squeeze %dma_wait3A_717 : memref<1x1x1024xf32, #tpu.memory_space<hbm>> -> memref<1x1024xf32, #tpu.memory_space<hbm>>
              %dma_wait3A_719 = arith.constant 0 : i32
              %dma_wait3A_720 = tpu.memref_slice %arg4[%run_scoped3A, %add3A_708, %dma_wait3A_719] : memref<4x8192x1024xf32, #tpu.memory_space<hbm>> -> memref<1x1x1024xf32, #tpu.memory_space<hbm>>
              %dma_wait3A_721 = tpu.memref_squeeze %dma_wait3A_720 : memref<1x1x1024xf32, #tpu.memory_space<hbm>> -> memref<1x1024xf32, #tpu.memory_space<hbm>>
              tpu.wait_dma2 semaphore(%run_scoped3A_709 : memref<!tpu.dma_semaphore, #tpu.memory_space<semaphore_mem>>) src(%arg6 : memref<1x1024xf32, #tpu.memory_space<vmem>>) dst(%dma_wait3A_721 : memref<1x1024xf32, #tpu.memory_space<hbm>>)
              tpu.yield
            }) : () -> ()
          } else {
          }
          %slice3A_648 = vector.extract_strided_slice %get3A_576 {offsets = [8], sizes = [1], strides = [1]} : vector<16xi32> to vector<1xi32>
          %squeeze3A_649 = vector.extract %slice3A_648[0] : i32 from vector<1xi32>
          %eq3A_650 = arith.constant 0 : i32
          %eq3A_651 = arith.cmpi eq, %squeeze3A_649, %eq3A_650 : i32
          %convert_element_type3A_652 = arith.extui %eq3A_651 : i1 to i32
          %cond3A_653 = arith.constant 0 : i32
          %cond3A_654 = arith.cmpi ne, %convert_element_type3A_652, %cond3A_653 : i32
          scf.if %cond3A_654 {
            %mul3A_704 = arith.constant 16 : i32
            %mul3A_705 = arith.muli %scan3A_571, %mul3A_704 : i32
            %add3A_706 = arith.addi %mul3A_2, %mul3A_705 : i32
            %add3A_707 = arith.constant 8 : i32
            %add3A_708 = arith.addi %add3A_706, %add3A_707 : i32
            %run_scoped3A = arith.constant 1 : i32
            "tpu.region"() ({
              %run_scoped3A_709 = tpu.sem_alloc : memref<!tpu.dma_semaphore, #tpu.memory_space<semaphore_mem>>
              %dma_start3A_710 = arith.constant 0 : i32
              %dma_start3A_711 = tpu.memref_slice %arg4[%run_scoped3A, %add3A_708, %dma_start3A_710] : memref<4x8192x1024xf32, #tpu.memory_space<hbm>> -> memref<1x1x1024xf32, #tpu.memory_space<hbm>>
              %dma_start3A_712 = tpu.memref_squeeze %dma_start3A_711 : memref<1x1x1024xf32, #tpu.memory_space<hbm>> -> memref<1x1024xf32, #tpu.memory_space<hbm>>
              %dma_start3A_713 = arith.constant 0 : i32
              %dma_start3A_714 = tpu.memref_slice %arg4[%run_scoped3A, %add3A_708, %dma_start3A_713] : memref<4x8192x1024xf32, #tpu.memory_space<hbm>> -> memref<1x1x1024xf32, #tpu.memory_space<hbm>>
              %dma_start3A_715 = tpu.memref_squeeze %dma_start3A_714 : memref<1x1x1024xf32, #tpu.memory_space<hbm>> -> memref<1x1024xf32, #tpu.memory_space<hbm>>
              tpu.enqueue_dma source(%arg6 : memref<1x1024xf32, #tpu.memory_space<vmem>>) target(%dma_start3A_715 : memref<1x1024xf32, #tpu.memory_space<hbm>>) target_semaphore(%run_scoped3A_709 : memref<!tpu.dma_semaphore, #tpu.memory_space<semaphore_mem>>)
              %dma_wait3A_716 = arith.constant 0 : i32
              %dma_wait3A_717 = tpu.memref_slice %arg4[%run_scoped3A, %add3A_708, %dma_wait3A_716] : memref<4x8192x1024xf32, #tpu.memory_space<hbm>> -> memref<1x1x1024xf32, #tpu.memory_space<hbm>>
              %dma_wait3A_718 = tpu.memref_squeeze %dma_wait3A_717 : memref<1x1x1024xf32, #tpu.memory_space<hbm>> -> memref<1x1024xf32, #tpu.memory_space<hbm>>
              %dma_wait3A_719 = arith.constant 0 : i32
              %dma_wait3A_720 = tpu.memref_slice %arg4[%run_scoped3A, %add3A_708, %dma_wait3A_719] : memref<4x8192x1024xf32, #tpu.memory_space<hbm>> -> memref<1x1x1024xf32, #tpu.memory_space<hbm>>
              %dma_wait3A_721 = tpu.memref_squeeze %dma_wait3A_720 : memref<1x1x1024xf32, #tpu.memory_space<hbm>> -> memref<1x1024xf32, #tpu.memory_space<hbm>>
              tpu.wait_dma2 semaphore(%run_scoped3A_709 : memref<!tpu.dma_semaphore, #tpu.memory_space<semaphore_mem>>) src(%arg6 : memref<1x1024xf32, #tpu.memory_space<vmem>>) dst(%dma_wait3A_721 : memref<1x1024xf32, #tpu.memory_space<hbm>>)
              tpu.yield
            }) : () -> ()
          } else {
          }
          %slice3A_655 = vector.extract_strided_slice %get3A_576 {offsets = [9], sizes = [1], strides = [1]} : vector<16xi32> to vector<1xi32>
          %squeeze3A_656 = vector.extract %slice3A_655[0] : i32 from vector<1xi32>
          %eq3A_657 = arith.constant 0 : i32
          %eq3A_658 = arith.cmpi eq, %squeeze3A_656, %eq3A_657 : i32
          %convert_element_type3A_659 = arith.extui %eq3A_658 : i1 to i32
          %cond3A_660 = arith.constant 0 : i32
          %cond3A_661 = arith.cmpi ne, %convert_element_type3A_659, %cond3A_660 : i32
          scf.if %cond3A_661 {
            %mul3A_704 = arith.constant 16 : i32
            %mul3A_705 = arith.muli %scan3A_571, %mul3A_704 : i32
            %add3A_706 = arith.addi %mul3A_2, %mul3A_705 : i32
            %add3A_707 = arith.constant 9 : i32
            %add3A_708 = arith.addi %add3A_706, %add3A_707 : i32
            %run_scoped3A = arith.constant 1 : i32
            "tpu.region"() ({
              %run_scoped3A_709 = tpu.sem_alloc : memref<!tpu.dma_semaphore, #tpu.memory_space<semaphore_mem>>
              %dma_start3A_710 = arith.constant 0 : i32
              %dma_start3A_711 = tpu.memref_slice %arg4[%run_scoped3A, %add3A_708, %dma_start3A_710] : memref<4x8192x1024xf32, #tpu.memory_space<hbm>> -> memref<1x1x1024xf32, #tpu.memory_space<hbm>>
              %dma_start3A_712 = tpu.memref_squeeze %dma_start3A_711 : memref<1x1x1024xf32, #tpu.memory_space<hbm>> -> memref<1x1024xf32, #tpu.memory_space<hbm>>
              %dma_start3A_713 = arith.constant 0 : i32
              %dma_start3A_714 = tpu.memref_slice %arg4[%run_scoped3A, %add3A_708, %dma_start3A_713] : memref<4x8192x1024xf32, #tpu.memory_space<hbm>> -> memref<1x1x1024xf32, #tpu.memory_space<hbm>>
              %dma_start3A_715 = tpu.memref_squeeze %dma_start3A_714 : memref<1x1x1024xf32, #tpu.memory_space<hbm>> -> memref<1x1024xf32, #tpu.memory_space<hbm>>
              tpu.enqueue_dma source(%arg6 : memref<1x1024xf32, #tpu.memory_space<vmem>>) target(%dma_start3A_715 : memref<1x1024xf32, #tpu.memory_space<hbm>>) target_semaphore(%run_scoped3A_709 : memref<!tpu.dma_semaphore, #tpu.memory_space<semaphore_mem>>)
              %dma_wait3A_716 = arith.constant 0 : i32
              %dma_wait3A_717 = tpu.memref_slice %arg4[%run_scoped3A, %add3A_708, %dma_wait3A_716] : memref<4x8192x1024xf32, #tpu.memory_space<hbm>> -> memref<1x1x1024xf32, #tpu.memory_space<hbm>>
              %dma_wait3A_718 = tpu.memref_squeeze %dma_wait3A_717 : memref<1x1x1024xf32, #tpu.memory_space<hbm>> -> memref<1x1024xf32, #tpu.memory_space<hbm>>
              %dma_wait3A_719 = arith.constant 0 : i32
              %dma_wait3A_720 = tpu.memref_slice %arg4[%run_scoped3A, %add3A_708, %dma_wait3A_719] : memref<4x8192x1024xf32, #tpu.memory_space<hbm>> -> memref<1x1x1024xf32, #tpu.memory_space<hbm>>
              %dma_wait3A_721 = tpu.memref_squeeze %dma_wait3A_720 : memref<1x1x1024xf32, #tpu.memory_space<hbm>> -> memref<1x1024xf32, #tpu.memory_space<hbm>>
              tpu.wait_dma2 semaphore(%run_scoped3A_709 : memref<!tpu.dma_semaphore, #tpu.memory_space<semaphore_mem>>) src(%arg6 : memref<1x1024xf32, #tpu.memory_space<vmem>>) dst(%dma_wait3A_721 : memref<1x1024xf32, #tpu.memory_space<hbm>>)
              tpu.yield
            }) : () -> ()
          } else {
          }
          %slice3A_662 = vector.extract_strided_slice %get3A_576 {offsets = [10], sizes = [1], strides = [1]} : vector<16xi32> to vector<1xi32>
          %squeeze3A_663 = vector.extract %slice3A_662[0] : i32 from vector<1xi32>
          %eq3A_664 = arith.constant 0 : i32
          %eq3A_665 = arith.cmpi eq, %squeeze3A_663, %eq3A_664 : i32
          %convert_element_type3A_666 = arith.extui %eq3A_665 : i1 to i32
          %cond3A_667 = arith.constant 0 : i32
          %cond3A_668 = arith.cmpi ne, %convert_element_type3A_666, %cond3A_667 : i32
          scf.if %cond3A_668 {
            %mul3A_704 = arith.constant 16 : i32
            %mul3A_705 = arith.muli %scan3A_571, %mul3A_704 : i32
            %add3A_706 = arith.addi %mul3A_2, %mul3A_705 : i32
            %add3A_707 = arith.constant 10 : i32
            %add3A_708 = arith.addi %add3A_706, %add3A_707 : i32
            %run_scoped3A = arith.constant 1 : i32
            "tpu.region"() ({
              %run_scoped3A_709 = tpu.sem_alloc : memref<!tpu.dma_semaphore, #tpu.memory_space<semaphore_mem>>
              %dma_start3A_710 = arith.constant 0 : i32
              %dma_start3A_711 = tpu.memref_slice %arg4[%run_scoped3A, %add3A_708, %dma_start3A_710] : memref<4x8192x1024xf32, #tpu.memory_space<hbm>> -> memref<1x1x1024xf32, #tpu.memory_space<hbm>>
              %dma_start3A_712 = tpu.memref_squeeze %dma_start3A_711 : memref<1x1x1024xf32, #tpu.memory_space<hbm>> -> memref<1x1024xf32, #tpu.memory_space<hbm>>
              %dma_start3A_713 = arith.constant 0 : i32
              %dma_start3A_714 = tpu.memref_slice %arg4[%run_scoped3A, %add3A_708, %dma_start3A_713] : memref<4x8192x1024xf32, #tpu.memory_space<hbm>> -> memref<1x1x1024xf32, #tpu.memory_space<hbm>>
              %dma_start3A_715 = tpu.memref_squeeze %dma_start3A_714 : memref<1x1x1024xf32, #tpu.memory_space<hbm>> -> memref<1x1024xf32, #tpu.memory_space<hbm>>
              tpu.enqueue_dma source(%arg6 : memref<1x1024xf32, #tpu.memory_space<vmem>>) target(%dma_start3A_715 : memref<1x1024xf32, #tpu.memory_space<hbm>>) target_semaphore(%run_scoped3A_709 : memref<!tpu.dma_semaphore, #tpu.memory_space<semaphore_mem>>)
              %dma_wait3A_716 = arith.constant 0 : i32
              %dma_wait3A_717 = tpu.memref_slice %arg4[%run_scoped3A, %add3A_708, %dma_wait3A_716] : memref<4x8192x1024xf32, #tpu.memory_space<hbm>> -> memref<1x1x1024xf32, #tpu.memory_space<hbm>>
              %dma_wait3A_718 = tpu.memref_squeeze %dma_wait3A_717 : memref<1x1x1024xf32, #tpu.memory_space<hbm>> -> memref<1x1024xf32, #tpu.memory_space<hbm>>
              %dma_wait3A_719 = arith.constant 0 : i32
              %dma_wait3A_720 = tpu.memref_slice %arg4[%run_scoped3A, %add3A_708, %dma_wait3A_719] : memref<4x8192x1024xf32, #tpu.memory_space<hbm>> -> memref<1x1x1024xf32, #tpu.memory_space<hbm>>
              %dma_wait3A_721 = tpu.memref_squeeze %dma_wait3A_720 : memref<1x1x1024xf32, #tpu.memory_space<hbm>> -> memref<1x1024xf32, #tpu.memory_space<hbm>>
              tpu.wait_dma2 semaphore(%run_scoped3A_709 : memref<!tpu.dma_semaphore, #tpu.memory_space<semaphore_mem>>) src(%arg6 : memref<1x1024xf32, #tpu.memory_space<vmem>>) dst(%dma_wait3A_721 : memref<1x1024xf32, #tpu.memory_space<hbm>>)
              tpu.yield
            }) : () -> ()
          } else {
          }
          %slice3A_669 = vector.extract_strided_slice %get3A_576 {offsets = [11], sizes = [1], strides = [1]} : vector<16xi32> to vector<1xi32>
          %squeeze3A_670 = vector.extract %slice3A_669[0] : i32 from vector<1xi32>
          %eq3A_671 = arith.constant 0 : i32
          %eq3A_672 = arith.cmpi eq, %squeeze3A_670, %eq3A_671 : i32
          %convert_element_type3A_673 = arith.extui %eq3A_672 : i1 to i32
          %cond3A_674 = arith.constant 0 : i32
          %cond3A_675 = arith.cmpi ne, %convert_element_type3A_673, %cond3A_674 : i32
          scf.if %cond3A_675 {
            %mul3A_704 = arith.constant 16 : i32
            %mul3A_705 = arith.muli %scan3A_571, %mul3A_704 : i32
            %add3A_706 = arith.addi %mul3A_2, %mul3A_705 : i32
            %add3A_707 = arith.constant 11 : i32
            %add3A_708 = arith.addi %add3A_706, %add3A_707 : i32
            %run_scoped3A = arith.constant 1 : i32
            "tpu.region"() ({
              %run_scoped3A_709 = tpu.sem_alloc : memref<!tpu.dma_semaphore, #tpu.memory_space<semaphore_mem>>
              %dma_start3A_710 = arith.constant 0 : i32
              %dma_start3A_711 = tpu.memref_slice %arg4[%run_scoped3A, %add3A_708, %dma_start3A_710] : memref<4x8192x1024xf32, #tpu.memory_space<hbm>> -> memref<1x1x1024xf32, #tpu.memory_space<hbm>>
              %dma_start3A_712 = tpu.memref_squeeze %dma_start3A_711 : memref<1x1x1024xf32, #tpu.memory_space<hbm>> -> memref<1x1024xf32, #tpu.memory_space<hbm>>
              %dma_start3A_713 = arith.constant 0 : i32
              %dma_start3A_714 = tpu.memref_slice %arg4[%run_scoped3A, %add3A_708, %dma_start3A_713] : memref<4x8192x1024xf32, #tpu.memory_space<hbm>> -> memref<1x1x1024xf32, #tpu.memory_space<hbm>>
              %dma_start3A_715 = tpu.memref_squeeze %dma_start3A_714 : memref<1x1x1024xf32, #tpu.memory_space<hbm>> -> memref<1x1024xf32, #tpu.memory_space<hbm>>
              tpu.enqueue_dma source(%arg6 : memref<1x1024xf32, #tpu.memory_space<vmem>>) target(%dma_start3A_715 : memref<1x1024xf32, #tpu.memory_space<hbm>>) target_semaphore(%run_scoped3A_709 : memref<!tpu.dma_semaphore, #tpu.memory_space<semaphore_mem>>)
              %dma_wait3A_716 = arith.constant 0 : i32
              %dma_wait3A_717 = tpu.memref_slice %arg4[%run_scoped3A, %add3A_708, %dma_wait3A_716] : memref<4x8192x1024xf32, #tpu.memory_space<hbm>> -> memref<1x1x1024xf32, #tpu.memory_space<hbm>>
              %dma_wait3A_718 = tpu.memref_squeeze %dma_wait3A_717 : memref<1x1x1024xf32, #tpu.memory_space<hbm>> -> memref<1x1024xf32, #tpu.memory_space<hbm>>
              %dma_wait3A_719 = arith.constant 0 : i32
              %dma_wait3A_720 = tpu.memref_slice %arg4[%run_scoped3A, %add3A_708, %dma_wait3A_719] : memref<4x8192x1024xf32, #tpu.memory_space<hbm>> -> memref<1x1x1024xf32, #tpu.memory_space<hbm>>
              %dma_wait3A_721 = tpu.memref_squeeze %dma_wait3A_720 : memref<1x1x1024xf32, #tpu.memory_space<hbm>> -> memref<1x1024xf32, #tpu.memory_space<hbm>>
              tpu.wait_dma2 semaphore(%run_scoped3A_709 : memref<!tpu.dma_semaphore, #tpu.memory_space<semaphore_mem>>) src(%arg6 : memref<1x1024xf32, #tpu.memory_space<vmem>>) dst(%dma_wait3A_721 : memref<1x1024xf32, #tpu.memory_space<hbm>>)
              tpu.yield
            }) : () -> ()
          } else {
          }
          %slice3A_676 = vector.extract_strided_slice %get3A_576 {offsets = [12], sizes = [1], strides = [1]} : vector<16xi32> to vector<1xi32>
          %squeeze3A_677 = vector.extract %slice3A_676[0] : i32 from vector<1xi32>
          %eq3A_678 = arith.constant 0 : i32
          %eq3A_679 = arith.cmpi eq, %squeeze3A_677, %eq3A_678 : i32
          %convert_element_type3A_680 = arith.extui %eq3A_679 : i1 to i32
          %cond3A_681 = arith.constant 0 : i32
          %cond3A_682 = arith.cmpi ne, %convert_element_type3A_680, %cond3A_681 : i32
          scf.if %cond3A_682 {
            %mul3A_704 = arith.constant 16 : i32
            %mul3A_705 = arith.muli %scan3A_571, %mul3A_704 : i32
            %add3A_706 = arith.addi %mul3A_2, %mul3A_705 : i32
            %add3A_707 = arith.constant 12 : i32
            %add3A_708 = arith.addi %add3A_706, %add3A_707 : i32
            %run_scoped3A = arith.constant 1 : i32
            "tpu.region"() ({
              %run_scoped3A_709 = tpu.sem_alloc : memref<!tpu.dma_semaphore, #tpu.memory_space<semaphore_mem>>
              %dma_start3A_710 = arith.constant 0 : i32
              %dma_start3A_711 = tpu.memref_slice %arg4[%run_scoped3A, %add3A_708, %dma_start3A_710] : memref<4x8192x1024xf32, #tpu.memory_space<hbm>> -> memref<1x1x1024xf32, #tpu.memory_space<hbm>>
              %dma_start3A_712 = tpu.memref_squeeze %dma_start3A_711 : memref<1x1x1024xf32, #tpu.memory_space<hbm>> -> memref<1x1024xf32, #tpu.memory_space<hbm>>
              %dma_start3A_713 = arith.constant 0 : i32
              %dma_start3A_714 = tpu.memref_slice %arg4[%run_scoped3A, %add3A_708, %dma_start3A_713] : memref<4x8192x1024xf32, #tpu.memory_space<hbm>> -> memref<1x1x1024xf32, #tpu.memory_space<hbm>>
              %dma_start3A_715 = tpu.memref_squeeze %dma_start3A_714 : memref<1x1x1024xf32, #tpu.memory_space<hbm>> -> memref<1x1024xf32, #tpu.memory_space<hbm>>
              tpu.enqueue_dma source(%arg6 : memref<1x1024xf32, #tpu.memory_space<vmem>>) target(%dma_start3A_715 : memref<1x1024xf32, #tpu.memory_space<hbm>>) target_semaphore(%run_scoped3A_709 : memref<!tpu.dma_semaphore, #tpu.memory_space<semaphore_mem>>)
              %dma_wait3A_716 = arith.constant 0 : i32
              %dma_wait3A_717 = tpu.memref_slice %arg4[%run_scoped3A, %add3A_708, %dma_wait3A_716] : memref<4x8192x1024xf32, #tpu.memory_space<hbm>> -> memref<1x1x1024xf32, #tpu.memory_space<hbm>>
              %dma_wait3A_718 = tpu.memref_squeeze %dma_wait3A_717 : memref<1x1x1024xf32, #tpu.memory_space<hbm>> -> memref<1x1024xf32, #tpu.memory_space<hbm>>
              %dma_wait3A_719 = arith.constant 0 : i32
              %dma_wait3A_720 = tpu.memref_slice %arg4[%run_scoped3A, %add3A_708, %dma_wait3A_719] : memref<4x8192x1024xf32, #tpu.memory_space<hbm>> -> memref<1x1x1024xf32, #tpu.memory_space<hbm>>
              %dma_wait3A_721 = tpu.memref_squeeze %dma_wait3A_720 : memref<1x1x1024xf32, #tpu.memory_space<hbm>> -> memref<1x1024xf32, #tpu.memory_space<hbm>>
              tpu.wait_dma2 semaphore(%run_scoped3A_709 : memref<!tpu.dma_semaphore, #tpu.memory_space<semaphore_mem>>) src(%arg6 : memref<1x1024xf32, #tpu.memory_space<vmem>>) dst(%dma_wait3A_721 : memref<1x1024xf32, #tpu.memory_space<hbm>>)
              tpu.yield
            }) : () -> ()
          } else {
          }
          %slice3A_683 = vector.extract_strided_slice %get3A_576 {offsets = [13], sizes = [1], strides = [1]} : vector<16xi32> to vector<1xi32>
          %squeeze3A_684 = vector.extract %slice3A_683[0] : i32 from vector<1xi32>
          %eq3A_685 = arith.constant 0 : i32
          %eq3A_686 = arith.cmpi eq, %squeeze3A_684, %eq3A_685 : i32
          %convert_element_type3A_687 = arith.extui %eq3A_686 : i1 to i32
          %cond3A_688 = arith.constant 0 : i32
          %cond3A_689 = arith.cmpi ne, %convert_element_type3A_687, %cond3A_688 : i32
          scf.if %cond3A_689 {
            %mul3A_704 = arith.constant 16 : i32
            %mul3A_705 = arith.muli %scan3A_571, %mul3A_704 : i32
            %add3A_706 = arith.addi %mul3A_2, %mul3A_705 : i32
            %add3A_707 = arith.constant 13 : i32
            %add3A_708 = arith.addi %add3A_706, %add3A_707 : i32
            %run_scoped3A = arith.constant 1 : i32
            "tpu.region"() ({
              %run_scoped3A_709 = tpu.sem_alloc : memref<!tpu.dma_semaphore, #tpu.memory_space<semaphore_mem>>
              %dma_start3A_710 = arith.constant 0 : i32
              %dma_start3A_711 = tpu.memref_slice %arg4[%run_scoped3A, %add3A_708, %dma_start3A_710] : memref<4x8192x1024xf32, #tpu.memory_space<hbm>> -> memref<1x1x1024xf32, #tpu.memory_space<hbm>>
              %dma_start3A_712 = tpu.memref_squeeze %dma_start3A_711 : memref<1x1x1024xf32, #tpu.memory_space<hbm>> -> memref<1x1024xf32, #tpu.memory_space<hbm>>
              %dma_start3A_713 = arith.constant 0 : i32
              %dma_start3A_714 = tpu.memref_slice %arg4[%run_scoped3A, %add3A_708, %dma_start3A_713] : memref<4x8192x1024xf32, #tpu.memory_space<hbm>> -> memref<1x1x1024xf32, #tpu.memory_space<hbm>>
              %dma_start3A_715 = tpu.memref_squeeze %dma_start3A_714 : memref<1x1x1024xf32, #tpu.memory_space<hbm>> -> memref<1x1024xf32, #tpu.memory_space<hbm>>
              tpu.enqueue_dma source(%arg6 : memref<1x1024xf32, #tpu.memory_space<vmem>>) target(%dma_start3A_715 : memref<1x1024xf32, #tpu.memory_space<hbm>>) target_semaphore(%run_scoped3A_709 : memref<!tpu.dma_semaphore, #tpu.memory_space<semaphore_mem>>)
              %dma_wait3A_716 = arith.constant 0 : i32
              %dma_wait3A_717 = tpu.memref_slice %arg4[%run_scoped3A, %add3A_708, %dma_wait3A_716] : memref<4x8192x1024xf32, #tpu.memory_space<hbm>> -> memref<1x1x1024xf32, #tpu.memory_space<hbm>>
              %dma_wait3A_718 = tpu.memref_squeeze %dma_wait3A_717 : memref<1x1x1024xf32, #tpu.memory_space<hbm>> -> memref<1x1024xf32, #tpu.memory_space<hbm>>
              %dma_wait3A_719 = arith.constant 0 : i32
              %dma_wait3A_720 = tpu.memref_slice %arg4[%run_scoped3A, %add3A_708, %dma_wait3A_719] : memref<4x8192x1024xf32, #tpu.memory_space<hbm>> -> memref<1x1x1024xf32, #tpu.memory_space<hbm>>
              %dma_wait3A_721 = tpu.memref_squeeze %dma_wait3A_720 : memref<1x1x1024xf32, #tpu.memory_space<hbm>> -> memref<1x1024xf32, #tpu.memory_space<hbm>>
              tpu.wait_dma2 semaphore(%run_scoped3A_709 : memref<!tpu.dma_semaphore, #tpu.memory_space<semaphore_mem>>) src(%arg6 : memref<1x1024xf32, #tpu.memory_space<vmem>>) dst(%dma_wait3A_721 : memref<1x1024xf32, #tpu.memory_space<hbm>>)
              tpu.yield
            }) : () -> ()
          } else {
          }
          %slice3A_690 = vector.extract_strided_slice %get3A_576 {offsets = [14], sizes = [1], strides = [1]} : vector<16xi32> to vector<1xi32>
          %squeeze3A_691 = vector.extract %slice3A_690[0] : i32 from vector<1xi32>
          %eq3A_692 = arith.constant 0 : i32
          %eq3A_693 = arith.cmpi eq, %squeeze3A_691, %eq3A_692 : i32
          %convert_element_type3A_694 = arith.extui %eq3A_693 : i1 to i32
          %cond3A_695 = arith.constant 0 : i32
          %cond3A_696 = arith.cmpi ne, %convert_element_type3A_694, %cond3A_695 : i32
          scf.if %cond3A_696 {
            %mul3A_704 = arith.constant 16 : i32
            %mul3A_705 = arith.muli %scan3A_571, %mul3A_704 : i32
            %add3A_706 = arith.addi %mul3A_2, %mul3A_705 : i32
            %add3A_707 = arith.constant 14 : i32
            %add3A_708 = arith.addi %add3A_706, %add3A_707 : i32
            %run_scoped3A = arith.constant 1 : i32
            "tpu.region"() ({
              %run_scoped3A_709 = tpu.sem_alloc : memref<!tpu.dma_semaphore, #tpu.memory_space<semaphore_mem>>
              %dma_start3A_710 = arith.constant 0 : i32
              %dma_start3A_711 = tpu.memref_slice %arg4[%run_scoped3A, %add3A_708, %dma_start3A_710] : memref<4x8192x1024xf32, #tpu.memory_space<hbm>> -> memref<1x1x1024xf32, #tpu.memory_space<hbm>>
              %dma_start3A_712 = tpu.memref_squeeze %dma_start3A_711 : memref<1x1x1024xf32, #tpu.memory_space<hbm>> -> memref<1x1024xf32, #tpu.memory_space<hbm>>
              %dma_start3A_713 = arith.constant 0 : i32
              %dma_start3A_714 = tpu.memref_slice %arg4[%run_scoped3A, %add3A_708, %dma_start3A_713] : memref<4x8192x1024xf32, #tpu.memory_space<hbm>> -> memref<1x1x1024xf32, #tpu.memory_space<hbm>>
              %dma_start3A_715 = tpu.memref_squeeze %dma_start3A_714 : memref<1x1x1024xf32, #tpu.memory_space<hbm>> -> memref<1x1024xf32, #tpu.memory_space<hbm>>
              tpu.enqueue_dma source(%arg6 : memref<1x1024xf32, #tpu.memory_space<vmem>>) target(%dma_start3A_715 : memref<1x1024xf32, #tpu.memory_space<hbm>>) target_semaphore(%run_scoped3A_709 : memref<!tpu.dma_semaphore, #tpu.memory_space<semaphore_mem>>)
              %dma_wait3A_716 = arith.constant 0 : i32
              %dma_wait3A_717 = tpu.memref_slice %arg4[%run_scoped3A, %add3A_708, %dma_wait3A_716] : memref<4x8192x1024xf32, #tpu.memory_space<hbm>> -> memref<1x1x1024xf32, #tpu.memory_space<hbm>>
              %dma_wait3A_718 = tpu.memref_squeeze %dma_wait3A_717 : memref<1x1x1024xf32, #tpu.memory_space<hbm>> -> memref<1x1024xf32, #tpu.memory_space<hbm>>
              %dma_wait3A_719 = arith.constant 0 : i32
              %dma_wait3A_720 = tpu.memref_slice %arg4[%run_scoped3A, %add3A_708, %dma_wait3A_719] : memref<4x8192x1024xf32, #tpu.memory_space<hbm>> -> memref<1x1x1024xf32, #tpu.memory_space<hbm>>
              %dma_wait3A_721 = tpu.memref_squeeze %dma_wait3A_720 : memref<1x1x1024xf32, #tpu.memory_space<hbm>> -> memref<1x1024xf32, #tpu.memory_space<hbm>>
              tpu.wait_dma2 semaphore(%run_scoped3A_709 : memref<!tpu.dma_semaphore, #tpu.memory_space<semaphore_mem>>) src(%arg6 : memref<1x1024xf32, #tpu.memory_space<vmem>>) dst(%dma_wait3A_721 : memref<1x1024xf32, #tpu.memory_space<hbm>>)
              tpu.yield
            }) : () -> ()
          } else {
          }
          %slice3A_697 = vector.extract_strided_slice %get3A_576 {offsets = [15], sizes = [1], strides = [1]} : vector<16xi32> to vector<1xi32>
          %squeeze3A_698 = vector.extract %slice3A_697[0] : i32 from vector<1xi32>
          %eq3A_699 = arith.constant 0 : i32
          %eq3A_700 = arith.cmpi eq, %squeeze3A_698, %eq3A_699 : i32
          %convert_element_type3A_701 = arith.extui %eq3A_700 : i1 to i32
          %cond3A_702 = arith.constant 0 : i32
          %cond3A_703 = arith.cmpi ne, %convert_element_type3A_701, %cond3A_702 : i32
          scf.if %cond3A_703 {
            %mul3A_704 = arith.constant 16 : i32
            %mul3A_705 = arith.muli %scan3A_571, %mul3A_704 : i32
            %add3A_706 = arith.addi %mul3A_2, %mul3A_705 : i32
            %add3A_707 = arith.constant 15 : i32
            %add3A_708 = arith.addi %add3A_706, %add3A_707 : i32
            %run_scoped3A = arith.constant 1 : i32
            "tpu.region"() ({
              %run_scoped3A_709 = tpu.sem_alloc : memref<!tpu.dma_semaphore, #tpu.memory_space<semaphore_mem>>
              %dma_start3A_710 = arith.constant 0 : i32
              %dma_start3A_711 = tpu.memref_slice %arg4[%run_scoped3A, %add3A_708, %dma_start3A_710] : memref<4x8192x1024xf32, #tpu.memory_space<hbm>> -> memref<1x1x1024xf32, #tpu.memory_space<hbm>>
              %dma_start3A_712 = tpu.memref_squeeze %dma_start3A_711 : memref<1x1x1024xf32, #tpu.memory_space<hbm>> -> memref<1x1024xf32, #tpu.memory_space<hbm>>
              %dma_start3A_713 = arith.constant 0 : i32
              %dma_start3A_714 = tpu.memref_slice %arg4[%run_scoped3A, %add3A_708, %dma_start3A_713] : memref<4x8192x1024xf32, #tpu.memory_space<hbm>> -> memref<1x1x1024xf32, #tpu.memory_space<hbm>>
              %dma_start3A_715 = tpu.memref_squeeze %dma_start3A_714 : memref<1x1x1024xf32, #tpu.memory_space<hbm>> -> memref<1x1024xf32, #tpu.memory_space<hbm>>
              tpu.enqueue_dma source(%arg6 : memref<1x1024xf32, #tpu.memory_space<vmem>>) target(%dma_start3A_715 : memref<1x1024xf32, #tpu.memory_space<hbm>>) target_semaphore(%run_scoped3A_709 : memref<!tpu.dma_semaphore, #tpu.memory_space<semaphore_mem>>)
              %dma_wait3A_716 = arith.constant 0 : i32
              %dma_wait3A_717 = tpu.memref_slice %arg4[%run_scoped3A, %add3A_708, %dma_wait3A_716] : memref<4x8192x1024xf32, #tpu.memory_space<hbm>> -> memref<1x1x1024xf32, #tpu.memory_space<hbm>>
              %dma_wait3A_718 = tpu.memref_squeeze %dma_wait3A_717 : memref<1x1x1024xf32, #tpu.memory_space<hbm>> -> memref<1x1024xf32, #tpu.memory_space<hbm>>
              %dma_wait3A_719 = arith.constant 0 : i32
              %dma_wait3A_720 = tpu.memref_slice %arg4[%run_scoped3A, %add3A_708, %dma_wait3A_719] : memref<4x8192x1024xf32, #tpu.memory_space<hbm>> -> memref<1x1x1024xf32, #tpu.memory_space<hbm>>
              %dma_wait3A_721 = tpu.memref_squeeze %dma_wait3A_720 : memref<1x1x1024xf32, #tpu.memory_space<hbm>> -> memref<1x1024xf32, #tpu.memory_space<hbm>>
              tpu.wait_dma2 semaphore(%run_scoped3A_709 : memref<!tpu.dma_semaphore, #tpu.memory_space<semaphore_mem>>) src(%arg6 : memref<1x1024xf32, #tpu.memory_space<vmem>>) dst(%dma_wait3A_721 : memref<1x1024xf32, #tpu.memory_space<hbm>>)
              tpu.yield
            }) : () -> ()
          } else {
          }
        } else {
        }
      }
      %scan3A_558 = arith.constant 16 : i32
      %scan3A_559 = arith.constant 0 : i32
      %scan3A_560 = arith.constant 0 : i32
      %scan3A_561 = arith.constant 16 : i32
      %scan3A_562 = arith.addi %scan3A_560, %scan3A_561 : i32
      %scan3A_563 = arith.constant 1 : i32
      scf.for %scan3A_571 = %scan3A_560 to %scan3A_562 step %scan3A_563  : i32 {
        %mul3A_572 = arith.constant 16 : i32
        %mul3A_573 = arith.muli %scan3A_571, %mul3A_572 : i32
        %get3A = arith.constant 2 : i32
        %get3A_574 = arith.index_cast %get3A : i32 to index
        %get3A_575 = arith.index_cast %mul3A_573 : i32 to index
        %get3A_576 = tpu.vector_load %arg7[%get3A_574, %get3A_575] {strides = array<i32>} : memref<4x256xi32, #tpu.memory_space<vmem>>, vector<16xi32>,
        %eq3A_577 = arith.constant 0 : i32
        %eq3A_578 = vector.broadcast %eq3A_577 : i32 to vector<16xi32>
        %eq3A_579 = arith.cmpi eq, %get3A_576, %eq3A_578 : vector<16xi32>
        %reduce_or3A_580 = arith.constant 1.000000e+00 : f32
        %reduce_or3A_581 = arith.constant 0.000000e+00 : f32
        %reduce_or3A_582 = vector.broadcast %reduce_or3A_580 : f32 to vector<16xf32>
        %reduce_or3A_583 = vector.broadcast %reduce_or3A_581 : f32 to vector<16xf32>
        %reduce_or3A_584 = arith.select %eq3A_579, %reduce_or3A_582, %reduce_or3A_583 : vector<16xi1>, vector<16xf32>
        %reduce_or3A_585 = arith.constant true
        %reduce_or3A_586 = vector.broadcast %reduce_or3A_585 : i1 to vector<16xi1>
        %reduce_or3A_587 = tpu.scan <max>, %reduce_or3A_584 masked %reduce_or3A_586 : vector<16xf32>, vector<16xi1> -> vector<16xf32>
        %reduce_or3A_588 = vector.extract %reduce_or3A_587[15] : f32 from vector<16xf32>
        %reduce_or3A_589 = arith.constant 0.000000e+00 : f32
        %reduce_or3A_590 = arith.cmpf ogt, %reduce_or3A_588, %reduce_or3A_589 : f32
        %convert_element_type3A_591 = arith.extui %reduce_or3A_590 : i1 to i32
        %cond3A_592 = arith.constant 0 : i32
        %cond3A_593 = arith.cmpi ne, %convert_element_type3A_591, %cond3A_592 : i32
        scf.if %cond3A_593 {
          %slice3A = vector.extract_strided_slice %get3A_576 {offsets = [0], sizes = [1], strides = [1]} : vector<16xi32> to vector<1xi32>
          %squeeze3A = vector.extract %slice3A[0] : i32 from vector<1xi32>
          %eq3A_594 = arith.constant 0 : i32
          %eq3A_595 = arith.cmpi eq, %squeeze3A, %eq3A_594 : i32
          %convert_element_type3A_596 = arith.extui %eq3A_595 : i1 to i32
          %cond3A_597 = arith.constant 0 : i32
          %cond3A_598 = arith.cmpi ne, %convert_element_type3A_596, %cond3A_597 : i32
          scf.if %cond3A_598 {
            %mul3A_704 = arith.constant 16 : i32
            %mul3A_705 = arith.muli %scan3A_571, %mul3A_704 : i32
            %add3A_706 = arith.addi %mul3A_2, %mul3A_705 : i32
            %add3A_707 = arith.constant 0 : i32
            %add3A_708 = arith.addi %add3A_706, %add3A_707 : i32
            %run_scoped3A = arith.constant 2 : i32
            "tpu.region"() ({
              %run_scoped3A_709 = tpu.sem_alloc : memref<!tpu.dma_semaphore, #tpu.memory_space<semaphore_mem>>
              %dma_start3A_710 = arith.constant 0 : i32
              %dma_start3A_711 = tpu.memref_slice %arg4[%run_scoped3A, %add3A_708, %dma_start3A_710] : memref<4x8192x1024xf32, #tpu.memory_space<hbm>> -> memref<1x1x1024xf32, #tpu.memory_space<hbm>>
              %dma_start3A_712 = tpu.memref_squeeze %dma_start3A_711 : memref<1x1x1024xf32, #tpu.memory_space<hbm>> -> memref<1x1024xf32, #tpu.memory_space<hbm>>
              %dma_start3A_713 = arith.constant 0 : i32
              %dma_start3A_714 = tpu.memref_slice %arg4[%run_scoped3A, %add3A_708, %dma_start3A_713] : memref<4x8192x1024xf32, #tpu.memory_space<hbm>> -> memref<1x1x1024xf32, #tpu.memory_space<hbm>>
              %dma_start3A_715 = tpu.memref_squeeze %dma_start3A_714 : memref<1x1x1024xf32, #tpu.memory_space<hbm>> -> memref<1x1024xf32, #tpu.memory_space<hbm>>
              tpu.enqueue_dma source(%arg6 : memref<1x1024xf32, #tpu.memory_space<vmem>>) target(%dma_start3A_715 : memref<1x1024xf32, #tpu.memory_space<hbm>>) target_semaphore(%run_scoped3A_709 : memref<!tpu.dma_semaphore, #tpu.memory_space<semaphore_mem>>)
              %dma_wait3A_716 = arith.constant 0 : i32
              %dma_wait3A_717 = tpu.memref_slice %arg4[%run_scoped3A, %add3A_708, %dma_wait3A_716] : memref<4x8192x1024xf32, #tpu.memory_space<hbm>> -> memref<1x1x1024xf32, #tpu.memory_space<hbm>>
              %dma_wait3A_718 = tpu.memref_squeeze %dma_wait3A_717 : memref<1x1x1024xf32, #tpu.memory_space<hbm>> -> memref<1x1024xf32, #tpu.memory_space<hbm>>
              %dma_wait3A_719 = arith.constant 0 : i32
              %dma_wait3A_720 = tpu.memref_slice %arg4[%run_scoped3A, %add3A_708, %dma_wait3A_719] : memref<4x8192x1024xf32, #tpu.memory_space<hbm>> -> memref<1x1x1024xf32, #tpu.memory_space<hbm>>
              %dma_wait3A_721 = tpu.memref_squeeze %dma_wait3A_720 : memref<1x1x1024xf32, #tpu.memory_space<hbm>> -> memref<1x1024xf32, #tpu.memory_space<hbm>>
              tpu.wait_dma2 semaphore(%run_scoped3A_709 : memref<!tpu.dma_semaphore, #tpu.memory_space<semaphore_mem>>) src(%arg6 : memref<1x1024xf32, #tpu.memory_space<vmem>>) dst(%dma_wait3A_721 : memref<1x1024xf32, #tpu.memory_space<hbm>>)
              tpu.yield
            }) : () -> ()
          } else {
          }
          %slice3A_599 = vector.extract_strided_slice %get3A_576 {offsets = [1], sizes = [1], strides = [1]} : vector<16xi32> to vector<1xi32>
          %squeeze3A_600 = vector.extract %slice3A_599[0] : i32 from vector<1xi32>
          %eq3A_601 = arith.constant 0 : i32
          %eq3A_602 = arith.cmpi eq, %squeeze3A_600, %eq3A_601 : i32
          %convert_element_type3A_603 = arith.extui %eq3A_602 : i1 to i32
          %cond3A_604 = arith.constant 0 : i32
          %cond3A_605 = arith.cmpi ne, %convert_element_type3A_603, %cond3A_604 : i32
          scf.if %cond3A_605 {
            %mul3A_704 = arith.constant 16 : i32
            %mul3A_705 = arith.muli %scan3A_571, %mul3A_704 : i32
            %add3A_706 = arith.addi %mul3A_2, %mul3A_705 : i32
            %add3A_707 = arith.constant 1 : i32
            %add3A_708 = arith.addi %add3A_706, %add3A_707 : i32
            %run_scoped3A = arith.constant 2 : i32
            "tpu.region"() ({
              %run_scoped3A_709 = tpu.sem_alloc : memref<!tpu.dma_semaphore, #tpu.memory_space<semaphore_mem>>
              %dma_start3A_710 = arith.constant 0 : i32
              %dma_start3A_711 = tpu.memref_slice %arg4[%run_scoped3A, %add3A_708, %dma_start3A_710] : memref<4x8192x1024xf32, #tpu.memory_space<hbm>> -> memref<1x1x1024xf32, #tpu.memory_space<hbm>>
              %dma_start3A_712 = tpu.memref_squeeze %dma_start3A_711 : memref<1x1x1024xf32, #tpu.memory_space<hbm>> -> memref<1x1024xf32, #tpu.memory_space<hbm>>
              %dma_start3A_713 = arith.constant 0 : i32
              %dma_start3A_714 = tpu.memref_slice %arg4[%run_scoped3A, %add3A_708, %dma_start3A_713] : memref<4x8192x1024xf32, #tpu.memory_space<hbm>> -> memref<1x1x1024xf32, #tpu.memory_space<hbm>>
              %dma_start3A_715 = tpu.memref_squeeze %dma_start3A_714 : memref<1x1x1024xf32, #tpu.memory_space<hbm>> -> memref<1x1024xf32, #tpu.memory_space<hbm>>
              tpu.enqueue_dma source(%arg6 : memref<1x1024xf32, #tpu.memory_space<vmem>>) target(%dma_start3A_715 : memref<1x1024xf32, #tpu.memory_space<hbm>>) target_semaphore(%run_scoped3A_709 : memref<!tpu.dma_semaphore, #tpu.memory_space<semaphore_mem>>)
              %dma_wait3A_716 = arith.constant 0 : i32
              %dma_wait3A_717 = tpu.memref_slice %arg4[%run_scoped3A, %add3A_708, %dma_wait3A_716] : memref<4x8192x1024xf32, #tpu.memory_space<hbm>> -> memref<1x1x1024xf32, #tpu.memory_space<hbm>>
              %dma_wait3A_718 = tpu.memref_squeeze %dma_wait3A_717 : memref<1x1x1024xf32, #tpu.memory_space<hbm>> -> memref<1x1024xf32, #tpu.memory_space<hbm>>
              %dma_wait3A_719 = arith.constant 0 : i32
              %dma_wait3A_720 = tpu.memref_slice %arg4[%run_scoped3A, %add3A_708, %dma_wait3A_719] : memref<4x8192x1024xf32, #tpu.memory_space<hbm>> -> memref<1x1x1024xf32, #tpu.memory_space<hbm>>
              %dma_wait3A_721 = tpu.memref_squeeze %dma_wait3A_720 : memref<1x1x1024xf32, #tpu.memory_space<hbm>> -> memref<1x1024xf32, #tpu.memory_space<hbm>>
              tpu.wait_dma2 semaphore(%run_scoped3A_709 : memref<!tpu.dma_semaphore, #tpu.memory_space<semaphore_mem>>) src(%arg6 : memref<1x1024xf32, #tpu.memory_space<vmem>>) dst(%dma_wait3A_721 : memref<1x1024xf32, #tpu.memory_space<hbm>>)
              tpu.yield
            }) : () -> ()
          } else {
          }
          %slice3A_606 = vector.extract_strided_slice %get3A_576 {offsets = [2], sizes = [1], strides = [1]} : vector<16xi32> to vector<1xi32>
          %squeeze3A_607 = vector.extract %slice3A_606[0] : i32 from vector<1xi32>
          %eq3A_608 = arith.constant 0 : i32
          %eq3A_609 = arith.cmpi eq, %squeeze3A_607, %eq3A_608 : i32
          %convert_element_type3A_610 = arith.extui %eq3A_609 : i1 to i32
          %cond3A_611 = arith.constant 0 : i32
          %cond3A_612 = arith.cmpi ne, %convert_element_type3A_610, %cond3A_611 : i32
          scf.if %cond3A_612 {
            %mul3A_704 = arith.constant 16 : i32
            %mul3A_705 = arith.muli %scan3A_571, %mul3A_704 : i32
            %add3A_706 = arith.addi %mul3A_2, %mul3A_705 : i32
            %add3A_707 = arith.constant 2 : i32
            %add3A_708 = arith.addi %add3A_706, %add3A_707 : i32
            %run_scoped3A = arith.constant 2 : i32
            "tpu.region"() ({
              %run_scoped3A_709 = tpu.sem_alloc : memref<!tpu.dma_semaphore, #tpu.memory_space<semaphore_mem>>
              %dma_start3A_710 = arith.constant 0 : i32
              %dma_start3A_711 = tpu.memref_slice %arg4[%run_scoped3A, %add3A_708, %dma_start3A_710] : memref<4x8192x1024xf32, #tpu.memory_space<hbm>> -> memref<1x1x1024xf32, #tpu.memory_space<hbm>>
              %dma_start3A_712 = tpu.memref_squeeze %dma_start3A_711 : memref<1x1x1024xf32, #tpu.memory_space<hbm>> -> memref<1x1024xf32, #tpu.memory_space<hbm>>
              %dma_start3A_713 = arith.constant 0 : i32
              %dma_start3A_714 = tpu.memref_slice %arg4[%run_scoped3A, %add3A_708, %dma_start3A_713] : memref<4x8192x1024xf32, #tpu.memory_space<hbm>> -> memref<1x1x1024xf32, #tpu.memory_space<hbm>>
              %dma_start3A_715 = tpu.memref_squeeze %dma_start3A_714 : memref<1x1x1024xf32, #tpu.memory_space<hbm>> -> memref<1x1024xf32, #tpu.memory_space<hbm>>
              tpu.enqueue_dma source(%arg6 : memref<1x1024xf32, #tpu.memory_space<vmem>>) target(%dma_start3A_715 : memref<1x1024xf32, #tpu.memory_space<hbm>>) target_semaphore(%run_scoped3A_709 : memref<!tpu.dma_semaphore, #tpu.memory_space<semaphore_mem>>)
              %dma_wait3A_716 = arith.constant 0 : i32
              %dma_wait3A_717 = tpu.memref_slice %arg4[%run_scoped3A, %add3A_708, %dma_wait3A_716] : memref<4x8192x1024xf32, #tpu.memory_space<hbm>> -> memref<1x1x1024xf32, #tpu.memory_space<hbm>>
              %dma_wait3A_718 = tpu.memref_squeeze %dma_wait3A_717 : memref<1x1x1024xf32, #tpu.memory_space<hbm>> -> memref<1x1024xf32, #tpu.memory_space<hbm>>
              %dma_wait3A_719 = arith.constant 0 : i32
              %dma_wait3A_720 = tpu.memref_slice %arg4[%run_scoped3A, %add3A_708, %dma_wait3A_719] : memref<4x8192x1024xf32, #tpu.memory_space<hbm>> -> memref<1x1x1024xf32, #tpu.memory_space<hbm>>
              %dma_wait3A_721 = tpu.memref_squeeze %dma_wait3A_720 : memref<1x1x1024xf32, #tpu.memory_space<hbm>> -> memref<1x1024xf32, #tpu.memory_space<hbm>>
              tpu.wait_dma2 semaphore(%run_scoped3A_709 : memref<!tpu.dma_semaphore, #tpu.memory_space<semaphore_mem>>) src(%arg6 : memref<1x1024xf32, #tpu.memory_space<vmem>>) dst(%dma_wait3A_721 : memref<1x1024xf32, #tpu.memory_space<hbm>>)
              tpu.yield
            }) : () -> ()
          } else {
          }
          %slice3A_613 = vector.extract_strided_slice %get3A_576 {offsets = [3], sizes = [1], strides = [1]} : vector<16xi32> to vector<1xi32>
          %squeeze3A_614 = vector.extract %slice3A_613[0] : i32 from vector<1xi32>
          %eq3A_615 = arith.constant 0 : i32
          %eq3A_616 = arith.cmpi eq, %squeeze3A_614, %eq3A_615 : i32
          %convert_element_type3A_617 = arith.extui %eq3A_616 : i1 to i32
          %cond3A_618 = arith.constant 0 : i32
          %cond3A_619 = arith.cmpi ne, %convert_element_type3A_617, %cond3A_618 : i32
          scf.if %cond3A_619 {
            %mul3A_704 = arith.constant 16 : i32
            %mul3A_705 = arith.muli %scan3A_571, %mul3A_704 : i32
            %add3A_706 = arith.addi %mul3A_2, %mul3A_705 : i32
            %add3A_707 = arith.constant 3 : i32
            %add3A_708 = arith.addi %add3A_706, %add3A_707 : i32
            %run_scoped3A = arith.constant 2 : i32
            "tpu.region"() ({
              %run_scoped3A_709 = tpu.sem_alloc : memref<!tpu.dma_semaphore, #tpu.memory_space<semaphore_mem>>
              %dma_start3A_710 = arith.constant 0 : i32
              %dma_start3A_711 = tpu.memref_slice %arg4[%run_scoped3A, %add3A_708, %dma_start3A_710] : memref<4x8192x1024xf32, #tpu.memory_space<hbm>> -> memref<1x1x1024xf32, #tpu.memory_space<hbm>>
              %dma_start3A_712 = tpu.memref_squeeze %dma_start3A_711 : memref<1x1x1024xf32, #tpu.memory_space<hbm>> -> memref<1x1024xf32, #tpu.memory_space<hbm>>
              %dma_start3A_713 = arith.constant 0 : i32
              %dma_start3A_714 = tpu.memref_slice %arg4[%run_scoped3A, %add3A_708, %dma_start3A_713] : memref<4x8192x1024xf32, #tpu.memory_space<hbm>> -> memref<1x1x1024xf32, #tpu.memory_space<hbm>>
              %dma_start3A_715 = tpu.memref_squeeze %dma_start3A_714 : memref<1x1x1024xf32, #tpu.memory_space<hbm>> -> memref<1x1024xf32, #tpu.memory_space<hbm>>
              tpu.enqueue_dma source(%arg6 : memref<1x1024xf32, #tpu.memory_space<vmem>>) target(%dma_start3A_715 : memref<1x1024xf32, #tpu.memory_space<hbm>>) target_semaphore(%run_scoped3A_709 : memref<!tpu.dma_semaphore, #tpu.memory_space<semaphore_mem>>)
              %dma_wait3A_716 = arith.constant 0 : i32
              %dma_wait3A_717 = tpu.memref_slice %arg4[%run_scoped3A, %add3A_708, %dma_wait3A_716] : memref<4x8192x1024xf32, #tpu.memory_space<hbm>> -> memref<1x1x1024xf32, #tpu.memory_space<hbm>>
              %dma_wait3A_718 = tpu.memref_squeeze %dma_wait3A_717 : memref<1x1x1024xf32, #tpu.memory_space<hbm>> -> memref<1x1024xf32, #tpu.memory_space<hbm>>
              %dma_wait3A_719 = arith.constant 0 : i32
              %dma_wait3A_720 = tpu.memref_slice %arg4[%run_scoped3A, %add3A_708, %dma_wait3A_719] : memref<4x8192x1024xf32, #tpu.memory_space<hbm>> -> memref<1x1x1024xf32, #tpu.memory_space<hbm>>
              %dma_wait3A_721 = tpu.memref_squeeze %dma_wait3A_720 : memref<1x1x1024xf32, #tpu.memory_space<hbm>> -> memref<1x1024xf32, #tpu.memory_space<hbm>>
              tpu.wait_dma2 semaphore(%run_scoped3A_709 : memref<!tpu.dma_semaphore, #tpu.memory_space<semaphore_mem>>) src(%arg6 : memref<1x1024xf32, #tpu.memory_space<vmem>>) dst(%dma_wait3A_721 : memref<1x1024xf32, #tpu.memory_space<hbm>>)
              tpu.yield
            }) : () -> ()
          } else {
          }
          %slice3A_620 = vector.extract_strided_slice %get3A_576 {offsets = [4], sizes = [1], strides = [1]} : vector<16xi32> to vector<1xi32>
          %squeeze3A_621 = vector.extract %slice3A_620[0] : i32 from vector<1xi32>
          %eq3A_622 = arith.constant 0 : i32
          %eq3A_623 = arith.cmpi eq, %squeeze3A_621, %eq3A_622 : i32
          %convert_element_type3A_624 = arith.extui %eq3A_623 : i1 to i32
          %cond3A_625 = arith.constant 0 : i32
          %cond3A_626 = arith.cmpi ne, %convert_element_type3A_624, %cond3A_625 : i32
          scf.if %cond3A_626 {
            %mul3A_704 = arith.constant 16 : i32
            %mul3A_705 = arith.muli %scan3A_571, %mul3A_704 : i32
            %add3A_706 = arith.addi %mul3A_2, %mul3A_705 : i32
            %add3A_707 = arith.constant 4 : i32
            %add3A_708 = arith.addi %add3A_706, %add3A_707 : i32
            %run_scoped3A = arith.constant 2 : i32
            "tpu.region"() ({
              %run_scoped3A_709 = tpu.sem_alloc : memref<!tpu.dma_semaphore, #tpu.memory_space<semaphore_mem>>
              %dma_start3A_710 = arith.constant 0 : i32
              %dma_start3A_711 = tpu.memref_slice %arg4[%run_scoped3A, %add3A_708, %dma_start3A_710] : memref<4x8192x1024xf32, #tpu.memory_space<hbm>> -> memref<1x1x1024xf32, #tpu.memory_space<hbm>>
              %dma_start3A_712 = tpu.memref_squeeze %dma_start3A_711 : memref<1x1x1024xf32, #tpu.memory_space<hbm>> -> memref<1x1024xf32, #tpu.memory_space<hbm>>
              %dma_start3A_713 = arith.constant 0 : i32
              %dma_start3A_714 = tpu.memref_slice %arg4[%run_scoped3A, %add3A_708, %dma_start3A_713] : memref<4x8192x1024xf32, #tpu.memory_space<hbm>> -> memref<1x1x1024xf32, #tpu.memory_space<hbm>>
              %dma_start3A_715 = tpu.memref_squeeze %dma_start3A_714 : memref<1x1x1024xf32, #tpu.memory_space<hbm>> -> memref<1x1024xf32, #tpu.memory_space<hbm>>
              tpu.enqueue_dma source(%arg6 : memref<1x1024xf32, #tpu.memory_space<vmem>>) target(%dma_start3A_715 : memref<1x1024xf32, #tpu.memory_space<hbm>>) target_semaphore(%run_scoped3A_709 : memref<!tpu.dma_semaphore, #tpu.memory_space<semaphore_mem>>)
              %dma_wait3A_716 = arith.constant 0 : i32
              %dma_wait3A_717 = tpu.memref_slice %arg4[%run_scoped3A, %add3A_708, %dma_wait3A_716] : memref<4x8192x1024xf32, #tpu.memory_space<hbm>> -> memref<1x1x1024xf32, #tpu.memory_space<hbm>>
              %dma_wait3A_718 = tpu.memref_squeeze %dma_wait3A_717 : memref<1x1x1024xf32, #tpu.memory_space<hbm>> -> memref<1x1024xf32, #tpu.memory_space<hbm>>
              %dma_wait3A_719 = arith.constant 0 : i32
              %dma_wait3A_720 = tpu.memref_slice %arg4[%run_scoped3A, %add3A_708, %dma_wait3A_719] : memref<4x8192x1024xf32, #tpu.memory_space<hbm>> -> memref<1x1x1024xf32, #tpu.memory_space<hbm>>
              %dma_wait3A_721 = tpu.memref_squeeze %dma_wait3A_720 : memref<1x1x1024xf32, #tpu.memory_space<hbm>> -> memref<1x1024xf32, #tpu.memory_space<hbm>>
              tpu.wait_dma2 semaphore(%run_scoped3A_709 : memref<!tpu.dma_semaphore, #tpu.memory_space<semaphore_mem>>) src(%arg6 : memref<1x1024xf32, #tpu.memory_space<vmem>>) dst(%dma_wait3A_721 : memref<1x1024xf32, #tpu.memory_space<hbm>>)
              tpu.yield
            }) : () -> ()
          } else {
          }
          %slice3A_627 = vector.extract_strided_slice %get3A_576 {offsets = [5], sizes = [1], strides = [1]} : vector<16xi32> to vector<1xi32>
          %squeeze3A_628 = vector.extract %slice3A_627[0] : i32 from vector<1xi32>
          %eq3A_629 = arith.constant 0 : i32
          %eq3A_630 = arith.cmpi eq, %squeeze3A_628, %eq3A_629 : i32
          %convert_element_type3A_631 = arith.extui %eq3A_630 : i1 to i32
          %cond3A_632 = arith.constant 0 : i32
          %cond3A_633 = arith.cmpi ne, %convert_element_type3A_631, %cond3A_632 : i32
          scf.if %cond3A_633 {
            %mul3A_704 = arith.constant 16 : i32
            %mul3A_705 = arith.muli %scan3A_571, %mul3A_704 : i32
            %add3A_706 = arith.addi %mul3A_2, %mul3A_705 : i32
            %add3A_707 = arith.constant 5 : i32
            %add3A_708 = arith.addi %add3A_706, %add3A_707 : i32
            %run_scoped3A = arith.constant 2 : i32
            "tpu.region"() ({
              %run_scoped3A_709 = tpu.sem_alloc : memref<!tpu.dma_semaphore, #tpu.memory_space<semaphore_mem>>
              %dma_start3A_710 = arith.constant 0 : i32
              %dma_start3A_711 = tpu.memref_slice %arg4[%run_scoped3A, %add3A_708, %dma_start3A_710] : memref<4x8192x1024xf32, #tpu.memory_space<hbm>> -> memref<1x1x1024xf32, #tpu.memory_space<hbm>>
              %dma_start3A_712 = tpu.memref_squeeze %dma_start3A_711 : memref<1x1x1024xf32, #tpu.memory_space<hbm>> -> memref<1x1024xf32, #tpu.memory_space<hbm>>
              %dma_start3A_713 = arith.constant 0 : i32
              %dma_start3A_714 = tpu.memref_slice %arg4[%run_scoped3A, %add3A_708, %dma_start3A_713] : memref<4x8192x1024xf32, #tpu.memory_space<hbm>> -> memref<1x1x1024xf32, #tpu.memory_space<hbm>>
              %dma_start3A_715 = tpu.memref_squeeze %dma_start3A_714 : memref<1x1x1024xf32, #tpu.memory_space<hbm>> -> memref<1x1024xf32, #tpu.memory_space<hbm>>
              tpu.enqueue_dma source(%arg6 : memref<1x1024xf32, #tpu.memory_space<vmem>>) target(%dma_start3A_715 : memref<1x1024xf32, #tpu.memory_space<hbm>>) target_semaphore(%run_scoped3A_709 : memref<!tpu.dma_semaphore, #tpu.memory_space<semaphore_mem>>)
              %dma_wait3A_716 = arith.constant 0 : i32
              %dma_wait3A_717 = tpu.memref_slice %arg4[%run_scoped3A, %add3A_708, %dma_wait3A_716] : memref<4x8192x1024xf32, #tpu.memory_space<hbm>> -> memref<1x1x1024xf32, #tpu.memory_space<hbm>>
              %dma_wait3A_718 = tpu.memref_squeeze %dma_wait3A_717 : memref<1x1x1024xf32, #tpu.memory_space<hbm>> -> memref<1x1024xf32, #tpu.memory_space<hbm>>
              %dma_wait3A_719 = arith.constant 0 : i32
              %dma_wait3A_720 = tpu.memref_slice %arg4[%run_scoped3A, %add3A_708, %dma_wait3A_719] : memref<4x8192x1024xf32, #tpu.memory_space<hbm>> -> memref<1x1x1024xf32, #tpu.memory_space<hbm>>
              %dma_wait3A_721 = tpu.memref_squeeze %dma_wait3A_720 : memref<1x1x1024xf32, #tpu.memory_space<hbm>> -> memref<1x1024xf32, #tpu.memory_space<hbm>>
              tpu.wait_dma2 semaphore(%run_scoped3A_709 : memref<!tpu.dma_semaphore, #tpu.memory_space<semaphore_mem>>) src(%arg6 : memref<1x1024xf32, #tpu.memory_space<vmem>>) dst(%dma_wait3A_721 : memref<1x1024xf32, #tpu.memory_space<hbm>>)
              tpu.yield
            }) : () -> ()
          } else {
          }
          %slice3A_634 = vector.extract_strided_slice %get3A_576 {offsets = [6], sizes = [1], strides = [1]} : vector<16xi32> to vector<1xi32>
          %squeeze3A_635 = vector.extract %slice3A_634[0] : i32 from vector<1xi32>
          %eq3A_636 = arith.constant 0 : i32
          %eq3A_637 = arith.cmpi eq, %squeeze3A_635, %eq3A_636 : i32
          %convert_element_type3A_638 = arith.extui %eq3A_637 : i1 to i32
          %cond3A_639 = arith.constant 0 : i32
          %cond3A_640 = arith.cmpi ne, %convert_element_type3A_638, %cond3A_639 : i32
          scf.if %cond3A_640 {
            %mul3A_704 = arith.constant 16 : i32
            %mul3A_705 = arith.muli %scan3A_571, %mul3A_704 : i32
            %add3A_706 = arith.addi %mul3A_2, %mul3A_705 : i32
            %add3A_707 = arith.constant 6 : i32
            %add3A_708 = arith.addi %add3A_706, %add3A_707 : i32
            %run_scoped3A = arith.constant 2 : i32
            "tpu.region"() ({
              %run_scoped3A_709 = tpu.sem_alloc : memref<!tpu.dma_semaphore, #tpu.memory_space<semaphore_mem>>
              %dma_start3A_710 = arith.constant 0 : i32
              %dma_start3A_711 = tpu.memref_slice %arg4[%run_scoped3A, %add3A_708, %dma_start3A_710] : memref<4x8192x1024xf32, #tpu.memory_space<hbm>> -> memref<1x1x1024xf32, #tpu.memory_space<hbm>>
              %dma_start3A_712 = tpu.memref_squeeze %dma_start3A_711 : memref<1x1x1024xf32, #tpu.memory_space<hbm>> -> memref<1x1024xf32, #tpu.memory_space<hbm>>
              %dma_start3A_713 = arith.constant 0 : i32
              %dma_start3A_714 = tpu.memref_slice %arg4[%run_scoped3A, %add3A_708, %dma_start3A_713] : memref<4x8192x1024xf32, #tpu.memory_space<hbm>> -> memref<1x1x1024xf32, #tpu.memory_space<hbm>>
              %dma_start3A_715 = tpu.memref_squeeze %dma_start3A_714 : memref<1x1x1024xf32, #tpu.memory_space<hbm>> -> memref<1x1024xf32, #tpu.memory_space<hbm>>
              tpu.enqueue_dma source(%arg6 : memref<1x1024xf32, #tpu.memory_space<vmem>>) target(%dma_start3A_715 : memref<1x1024xf32, #tpu.memory_space<hbm>>) target_semaphore(%run_scoped3A_709 : memref<!tpu.dma_semaphore, #tpu.memory_space<semaphore_mem>>)
              %dma_wait3A_716 = arith.constant 0 : i32
              %dma_wait3A_717 = tpu.memref_slice %arg4[%run_scoped3A, %add3A_708, %dma_wait3A_716] : memref<4x8192x1024xf32, #tpu.memory_space<hbm>> -> memref<1x1x1024xf32, #tpu.memory_space<hbm>>
              %dma_wait3A_718 = tpu.memref_squeeze %dma_wait3A_717 : memref<1x1x1024xf32, #tpu.memory_space<hbm>> -> memref<1x1024xf32, #tpu.memory_space<hbm>>
              %dma_wait3A_719 = arith.constant 0 : i32
              %dma_wait3A_720 = tpu.memref_slice %arg4[%run_scoped3A, %add3A_708, %dma_wait3A_719] : memref<4x8192x1024xf32, #tpu.memory_space<hbm>> -> memref<1x1x1024xf32, #tpu.memory_space<hbm>>
              %dma_wait3A_721 = tpu.memref_squeeze %dma_wait3A_720 : memref<1x1x1024xf32, #tpu.memory_space<hbm>> -> memref<1x1024xf32, #tpu.memory_space<hbm>>
              tpu.wait_dma2 semaphore(%run_scoped3A_709 : memref<!tpu.dma_semaphore, #tpu.memory_space<semaphore_mem>>) src(%arg6 : memref<1x1024xf32, #tpu.memory_space<vmem>>) dst(%dma_wait3A_721 : memref<1x1024xf32, #tpu.memory_space<hbm>>)
              tpu.yield
            }) : () -> ()
          } else {
          }
          %slice3A_641 = vector.extract_strided_slice %get3A_576 {offsets = [7], sizes = [1], strides = [1]} : vector<16xi32> to vector<1xi32>
          %squeeze3A_642 = vector.extract %slice3A_641[0] : i32 from vector<1xi32>
          %eq3A_643 = arith.constant 0 : i32
          %eq3A_644 = arith.cmpi eq, %squeeze3A_642, %eq3A_643 : i32
          %convert_element_type3A_645 = arith.extui %eq3A_644 : i1 to i32
          %cond3A_646 = arith.constant 0 : i32
          %cond3A_647 = arith.cmpi ne, %convert_element_type3A_645, %cond3A_646 : i32
          scf.if %cond3A_647 {
            %mul3A_704 = arith.constant 16 : i32
            %mul3A_705 = arith.muli %scan3A_571, %mul3A_704 : i32
            %add3A_706 = arith.addi %mul3A_2, %mul3A_705 : i32
            %add3A_707 = arith.constant 7 : i32
            %add3A_708 = arith.addi %add3A_706, %add3A_707 : i32
            %run_scoped3A = arith.constant 2 : i32
            "tpu.region"() ({
              %run_scoped3A_709 = tpu.sem_alloc : memref<!tpu.dma_semaphore, #tpu.memory_space<semaphore_mem>>
              %dma_start3A_710 = arith.constant 0 : i32
              %dma_start3A_711 = tpu.memref_slice %arg4[%run_scoped3A, %add3A_708, %dma_start3A_710] : memref<4x8192x1024xf32, #tpu.memory_space<hbm>> -> memref<1x1x1024xf32, #tpu.memory_space<hbm>>
              %dma_start3A_712 = tpu.memref_squeeze %dma_start3A_711 : memref<1x1x1024xf32, #tpu.memory_space<hbm>> -> memref<1x1024xf32, #tpu.memory_space<hbm>>
              %dma_start3A_713 = arith.constant 0 : i32
              %dma_start3A_714 = tpu.memref_slice %arg4[%run_scoped3A, %add3A_708, %dma_start3A_713] : memref<4x8192x1024xf32, #tpu.memory_space<hbm>> -> memref<1x1x1024xf32, #tpu.memory_space<hbm>>
              %dma_start3A_715 = tpu.memref_squeeze %dma_start3A_714 : memref<1x1x1024xf32, #tpu.memory_space<hbm>> -> memref<1x1024xf32, #tpu.memory_space<hbm>>
              tpu.enqueue_dma source(%arg6 : memref<1x1024xf32, #tpu.memory_space<vmem>>) target(%dma_start3A_715 : memref<1x1024xf32, #tpu.memory_space<hbm>>) target_semaphore(%run_scoped3A_709 : memref<!tpu.dma_semaphore, #tpu.memory_space<semaphore_mem>>)
              %dma_wait3A_716 = arith.constant 0 : i32
              %dma_wait3A_717 = tpu.memref_slice %arg4[%run_scoped3A, %add3A_708, %dma_wait3A_716] : memref<4x8192x1024xf32, #tpu.memory_space<hbm>> -> memref<1x1x1024xf32, #tpu.memory_space<hbm>>
              %dma_wait3A_718 = tpu.memref_squeeze %dma_wait3A_717 : memref<1x1x1024xf32, #tpu.memory_space<hbm>> -> memref<1x1024xf32, #tpu.memory_space<hbm>>
              %dma_wait3A_719 = arith.constant 0 : i32
              %dma_wait3A_720 = tpu.memref_slice %arg4[%run_scoped3A, %add3A_708, %dma_wait3A_719] : memref<4x8192x1024xf32, #tpu.memory_space<hbm>> -> memref<1x1x1024xf32, #tpu.memory_space<hbm>>
              %dma_wait3A_721 = tpu.memref_squeeze %dma_wait3A_720 : memref<1x1x1024xf32, #tpu.memory_space<hbm>> -> memref<1x1024xf32, #tpu.memory_space<hbm>>
              tpu.wait_dma2 semaphore(%run_scoped3A_709 : memref<!tpu.dma_semaphore, #tpu.memory_space<semaphore_mem>>) src(%arg6 : memref<1x1024xf32, #tpu.memory_space<vmem>>) dst(%dma_wait3A_721 : memref<1x1024xf32, #tpu.memory_space<hbm>>)
              tpu.yield
            }) : () -> ()
          } else {
          }
          %slice3A_648 = vector.extract_strided_slice %get3A_576 {offsets = [8], sizes = [1], strides = [1]} : vector<16xi32> to vector<1xi32>
          %squeeze3A_649 = vector.extract %slice3A_648[0] : i32 from vector<1xi32>
          %eq3A_650 = arith.constant 0 : i32
          %eq3A_651 = arith.cmpi eq, %squeeze3A_649, %eq3A_650 : i32
          %convert_element_type3A_652 = arith.extui %eq3A_651 : i1 to i32
          %cond3A_653 = arith.constant 0 : i32
          %cond3A_654 = arith.cmpi ne, %convert_element_type3A_652, %cond3A_653 : i32
          scf.if %cond3A_654 {
            %mul3A_704 = arith.constant 16 : i32
            %mul3A_705 = arith.muli %scan3A_571, %mul3A_704 : i32
            %add3A_706 = arith.addi %mul3A_2, %mul3A_705 : i32
            %add3A_707 = arith.constant 8 : i32
            %add3A_708 = arith.addi %add3A_706, %add3A_707 : i32
            %run_scoped3A = arith.constant 2 : i32
            "tpu.region"() ({
              %run_scoped3A_709 = tpu.sem_alloc : memref<!tpu.dma_semaphore, #tpu.memory_space<semaphore_mem>>
              %dma_start3A_710 = arith.constant 0 : i32
              %dma_start3A_711 = tpu.memref_slice %arg4[%run_scoped3A, %add3A_708, %dma_start3A_710] : memref<4x8192x1024xf32, #tpu.memory_space<hbm>> -> memref<1x1x1024xf32, #tpu.memory_space<hbm>>
              %dma_start3A_712 = tpu.memref_squeeze %dma_start3A_711 : memref<1x1x1024xf32, #tpu.memory_space<hbm>> -> memref<1x1024xf32, #tpu.memory_space<hbm>>
              %dma_start3A_713 = arith.constant 0 : i32
              %dma_start3A_714 = tpu.memref_slice %arg4[%run_scoped3A, %add3A_708, %dma_start3A_713] : memref<4x8192x1024xf32, #tpu.memory_space<hbm>> -> memref<1x1x1024xf32, #tpu.memory_space<hbm>>
              %dma_start3A_715 = tpu.memref_squeeze %dma_start3A_714 : memref<1x1x1024xf32, #tpu.memory_space<hbm>> -> memref<1x1024xf32, #tpu.memory_space<hbm>>
              tpu.enqueue_dma source(%arg6 : memref<1x1024xf32, #tpu.memory_space<vmem>>) target(%dma_start3A_715 : memref<1x1024xf32, #tpu.memory_space<hbm>>) target_semaphore(%run_scoped3A_709 : memref<!tpu.dma_semaphore, #tpu.memory_space<semaphore_mem>>)
              %dma_wait3A_716 = arith.constant 0 : i32
              %dma_wait3A_717 = tpu.memref_slice %arg4[%run_scoped3A, %add3A_708, %dma_wait3A_716] : memref<4x8192x1024xf32, #tpu.memory_space<hbm>> -> memref<1x1x1024xf32, #tpu.memory_space<hbm>>
              %dma_wait3A_718 = tpu.memref_squeeze %dma_wait3A_717 : memref<1x1x1024xf32, #tpu.memory_space<hbm>> -> memref<1x1024xf32, #tpu.memory_space<hbm>>
              %dma_wait3A_719 = arith.constant 0 : i32
              %dma_wait3A_720 = tpu.memref_slice %arg4[%run_scoped3A, %add3A_708, %dma_wait3A_719] : memref<4x8192x1024xf32, #tpu.memory_space<hbm>> -> memref<1x1x1024xf32, #tpu.memory_space<hbm>>
              %dma_wait3A_721 = tpu.memref_squeeze %dma_wait3A_720 : memref<1x1x1024xf32, #tpu.memory_space<hbm>> -> memref<1x1024xf32, #tpu.memory_space<hbm>>
              tpu.wait_dma2 semaphore(%run_scoped3A_709 : memref<!tpu.dma_semaphore, #tpu.memory_space<semaphore_mem>>) src(%arg6 : memref<1x1024xf32, #tpu.memory_space<vmem>>) dst(%dma_wait3A_721 : memref<1x1024xf32, #tpu.memory_space<hbm>>)
              tpu.yield
            }) : () -> ()
          } else {
          }
          %slice3A_655 = vector.extract_strided_slice %get3A_576 {offsets = [9], sizes = [1], strides = [1]} : vector<16xi32> to vector<1xi32>
          %squeeze3A_656 = vector.extract %slice3A_655[0] : i32 from vector<1xi32>
          %eq3A_657 = arith.constant 0 : i32
          %eq3A_658 = arith.cmpi eq, %squeeze3A_656, %eq3A_657 : i32
          %convert_element_type3A_659 = arith.extui %eq3A_658 : i1 to i32
          %cond3A_660 = arith.constant 0 : i32
          %cond3A_661 = arith.cmpi ne, %convert_element_type3A_659, %cond3A_660 : i32
          scf.if %cond3A_661 {
            %mul3A_704 = arith.constant 16 : i32
            %mul3A_705 = arith.muli %scan3A_571, %mul3A_704 : i32
            %add3A_706 = arith.addi %mul3A_2, %mul3A_705 : i32
            %add3A_707 = arith.constant 9 : i32
            %add3A_708 = arith.addi %add3A_706, %add3A_707 : i32
            %run_scoped3A = arith.constant 2 : i32
            "tpu.region"() ({
              %run_scoped3A_709 = tpu.sem_alloc : memref<!tpu.dma_semaphore, #tpu.memory_space<semaphore_mem>>
              %dma_start3A_710 = arith.constant 0 : i32
              %dma_start3A_711 = tpu.memref_slice %arg4[%run_scoped3A, %add3A_708, %dma_start3A_710] : memref<4x8192x1024xf32, #tpu.memory_space<hbm>> -> memref<1x1x1024xf32, #tpu.memory_space<hbm>>
              %dma_start3A_712 = tpu.memref_squeeze %dma_start3A_711 : memref<1x1x1024xf32, #tpu.memory_space<hbm>> -> memref<1x1024xf32, #tpu.memory_space<hbm>>
              %dma_start3A_713 = arith.constant 0 : i32
              %dma_start3A_714 = tpu.memref_slice %arg4[%run_scoped3A, %add3A_708, %dma_start3A_713] : memref<4x8192x1024xf32, #tpu.memory_space<hbm>> -> memref<1x1x1024xf32, #tpu.memory_space<hbm>>
              %dma_start3A_715 = tpu.memref_squeeze %dma_start3A_714 : memref<1x1x1024xf32, #tpu.memory_space<hbm>> -> memref<1x1024xf32, #tpu.memory_space<hbm>>
              tpu.enqueue_dma source(%arg6 : memref<1x1024xf32, #tpu.memory_space<vmem>>) target(%dma_start3A_715 : memref<1x1024xf32, #tpu.memory_space<hbm>>) target_semaphore(%run_scoped3A_709 : memref<!tpu.dma_semaphore, #tpu.memory_space<semaphore_mem>>)
              %dma_wait3A_716 = arith.constant 0 : i32
              %dma_wait3A_717 = tpu.memref_slice %arg4[%run_scoped3A, %add3A_708, %dma_wait3A_716] : memref<4x8192x1024xf32, #tpu.memory_space<hbm>> -> memref<1x1x1024xf32, #tpu.memory_space<hbm>>
              %dma_wait3A_718 = tpu.memref_squeeze %dma_wait3A_717 : memref<1x1x1024xf32, #tpu.memory_space<hbm>> -> memref<1x1024xf32, #tpu.memory_space<hbm>>
              %dma_wait3A_719 = arith.constant 0 : i32
              %dma_wait3A_720 = tpu.memref_slice %arg4[%run_scoped3A, %add3A_708, %dma_wait3A_719] : memref<4x8192x1024xf32, #tpu.memory_space<hbm>> -> memref<1x1x1024xf32, #tpu.memory_space<hbm>>
              %dma_wait3A_721 = tpu.memref_squeeze %dma_wait3A_720 : memref<1x1x1024xf32, #tpu.memory_space<hbm>> -> memref<1x1024xf32, #tpu.memory_space<hbm>>
              tpu.wait_dma2 semaphore(%run_scoped3A_709 : memref<!tpu.dma_semaphore, #tpu.memory_space<semaphore_mem>>) src(%arg6 : memref<1x1024xf32, #tpu.memory_space<vmem>>) dst(%dma_wait3A_721 : memref<1x1024xf32, #tpu.memory_space<hbm>>)
              tpu.yield
            }) : () -> ()
          } else {
          }
          %slice3A_662 = vector.extract_strided_slice %get3A_576 {offsets = [10], sizes = [1], strides = [1]} : vector<16xi32> to vector<1xi32>
          %squeeze3A_663 = vector.extract %slice3A_662[0] : i32 from vector<1xi32>
          %eq3A_664 = arith.constant 0 : i32
          %eq3A_665 = arith.cmpi eq, %squeeze3A_663, %eq3A_664 : i32
          %convert_element_type3A_666 = arith.extui %eq3A_665 : i1 to i32
          %cond3A_667 = arith.constant 0 : i32
          %cond3A_668 = arith.cmpi ne, %convert_element_type3A_666, %cond3A_667 : i32
          scf.if %cond3A_668 {
            %mul3A_704 = arith.constant 16 : i32
            %mul3A_705 = arith.muli %scan3A_571, %mul3A_704 : i32
            %add3A_706 = arith.addi %mul3A_2, %mul3A_705 : i32
            %add3A_707 = arith.constant 10 : i32
            %add3A_708 = arith.addi %add3A_706, %add3A_707 : i32
            %run_scoped3A = arith.constant 2 : i32
            "tpu.region"() ({
              %run_scoped3A_709 = tpu.sem_alloc : memref<!tpu.dma_semaphore, #tpu.memory_space<semaphore_mem>>
              %dma_start3A_710 = arith.constant 0 : i32
              %dma_start3A_711 = tpu.memref_slice %arg4[%run_scoped3A, %add3A_708, %dma_start3A_710] : memref<4x8192x1024xf32, #tpu.memory_space<hbm>> -> memref<1x1x1024xf32, #tpu.memory_space<hbm>>
              %dma_start3A_712 = tpu.memref_squeeze %dma_start3A_711 : memref<1x1x1024xf32, #tpu.memory_space<hbm>> -> memref<1x1024xf32, #tpu.memory_space<hbm>>
              %dma_start3A_713 = arith.constant 0 : i32
              %dma_start3A_714 = tpu.memref_slice %arg4[%run_scoped3A, %add3A_708, %dma_start3A_713] : memref<4x8192x1024xf32, #tpu.memory_space<hbm>> -> memref<1x1x1024xf32, #tpu.memory_space<hbm>>
              %dma_start3A_715 = tpu.memref_squeeze %dma_start3A_714 : memref<1x1x1024xf32, #tpu.memory_space<hbm>> -> memref<1x1024xf32, #tpu.memory_space<hbm>>
              tpu.enqueue_dma source(%arg6 : memref<1x1024xf32, #tpu.memory_space<vmem>>) target(%dma_start3A_715 : memref<1x1024xf32, #tpu.memory_space<hbm>>) target_semaphore(%run_scoped3A_709 : memref<!tpu.dma_semaphore, #tpu.memory_space<semaphore_mem>>)
              %dma_wait3A_716 = arith.constant 0 : i32
              %dma_wait3A_717 = tpu.memref_slice %arg4[%run_scoped3A, %add3A_708, %dma_wait3A_716] : memref<4x8192x1024xf32, #tpu.memory_space<hbm>> -> memref<1x1x1024xf32, #tpu.memory_space<hbm>>
              %dma_wait3A_718 = tpu.memref_squeeze %dma_wait3A_717 : memref<1x1x1024xf32, #tpu.memory_space<hbm>> -> memref<1x1024xf32, #tpu.memory_space<hbm>>
              %dma_wait3A_719 = arith.constant 0 : i32
              %dma_wait3A_720 = tpu.memref_slice %arg4[%run_scoped3A, %add3A_708, %dma_wait3A_719] : memref<4x8192x1024xf32, #tpu.memory_space<hbm>> -> memref<1x1x1024xf32, #tpu.memory_space<hbm>>
              %dma_wait3A_721 = tpu.memref_squeeze %dma_wait3A_720 : memref<1x1x1024xf32, #tpu.memory_space<hbm>> -> memref<1x1024xf32, #tpu.memory_space<hbm>>
              tpu.wait_dma2 semaphore(%run_scoped3A_709 : memref<!tpu.dma_semaphore, #tpu.memory_space<semaphore_mem>>) src(%arg6 : memref<1x1024xf32, #tpu.memory_space<vmem>>) dst(%dma_wait3A_721 : memref<1x1024xf32, #tpu.memory_space<hbm>>)
              tpu.yield
            }) : () -> ()
          } else {
          }
          %slice3A_669 = vector.extract_strided_slice %get3A_576 {offsets = [11], sizes = [1], strides = [1]} : vector<16xi32> to vector<1xi32>
          %squeeze3A_670 = vector.extract %slice3A_669[0] : i32 from vector<1xi32>
          %eq3A_671 = arith.constant 0 : i32
          %eq3A_672 = arith.cmpi eq, %squeeze3A_670, %eq3A_671 : i32
          %convert_element_type3A_673 = arith.extui %eq3A_672 : i1 to i32
          %cond3A_674 = arith.constant 0 : i32
          %cond3A_675 = arith.cmpi ne, %convert_element_type3A_673, %cond3A_674 : i32
          scf.if %cond3A_675 {
            %mul3A_704 = arith.constant 16 : i32
            %mul3A_705 = arith.muli %scan3A_571, %mul3A_704 : i32
            %add3A_706 = arith.addi %mul3A_2, %mul3A_705 : i32
            %add3A_707 = arith.constant 11 : i32
            %add3A_708 = arith.addi %add3A_706, %add3A_707 : i32
            %run_scoped3A = arith.constant 2 : i32
            "tpu.region"() ({
              %run_scoped3A_709 = tpu.sem_alloc : memref<!tpu.dma_semaphore, #tpu.memory_space<semaphore_mem>>
              %dma_start3A_710 = arith.constant 0 : i32
              %dma_start3A_711 = tpu.memref_slice %arg4[%run_scoped3A, %add3A_708, %dma_start3A_710] : memref<4x8192x1024xf32, #tpu.memory_space<hbm>> -> memref<1x1x1024xf32, #tpu.memory_space<hbm>>
              %dma_start3A_712 = tpu.memref_squeeze %dma_start3A_711 : memref<1x1x1024xf32, #tpu.memory_space<hbm>> -> memref<1x1024xf32, #tpu.memory_space<hbm>>
              %dma_start3A_713 = arith.constant 0 : i32
              %dma_start3A_714 = tpu.memref_slice %arg4[%run_scoped3A, %add3A_708, %dma_start3A_713] : memref<4x8192x1024xf32, #tpu.memory_space<hbm>> -> memref<1x1x1024xf32, #tpu.memory_space<hbm>>
              %dma_start3A_715 = tpu.memref_squeeze %dma_start3A_714 : memref<1x1x1024xf32, #tpu.memory_space<hbm>> -> memref<1x1024xf32, #tpu.memory_space<hbm>>
              tpu.enqueue_dma source(%arg6 : memref<1x1024xf32, #tpu.memory_space<vmem>>) target(%dma_start3A_715 : memref<1x1024xf32, #tpu.memory_space<hbm>>) target_semaphore(%run_scoped3A_709 : memref<!tpu.dma_semaphore, #tpu.memory_space<semaphore_mem>>)
              %dma_wait3A_716 = arith.constant 0 : i32
              %dma_wait3A_717 = tpu.memref_slice %arg4[%run_scoped3A, %add3A_708, %dma_wait3A_716] : memref<4x8192x1024xf32, #tpu.memory_space<hbm>> -> memref<1x1x1024xf32, #tpu.memory_space<hbm>>
              %dma_wait3A_718 = tpu.memref_squeeze %dma_wait3A_717 : memref<1x1x1024xf32, #tpu.memory_space<hbm>> -> memref<1x1024xf32, #tpu.memory_space<hbm>>
              %dma_wait3A_719 = arith.constant 0 : i32
              %dma_wait3A_720 = tpu.memref_slice %arg4[%run_scoped3A, %add3A_708, %dma_wait3A_719] : memref<4x8192x1024xf32, #tpu.memory_space<hbm>> -> memref<1x1x1024xf32, #tpu.memory_space<hbm>>
              %dma_wait3A_721 = tpu.memref_squeeze %dma_wait3A_720 : memref<1x1x1024xf32, #tpu.memory_space<hbm>> -> memref<1x1024xf32, #tpu.memory_space<hbm>>
              tpu.wait_dma2 semaphore(%run_scoped3A_709 : memref<!tpu.dma_semaphore, #tpu.memory_space<semaphore_mem>>) src(%arg6 : memref<1x1024xf32, #tpu.memory_space<vmem>>) dst(%dma_wait3A_721 : memref<1x1024xf32, #tpu.memory_space<hbm>>)
              tpu.yield
            }) : () -> ()
          } else {
          }
          %slice3A_676 = vector.extract_strided_slice %get3A_576 {offsets = [12], sizes = [1], strides = [1]} : vector<16xi32> to vector<1xi32>
          %squeeze3A_677 = vector.extract %slice3A_676[0] : i32 from vector<1xi32>
          %eq3A_678 = arith.constant 0 : i32
          %eq3A_679 = arith.cmpi eq, %squeeze3A_677, %eq3A_678 : i32
          %convert_element_type3A_680 = arith.extui %eq3A_679 : i1 to i32
          %cond3A_681 = arith.constant 0 : i32
          %cond3A_682 = arith.cmpi ne, %convert_element_type3A_680, %cond3A_681 : i32
          scf.if %cond3A_682 {
            %mul3A_704 = arith.constant 16 : i32
            %mul3A_705 = arith.muli %scan3A_571, %mul3A_704 : i32
            %add3A_706 = arith.addi %mul3A_2, %mul3A_705 : i32
            %add3A_707 = arith.constant 12 : i32
            %add3A_708 = arith.addi %add3A_706, %add3A_707 : i32
            %run_scoped3A = arith.constant 2 : i32
            "tpu.region"() ({
              %run_scoped3A_709 = tpu.sem_alloc : memref<!tpu.dma_semaphore, #tpu.memory_space<semaphore_mem>>
              %dma_start3A_710 = arith.constant 0 : i32
              %dma_start3A_711 = tpu.memref_slice %arg4[%run_scoped3A, %add3A_708, %dma_start3A_710] : memref<4x8192x1024xf32, #tpu.memory_space<hbm>> -> memref<1x1x1024xf32, #tpu.memory_space<hbm>>
              %dma_start3A_712 = tpu.memref_squeeze %dma_start3A_711 : memref<1x1x1024xf32, #tpu.memory_space<hbm>> -> memref<1x1024xf32, #tpu.memory_space<hbm>>
              %dma_start3A_713 = arith.constant 0 : i32
              %dma_start3A_714 = tpu.memref_slice %arg4[%run_scoped3A, %add3A_708, %dma_start3A_713] : memref<4x8192x1024xf32, #tpu.memory_space<hbm>> -> memref<1x1x1024xf32, #tpu.memory_space<hbm>>
              %dma_start3A_715 = tpu.memref_squeeze %dma_start3A_714 : memref<1x1x1024xf32, #tpu.memory_space<hbm>> -> memref<1x1024xf32, #tpu.memory_space<hbm>>
              tpu.enqueue_dma source(%arg6 : memref<1x1024xf32, #tpu.memory_space<vmem>>) target(%dma_start3A_715 : memref<1x1024xf32, #tpu.memory_space<hbm>>) target_semaphore(%run_scoped3A_709 : memref<!tpu.dma_semaphore, #tpu.memory_space<semaphore_mem>>)
              %dma_wait3A_716 = arith.constant 0 : i32
              %dma_wait3A_717 = tpu.memref_slice %arg4[%run_scoped3A, %add3A_708, %dma_wait3A_716] : memref<4x8192x1024xf32, #tpu.memory_space<hbm>> -> memref<1x1x1024xf32, #tpu.memory_space<hbm>>
              %dma_wait3A_718 = tpu.memref_squeeze %dma_wait3A_717 : memref<1x1x1024xf32, #tpu.memory_space<hbm>> -> memref<1x1024xf32, #tpu.memory_space<hbm>>
              %dma_wait3A_719 = arith.constant 0 : i32
              %dma_wait3A_720 = tpu.memref_slice %arg4[%run_scoped3A, %add3A_708, %dma_wait3A_719] : memref<4x8192x1024xf32, #tpu.memory_space<hbm>> -> memref<1x1x1024xf32, #tpu.memory_space<hbm>>
              %dma_wait3A_721 = tpu.memref_squeeze %dma_wait3A_720 : memref<1x1x1024xf32, #tpu.memory_space<hbm>> -> memref<1x1024xf32, #tpu.memory_space<hbm>>
              tpu.wait_dma2 semaphore(%run_scoped3A_709 : memref<!tpu.dma_semaphore, #tpu.memory_space<semaphore_mem>>) src(%arg6 : memref<1x1024xf32, #tpu.memory_space<vmem>>) dst(%dma_wait3A_721 : memref<1x1024xf32, #tpu.memory_space<hbm>>)
              tpu.yield
            }) : () -> ()
          } else {
          }
          %slice3A_683 = vector.extract_strided_slice %get3A_576 {offsets = [13], sizes = [1], strides = [1]} : vector<16xi32> to vector<1xi32>
          %squeeze3A_684 = vector.extract %slice3A_683[0] : i32 from vector<1xi32>
          %eq3A_685 = arith.constant 0 : i32
          %eq3A_686 = arith.cmpi eq, %squeeze3A_684, %eq3A_685 : i32
          %convert_element_type3A_687 = arith.extui %eq3A_686 : i1 to i32
          %cond3A_688 = arith.constant 0 : i32
          %cond3A_689 = arith.cmpi ne, %convert_element_type3A_687, %cond3A_688 : i32
          scf.if %cond3A_689 {
            %mul3A_704 = arith.constant 16 : i32
            %mul3A_705 = arith.muli %scan3A_571, %mul3A_704 : i32
            %add3A_706 = arith.addi %mul3A_2, %mul3A_705 : i32
            %add3A_707 = arith.constant 13 : i32
            %add3A_708 = arith.addi %add3A_706, %add3A_707 : i32
            %run_scoped3A = arith.constant 2 : i32
            "tpu.region"() ({
              %run_scoped3A_709 = tpu.sem_alloc : memref<!tpu.dma_semaphore, #tpu.memory_space<semaphore_mem>>
              %dma_start3A_710 = arith.constant 0 : i32
              %dma_start3A_711 = tpu.memref_slice %arg4[%run_scoped3A, %add3A_708, %dma_start3A_710] : memref<4x8192x1024xf32, #tpu.memory_space<hbm>> -> memref<1x1x1024xf32, #tpu.memory_space<hbm>>
              %dma_start3A_712 = tpu.memref_squeeze %dma_start3A_711 : memref<1x1x1024xf32, #tpu.memory_space<hbm>> -> memref<1x1024xf32, #tpu.memory_space<hbm>>
              %dma_start3A_713 = arith.constant 0 : i32
              %dma_start3A_714 = tpu.memref_slice %arg4[%run_scoped3A, %add3A_708, %dma_start3A_713] : memref<4x8192x1024xf32, #tpu.memory_space<hbm>> -> memref<1x1x1024xf32, #tpu.memory_space<hbm>>
              %dma_start3A_715 = tpu.memref_squeeze %dma_start3A_714 : memref<1x1x1024xf32, #tpu.memory_space<hbm>> -> memref<1x1024xf32, #tpu.memory_space<hbm>>
              tpu.enqueue_dma source(%arg6 : memref<1x1024xf32, #tpu.memory_space<vmem>>) target(%dma_start3A_715 : memref<1x1024xf32, #tpu.memory_space<hbm>>) target_semaphore(%run_scoped3A_709 : memref<!tpu.dma_semaphore, #tpu.memory_space<semaphore_mem>>)
              %dma_wait3A_716 = arith.constant 0 : i32
              %dma_wait3A_717 = tpu.memref_slice %arg4[%run_scoped3A, %add3A_708, %dma_wait3A_716] : memref<4x8192x1024xf32, #tpu.memory_space<hbm>> -> memref<1x1x1024xf32, #tpu.memory_space<hbm>>
              %dma_wait3A_718 = tpu.memref_squeeze %dma_wait3A_717 : memref<1x1x1024xf32, #tpu.memory_space<hbm>> -> memref<1x1024xf32, #tpu.memory_space<hbm>>
              %dma_wait3A_719 = arith.constant 0 : i32
              %dma_wait3A_720 = tpu.memref_slice %arg4[%run_scoped3A, %add3A_708, %dma_wait3A_719] : memref<4x8192x1024xf32, #tpu.memory_space<hbm>> -> memref<1x1x1024xf32, #tpu.memory_space<hbm>>
              %dma_wait3A_721 = tpu.memref_squeeze %dma_wait3A_720 : memref<1x1x1024xf32, #tpu.memory_space<hbm>> -> memref<1x1024xf32, #tpu.memory_space<hbm>>
              tpu.wait_dma2 semaphore(%run_scoped3A_709 : memref<!tpu.dma_semaphore, #tpu.memory_space<semaphore_mem>>) src(%arg6 : memref<1x1024xf32, #tpu.memory_space<vmem>>) dst(%dma_wait3A_721 : memref<1x1024xf32, #tpu.memory_space<hbm>>)
              tpu.yield
            }) : () -> ()
          } else {
          }
          %slice3A_690 = vector.extract_strided_slice %get3A_576 {offsets = [14], sizes = [1], strides = [1]} : vector<16xi32> to vector<1xi32>
          %squeeze3A_691 = vector.extract %slice3A_690[0] : i32 from vector<1xi32>
          %eq3A_692 = arith.constant 0 : i32
          %eq3A_693 = arith.cmpi eq, %squeeze3A_691, %eq3A_692 : i32
          %convert_element_type3A_694 = arith.extui %eq3A_693 : i1 to i32
          %cond3A_695 = arith.constant 0 : i32
          %cond3A_696 = arith.cmpi ne, %convert_element_type3A_694, %cond3A_695 : i32
          scf.if %cond3A_696 {
            %mul3A_704 = arith.constant 16 : i32
            %mul3A_705 = arith.muli %scan3A_571, %mul3A_704 : i32
            %add3A_706 = arith.addi %mul3A_2, %mul3A_705 : i32
            %add3A_707 = arith.constant 14 : i32
            %add3A_708 = arith.addi %add3A_706, %add3A_707 : i32
            %run_scoped3A = arith.constant 2 : i32
            "tpu.region"() ({
              %run_scoped3A_709 = tpu.sem_alloc : memref<!tpu.dma_semaphore, #tpu.memory_space<semaphore_mem>>
              %dma_start3A_710 = arith.constant 0 : i32
              %dma_start3A_711 = tpu.memref_slice %arg4[%run_scoped3A, %add3A_708, %dma_start3A_710] : memref<4x8192x1024xf32, #tpu.memory_space<hbm>> -> memref<1x1x1024xf32, #tpu.memory_space<hbm>>
              %dma_start3A_712 = tpu.memref_squeeze %dma_start3A_711 : memref<1x1x1024xf32, #tpu.memory_space<hbm>> -> memref<1x1024xf32, #tpu.memory_space<hbm>>
              %dma_start3A_713 = arith.constant 0 : i32
              %dma_start3A_714 = tpu.memref_slice %arg4[%run_scoped3A, %add3A_708, %dma_start3A_713] : memref<4x8192x1024xf32, #tpu.memory_space<hbm>> -> memref<1x1x1024xf32, #tpu.memory_space<hbm>>
              %dma_start3A_715 = tpu.memref_squeeze %dma_start3A_714 : memref<1x1x1024xf32, #tpu.memory_space<hbm>> -> memref<1x1024xf32, #tpu.memory_space<hbm>>
              tpu.enqueue_dma source(%arg6 : memref<1x1024xf32, #tpu.memory_space<vmem>>) target(%dma_start3A_715 : memref<1x1024xf32, #tpu.memory_space<hbm>>) target_semaphore(%run_scoped3A_709 : memref<!tpu.dma_semaphore, #tpu.memory_space<semaphore_mem>>)
              %dma_wait3A_716 = arith.constant 0 : i32
              %dma_wait3A_717 = tpu.memref_slice %arg4[%run_scoped3A, %add3A_708, %dma_wait3A_716] : memref<4x8192x1024xf32, #tpu.memory_space<hbm>> -> memref<1x1x1024xf32, #tpu.memory_space<hbm>>
              %dma_wait3A_718 = tpu.memref_squeeze %dma_wait3A_717 : memref<1x1x1024xf32, #tpu.memory_space<hbm>> -> memref<1x1024xf32, #tpu.memory_space<hbm>>
              %dma_wait3A_719 = arith.constant 0 : i32
              %dma_wait3A_720 = tpu.memref_slice %arg4[%run_scoped3A, %add3A_708, %dma_wait3A_719] : memref<4x8192x1024xf32, #tpu.memory_space<hbm>> -> memref<1x1x1024xf32, #tpu.memory_space<hbm>>
              %dma_wait3A_721 = tpu.memref_squeeze %dma_wait3A_720 : memref<1x1x1024xf32, #tpu.memory_space<hbm>> -> memref<1x1024xf32, #tpu.memory_space<hbm>>
              tpu.wait_dma2 semaphore(%run_scoped3A_709 : memref<!tpu.dma_semaphore, #tpu.memory_space<semaphore_mem>>) src(%arg6 : memref<1x1024xf32, #tpu.memory_space<vmem>>) dst(%dma_wait3A_721 : memref<1x1024xf32, #tpu.memory_space<hbm>>)
              tpu.yield
            }) : () -> ()
          } else {
          }
          %slice3A_697 = vector.extract_strided_slice %get3A_576 {offsets = [15], sizes = [1], strides = [1]} : vector<16xi32> to vector<1xi32>
          %squeeze3A_698 = vector.extract %slice3A_697[0] : i32 from vector<1xi32>
          %eq3A_699 = arith.constant 0 : i32
          %eq3A_700 = arith.cmpi eq, %squeeze3A_698, %eq3A_699 : i32
          %convert_element_type3A_701 = arith.extui %eq3A_700 : i1 to i32
          %cond3A_702 = arith.constant 0 : i32
          %cond3A_703 = arith.cmpi ne, %convert_element_type3A_701, %cond3A_702 : i32
          scf.if %cond3A_703 {
            %mul3A_704 = arith.constant 16 : i32
            %mul3A_705 = arith.muli %scan3A_571, %mul3A_704 : i32
            %add3A_706 = arith.addi %mul3A_2, %mul3A_705 : i32
            %add3A_707 = arith.constant 15 : i32
            %add3A_708 = arith.addi %add3A_706, %add3A_707 : i32
            %run_scoped3A = arith.constant 2 : i32
            "tpu.region"() ({
              %run_scoped3A_709 = tpu.sem_alloc : memref<!tpu.dma_semaphore, #tpu.memory_space<semaphore_mem>>
              %dma_start3A_710 = arith.constant 0 : i32
              %dma_start3A_711 = tpu.memref_slice %arg4[%run_scoped3A, %add3A_708, %dma_start3A_710] : memref<4x8192x1024xf32, #tpu.memory_space<hbm>> -> memref<1x1x1024xf32, #tpu.memory_space<hbm>>
              %dma_start3A_712 = tpu.memref_squeeze %dma_start3A_711 : memref<1x1x1024xf32, #tpu.memory_space<hbm>> -> memref<1x1024xf32, #tpu.memory_space<hbm>>
              %dma_start3A_713 = arith.constant 0 : i32
              %dma_start3A_714 = tpu.memref_slice %arg4[%run_scoped3A, %add3A_708, %dma_start3A_713] : memref<4x8192x1024xf32, #tpu.memory_space<hbm>> -> memref<1x1x1024xf32, #tpu.memory_space<hbm>>
              %dma_start3A_715 = tpu.memref_squeeze %dma_start3A_714 : memref<1x1x1024xf32, #tpu.memory_space<hbm>> -> memref<1x1024xf32, #tpu.memory_space<hbm>>
              tpu.enqueue_dma source(%arg6 : memref<1x1024xf32, #tpu.memory_space<vmem>>) target(%dma_start3A_715 : memref<1x1024xf32, #tpu.memory_space<hbm>>) target_semaphore(%run_scoped3A_709 : memref<!tpu.dma_semaphore, #tpu.memory_space<semaphore_mem>>)
              %dma_wait3A_716 = arith.constant 0 : i32
              %dma_wait3A_717 = tpu.memref_slice %arg4[%run_scoped3A, %add3A_708, %dma_wait3A_716] : memref<4x8192x1024xf32, #tpu.memory_space<hbm>> -> memref<1x1x1024xf32, #tpu.memory_space<hbm>>
              %dma_wait3A_718 = tpu.memref_squeeze %dma_wait3A_717 : memref<1x1x1024xf32, #tpu.memory_space<hbm>> -> memref<1x1024xf32, #tpu.memory_space<hbm>>
              %dma_wait3A_719 = arith.constant 0 : i32
              %dma_wait3A_720 = tpu.memref_slice %arg4[%run_scoped3A, %add3A_708, %dma_wait3A_719] : memref<4x8192x1024xf32, #tpu.memory_space<hbm>> -> memref<1x1x1024xf32, #tpu.memory_space<hbm>>
              %dma_wait3A_721 = tpu.memref_squeeze %dma_wait3A_720 : memref<1x1x1024xf32, #tpu.memory_space<hbm>> -> memref<1x1024xf32, #tpu.memory_space<hbm>>
              tpu.wait_dma2 semaphore(%run_scoped3A_709 : memref<!tpu.dma_semaphore, #tpu.memory_space<semaphore_mem>>) src(%arg6 : memref<1x1024xf32, #tpu.memory_space<vmem>>) dst(%dma_wait3A_721 : memref<1x1024xf32, #tpu.memory_space<hbm>>)
              tpu.yield
            }) : () -> ()
          } else {
          }
        } else {
        }
      }
      %scan3A_564 = arith.constant 16 : i32
      %scan3A_565 = arith.constant 0 : i32
      %scan3A_566 = arith.constant 0 : i32
      %scan3A_567 = arith.constant 16 : i32
      %scan3A_568 = arith.addi %scan3A_566, %scan3A_567 : i32
      %scan3A_569 = arith.constant 1 : i32
      scf.for %scan3A_571 = %scan3A_566 to %scan3A_568 step %scan3A_569  : i32 {
        %mul3A_572 = arith.constant 16 : i32
        %mul3A_573 = arith.muli %scan3A_571, %mul3A_572 : i32
        %get3A = arith.constant 3 : i32
        %get3A_574 = arith.index_cast %get3A : i32 to index
        %get3A_575 = arith.index_cast %mul3A_573 : i32 to index
        %get3A_576 = tpu.vector_load %arg7[%get3A_574, %get3A_575] {strides = array<i32>} : memref<4x256xi32, #tpu.memory_space<vmem>>, vector<16xi32>,
        %eq3A_577 = arith.constant 0 : i32
        %eq3A_578 = vector.broadcast %eq3A_577 : i32 to vector<16xi32>
        %eq3A_579 = arith.cmpi eq, %get3A_576, %eq3A_578 : vector<16xi32>
        %reduce_or3A_580 = arith.constant 1.000000e+00 : f32
        %reduce_or3A_581 = arith.constant 0.000000e+00 : f32
        %reduce_or3A_582 = vector.broadcast %reduce_or3A_580 : f32 to vector<16xf32>
        %reduce_or3A_583 = vector.broadcast %reduce_or3A_581 : f32 to vector<16xf32>
        %reduce_or3A_584 = arith.select %eq3A_579, %reduce_or3A_582, %reduce_or3A_583 : vector<16xi1>, vector<16xf32>
        %reduce_or3A_585 = arith.constant true
        %reduce_or3A_586 = vector.broadcast %reduce_or3A_585 : i1 to vector<16xi1>
        %reduce_or3A_587 = tpu.scan <max>, %reduce_or3A_584 masked %reduce_or3A_586 : vector<16xf32>, vector<16xi1> -> vector<16xf32>
        %reduce_or3A_588 = vector.extract %reduce_or3A_587[15] : f32 from vector<16xf32>
        %reduce_or3A_589 = arith.constant 0.000000e+00 : f32
        %reduce_or3A_590 = arith.cmpf ogt, %reduce_or3A_588, %reduce_or3A_589 : f32
        %convert_element_type3A_591 = arith.extui %reduce_or3A_590 : i1 to i32
        %cond3A_592 = arith.constant 0 : i32
        %cond3A_593 = arith.cmpi ne, %convert_element_type3A_591, %cond3A_592 : i32
        scf.if %cond3A_593 {
          %slice3A = vector.extract_strided_slice %get3A_576 {offsets = [0], sizes = [1], strides = [1]} : vector<16xi32> to vector<1xi32>
          %squeeze3A = vector.extract %slice3A[0] : i32 from vector<1xi32>
          %eq3A_594 = arith.constant 0 : i32
          %eq3A_595 = arith.cmpi eq, %squeeze3A, %eq3A_594 : i32
          %convert_element_type3A_596 = arith.extui %eq3A_595 : i1 to i32
          %cond3A_597 = arith.constant 0 : i32
          %cond3A_598 = arith.cmpi ne, %convert_element_type3A_596, %cond3A_597 : i32
          scf.if %cond3A_598 {
            %mul3A_704 = arith.constant 16 : i32
            %mul3A_705 = arith.muli %scan3A_571, %mul3A_704 : i32
            %add3A_706 = arith.addi %mul3A_2, %mul3A_705 : i32
            %add3A_707 = arith.constant 0 : i32
            %add3A_708 = arith.addi %add3A_706, %add3A_707 : i32
            %run_scoped3A = arith.constant 3 : i32
            "tpu.region"() ({
              %run_scoped3A_709 = tpu.sem_alloc : memref<!tpu.dma_semaphore, #tpu.memory_space<semaphore_mem>>
              %dma_start3A_710 = arith.constant 0 : i32
              %dma_start3A_711 = tpu.memref_slice %arg4[%run_scoped3A, %add3A_708, %dma_start3A_710] : memref<4x8192x1024xf32, #tpu.memory_space<hbm>> -> memref<1x1x1024xf32, #tpu.memory_space<hbm>>
              %dma_start3A_712 = tpu.memref_squeeze %dma_start3A_711 : memref<1x1x1024xf32, #tpu.memory_space<hbm>> -> memref<1x1024xf32, #tpu.memory_space<hbm>>
              %dma_start3A_713 = arith.constant 0 : i32
              %dma_start3A_714 = tpu.memref_slice %arg4[%run_scoped3A, %add3A_708, %dma_start3A_713] : memref<4x8192x1024xf32, #tpu.memory_space<hbm>> -> memref<1x1x1024xf32, #tpu.memory_space<hbm>>
              %dma_start3A_715 = tpu.memref_squeeze %dma_start3A_714 : memref<1x1x1024xf32, #tpu.memory_space<hbm>> -> memref<1x1024xf32, #tpu.memory_space<hbm>>
              tpu.enqueue_dma source(%arg6 : memref<1x1024xf32, #tpu.memory_space<vmem>>) target(%dma_start3A_715 : memref<1x1024xf32, #tpu.memory_space<hbm>>) target_semaphore(%run_scoped3A_709 : memref<!tpu.dma_semaphore, #tpu.memory_space<semaphore_mem>>)
              %dma_wait3A_716 = arith.constant 0 : i32
              %dma_wait3A_717 = tpu.memref_slice %arg4[%run_scoped3A, %add3A_708, %dma_wait3A_716] : memref<4x8192x1024xf32, #tpu.memory_space<hbm>> -> memref<1x1x1024xf32, #tpu.memory_space<hbm>>
              %dma_wait3A_718 = tpu.memref_squeeze %dma_wait3A_717 : memref<1x1x1024xf32, #tpu.memory_space<hbm>> -> memref<1x1024xf32, #tpu.memory_space<hbm>>
              %dma_wait3A_719 = arith.constant 0 : i32
              %dma_wait3A_720 = tpu.memref_slice %arg4[%run_scoped3A, %add3A_708, %dma_wait3A_719] : memref<4x8192x1024xf32, #tpu.memory_space<hbm>> -> memref<1x1x1024xf32, #tpu.memory_space<hbm>>
              %dma_wait3A_721 = tpu.memref_squeeze %dma_wait3A_720 : memref<1x1x1024xf32, #tpu.memory_space<hbm>> -> memref<1x1024xf32, #tpu.memory_space<hbm>>
              tpu.wait_dma2 semaphore(%run_scoped3A_709 : memref<!tpu.dma_semaphore, #tpu.memory_space<semaphore_mem>>) src(%arg6 : memref<1x1024xf32, #tpu.memory_space<vmem>>) dst(%dma_wait3A_721 : memref<1x1024xf32, #tpu.memory_space<hbm>>)
              tpu.yield
            }) : () -> ()
          } else {
          }
          %slice3A_599 = vector.extract_strided_slice %get3A_576 {offsets = [1], sizes = [1], strides = [1]} : vector<16xi32> to vector<1xi32>
          %squeeze3A_600 = vector.extract %slice3A_599[0] : i32 from vector<1xi32>
          %eq3A_601 = arith.constant 0 : i32
          %eq3A_602 = arith.cmpi eq, %squeeze3A_600, %eq3A_601 : i32
          %convert_element_type3A_603 = arith.extui %eq3A_602 : i1 to i32
          %cond3A_604 = arith.constant 0 : i32
          %cond3A_605 = arith.cmpi ne, %convert_element_type3A_603, %cond3A_604 : i32
          scf.if %cond3A_605 {
            %mul3A_704 = arith.constant 16 : i32
            %mul3A_705 = arith.muli %scan3A_571, %mul3A_704 : i32
            %add3A_706 = arith.addi %mul3A_2, %mul3A_705 : i32
            %add3A_707 = arith.constant 1 : i32
            %add3A_708 = arith.addi %add3A_706, %add3A_707 : i32
            %run_scoped3A = arith.constant 3 : i32
            "tpu.region"() ({
              %run_scoped3A_709 = tpu.sem_alloc : memref<!tpu.dma_semaphore, #tpu.memory_space<semaphore_mem>>
              %dma_start3A_710 = arith.constant 0 : i32
              %dma_start3A_711 = tpu.memref_slice %arg4[%run_scoped3A, %add3A_708, %dma_start3A_710] : memref<4x8192x1024xf32, #tpu.memory_space<hbm>> -> memref<1x1x1024xf32, #tpu.memory_space<hbm>>
              %dma_start3A_712 = tpu.memref_squeeze %dma_start3A_711 : memref<1x1x1024xf32, #tpu.memory_space<hbm>> -> memref<1x1024xf32, #tpu.memory_space<hbm>>
              %dma_start3A_713 = arith.constant 0 : i32
              %dma_start3A_714 = tpu.memref_slice %arg4[%run_scoped3A, %add3A_708, %dma_start3A_713] : memref<4x8192x1024xf32, #tpu.memory_space<hbm>> -> memref<1x1x1024xf32, #tpu.memory_space<hbm>>
              %dma_start3A_715 = tpu.memref_squeeze %dma_start3A_714 : memref<1x1x1024xf32, #tpu.memory_space<hbm>> -> memref<1x1024xf32, #tpu.memory_space<hbm>>
              tpu.enqueue_dma source(%arg6 : memref<1x1024xf32, #tpu.memory_space<vmem>>) target(%dma_start3A_715 : memref<1x1024xf32, #tpu.memory_space<hbm>>) target_semaphore(%run_scoped3A_709 : memref<!tpu.dma_semaphore, #tpu.memory_space<semaphore_mem>>)
              %dma_wait3A_716 = arith.constant 0 : i32
              %dma_wait3A_717 = tpu.memref_slice %arg4[%run_scoped3A, %add3A_708, %dma_wait3A_716] : memref<4x8192x1024xf32, #tpu.memory_space<hbm>> -> memref<1x1x1024xf32, #tpu.memory_space<hbm>>
              %dma_wait3A_718 = tpu.memref_squeeze %dma_wait3A_717 : memref<1x1x1024xf32, #tpu.memory_space<hbm>> -> memref<1x1024xf32, #tpu.memory_space<hbm>>
              %dma_wait3A_719 = arith.constant 0 : i32
              %dma_wait3A_720 = tpu.memref_slice %arg4[%run_scoped3A, %add3A_708, %dma_wait3A_719] : memref<4x8192x1024xf32, #tpu.memory_space<hbm>> -> memref<1x1x1024xf32, #tpu.memory_space<hbm>>
              %dma_wait3A_721 = tpu.memref_squeeze %dma_wait3A_720 : memref<1x1x1024xf32, #tpu.memory_space<hbm>> -> memref<1x1024xf32, #tpu.memory_space<hbm>>
              tpu.wait_dma2 semaphore(%run_scoped3A_709 : memref<!tpu.dma_semaphore, #tpu.memory_space<semaphore_mem>>) src(%arg6 : memref<1x1024xf32, #tpu.memory_space<vmem>>) dst(%dma_wait3A_721 : memref<1x1024xf32, #tpu.memory_space<hbm>>)
              tpu.yield
            }) : () -> ()
          } else {
          }
          %slice3A_606 = vector.extract_strided_slice %get3A_576 {offsets = [2], sizes = [1], strides = [1]} : vector<16xi32> to vector<1xi32>
          %squeeze3A_607 = vector.extract %slice3A_606[0] : i32 from vector<1xi32>
          %eq3A_608 = arith.constant 0 : i32
          %eq3A_609 = arith.cmpi eq, %squeeze3A_607, %eq3A_608 : i32
          %convert_element_type3A_610 = arith.extui %eq3A_609 : i1 to i32
          %cond3A_611 = arith.constant 0 : i32
          %cond3A_612 = arith.cmpi ne, %convert_element_type3A_610, %cond3A_611 : i32
          scf.if %cond3A_612 {
            %mul3A_704 = arith.constant 16 : i32
            %mul3A_705 = arith.muli %scan3A_571, %mul3A_704 : i32
            %add3A_706 = arith.addi %mul3A_2, %mul3A_705 : i32
            %add3A_707 = arith.constant 2 : i32
            %add3A_708 = arith.addi %add3A_706, %add3A_707 : i32
            %run_scoped3A = arith.constant 3 : i32
            "tpu.region"() ({
              %run_scoped3A_709 = tpu.sem_alloc : memref<!tpu.dma_semaphore, #tpu.memory_space<semaphore_mem>>
              %dma_start3A_710 = arith.constant 0 : i32
              %dma_start3A_711 = tpu.memref_slice %arg4[%run_scoped3A, %add3A_708, %dma_start3A_710] : memref<4x8192x1024xf32, #tpu.memory_space<hbm>> -> memref<1x1x1024xf32, #tpu.memory_space<hbm>>
              %dma_start3A_712 = tpu.memref_squeeze %dma_start3A_711 : memref<1x1x1024xf32, #tpu.memory_space<hbm>> -> memref<1x1024xf32, #tpu.memory_space<hbm>>
              %dma_start3A_713 = arith.constant 0 : i32
              %dma_start3A_714 = tpu.memref_slice %arg4[%run_scoped3A, %add3A_708, %dma_start3A_713] : memref<4x8192x1024xf32, #tpu.memory_space<hbm>> -> memref<1x1x1024xf32, #tpu.memory_space<hbm>>
              %dma_start3A_715 = tpu.memref_squeeze %dma_start3A_714 : memref<1x1x1024xf32, #tpu.memory_space<hbm>> -> memref<1x1024xf32, #tpu.memory_space<hbm>>
              tpu.enqueue_dma source(%arg6 : memref<1x1024xf32, #tpu.memory_space<vmem>>) target(%dma_start3A_715 : memref<1x1024xf32, #tpu.memory_space<hbm>>) target_semaphore(%run_scoped3A_709 : memref<!tpu.dma_semaphore, #tpu.memory_space<semaphore_mem>>)
              %dma_wait3A_716 = arith.constant 0 : i32
              %dma_wait3A_717 = tpu.memref_slice %arg4[%run_scoped3A, %add3A_708, %dma_wait3A_716] : memref<4x8192x1024xf32, #tpu.memory_space<hbm>> -> memref<1x1x1024xf32, #tpu.memory_space<hbm>>
              %dma_wait3A_718 = tpu.memref_squeeze %dma_wait3A_717 : memref<1x1x1024xf32, #tpu.memory_space<hbm>> -> memref<1x1024xf32, #tpu.memory_space<hbm>>
              %dma_wait3A_719 = arith.constant 0 : i32
              %dma_wait3A_720 = tpu.memref_slice %arg4[%run_scoped3A, %add3A_708, %dma_wait3A_719] : memref<4x8192x1024xf32, #tpu.memory_space<hbm>> -> memref<1x1x1024xf32, #tpu.memory_space<hbm>>
              %dma_wait3A_721 = tpu.memref_squeeze %dma_wait3A_720 : memref<1x1x1024xf32, #tpu.memory_space<hbm>> -> memref<1x1024xf32, #tpu.memory_space<hbm>>
              tpu.wait_dma2 semaphore(%run_scoped3A_709 : memref<!tpu.dma_semaphore, #tpu.memory_space<semaphore_mem>>) src(%arg6 : memref<1x1024xf32, #tpu.memory_space<vmem>>) dst(%dma_wait3A_721 : memref<1x1024xf32, #tpu.memory_space<hbm>>)
              tpu.yield
            }) : () -> ()
          } else {
          }
          %slice3A_613 = vector.extract_strided_slice %get3A_576 {offsets = [3], sizes = [1], strides = [1]} : vector<16xi32> to vector<1xi32>
          %squeeze3A_614 = vector.extract %slice3A_613[0] : i32 from vector<1xi32>
          %eq3A_615 = arith.constant 0 : i32
          %eq3A_616 = arith.cmpi eq, %squeeze3A_614, %eq3A_615 : i32
          %convert_element_type3A_617 = arith.extui %eq3A_616 : i1 to i32
          %cond3A_618 = arith.constant 0 : i32
          %cond3A_619 = arith.cmpi ne, %convert_element_type3A_617, %cond3A_618 : i32
          scf.if %cond3A_619 {
            %mul3A_704 = arith.constant 16 : i32
            %mul3A_705 = arith.muli %scan3A_571, %mul3A_704 : i32
            %add3A_706 = arith.addi %mul3A_2, %mul3A_705 : i32
            %add3A_707 = arith.constant 3 : i32
            %add3A_708 = arith.addi %add3A_706, %add3A_707 : i32
            %run_scoped3A = arith.constant 3 : i32
            "tpu.region"() ({
              %run_scoped3A_709 = tpu.sem_alloc : memref<!tpu.dma_semaphore, #tpu.memory_space<semaphore_mem>>
              %dma_start3A_710 = arith.constant 0 : i32
              %dma_start3A_711 = tpu.memref_slice %arg4[%run_scoped3A, %add3A_708, %dma_start3A_710] : memref<4x8192x1024xf32, #tpu.memory_space<hbm>> -> memref<1x1x1024xf32, #tpu.memory_space<hbm>>
              %dma_start3A_712 = tpu.memref_squeeze %dma_start3A_711 : memref<1x1x1024xf32, #tpu.memory_space<hbm>> -> memref<1x1024xf32, #tpu.memory_space<hbm>>
              %dma_start3A_713 = arith.constant 0 : i32
              %dma_start3A_714 = tpu.memref_slice %arg4[%run_scoped3A, %add3A_708, %dma_start3A_713] : memref<4x8192x1024xf32, #tpu.memory_space<hbm>> -> memref<1x1x1024xf32, #tpu.memory_space<hbm>>
              %dma_start3A_715 = tpu.memref_squeeze %dma_start3A_714 : memref<1x1x1024xf32, #tpu.memory_space<hbm>> -> memref<1x1024xf32, #tpu.memory_space<hbm>>
              tpu.enqueue_dma source(%arg6 : memref<1x1024xf32, #tpu.memory_space<vmem>>) target(%dma_start3A_715 : memref<1x1024xf32, #tpu.memory_space<hbm>>) target_semaphore(%run_scoped3A_709 : memref<!tpu.dma_semaphore, #tpu.memory_space<semaphore_mem>>)
              %dma_wait3A_716 = arith.constant 0 : i32
              %dma_wait3A_717 = tpu.memref_slice %arg4[%run_scoped3A, %add3A_708, %dma_wait3A_716] : memref<4x8192x1024xf32, #tpu.memory_space<hbm>> -> memref<1x1x1024xf32, #tpu.memory_space<hbm>>
              %dma_wait3A_718 = tpu.memref_squeeze %dma_wait3A_717 : memref<1x1x1024xf32, #tpu.memory_space<hbm>> -> memref<1x1024xf32, #tpu.memory_space<hbm>>
              %dma_wait3A_719 = arith.constant 0 : i32
              %dma_wait3A_720 = tpu.memref_slice %arg4[%run_scoped3A, %add3A_708, %dma_wait3A_719] : memref<4x8192x1024xf32, #tpu.memory_space<hbm>> -> memref<1x1x1024xf32, #tpu.memory_space<hbm>>
              %dma_wait3A_721 = tpu.memref_squeeze %dma_wait3A_720 : memref<1x1x1024xf32, #tpu.memory_space<hbm>> -> memref<1x1024xf32, #tpu.memory_space<hbm>>
              tpu.wait_dma2 semaphore(%run_scoped3A_709 : memref<!tpu.dma_semaphore, #tpu.memory_space<semaphore_mem>>) src(%arg6 : memref<1x1024xf32, #tpu.memory_space<vmem>>) dst(%dma_wait3A_721 : memref<1x1024xf32, #tpu.memory_space<hbm>>)
              tpu.yield
            }) : () -> ()
          } else {
          }
          %slice3A_620 = vector.extract_strided_slice %get3A_576 {offsets = [4], sizes = [1], strides = [1]} : vector<16xi32> to vector<1xi32>
          %squeeze3A_621 = vector.extract %slice3A_620[0] : i32 from vector<1xi32>
          %eq3A_622 = arith.constant 0 : i32
          %eq3A_623 = arith.cmpi eq, %squeeze3A_621, %eq3A_622 : i32
          %convert_element_type3A_624 = arith.extui %eq3A_623 : i1 to i32
          %cond3A_625 = arith.constant 0 : i32
          %cond3A_626 = arith.cmpi ne, %convert_element_type3A_624, %cond3A_625 : i32
          scf.if %cond3A_626 {
            %mul3A_704 = arith.constant 16 : i32
            %mul3A_705 = arith.muli %scan3A_571, %mul3A_704 : i32
            %add3A_706 = arith.addi %mul3A_2, %mul3A_705 : i32
            %add3A_707 = arith.constant 4 : i32
            %add3A_708 = arith.addi %add3A_706, %add3A_707 : i32
            %run_scoped3A = arith.constant 3 : i32
            "tpu.region"() ({
              %run_scoped3A_709 = tpu.sem_alloc : memref<!tpu.dma_semaphore, #tpu.memory_space<semaphore_mem>>
              %dma_start3A_710 = arith.constant 0 : i32
              %dma_start3A_711 = tpu.memref_slice %arg4[%run_scoped3A, %add3A_708, %dma_start3A_710] : memref<4x8192x1024xf32, #tpu.memory_space<hbm>> -> memref<1x1x1024xf32, #tpu.memory_space<hbm>>
              %dma_start3A_712 = tpu.memref_squeeze %dma_start3A_711 : memref<1x1x1024xf32, #tpu.memory_space<hbm>> -> memref<1x1024xf32, #tpu.memory_space<hbm>>
              %dma_start3A_713 = arith.constant 0 : i32
              %dma_start3A_714 = tpu.memref_slice %arg4[%run_scoped3A, %add3A_708, %dma_start3A_713] : memref<4x8192x1024xf32, #tpu.memory_space<hbm>> -> memref<1x1x1024xf32, #tpu.memory_space<hbm>>
              %dma_start3A_715 = tpu.memref_squeeze %dma_start3A_714 : memref<1x1x1024xf32, #tpu.memory_space<hbm>> -> memref<1x1024xf32, #tpu.memory_space<hbm>>
              tpu.enqueue_dma source(%arg6 : memref<1x1024xf32, #tpu.memory_space<vmem>>) target(%dma_start3A_715 : memref<1x1024xf32, #tpu.memory_space<hbm>>) target_semaphore(%run_scoped3A_709 : memref<!tpu.dma_semaphore, #tpu.memory_space<semaphore_mem>>)
              %dma_wait3A_716 = arith.constant 0 : i32
              %dma_wait3A_717 = tpu.memref_slice %arg4[%run_scoped3A, %add3A_708, %dma_wait3A_716] : memref<4x8192x1024xf32, #tpu.memory_space<hbm>> -> memref<1x1x1024xf32, #tpu.memory_space<hbm>>
              %dma_wait3A_718 = tpu.memref_squeeze %dma_wait3A_717 : memref<1x1x1024xf32, #tpu.memory_space<hbm>> -> memref<1x1024xf32, #tpu.memory_space<hbm>>
              %dma_wait3A_719 = arith.constant 0 : i32
              %dma_wait3A_720 = tpu.memref_slice %arg4[%run_scoped3A, %add3A_708, %dma_wait3A_719] : memref<4x8192x1024xf32, #tpu.memory_space<hbm>> -> memref<1x1x1024xf32, #tpu.memory_space<hbm>>
              %dma_wait3A_721 = tpu.memref_squeeze %dma_wait3A_720 : memref<1x1x1024xf32, #tpu.memory_space<hbm>> -> memref<1x1024xf32, #tpu.memory_space<hbm>>
              tpu.wait_dma2 semaphore(%run_scoped3A_709 : memref<!tpu.dma_semaphore, #tpu.memory_space<semaphore_mem>>) src(%arg6 : memref<1x1024xf32, #tpu.memory_space<vmem>>) dst(%dma_wait3A_721 : memref<1x1024xf32, #tpu.memory_space<hbm>>)
              tpu.yield
            }) : () -> ()
          } else {
          }
          %slice3A_627 = vector.extract_strided_slice %get3A_576 {offsets = [5], sizes = [1], strides = [1]} : vector<16xi32> to vector<1xi32>
          %squeeze3A_628 = vector.extract %slice3A_627[0] : i32 from vector<1xi32>
          %eq3A_629 = arith.constant 0 : i32
          %eq3A_630 = arith.cmpi eq, %squeeze3A_628, %eq3A_629 : i32
          %convert_element_type3A_631 = arith.extui %eq3A_630 : i1 to i32
          %cond3A_632 = arith.constant 0 : i32
          %cond3A_633 = arith.cmpi ne, %convert_element_type3A_631, %cond3A_632 : i32
          scf.if %cond3A_633 {
            %mul3A_704 = arith.constant 16 : i32
            %mul3A_705 = arith.muli %scan3A_571, %mul3A_704 : i32
            %add3A_706 = arith.addi %mul3A_2, %mul3A_705 : i32
            %add3A_707 = arith.constant 5 : i32
            %add3A_708 = arith.addi %add3A_706, %add3A_707 : i32
            %run_scoped3A = arith.constant 3 : i32
            "tpu.region"() ({
              %run_scoped3A_709 = tpu.sem_alloc : memref<!tpu.dma_semaphore, #tpu.memory_space<semaphore_mem>>
              %dma_start3A_710 = arith.constant 0 : i32
              %dma_start3A_711 = tpu.memref_slice %arg4[%run_scoped3A, %add3A_708, %dma_start3A_710] : memref<4x8192x1024xf32, #tpu.memory_space<hbm>> -> memref<1x1x1024xf32, #tpu.memory_space<hbm>>
              %dma_start3A_712 = tpu.memref_squeeze %dma_start3A_711 : memref<1x1x1024xf32, #tpu.memory_space<hbm>> -> memref<1x1024xf32, #tpu.memory_space<hbm>>
              %dma_start3A_713 = arith.constant 0 : i32
              %dma_start3A_714 = tpu.memref_slice %arg4[%run_scoped3A, %add3A_708, %dma_start3A_713] : memref<4x8192x1024xf32, #tpu.memory_space<hbm>> -> memref<1x1x1024xf32, #tpu.memory_space<hbm>>
              %dma_start3A_715 = tpu.memref_squeeze %dma_start3A_714 : memref<1x1x1024xf32, #tpu.memory_space<hbm>> -> memref<1x1024xf32, #tpu.memory_space<hbm>>
              tpu.enqueue_dma source(%arg6 : memref<1x1024xf32, #tpu.memory_space<vmem>>) target(%dma_start3A_715 : memref<1x1024xf32, #tpu.memory_space<hbm>>) target_semaphore(%run_scoped3A_709 : memref<!tpu.dma_semaphore, #tpu.memory_space<semaphore_mem>>)
              %dma_wait3A_716 = arith.constant 0 : i32
              %dma_wait3A_717 = tpu.memref_slice %arg4[%run_scoped3A, %add3A_708, %dma_wait3A_716] : memref<4x8192x1024xf32, #tpu.memory_space<hbm>> -> memref<1x1x1024xf32, #tpu.memory_space<hbm>>
              %dma_wait3A_718 = tpu.memref_squeeze %dma_wait3A_717 : memref<1x1x1024xf32, #tpu.memory_space<hbm>> -> memref<1x1024xf32, #tpu.memory_space<hbm>>
              %dma_wait3A_719 = arith.constant 0 : i32
              %dma_wait3A_720 = tpu.memref_slice %arg4[%run_scoped3A, %add3A_708, %dma_wait3A_719] : memref<4x8192x1024xf32, #tpu.memory_space<hbm>> -> memref<1x1x1024xf32, #tpu.memory_space<hbm>>
              %dma_wait3A_721 = tpu.memref_squeeze %dma_wait3A_720 : memref<1x1x1024xf32, #tpu.memory_space<hbm>> -> memref<1x1024xf32, #tpu.memory_space<hbm>>
              tpu.wait_dma2 semaphore(%run_scoped3A_709 : memref<!tpu.dma_semaphore, #tpu.memory_space<semaphore_mem>>) src(%arg6 : memref<1x1024xf32, #tpu.memory_space<vmem>>) dst(%dma_wait3A_721 : memref<1x1024xf32, #tpu.memory_space<hbm>>)
              tpu.yield
            }) : () -> ()
          } else {
          }
          %slice3A_634 = vector.extract_strided_slice %get3A_576 {offsets = [6], sizes = [1], strides = [1]} : vector<16xi32> to vector<1xi32>
          %squeeze3A_635 = vector.extract %slice3A_634[0] : i32 from vector<1xi32>
          %eq3A_636 = arith.constant 0 : i32
          %eq3A_637 = arith.cmpi eq, %squeeze3A_635, %eq3A_636 : i32
          %convert_element_type3A_638 = arith.extui %eq3A_637 : i1 to i32
          %cond3A_639 = arith.constant 0 : i32
          %cond3A_640 = arith.cmpi ne, %convert_element_type3A_638, %cond3A_639 : i32
          scf.if %cond3A_640 {
            %mul3A_704 = arith.constant 16 : i32
            %mul3A_705 = arith.muli %scan3A_571, %mul3A_704 : i32
            %add3A_706 = arith.addi %mul3A_2, %mul3A_705 : i32
            %add3A_707 = arith.constant 6 : i32
            %add3A_708 = arith.addi %add3A_706, %add3A_707 : i32
            %run_scoped3A = arith.constant 3 : i32
            "tpu.region"() ({
              %run_scoped3A_709 = tpu.sem_alloc : memref<!tpu.dma_semaphore, #tpu.memory_space<semaphore_mem>>
              %dma_start3A_710 = arith.constant 0 : i32
              %dma_start3A_711 = tpu.memref_slice %arg4[%run_scoped3A, %add3A_708, %dma_start3A_710] : memref<4x8192x1024xf32, #tpu.memory_space<hbm>> -> memref<1x1x1024xf32, #tpu.memory_space<hbm>>
              %dma_start3A_712 = tpu.memref_squeeze %dma_start3A_711 : memref<1x1x1024xf32, #tpu.memory_space<hbm>> -> memref<1x1024xf32, #tpu.memory_space<hbm>>
              %dma_start3A_713 = arith.constant 0 : i32
              %dma_start3A_714 = tpu.memref_slice %arg4[%run_scoped3A, %add3A_708, %dma_start3A_713] : memref<4x8192x1024xf32, #tpu.memory_space<hbm>> -> memref<1x1x1024xf32, #tpu.memory_space<hbm>>
              %dma_start3A_715 = tpu.memref_squeeze %dma_start3A_714 : memref<1x1x1024xf32, #tpu.memory_space<hbm>> -> memref<1x1024xf32, #tpu.memory_space<hbm>>
              tpu.enqueue_dma source(%arg6 : memref<1x1024xf32, #tpu.memory_space<vmem>>) target(%dma_start3A_715 : memref<1x1024xf32, #tpu.memory_space<hbm>>) target_semaphore(%run_scoped3A_709 : memref<!tpu.dma_semaphore, #tpu.memory_space<semaphore_mem>>)
              %dma_wait3A_716 = arith.constant 0 : i32
              %dma_wait3A_717 = tpu.memref_slice %arg4[%run_scoped3A, %add3A_708, %dma_wait3A_716] : memref<4x8192x1024xf32, #tpu.memory_space<hbm>> -> memref<1x1x1024xf32, #tpu.memory_space<hbm>>
              %dma_wait3A_718 = tpu.memref_squeeze %dma_wait3A_717 : memref<1x1x1024xf32, #tpu.memory_space<hbm>> -> memref<1x1024xf32, #tpu.memory_space<hbm>>
              %dma_wait3A_719 = arith.constant 0 : i32
              %dma_wait3A_720 = tpu.memref_slice %arg4[%run_scoped3A, %add3A_708, %dma_wait3A_719] : memref<4x8192x1024xf32, #tpu.memory_space<hbm>> -> memref<1x1x1024xf32, #tpu.memory_space<hbm>>
              %dma_wait3A_721 = tpu.memref_squeeze %dma_wait3A_720 : memref<1x1x1024xf32, #tpu.memory_space<hbm>> -> memref<1x1024xf32, #tpu.memory_space<hbm>>
              tpu.wait_dma2 semaphore(%run_scoped3A_709 : memref<!tpu.dma_semaphore, #tpu.memory_space<semaphore_mem>>) src(%arg6 : memref<1x1024xf32, #tpu.memory_space<vmem>>) dst(%dma_wait3A_721 : memref<1x1024xf32, #tpu.memory_space<hbm>>)
              tpu.yield
            }) : () -> ()
          } else {
          }
          %slice3A_641 = vector.extract_strided_slice %get3A_576 {offsets = [7], sizes = [1], strides = [1]} : vector<16xi32> to vector<1xi32>
          %squeeze3A_642 = vector.extract %slice3A_641[0] : i32 from vector<1xi32>
          %eq3A_643 = arith.constant 0 : i32
          %eq3A_644 = arith.cmpi eq, %squeeze3A_642, %eq3A_643 : i32
          %convert_element_type3A_645 = arith.extui %eq3A_644 : i1 to i32
          %cond3A_646 = arith.constant 0 : i32
          %cond3A_647 = arith.cmpi ne, %convert_element_type3A_645, %cond3A_646 : i32
          scf.if %cond3A_647 {
            %mul3A_704 = arith.constant 16 : i32
            %mul3A_705 = arith.muli %scan3A_571, %mul3A_704 : i32
            %add3A_706 = arith.addi %mul3A_2, %mul3A_705 : i32
            %add3A_707 = arith.constant 7 : i32
            %add3A_708 = arith.addi %add3A_706, %add3A_707 : i32
            %run_scoped3A = arith.constant 3 : i32
            "tpu.region"() ({
              %run_scoped3A_709 = tpu.sem_alloc : memref<!tpu.dma_semaphore, #tpu.memory_space<semaphore_mem>>
              %dma_start3A_710 = arith.constant 0 : i32
              %dma_start3A_711 = tpu.memref_slice %arg4[%run_scoped3A, %add3A_708, %dma_start3A_710] : memref<4x8192x1024xf32, #tpu.memory_space<hbm>> -> memref<1x1x1024xf32, #tpu.memory_space<hbm>>
              %dma_start3A_712 = tpu.memref_squeeze %dma_start3A_711 : memref<1x1x1024xf32, #tpu.memory_space<hbm>> -> memref<1x1024xf32, #tpu.memory_space<hbm>>
              %dma_start3A_713 = arith.constant 0 : i32
              %dma_start3A_714 = tpu.memref_slice %arg4[%run_scoped3A, %add3A_708, %dma_start3A_713] : memref<4x8192x1024xf32, #tpu.memory_space<hbm>> -> memref<1x1x1024xf32, #tpu.memory_space<hbm>>
              %dma_start3A_715 = tpu.memref_squeeze %dma_start3A_714 : memref<1x1x1024xf32, #tpu.memory_space<hbm>> -> memref<1x1024xf32, #tpu.memory_space<hbm>>
              tpu.enqueue_dma source(%arg6 : memref<1x1024xf32, #tpu.memory_space<vmem>>) target(%dma_start3A_715 : memref<1x1024xf32, #tpu.memory_space<hbm>>) target_semaphore(%run_scoped3A_709 : memref<!tpu.dma_semaphore, #tpu.memory_space<semaphore_mem>>)
              %dma_wait3A_716 = arith.constant 0 : i32
              %dma_wait3A_717 = tpu.memref_slice %arg4[%run_scoped3A, %add3A_708, %dma_wait3A_716] : memref<4x8192x1024xf32, #tpu.memory_space<hbm>> -> memref<1x1x1024xf32, #tpu.memory_space<hbm>>
              %dma_wait3A_718 = tpu.memref_squeeze %dma_wait3A_717 : memref<1x1x1024xf32, #tpu.memory_space<hbm>> -> memref<1x1024xf32, #tpu.memory_space<hbm>>
              %dma_wait3A_719 = arith.constant 0 : i32
              %dma_wait3A_720 = tpu.memref_slice %arg4[%run_scoped3A, %add3A_708, %dma_wait3A_719] : memref<4x8192x1024xf32, #tpu.memory_space<hbm>> -> memref<1x1x1024xf32, #tpu.memory_space<hbm>>
              %dma_wait3A_721 = tpu.memref_squeeze %dma_wait3A_720 : memref<1x1x1024xf32, #tpu.memory_space<hbm>> -> memref<1x1024xf32, #tpu.memory_space<hbm>>
              tpu.wait_dma2 semaphore(%run_scoped3A_709 : memref<!tpu.dma_semaphore, #tpu.memory_space<semaphore_mem>>) src(%arg6 : memref<1x1024xf32, #tpu.memory_space<vmem>>) dst(%dma_wait3A_721 : memref<1x1024xf32, #tpu.memory_space<hbm>>)
              tpu.yield
            }) : () -> ()
          } else {
          }
          %slice3A_648 = vector.extract_strided_slice %get3A_576 {offsets = [8], sizes = [1], strides = [1]} : vector<16xi32> to vector<1xi32>
          %squeeze3A_649 = vector.extract %slice3A_648[0] : i32 from vector<1xi32>
          %eq3A_650 = arith.constant 0 : i32
          %eq3A_651 = arith.cmpi eq, %squeeze3A_649, %eq3A_650 : i32
          %convert_element_type3A_652 = arith.extui %eq3A_651 : i1 to i32
          %cond3A_653 = arith.constant 0 : i32
          %cond3A_654 = arith.cmpi ne, %convert_element_type3A_652, %cond3A_653 : i32
          scf.if %cond3A_654 {
            %mul3A_704 = arith.constant 16 : i32
            %mul3A_705 = arith.muli %scan3A_571, %mul3A_704 : i32
            %add3A_706 = arith.addi %mul3A_2, %mul3A_705 : i32
            %add3A_707 = arith.constant 8 : i32
            %add3A_708 = arith.addi %add3A_706, %add3A_707 : i32
            %run_scoped3A = arith.constant 3 : i32
            "tpu.region"() ({
              %run_scoped3A_709 = tpu.sem_alloc : memref<!tpu.dma_semaphore, #tpu.memory_space<semaphore_mem>>
              %dma_start3A_710 = arith.constant 0 : i32
              %dma_start3A_711 = tpu.memref_slice %arg4[%run_scoped3A, %add3A_708, %dma_start3A_710] : memref<4x8192x1024xf32, #tpu.memory_space<hbm>> -> memref<1x1x1024xf32, #tpu.memory_space<hbm>>
              %dma_start3A_712 = tpu.memref_squeeze %dma_start3A_711 : memref<1x1x1024xf32, #tpu.memory_space<hbm>> -> memref<1x1024xf32, #tpu.memory_space<hbm>>
              %dma_start3A_713 = arith.constant 0 : i32
              %dma_start3A_714 = tpu.memref_slice %arg4[%run_scoped3A, %add3A_708, %dma_start3A_713] : memref<4x8192x1024xf32, #tpu.memory_space<hbm>> -> memref<1x1x1024xf32, #tpu.memory_space<hbm>>
              %dma_start3A_715 = tpu.memref_squeeze %dma_start3A_714 : memref<1x1x1024xf32, #tpu.memory_space<hbm>> -> memref<1x1024xf32, #tpu.memory_space<hbm>>
              tpu.enqueue_dma source(%arg6 : memref<1x1024xf32, #tpu.memory_space<vmem>>) target(%dma_start3A_715 : memref<1x1024xf32, #tpu.memory_space<hbm>>) target_semaphore(%run_scoped3A_709 : memref<!tpu.dma_semaphore, #tpu.memory_space<semaphore_mem>>)
              %dma_wait3A_716 = arith.constant 0 : i32
              %dma_wait3A_717 = tpu.memref_slice %arg4[%run_scoped3A, %add3A_708, %dma_wait3A_716] : memref<4x8192x1024xf32, #tpu.memory_space<hbm>> -> memref<1x1x1024xf32, #tpu.memory_space<hbm>>
              %dma_wait3A_718 = tpu.memref_squeeze %dma_wait3A_717 : memref<1x1x1024xf32, #tpu.memory_space<hbm>> -> memref<1x1024xf32, #tpu.memory_space<hbm>>
              %dma_wait3A_719 = arith.constant 0 : i32
              %dma_wait3A_720 = tpu.memref_slice %arg4[%run_scoped3A, %add3A_708, %dma_wait3A_719] : memref<4x8192x1024xf32, #tpu.memory_space<hbm>> -> memref<1x1x1024xf32, #tpu.memory_space<hbm>>
              %dma_wait3A_721 = tpu.memref_squeeze %dma_wait3A_720 : memref<1x1x1024xf32, #tpu.memory_space<hbm>> -> memref<1x1024xf32, #tpu.memory_space<hbm>>
              tpu.wait_dma2 semaphore(%run_scoped3A_709 : memref<!tpu.dma_semaphore, #tpu.memory_space<semaphore_mem>>) src(%arg6 : memref<1x1024xf32, #tpu.memory_space<vmem>>) dst(%dma_wait3A_721 : memref<1x1024xf32, #tpu.memory_space<hbm>>)
              tpu.yield
            }) : () -> ()
          } else {
          }
          %slice3A_655 = vector.extract_strided_slice %get3A_576 {offsets = [9], sizes = [1], strides = [1]} : vector<16xi32> to vector<1xi32>
          %squeeze3A_656 = vector.extract %slice3A_655[0] : i32 from vector<1xi32>
          %eq3A_657 = arith.constant 0 : i32
          %eq3A_658 = arith.cmpi eq, %squeeze3A_656, %eq3A_657 : i32
          %convert_element_type3A_659 = arith.extui %eq3A_658 : i1 to i32
          %cond3A_660 = arith.constant 0 : i32
          %cond3A_661 = arith.cmpi ne, %convert_element_type3A_659, %cond3A_660 : i32
          scf.if %cond3A_661 {
            %mul3A_704 = arith.constant 16 : i32
            %mul3A_705 = arith.muli %scan3A_571, %mul3A_704 : i32
            %add3A_706 = arith.addi %mul3A_2, %mul3A_705 : i32
            %add3A_707 = arith.constant 9 : i32
            %add3A_708 = arith.addi %add3A_706, %add3A_707 : i32
            %run_scoped3A = arith.constant 3 : i32
            "tpu.region"() ({
              %run_scoped3A_709 = tpu.sem_alloc : memref<!tpu.dma_semaphore, #tpu.memory_space<semaphore_mem>>
              %dma_start3A_710 = arith.constant 0 : i32
              %dma_start3A_711 = tpu.memref_slice %arg4[%run_scoped3A, %add3A_708, %dma_start3A_710] : memref<4x8192x1024xf32, #tpu.memory_space<hbm>> -> memref<1x1x1024xf32, #tpu.memory_space<hbm>>
              %dma_start3A_712 = tpu.memref_squeeze %dma_start3A_711 : memref<1x1x1024xf32, #tpu.memory_space<hbm>> -> memref<1x1024xf32, #tpu.memory_space<hbm>>
              %dma_start3A_713 = arith.constant 0 : i32
              %dma_start3A_714 = tpu.memref_slice %arg4[%run_scoped3A, %add3A_708, %dma_start3A_713] : memref<4x8192x1024xf32, #tpu.memory_space<hbm>> -> memref<1x1x1024xf32, #tpu.memory_space<hbm>>
              %dma_start3A_715 = tpu.memref_squeeze %dma_start3A_714 : memref<1x1x1024xf32, #tpu.memory_space<hbm>> -> memref<1x1024xf32, #tpu.memory_space<hbm>>
              tpu.enqueue_dma source(%arg6 : memref<1x1024xf32, #tpu.memory_space<vmem>>) target(%dma_start3A_715 : memref<1x1024xf32, #tpu.memory_space<hbm>>) target_semaphore(%run_scoped3A_709 : memref<!tpu.dma_semaphore, #tpu.memory_space<semaphore_mem>>)
              %dma_wait3A_716 = arith.constant 0 : i32
              %dma_wait3A_717 = tpu.memref_slice %arg4[%run_scoped3A, %add3A_708, %dma_wait3A_716] : memref<4x8192x1024xf32, #tpu.memory_space<hbm>> -> memref<1x1x1024xf32, #tpu.memory_space<hbm>>
              %dma_wait3A_718 = tpu.memref_squeeze %dma_wait3A_717 : memref<1x1x1024xf32, #tpu.memory_space<hbm>> -> memref<1x1024xf32, #tpu.memory_space<hbm>>
              %dma_wait3A_719 = arith.constant 0 : i32
              %dma_wait3A_720 = tpu.memref_slice %arg4[%run_scoped3A, %add3A_708, %dma_wait3A_719] : memref<4x8192x1024xf32, #tpu.memory_space<hbm>> -> memref<1x1x1024xf32, #tpu.memory_space<hbm>>
              %dma_wait3A_721 = tpu.memref_squeeze %dma_wait3A_720 : memref<1x1x1024xf32, #tpu.memory_space<hbm>> -> memref<1x1024xf32, #tpu.memory_space<hbm>>
              tpu.wait_dma2 semaphore(%run_scoped3A_709 : memref<!tpu.dma_semaphore, #tpu.memory_space<semaphore_mem>>) src(%arg6 : memref<1x1024xf32, #tpu.memory_space<vmem>>) dst(%dma_wait3A_721 : memref<1x1024xf32, #tpu.memory_space<hbm>>)
              tpu.yield
            }) : () -> ()
          } else {
          }
          %slice3A_662 = vector.extract_strided_slice %get3A_576 {offsets = [10], sizes = [1], strides = [1]} : vector<16xi32> to vector<1xi32>
          %squeeze3A_663 = vector.extract %slice3A_662[0] : i32 from vector<1xi32>
          %eq3A_664 = arith.constant 0 : i32
          %eq3A_665 = arith.cmpi eq, %squeeze3A_663, %eq3A_664 : i32
          %convert_element_type3A_666 = arith.extui %eq3A_665 : i1 to i32
          %cond3A_667 = arith.constant 0 : i32
          %cond3A_668 = arith.cmpi ne, %convert_element_type3A_666, %cond3A_667 : i32
          scf.if %cond3A_668 {
            %mul3A_704 = arith.constant 16 : i32
            %mul3A_705 = arith.muli %scan3A_571, %mul3A_704 : i32
            %add3A_706 = arith.addi %mul3A_2, %mul3A_705 : i32
            %add3A_707 = arith.constant 10 : i32
            %add3A_708 = arith.addi %add3A_706, %add3A_707 : i32
            %run_scoped3A = arith.constant 3 : i32
            "tpu.region"() ({
              %run_scoped3A_709 = tpu.sem_alloc : memref<!tpu.dma_semaphore, #tpu.memory_space<semaphore_mem>>
              %dma_start3A_710 = arith.constant 0 : i32
              %dma_start3A_711 = tpu.memref_slice %arg4[%run_scoped3A, %add3A_708, %dma_start3A_710] : memref<4x8192x1024xf32, #tpu.memory_space<hbm>> -> memref<1x1x1024xf32, #tpu.memory_space<hbm>>
              %dma_start3A_712 = tpu.memref_squeeze %dma_start3A_711 : memref<1x1x1024xf32, #tpu.memory_space<hbm>> -> memref<1x1024xf32, #tpu.memory_space<hbm>>
              %dma_start3A_713 = arith.constant 0 : i32
              %dma_start3A_714 = tpu.memref_slice %arg4[%run_scoped3A, %add3A_708, %dma_start3A_713] : memref<4x8192x1024xf32, #tpu.memory_space<hbm>> -> memref<1x1x1024xf32, #tpu.memory_space<hbm>>
              %dma_start3A_715 = tpu.memref_squeeze %dma_start3A_714 : memref<1x1x1024xf32, #tpu.memory_space<hbm>> -> memref<1x1024xf32, #tpu.memory_space<hbm>>
              tpu.enqueue_dma source(%arg6 : memref<1x1024xf32, #tpu.memory_space<vmem>>) target(%dma_start3A_715 : memref<1x1024xf32, #tpu.memory_space<hbm>>) target_semaphore(%run_scoped3A_709 : memref<!tpu.dma_semaphore, #tpu.memory_space<semaphore_mem>>)
              %dma_wait3A_716 = arith.constant 0 : i32
              %dma_wait3A_717 = tpu.memref_slice %arg4[%run_scoped3A, %add3A_708, %dma_wait3A_716] : memref<4x8192x1024xf32, #tpu.memory_space<hbm>> -> memref<1x1x1024xf32, #tpu.memory_space<hbm>>
              %dma_wait3A_718 = tpu.memref_squeeze %dma_wait3A_717 : memref<1x1x1024xf32, #tpu.memory_space<hbm>> -> memref<1x1024xf32, #tpu.memory_space<hbm>>
              %dma_wait3A_719 = arith.constant 0 : i32
              %dma_wait3A_720 = tpu.memref_slice %arg4[%run_scoped3A, %add3A_708, %dma_wait3A_719] : memref<4x8192x1024xf32, #tpu.memory_space<hbm>> -> memref<1x1x1024xf32, #tpu.memory_space<hbm>>
              %dma_wait3A_721 = tpu.memref_squeeze %dma_wait3A_720 : memref<1x1x1024xf32, #tpu.memory_space<hbm>> -> memref<1x1024xf32, #tpu.memory_space<hbm>>
              tpu.wait_dma2 semaphore(%run_scoped3A_709 : memref<!tpu.dma_semaphore, #tpu.memory_space<semaphore_mem>>) src(%arg6 : memref<1x1024xf32, #tpu.memory_space<vmem>>) dst(%dma_wait3A_721 : memref<1x1024xf32, #tpu.memory_space<hbm>>)
              tpu.yield
            }) : () -> ()
          } else {
          }
          %slice3A_669 = vector.extract_strided_slice %get3A_576 {offsets = [11], sizes = [1], strides = [1]} : vector<16xi32> to vector<1xi32>
          %squeeze3A_670 = vector.extract %slice3A_669[0] : i32 from vector<1xi32>
          %eq3A_671 = arith.constant 0 : i32
          %eq3A_672 = arith.cmpi eq, %squeeze3A_670, %eq3A_671 : i32
          %convert_element_type3A_673 = arith.extui %eq3A_672 : i1 to i32
          %cond3A_674 = arith.constant 0 : i32
          %cond3A_675 = arith.cmpi ne, %convert_element_type3A_673, %cond3A_674 : i32
          scf.if %cond3A_675 {
            %mul3A_704 = arith.constant 16 : i32
            %mul3A_705 = arith.muli %scan3A_571, %mul3A_704 : i32
            %add3A_706 = arith.addi %mul3A_2, %mul3A_705 : i32
            %add3A_707 = arith.constant 11 : i32
            %add3A_708 = arith.addi %add3A_706, %add3A_707 : i32
            %run_scoped3A = arith.constant 3 : i32
            "tpu.region"() ({
              %run_scoped3A_709 = tpu.sem_alloc : memref<!tpu.dma_semaphore, #tpu.memory_space<semaphore_mem>>
              %dma_start3A_710 = arith.constant 0 : i32
              %dma_start3A_711 = tpu.memref_slice %arg4[%run_scoped3A, %add3A_708, %dma_start3A_710] : memref<4x8192x1024xf32, #tpu.memory_space<hbm>> -> memref<1x1x1024xf32, #tpu.memory_space<hbm>>
              %dma_start3A_712 = tpu.memref_squeeze %dma_start3A_711 : memref<1x1x1024xf32, #tpu.memory_space<hbm>> -> memref<1x1024xf32, #tpu.memory_space<hbm>>
              %dma_start3A_713 = arith.constant 0 : i32
              %dma_start3A_714 = tpu.memref_slice %arg4[%run_scoped3A, %add3A_708, %dma_start3A_713] : memref<4x8192x1024xf32, #tpu.memory_space<hbm>> -> memref<1x1x1024xf32, #tpu.memory_space<hbm>>
              %dma_start3A_715 = tpu.memref_squeeze %dma_start3A_714 : memref<1x1x1024xf32, #tpu.memory_space<hbm>> -> memref<1x1024xf32, #tpu.memory_space<hbm>>
              tpu.enqueue_dma source(%arg6 : memref<1x1024xf32, #tpu.memory_space<vmem>>) target(%dma_start3A_715 : memref<1x1024xf32, #tpu.memory_space<hbm>>) target_semaphore(%run_scoped3A_709 : memref<!tpu.dma_semaphore, #tpu.memory_space<semaphore_mem>>)
              %dma_wait3A_716 = arith.constant 0 : i32
              %dma_wait3A_717 = tpu.memref_slice %arg4[%run_scoped3A, %add3A_708, %dma_wait3A_716] : memref<4x8192x1024xf32, #tpu.memory_space<hbm>> -> memref<1x1x1024xf32, #tpu.memory_space<hbm>>
              %dma_wait3A_718 = tpu.memref_squeeze %dma_wait3A_717 : memref<1x1x1024xf32, #tpu.memory_space<hbm>> -> memref<1x1024xf32, #tpu.memory_space<hbm>>
              %dma_wait3A_719 = arith.constant 0 : i32
              %dma_wait3A_720 = tpu.memref_slice %arg4[%run_scoped3A, %add3A_708, %dma_wait3A_719] : memref<4x8192x1024xf32, #tpu.memory_space<hbm>> -> memref<1x1x1024xf32, #tpu.memory_space<hbm>>
              %dma_wait3A_721 = tpu.memref_squeeze %dma_wait3A_720 : memref<1x1x1024xf32, #tpu.memory_space<hbm>> -> memref<1x1024xf32, #tpu.memory_space<hbm>>
              tpu.wait_dma2 semaphore(%run_scoped3A_709 : memref<!tpu.dma_semaphore, #tpu.memory_space<semaphore_mem>>) src(%arg6 : memref<1x1024xf32, #tpu.memory_space<vmem>>) dst(%dma_wait3A_721 : memref<1x1024xf32, #tpu.memory_space<hbm>>)
              tpu.yield
            }) : () -> ()
          } else {
          }
          %slice3A_676 = vector.extract_strided_slice %get3A_576 {offsets = [12], sizes = [1], strides = [1]} : vector<16xi32> to vector<1xi32>
          %squeeze3A_677 = vector.extract %slice3A_676[0] : i32 from vector<1xi32>
          %eq3A_678 = arith.constant 0 : i32
          %eq3A_679 = arith.cmpi eq, %squeeze3A_677, %eq3A_678 : i32
          %convert_element_type3A_680 = arith.extui %eq3A_679 : i1 to i32
          %cond3A_681 = arith.constant 0 : i32
          %cond3A_682 = arith.cmpi ne, %convert_element_type3A_680, %cond3A_681 : i32
          scf.if %cond3A_682 {
            %mul3A_704 = arith.constant 16 : i32
            %mul3A_705 = arith.muli %scan3A_571, %mul3A_704 : i32
            %add3A_706 = arith.addi %mul3A_2, %mul3A_705 : i32
            %add3A_707 = arith.constant 12 : i32
            %add3A_708 = arith.addi %add3A_706, %add3A_707 : i32
            %run_scoped3A = arith.constant 3 : i32
            "tpu.region"() ({
              %run_scoped3A_709 = tpu.sem_alloc : memref<!tpu.dma_semaphore, #tpu.memory_space<semaphore_mem>>
              %dma_start3A_710 = arith.constant 0 : i32
              %dma_start3A_711 = tpu.memref_slice %arg4[%run_scoped3A, %add3A_708, %dma_start3A_710] : memref<4x8192x1024xf32, #tpu.memory_space<hbm>> -> memref<1x1x1024xf32, #tpu.memory_space<hbm>>
              %dma_start3A_712 = tpu.memref_squeeze %dma_start3A_711 : memref<1x1x1024xf32, #tpu.memory_space<hbm>> -> memref<1x1024xf32, #tpu.memory_space<hbm>>
              %dma_start3A_713 = arith.constant 0 : i32
              %dma_start3A_714 = tpu.memref_slice %arg4[%run_scoped3A, %add3A_708, %dma_start3A_713] : memref<4x8192x1024xf32, #tpu.memory_space<hbm>> -> memref<1x1x1024xf32, #tpu.memory_space<hbm>>
              %dma_start3A_715 = tpu.memref_squeeze %dma_start3A_714 : memref<1x1x1024xf32, #tpu.memory_space<hbm>> -> memref<1x1024xf32, #tpu.memory_space<hbm>>
              tpu.enqueue_dma source(%arg6 : memref<1x1024xf32, #tpu.memory_space<vmem>>) target(%dma_start3A_715 : memref<1x1024xf32, #tpu.memory_space<hbm>>) target_semaphore(%run_scoped3A_709 : memref<!tpu.dma_semaphore, #tpu.memory_space<semaphore_mem>>)
              %dma_wait3A_716 = arith.constant 0 : i32
              %dma_wait3A_717 = tpu.memref_slice %arg4[%run_scoped3A, %add3A_708, %dma_wait3A_716] : memref<4x8192x1024xf32, #tpu.memory_space<hbm>> -> memref<1x1x1024xf32, #tpu.memory_space<hbm>>
              %dma_wait3A_718 = tpu.memref_squeeze %dma_wait3A_717 : memref<1x1x1024xf32, #tpu.memory_space<hbm>> -> memref<1x1024xf32, #tpu.memory_space<hbm>>
              %dma_wait3A_719 = arith.constant 0 : i32
              %dma_wait3A_720 = tpu.memref_slice %arg4[%run_scoped3A, %add3A_708, %dma_wait3A_719] : memref<4x8192x1024xf32, #tpu.memory_space<hbm>> -> memref<1x1x1024xf32, #tpu.memory_space<hbm>>
              %dma_wait3A_721 = tpu.memref_squeeze %dma_wait3A_720 : memref<1x1x1024xf32, #tpu.memory_space<hbm>> -> memref<1x1024xf32, #tpu.memory_space<hbm>>
              tpu.wait_dma2 semaphore(%run_scoped3A_709 : memref<!tpu.dma_semaphore, #tpu.memory_space<semaphore_mem>>) src(%arg6 : memref<1x1024xf32, #tpu.memory_space<vmem>>) dst(%dma_wait3A_721 : memref<1x1024xf32, #tpu.memory_space<hbm>>)
              tpu.yield
            }) : () -> ()
          } else {
          }
          %slice3A_683 = vector.extract_strided_slice %get3A_576 {offsets = [13], sizes = [1], strides = [1]} : vector<16xi32> to vector<1xi32>
          %squeeze3A_684 = vector.extract %slice3A_683[0] : i32 from vector<1xi32>
          %eq3A_685 = arith.constant 0 : i32
          %eq3A_686 = arith.cmpi eq, %squeeze3A_684, %eq3A_685 : i32
          %convert_element_type3A_687 = arith.extui %eq3A_686 : i1 to i32
          %cond3A_688 = arith.constant 0 : i32
          %cond3A_689 = arith.cmpi ne, %convert_element_type3A_687, %cond3A_688 : i32
          scf.if %cond3A_689 {
            %mul3A_704 = arith.constant 16 : i32
            %mul3A_705 = arith.muli %scan3A_571, %mul3A_704 : i32
            %add3A_706 = arith.addi %mul3A_2, %mul3A_705 : i32
            %add3A_707 = arith.constant 13 : i32
            %add3A_708 = arith.addi %add3A_706, %add3A_707 : i32
            %run_scoped3A = arith.constant 3 : i32
            "tpu.region"() ({
              %run_scoped3A_709 = tpu.sem_alloc : memref<!tpu.dma_semaphore, #tpu.memory_space<semaphore_mem>>
              %dma_start3A_710 = arith.constant 0 : i32
              %dma_start3A_711 = tpu.memref_slice %arg4[%run_scoped3A, %add3A_708, %dma_start3A_710] : memref<4x8192x1024xf32, #tpu.memory_space<hbm>> -> memref<1x1x1024xf32, #tpu.memory_space<hbm>>
              %dma_start3A_712 = tpu.memref_squeeze %dma_start3A_711 : memref<1x1x1024xf32, #tpu.memory_space<hbm>> -> memref<1x1024xf32, #tpu.memory_space<hbm>>
              %dma_start3A_713 = arith.constant 0 : i32
              %dma_start3A_714 = tpu.memref_slice %arg4[%run_scoped3A, %add3A_708, %dma_start3A_713] : memref<4x8192x1024xf32, #tpu.memory_space<hbm>> -> memref<1x1x1024xf32, #tpu.memory_space<hbm>>
              %dma_start3A_715 = tpu.memref_squeeze %dma_start3A_714 : memref<1x1x1024xf32, #tpu.memory_space<hbm>> -> memref<1x1024xf32, #tpu.memory_space<hbm>>
              tpu.enqueue_dma source(%arg6 : memref<1x1024xf32, #tpu.memory_space<vmem>>) target(%dma_start3A_715 : memref<1x1024xf32, #tpu.memory_space<hbm>>) target_semaphore(%run_scoped3A_709 : memref<!tpu.dma_semaphore, #tpu.memory_space<semaphore_mem>>)
              %dma_wait3A_716 = arith.constant 0 : i32
              %dma_wait3A_717 = tpu.memref_slice %arg4[%run_scoped3A, %add3A_708, %dma_wait3A_716] : memref<4x8192x1024xf32, #tpu.memory_space<hbm>> -> memref<1x1x1024xf32, #tpu.memory_space<hbm>>
              %dma_wait3A_718 = tpu.memref_squeeze %dma_wait3A_717 : memref<1x1x1024xf32, #tpu.memory_space<hbm>> -> memref<1x1024xf32, #tpu.memory_space<hbm>>
              %dma_wait3A_719 = arith.constant 0 : i32
              %dma_wait3A_720 = tpu.memref_slice %arg4[%run_scoped3A, %add3A_708, %dma_wait3A_719] : memref<4x8192x1024xf32, #tpu.memory_space<hbm>> -> memref<1x1x1024xf32, #tpu.memory_space<hbm>>
              %dma_wait3A_721 = tpu.memref_squeeze %dma_wait3A_720 : memref<1x1x1024xf32, #tpu.memory_space<hbm>> -> memref<1x1024xf32, #tpu.memory_space<hbm>>
              tpu.wait_dma2 semaphore(%run_scoped3A_709 : memref<!tpu.dma_semaphore, #tpu.memory_space<semaphore_mem>>) src(%arg6 : memref<1x1024xf32, #tpu.memory_space<vmem>>) dst(%dma_wait3A_721 : memref<1x1024xf32, #tpu.memory_space<hbm>>)
              tpu.yield
            }) : () -> ()
          } else {
          }
          %slice3A_690 = vector.extract_strided_slice %get3A_576 {offsets = [14], sizes = [1], strides = [1]} : vector<16xi32> to vector<1xi32>
          %squeeze3A_691 = vector.extract %slice3A_690[0] : i32 from vector<1xi32>
          %eq3A_692 = arith.constant 0 : i32
          %eq3A_693 = arith.cmpi eq, %squeeze3A_691, %eq3A_692 : i32
          %convert_element_type3A_694 = arith.extui %eq3A_693 : i1 to i32
          %cond3A_695 = arith.constant 0 : i32
          %cond3A_696 = arith.cmpi ne, %convert_element_type3A_694, %cond3A_695 : i32
          scf.if %cond3A_696 {
            %mul3A_704 = arith.constant 16 : i32
            %mul3A_705 = arith.muli %scan3A_571, %mul3A_704 : i32
            %add3A_706 = arith.addi %mul3A_2, %mul3A_705 : i32
            %add3A_707 = arith.constant 14 : i32
            %add3A_708 = arith.addi %add3A_706, %add3A_707 : i32
            %run_scoped3A = arith.constant 3 : i32
            "tpu.region"() ({
              %run_scoped3A_709 = tpu.sem_alloc : memref<!tpu.dma_semaphore, #tpu.memory_space<semaphore_mem>>
              %dma_start3A_710 = arith.constant 0 : i32
              %dma_start3A_711 = tpu.memref_slice %arg4[%run_scoped3A, %add3A_708, %dma_start3A_710] : memref<4x8192x1024xf32, #tpu.memory_space<hbm>> -> memref<1x1x1024xf32, #tpu.memory_space<hbm>>
              %dma_start3A_712 = tpu.memref_squeeze %dma_start3A_711 : memref<1x1x1024xf32, #tpu.memory_space<hbm>> -> memref<1x1024xf32, #tpu.memory_space<hbm>>
              %dma_start3A_713 = arith.constant 0 : i32
              %dma_start3A_714 = tpu.memref_slice %arg4[%run_scoped3A, %add3A_708, %dma_start3A_713] : memref<4x8192x1024xf32, #tpu.memory_space<hbm>> -> memref<1x1x1024xf32, #tpu.memory_space<hbm>>
              %dma_start3A_715 = tpu.memref_squeeze %dma_start3A_714 : memref<1x1x1024xf32, #tpu.memory_space<hbm>> -> memref<1x1024xf32, #tpu.memory_space<hbm>>
              tpu.enqueue_dma source(%arg6 : memref<1x1024xf32, #tpu.memory_space<vmem>>) target(%dma_start3A_715 : memref<1x1024xf32, #tpu.memory_space<hbm>>) target_semaphore(%run_scoped3A_709 : memref<!tpu.dma_semaphore, #tpu.memory_space<semaphore_mem>>)
              %dma_wait3A_716 = arith.constant 0 : i32
              %dma_wait3A_717 = tpu.memref_slice %arg4[%run_scoped3A, %add3A_708, %dma_wait3A_716] : memref<4x8192x1024xf32, #tpu.memory_space<hbm>> -> memref<1x1x1024xf32, #tpu.memory_space<hbm>>
              %dma_wait3A_718 = tpu.memref_squeeze %dma_wait3A_717 : memref<1x1x1024xf32, #tpu.memory_space<hbm>> -> memref<1x1024xf32, #tpu.memory_space<hbm>>
              %dma_wait3A_719 = arith.constant 0 : i32
              %dma_wait3A_720 = tpu.memref_slice %arg4[%run_scoped3A, %add3A_708, %dma_wait3A_719] : memref<4x8192x1024xf32, #tpu.memory_space<hbm>> -> memref<1x1x1024xf32, #tpu.memory_space<hbm>>
              %dma_wait3A_721 = tpu.memref_squeeze %dma_wait3A_720 : memref<1x1x1024xf32, #tpu.memory_space<hbm>> -> memref<1x1024xf32, #tpu.memory_space<hbm>>
              tpu.wait_dma2 semaphore(%run_scoped3A_709 : memref<!tpu.dma_semaphore, #tpu.memory_space<semaphore_mem>>) src(%arg6 : memref<1x1024xf32, #tpu.memory_space<vmem>>) dst(%dma_wait3A_721 : memref<1x1024xf32, #tpu.memory_space<hbm>>)
              tpu.yield
            }) : () -> ()
          } else {
          }
          %slice3A_697 = vector.extract_strided_slice %get3A_576 {offsets = [15], sizes = [1], strides = [1]} : vector<16xi32> to vector<1xi32>
          %squeeze3A_698 = vector.extract %slice3A_697[0] : i32 from vector<1xi32>
          %eq3A_699 = arith.constant 0 : i32
          %eq3A_700 = arith.cmpi eq, %squeeze3A_698, %eq3A_699 : i32
          %convert_element_type3A_701 = arith.extui %eq3A_700 : i1 to i32
          %cond3A_702 = arith.constant 0 : i32
          %cond3A_703 = arith.cmpi ne, %convert_element_type3A_701, %cond3A_702 : i32
          scf.if %cond3A_703 {
            %mul3A_704 = arith.constant 16 : i32
            %mul3A_705 = arith.muli %scan3A_571, %mul3A_704 : i32
            %add3A_706 = arith.addi %mul3A_2, %mul3A_705 : i32
            %add3A_707 = arith.constant 15 : i32
            %add3A_708 = arith.addi %add3A_706, %add3A_707 : i32
            %run_scoped3A = arith.constant 3 : i32
            "tpu.region"() ({
              %run_scoped3A_709 = tpu.sem_alloc : memref<!tpu.dma_semaphore, #tpu.memory_space<semaphore_mem>>
              %dma_start3A_710 = arith.constant 0 : i32
              %dma_start3A_711 = tpu.memref_slice %arg4[%run_scoped3A, %add3A_708, %dma_start3A_710] : memref<4x8192x1024xf32, #tpu.memory_space<hbm>> -> memref<1x1x1024xf32, #tpu.memory_space<hbm>>
              %dma_start3A_712 = tpu.memref_squeeze %dma_start3A_711 : memref<1x1x1024xf32, #tpu.memory_space<hbm>> -> memref<1x1024xf32, #tpu.memory_space<hbm>>
              %dma_start3A_713 = arith.constant 0 : i32
              %dma_start3A_714 = tpu.memref_slice %arg4[%run_scoped3A, %add3A_708, %dma_start3A_713] : memref<4x8192x1024xf32, #tpu.memory_space<hbm>> -> memref<1x1x1024xf32, #tpu.memory_space<hbm>>
              %dma_start3A_715 = tpu.memref_squeeze %dma_start3A_714 : memref<1x1x1024xf32, #tpu.memory_space<hbm>> -> memref<1x1024xf32, #tpu.memory_space<hbm>>
              tpu.enqueue_dma source(%arg6 : memref<1x1024xf32, #tpu.memory_space<vmem>>) target(%dma_start3A_715 : memref<1x1024xf32, #tpu.memory_space<hbm>>) target_semaphore(%run_scoped3A_709 : memref<!tpu.dma_semaphore, #tpu.memory_space<semaphore_mem>>)
              %dma_wait3A_716 = arith.constant 0 : i32
              %dma_wait3A_717 = tpu.memref_slice %arg4[%run_scoped3A, %add3A_708, %dma_wait3A_716] : memref<4x8192x1024xf32, #tpu.memory_space<hbm>> -> memref<1x1x1024xf32, #tpu.memory_space<hbm>>
              %dma_wait3A_718 = tpu.memref_squeeze %dma_wait3A_717 : memref<1x1x1024xf32, #tpu.memory_space<hbm>> -> memref<1x1024xf32, #tpu.memory_space<hbm>>
              %dma_wait3A_719 = arith.constant 0 : i32
              %dma_wait3A_720 = tpu.memref_slice %arg4[%run_scoped3A, %add3A_708, %dma_wait3A_719] : memref<4x8192x1024xf32, #tpu.memory_space<hbm>> -> memref<1x1x1024xf32, #tpu.memory_space<hbm>>
              %dma_wait3A_721 = tpu.memref_squeeze %dma_wait3A_720 : memref<1x1x1024xf32, #tpu.memory_space<hbm>> -> memref<1x1024xf32, #tpu.memory_space<hbm>>
              tpu.wait_dma2 semaphore(%run_scoped3A_709 : memref<!tpu.dma_semaphore, #tpu.memory_space<semaphore_mem>>) src(%arg6 : memref<1x1024xf32, #tpu.memory_space<vmem>>) dst(%dma_wait3A_721 : memref<1x1024xf32, #tpu.memory_space<hbm>>)
              tpu.yield
            }) : () -> ()
          } else {
          }
        } else {
        }
      }
      %scan3A_570 = arith.constant 16 : i32
    } else {
    }
    return
  }
}

</mosaic_0001>

<sc_bundles>
// kernel: kernel.3.cloned.1.call-start
scs
__scs_entry_jumppad:
0x0: {  	(pc) =	sbr.rel $0x88, $3  }
0x1: {  	(tag) =	ssettag $0x0;
	lr =	simm.s32 $0x1  }
0x2: {  	[smem:$0x3F9F] =	sst lr;
	_ =	strace $0xD0000000  }
0x3: {  	_ = 	snop  }
0x4: {  	_ = 	snop  }
0x5: {  	_ = 	snop  }
0x6: {  	_ = 	snop  }
0x7: {  	_ = 	snop  }
__scs_overlays_trampoline_lowered:
0x8: {  	[smem:$0x3FAE] =	sst s0  }
0x9: {  	[smem:$0x3FAF] =	sst s1  }
0xa: {  	[smem:$0x3FB0] =	sst s2  }
0xb: {  	[smem:$0x3FB1] =	sst s3  }
0xc: {  	[smem:$0x3FB2] =	sst s4  }
0xd: {  	[smem:$0x3FB3] =	sst s5  }
0xe: {  	[smem:$0x3FB4] =	sst s6  }
0xf: {  	[smem:$0x3FB5] =	sst s7  }
0x10: {  	[smem:$0x3FB6] =	sst s8  }
0x11: {  	[smem:$0x3FB7] =	sst s9;
	s0 =	simm.s32 @!p0 $0x0  }
0x12: {  	s1 =	sld [smem:$0x3F9D];
	s0 =	simm.s32 @p0 $0x1  }
0x13: {  	[smem:$0x3FB8] =	sst s0;
	s0 =	simm.s32 @!p1 $0x0  }
0x14: {  	s2 =	sld [smem:$0x3F9C];
	s0 =	simm.s32 @p1 $0x1  }
0x15: {  	[smem:$0x3FB9] =	sst s0;
	s0 =	simm.s32 @!p2 $0x0  }
0x16: {  	s3 =	sld [smem:$0x3FDB];
	s0 =	simm.s32 @p2 $0x1  }
0x17: {  	s4 =	simm.s32 $0x1BF5;
	[smem:$0x3FBB] =	sst s0  }
0x18: {  	s0 =	sld [smem:$0x3F9E];
	_ =	swait.ge [sflag:s4], $0x0  }
0x19: {  	s7 =	sld [smem:$0x3F9F]  }
0x1a: {  	s8 =	sadd.s32 $0xFFFFE003, lr  }
0x1b: {  	s9 =	sadd.s32 $0xFFFFFEF7, lr;
	s5 =	simm.s32 $0xFFFFFFFF;
	p2 =	slt.u32 s8, $0xFFFFF086  }
0x1c: {  	p1 =	slt.u32 s9, $0xF7A;
	s5 =	simm.s32 @!p2 $0x0  }
0x1d: {  	s5 =	simm.s32 @p1 $0x1;
	p0 =	seq.s32 s7, s2  }
0x1e: {  	s7 =	smul.u32 @!p0 $0xF7A, s2;
	p2 =	seq.s32 @!p0 s5, $0x0  }
0x1f: {  	s9 =	smul.u32 $0xF7A, s1;
	s8 =	simm.s32 @!p0 $0x1BF5;
	p2 =	por !p2, p0  }
0x20: {  	[sflag:s8] =	ssyncset.s32 @!p0 $0xFFFFF086;
	s6 =	sadd.s32 @!p0 s3, s7;
	s7 =	simm.s32 @!p0 $0x108  }
0x21: {  	s3 =	sadd.s32 s3, s9;
	s6 =	sadd.s32 @!p0 $0x88, s6;
	s7 =	simm.s32 @p2 $0x1082  }
0x22: {  	[simem:s7], [sflag:s8] =	dma.local @!p0 [hbm:s6], $0xF7A  }
0x23: {  	s9 =	sor.u32 $0xD0000000, s2;
	s6 =	simm.s32 $0x108;
	_ =	swait.ge @!p0 [sflag:s8], $0x0  }
0x24: {  	s3 =	sadd.s32 $0x88, s3;
	s6 =	simm.s32 @!p1 $0x1082;
	[sflag:s4] =	ssyncset.s32 $0xFFFFF086  }
0x25: {  	[simem:s6], [sflag:s4] =	dma.local [hbm:s3], $0xF7A  }
0x26: {  	[smem:$0x3F9F] =	sst s1;
	(tag) =	ssettag s2;
	_ =	strace s9  }
0x27: {  	s1 =	sld [smem:$0x3FAF]  }
0x28: {  	s2 =	sld [smem:$0x3FB0]  }
0x29: {  	s4 =	sld [smem:$0x3FB2]  }
0x2a: {  	p0 =	seq.s32 s5, $0x0;
	s5 =	sld [smem:$0x3FB3]  }
0x2b: {  	s6 =	sld [smem:$0x3FB4]  }
0x2c: {  	s7 =	sld [smem:$0x3FB5]  }
0x2d: {  	s3 =	simm.s32 $0x108;
	s8 =	sld [smem:$0x3FB6]  }
0x2e: {  	s3 =	simm.s32 @!p0 $0x1082;
	s9 =	sld [smem:$0x3FB7]  }
0x2f: {  	lr =	sadd.s32 s0, s3;
	s0 =	sld [smem:$0x3FAE]  }
0x30: {  	s3 =	sld [smem:$0x3FB1]  }
0x31: {  	[smem:$0x3FBA] =	sst s10  }
0x32: {  	s10 =	sld [smem:$0x3FB8];
	_ =	sdelay $0x3  }
0x33: {  	p0 =	seq.s32 s10, $0x1;
	s10 =	sld [smem:$0x3FBA];
	_ =	sdelay $0x3  }
0x34: {  	[smem:$0x3FBA] =	sst s10  }
0x35: {  	s10 =	sld [smem:$0x3FB9];
	_ =	sdelay $0x3  }
0x36: {  	p1 =	seq.s32 s10, $0x1;
	s10 =	sld [smem:$0x3FBA];
	_ =	sdelay $0x3  }
0x37: {  	[smem:$0x3FBA] =	sst s10  }
0x38: {  	s10 =	sld [smem:$0x3FBB]  }
0x39: {  	_ = 	snop;
	(pc) =	sbr.ind lr, $3  }
0x3a: {  	_ = 	snop  }
0x3b: {  	_ = 	snop  }
0x3c: {  	p2 =	seq.s32 s10, $0x1;
	s10 =	sld [smem:$0x3FBA]  }
0x3d: {  	_ =	shalt  }
0x3e: {  	_ =	shalt  }
0x3f: {  	_ =	shalt  }
0x40: {  	_ =	shalt  }
0x41: {  	_ =	shalt  }
0x42: {  	_ =	shalt  }
0x43: {  	_ =	shalt  }
0x44: {  	_ =	shalt  }
0x45: {  	_ =	shalt  }
0x46: {  	_ =	shalt  }
0x47: {  	_ =	shalt  }
0x48: {  	_ =	shalt  }
0x49: {  	_ =	shalt  }
0x4a: {  	_ =	shalt  }
0x4b: {  	_ =	shalt  }
0x4c: {  	_ =	shalt  }
0x4d: {  	_ =	shalt  }
0x4e: {  	_ =	shalt  }
0x4f: {  	_ =	shalt  }
0x50: {  	_ =	shalt  }
0x51: {  	_ =	shalt  }
0x52: {  	_ =	shalt  }
0x53: {  	_ =	shalt  }
0x54: {  	_ =	shalt  }
0x55: {  	_ =	shalt  }
0x56: {  	_ =	shalt  }
0x57: {  	_ =	shalt  }
0x58: {  	_ =	shalt  }
0x59: {  	_ =	shalt  }
0x5a: {  	_ =	shalt  }
0x5b: {  	_ =	shalt  }
0x5c: {  	_ =	shalt  }
0x5d: {  	_ =	shalt  }
0x5e: {  	_ =	shalt  }
0x5f: {  	_ =	shalt  }
0x60: {  	_ =	shalt  }
0x61: {  	_ =	shalt  }
0x62: {  	_ =	shalt  }
0x63: {  	_ =	shalt  }
0x64: {  	_ =	shalt  }
0x65: {  	_ =	shalt  }
0x66: {  	_ =	shalt  }
0x67: {  	_ =	shalt  }
0x68: {  	_ =	shalt  }
0x69: {  	_ =	shalt  }
0x6a: {  	_ =	shalt  }
0x6b: {  	_ =	shalt  }
0x6c: {  	_ =	shalt  }
0x6d: {  	_ =	shalt  }
0x6e: {  	_ =	shalt  }
0x6f: {  	_ =	shalt  }
0x70: {  	_ =	shalt  }
0x71: {  	_ =	shalt  }
0x72: {  	_ =	shalt  }
0x73: {  	_ =	shalt  }
0x74: {  	_ =	shalt  }
0x75: {  	_ =	shalt  }
0x76: {  	_ =	shalt  }
0x77: {  	_ =	shalt  }
0x78: {  	_ =	shalt  }
0x79: {  	_ =	shalt  }
0x7a: {  	_ =	shalt  }
0x7b: {  	_ =	shalt  }
0x7c: {  	_ =	shalt  }
0x7d: {  	_ =	shalt  }
0x7e: {  	_ =	shalt  }
0x7f: {  	_ =	shalt  }
0x80: {  	_ =	shalt  }
0x81: {  	_ =	shalt  }
0x82: {  	_ =	shalt  }
0x83: {  	_ =	shalt  }
0x84: {  	_ =	shalt  }
0x85: {  	_ =	shalt  }
0x86: {  	_ =	shalt  }
0x87: {  	_ =	shalt  }
.Lfunc_end0:
.L_simem_size_0:
called_computation_lowered:
.L_overlay_start_0:
0x88: {  	s2 =	sld [smem:$0x3FD9]  }
0x89: {  	s3 =	sld [smem:$0x3FFE];
	_ =	sdelay $0x1  }
0x8a: {  	s1 =	srdreg.scid  }
0x8b: {  	s0 =	sand.u32 $0x1, s1  }
0x8c: {  	s18 =	sshll.u32 s0, $0xA;
	s2 =	sadd.s32 s3, s2  }
0x8d: {  	s2 =	sadd.s32 s2, s18  }
0x8e: {  	[smem:$0x3FC6] =	sst s2  }
0x8f: {  	_ = 	snop  }
0x90: {  	s2 =	sld [smem:$0x3FC9]  }
0x91: {  	s19 =	sld [smem:$0x3FC8]  }
0x92: {  	s4 =	sld [smem:$0x3FD0];
	(tm) =	ssettm $0x1  }
0x93: {  	s5 =	sld [smem:$0x3FFB];
	_ =	sdelay $0x3  }
0x94: {  	_ =	strace s5  }
0x95: {  	s5 =	sld [smem:$0x3FFC];
	_ =	sdelay $0x3  }
0x96: {  	_ =	strace s5  }
0x97: {  	s5 =	sld [smem:$0x3FFD];
	_ =	sdelay $0x3  }
0x98: {  	_ =	strace s5  }
0x99: {  	_ =	strace $0x8FFFFFFF  }
0x9a: {  	s20 =	sld [smem:$0x3FDB];
	_ =	sdelay $0x1  }
0x9b: {  	s6 =	simm.s32 $_scs_section_size  }
0x9c: {  	s7 =	simm.s32 $_size__tile_overlayer_lowered;
	s8 =	simm.s32 $_tile_overlayer_lowered  }
0x9d: {  	s23 =	simm.s32 $0x1BFF;
	s22 =	sshll.u32 s8, $0x1;
	s5 =	sadd.s32 s6, s20  }
0x9e: {  	s9 =	simm.s32 $0x0;
	s21 =	sshll.u32 s7, $0x1;
	s7 =	sadd.s32 s22, s5  }
0x9f: {  	[timem:s9], [sflag:s23] =	dma.local [hbm:s7], s21  }
0xa0: {  	_ =	swait.ge [sflag:s23], s21  }
0xa1: {  	s6 =	ssub.s32 $0x0, s21;
	[sflag:s23] =	ssyncset.done $0x0  }
0xa2: {  	[sflag:s23] =	ssyncadd.s32 s6;
	_ =	sdelay $0x1  }
0xa3: {  	s24 =	simm.s32 $0x1B8B  }
0xa4: {  	_ =	swait.ge [sflag:s24], $0x1  }
0xa5: {  	[sflag:s24] =	ssyncset.done $0x0  }
0xa6: {  	s25 =	simm.s32 $0x1B8E;
	[sflag:s24] =	ssyncadd.s32 $0xFFFFFFFF  }
0xa7: {  	s26 =	simm.s32 $execute0_lowered;
	[smem:$0x3FD2] =	sst s25  }
0xa8: {  	s6 =	sshll.u32 s26, $0x1;
	_ =	strace $0x80000046;
	[dreg:$0x1] =	wrdreg $0xFFFFFFFF  }
0xa9: {  	s28 =	simm.s32 $_size_execute0_lowered;
	s5 =	sadd.s32 s5, s6;
	[dreg:$0x0] =	wrdreg $0x0  }
0xaa: {  	s6 =	sshll.u32 s28, $0x1;
	[dreg:$0x2] =	wrdreg s5  }
0xab: {  	[dreg:$0x3] =	wrdreg s6  }
0xac: {  	[dreg:$0x4] =	wrdreg $0xC0  }
0xad: {  	_ =	task [dreg:s9], $0x5FFFF  }
0xae: {  	[dreg:$0x1] =	wrdreg $0xFFFFFFFF  }
0xaf: {  	[dreg:$0x0] =	wrdreg $0x60  }
0xb0: {  	[dreg:$0x2] =	wrdreg s2  }
0xb1: {  	[dreg:$0x3] =	wrdreg s19  }
0xb2: {  	[dreg:$0x4] =	wrdreg s4  }
0xb3: {  	[dreg:$0x5] =	wrdreg $0x9  }
0xb4: {  	_ =	task.clear_ibuf [dreg:s9], $0x6FFFF;
	_ =	strace $0x90000046  }
0xb5: {  	s29 =	simm.s32 $0x9;
	_ =	strace $0x80000048  }
0xb6: {  	_ =	swait.ge [sflag:s29], $0x1  }
0xb7: {  	[sflag:s29] =	ssyncadd.s32 $0xFFFFFFFF  }
0xb8: {  	_ =	strace $0x90000048  }
0xb9: {  	_ =	sfence  }
0xba: {  	s30 =	sld [smem:$0x0];
	_ =	sdelay $0x2  }
0xbb: {  	s31 =	sshll.u32 s1, $0xD;
	s1 =	sshrl.u32 s1, $0x2  }
0xbc: {  	s3 =	sand.u32 $0x4000, s31;
	s1 =	sadd.s32 s1, s30  }
0xbd: {  	s0 =	sor.u32 s3, s0;
	s1 =	sshll.u32 s1, $0x11  }
0xbe: {  	s0 =	sor.u32 s1, s0  }
0xbf: {  	s0 =	sadd.s32 $0x8F2B, s0  }
0xc0: {  	[sflag:s0] =	ssyncadd.remote.s32 $0x1  }
0xc1: {  	_ =	sfence.sel $0xFFFF  }
0xc2: {  	[dreg:$0x0] =	wrdreg $0xFFFFFFFF;
	(pc) =	sbr.abs _section_cstart, $3  }
0xc3: {  	[dreg:$0x1] =	wrdreg $0xFFFFFFFF  }
0xc4: {  	_ =	task.clear_ibuf [dreg:s9], $0x2FFFF;
	_ =	strace $0x9FFFFFFF  }
0xc5: {  	(tm) =	ssettm $0x7FFFFFFF  }
tec
execute0_lowered:
.L_overlay_start_1:
0x0: {  	(tag) =	ssettag $0x1  }
0x1: {  	s9 =	rddreg [dreg:$0x0]  }
0x2: {  	s22 =	rddreg [dreg:$0x1]  }
0x3: {  	s1 =	srdreg.scid;
	s2 =	stileid.u32  }
0x4: {  	s0 =	rddreg [dreg:$0x2];
	s3 =	simm.s32 $0x0;
	s30 =	simm.s32 $0x0  }
0x5: {  	s1 =	sand.u32 $0x1, s1;
	s4 =	sshll.u32 s2, $0x1;
	[smem:$0x7FF] =	sst s3  }
0x6: {  	s31 =	sshll.u32 s2, $0x10;
	s8 =	sor.u32 s1, s4;
	s16 =	ssub.s32 $0x2, s1  }
0x7: {  	_ =	strace $0x80000047;
	s1 =	sshll.u32 s1, $0xF;
	s6 =	sshll.u32 s8, $0x17  }
0x8: {  	s5 =	sshrl.u32 s16, $0x1;
	s13 =	sshll.u32 s8, $0x12;
	s18 =	sshll.u32 s8, $0xF  }
0x9: {  	s11 =	sshll.u32 s8, $0x7;
	s14 =	sand.u32 $0x1800000, s6;
	s20 =	ssub.s32 s16, s5  }
0xa: {  	s10 =	sadd.s32 $0x800000, s6;
	s4 =	sadd.s32 s22, s18;
	s6 =	sadd.s32 $0x1800000, s6  }
0xb: {  	s9 =	sadd.s32 s9, s11;
	s15 =	sor.u32 $0x1E000, s13;
	s17 =	sor.u32 s13, s14  }
0xc: {  	s18 =	sxor.u32 $0x1000000, s14;
	s25 =	sshrl.u32 s15, $0x3;
	s26 =	sor.u32 s15, s14  }
0xd: {  	s20 =	smax.u32 s20, $0x1;
	s7 =	sshrl.u32 s17, $0x3;
	s17 =	sand.u32 $0x1800000, s10  }
0xe: {  	s21 =	sor.u32 s13, s18;
	s11 =	sshrl.u32 s26, $0x3;
	s16 =	sor.u32 s15, s18  }
0xf: {  	s5 =	sadd.s32 s0, s7;
	s19 =	sor.u32 s13, s17;
	s23 =	sshrl.u32 s21, $0x3  }
0x10: {  	s12 =	sor.u32 s15, s17;
	s11 =	sadd.s32 s0, s11;
	s16 =	sshrl.u32 s16, $0x3  }
0x11: {  	s21 =	sor.u32 $0x3C000, s13;
	s7 =	sshrl.u32 s19, $0x3;
	s19 =	sand.u32 $0x1800000, s6  }
0x12: {  	s12 =	sshrl.u32 s12, $0x3;
	s28 =	sor.u32 s21, s14;
	s29 =	sshrl.u32 s21, $0x3  }
0x13: {  	s17 =	sor.u32 s21, s17;
	s18 =	sor.u32 s21, s18;
	s6 =	sadd.s32 s0, s7  }
0x14: {  	s24 =	sor.u32 s13, s19;
	s7 =	sadd.s32 s0, s23;
	s12 =	sadd.s32 s0, s12  }
0x15: {  	s15 =	sor.u32 s15, s19;
	s13 =	sadd.s32 s0, s16;
	s16 =	sshrl.u32 s28, $0x3  }
0x16: {  	s17 =	sshrl.u32 s17, $0x3;
	s19 =	sor.u32 s21, s19;
	s18 =	sshrl.u32 s18, $0x3  }
0x17: {  	s23 =	simm.s32 $0x1E400;
	s10 =	sshrl.u32 s24, $0x3;
	s15 =	sshrl.u32 s15, $0x3  }
.Ltmp0:
0x18: {  	s16 =	sadd.s32 s0, s16;
	s17 =	sadd.s32 s0, s17;
	(pc) =	sbr.rel .LBB2_1-.Ltmp0, $4  }
0x19: {  	s19 =	sshrl.u32 s19, $0x3;
	s18 =	sadd.s32 s0, s18;
	s24 =	simm.s32 $0x1  }
0x1a: {  	s8 =	sadd.s32 s0, s10;
	s10 =	sadd.s32 s22, s25;
	s14 =	sadd.s32 s0, s15  }
0x1b: {  	s15 =	sadd.s32 s22, s29;
	s19 =	sadd.s32 s0, s19;
	s0 =	sadd.s32 s31, s0  }
0x1c: {  	vm0 =	vmxor vm0, vm0;
	v0 =	vimm.f32 $0.0e+00;
	s22 =	simm.s32 $0x3;
	s25 =	simm.s32 $0x2;
	s21 =	sadd.s32 s1, s0  }
.LBB2_26:
0x1d: {  	s30 =	sadd.s32 $0x1, s30  }
0x1e: {  	p0 =	sne.s32 s30, s20  }
.Ltmp1:
0x1f: {  	_ = 	snop;
	(pc) =	sbr.rel @!p0 .LBB2_27-.Ltmp1, $1  }
0x20: {  	_ =	sdelay $0x3  }
.LBB2_1:
0x21: {  	[tilespmem:s3], [sflag:$0x3] =	stream.linear.gather [hbm4b:s4+s3], $0x1E000, $0x38;
	[tilespmem:$0x1E800] =	vst v63  }
0x22: {  	_ =	swait.ge [sflag:s22], $0x1E000  }
0x23: {  	[sflag:s22] =	ssyncset.done $0x0  }
0x24: {  	[sflag:s22] =	ssyncadd.s32 $0xFFFE2000  }
0x25: {  	[hbm4b:s5+s3] =	stream.linear.scatter [tilespmem:s3], [sflag:$0x1], $0x1E000, $0x38;
	[tilespmem:$0x1E800] =	vst v63  }
0x26: {  	_ = 	snop  }
0x27: {  	[hbm4b:s6+s3] =	stream.linear.scatter [tilespmem:s3], [sflag:$0x1], $0x1E000, $0x38;
	[tilespmem:$0x1E800] =	vst v63  }
0x28: {  	_ = 	snop  }
0x29: {  	[hbm4b:s7+s3] =	stream.linear.scatter [tilespmem:s3], [sflag:$0x1], $0x1E000, $0x38;
	[tilespmem:$0x1E800] =	vst v63  }
0x2a: {  	_ = 	snop  }
0x2b: {  	[hbm4b:s8+s3] =	stream.linear.scatter [tilespmem:s3], [sflag:$0x1], $0x1E000, $0x38;
	[tilespmem:$0x1E800] =	vst v63  }
0x2c: {  	_ = 	snop  }
0x2d: {  	[tilespmem:s23], [sflag:$0x2] =	stream.linear.gather [hbm4b:s9+s3], $0x400, $0x38;
	[tilespmem:$0x1E800] =	vst v63  }
0x2e: {  	_ =	swait.ge [sflag:s24], $0x1E000  }
0x2f: {  	[sflag:s24] =	ssyncset.done $0x0  }
0x30: {  	[sflag:s24] =	ssyncadd.s32 $0xFFFE2000  }
0x31: {  	_ =	swait.ge [sflag:s24], $0x1E000  }
0x32: {  	[sflag:s24] =	ssyncset.done $0x0  }
0x33: {  	[sflag:s24] =	ssyncadd.s32 $0xFFFE2000  }
0x34: {  	_ =	swait.ge [sflag:s24], $0x1E000  }
0x35: {  	[sflag:s24] =	ssyncset.done $0x0  }
0x36: {  	[sflag:s24] =	ssyncadd.s32 $0xFFFE2000  }
0x37: {  	_ =	swait.ge [sflag:s24], $0x1E000  }
0x38: {  	[sflag:s24] =	ssyncset.done $0x0  }
0x39: {  	[sflag:s24] =	ssyncadd.s32 $0xFFFE2000  }
0x3a: {  	[tilespmem:s3], [sflag:$0x3] =	stream.linear.gather [hbm4b:s10+s3], $0x1E000, $0x38;
	[tilespmem:$0x1E800] =	vst v63  }
0x3b: {  	_ =	swait.ge [sflag:s22], $0x1E000  }
0x3c: {  	[sflag:s22] =	ssyncset.done $0x0  }
0x3d: {  	[sflag:s22] =	ssyncadd.s32 $0xFFFE2000  }
0x3e: {  	[hbm4b:s11+s3] =	stream.linear.scatter [tilespmem:s3], [sflag:$0x1], $0x1E000, $0x38;
	[tilespmem:$0x1E800] =	vst v63  }
0x3f: {  	_ = 	snop  }
0x40: {  	[hbm4b:s12+s3] =	stream.linear.scatter [tilespmem:s3], [sflag:$0x1], $0x1E000, $0x38;
	[tilespmem:$0x1E800] =	vst v63  }
0x41: {  	_ = 	snop  }
0x42: {  	[hbm4b:s13+s3] =	stream.linear.scatter [tilespmem:s3], [sflag:$0x1], $0x1E000, $0x38;
	[tilespmem:$0x1E800] =	vst v63  }
0x43: {  	_ = 	snop  }
0x44: {  	[hbm4b:s14+s3] =	stream.linear.scatter [tilespmem:s3], [sflag:$0x1], $0x1E000, $0x38;
	[tilespmem:$0x1E800] =	vst v63  }
0x45: {  	_ =	swait.ge [sflag:s24], $0x1E000  }
0x46: {  	[sflag:s24] =	ssyncset.done $0x0  }
0x47: {  	[sflag:s24] =	ssyncadd.s32 $0xFFFE2000  }
0x48: {  	_ =	swait.ge [sflag:s24], $0x1E000  }
0x49: {  	[sflag:s24] =	ssyncset.done $0x0  }
0x4a: {  	[sflag:s24] =	ssyncadd.s32 $0xFFFE2000  }
0x4b: {  	_ =	swait.ge [sflag:s24], $0x1E000  }
0x4c: {  	[sflag:s24] =	ssyncset.done $0x0  }
0x4d: {  	[sflag:s24] =	ssyncadd.s32 $0xFFFE2000  }
0x4e: {  	_ =	swait.ge [sflag:s24], $0x1E000  }
0x4f: {  	[sflag:s24] =	ssyncset.done $0x0  }
0x50: {  	[sflag:s24] =	ssyncadd.s32 $0xFFFE2000  }
0x51: {  	[tilespmem:s3], [sflag:$0x3] =	stream.linear.gather [hbm4b:s15+s3], $0x4000, $0x38;
	[tilespmem:$0x1E800] =	vst v63  }
0x52: {  	_ =	swait.ge [sflag:s22], $0x4000  }
0x53: {  	[sflag:s22] =	ssyncset.done $0x0  }
0x54: {  	[sflag:s22] =	ssyncadd.s32 $0xFFFFC000  }
0x55: {  	[hbm4b:s16+s3] =	stream.linear.scatter [tilespmem:s3], [sflag:$0x1], $0x4000, $0x38;
	[tilespmem:$0x1E800] =	vst v63  }
0x56: {  	_ = 	snop  }
0x57: {  	[hbm4b:s17+s3] =	stream.linear.scatter [tilespmem:s3], [sflag:$0x1], $0x4000, $0x38;
	[tilespmem:$0x1E800] =	vst v63  }
0x58: {  	_ = 	snop  }
0x59: {  	[hbm4b:s18+s3] =	stream.linear.scatter [tilespmem:s3], [sflag:$0x1], $0x4000, $0x38;
	[tilespmem:$0x1E800] =	vst v63  }
0x5a: {  	_ = 	snop  }
0x5b: {  	[hbm4b:s19+s3] =	stream.linear.scatter [tilespmem:s3], [sflag:$0x1], $0x4000, $0x38;
	[tilespmem:$0x1E800] =	vst v63  }
0x5c: {  	_ =	swait.ge [sflag:s25], $0x400  }
0x5d: {  	s0 =	sand.u32 $0x70, s3;
	s1 =	sand.u32 $0x200, s3;
	[sflag:s25] =	ssyncset.done $0x0  }
0x5e: {  	s1 =	sor.u32 s0, s1;
	[sflag:s25] =	ssyncadd.s32 $0xFFFFFC00  }
0x5f: {  	vm1 =	vmmov vm0;
	s0 =	simm.s32 $0x10;
	v1 =	vld [tilespmem:s1+$0x1E400];
	s1 =	simm.s32 $0x0  }
.LBB2_2:
0x60: {  	p0 =	sne.s32 s0, $0xF0  }
.Ltmp2:
0x61: {  	_ = 	snop;
	(pc) =	sbr.rel @p0 .LBB2_2-.Ltmp2, $4  }
0x62: {  	s1 =	sadd.s32 $0x40, s1  }
0x63: {  	s26 =	sand.u32 $0x70, s0;
	s31 =	sand.u32 $0x200, s1  }
0x64: {  	s26 =	sor.u32 s26, s31;
	vm2 =	veq.s32 v1, $0x0  }
0x65: {  	s0 =	sadd.s32 $0x10, s0;
	v1 =	vld [tilespmem:s26+$0x1E400];
	vm1 =	vmor vm1, vm2  }
0x66: {  	_ =	sdelay $0x1  }
0x67: {  	s0 =	simm.s32 $0x0  }
0x68: {  	s1 =	sand.u32 $0x70, s0;
	s26 =	sand.u32 $0x200, s0  }
0x69: {  	s1 =	sor.u32 s1, s26;
	vm2 =	veq.s32 v1, $0x0  }
0x6a: {  	s31 =	simm.s32 $0x10;
	s26 =	simm.s32 $0x0;
	v1 =	vld [tilespmem:s1+$0x1E480];
	vm1 =	vmor vm1, vm2  }
.LBB2_4:
0x6b: {  	p0 =	sne.s32 s31, $0xF0  }
.Ltmp3:
0x6c: {  	_ = 	snop;
	(pc) =	sbr.rel @p0 .LBB2_4-.Ltmp3, $4  }
0x6d: {  	s26 =	sadd.s32 $0x40, s26  }
0x6e: {  	s28 =	sand.u32 $0x70, s31;
	s29 =	sand.u32 $0x200, s26  }
0x6f: {  	s28 =	sor.u32 s28, s29;
	vm2 =	veq.s32 v1, $0x0  }
0x70: {  	s31 =	sadd.s32 $0x10, s31;
	v1 =	vld [tilespmem:s28+$0x1E480];
	vm1 =	vmor vm1, vm2  }
0x71: {  	_ =	sdelay $0x3  }
0x72: {  	vm2 =	veq.s32 v1, $0x0  }
0x73: {  	s26 =	simm.s32 $0x10;
	v1 =	vld [tilespmem:s1+$0x1E500];
	vm1 =	vmor vm1, vm2  }
.LBB2_6:
0x74: {  	p0 =	sne.s32 s26, $0xF0  }
.Ltmp4:
0x75: {  	_ = 	snop;
	(pc) =	sbr.rel @p0 .LBB2_6-.Ltmp4, $4  }
0x76: {  	s0 =	sadd.s32 $0x40, s0  }
0x77: {  	s1 =	sand.u32 $0x70, s26;
	s28 =	sand.u32 $0x200, s0  }
0x78: {  	s1 =	sor.u32 s1, s28;
	vm2 =	veq.s32 v1, $0x0  }
0x79: {  	s26 =	sadd.s32 $0x10, s26;
	v1 =	vld [tilespmem:s1+$0x1E500];
	vm1 =	vmor vm1, vm2  }
0x7a: {  	_ =	sdelay $0x1  }
0x7b: {  	s0 =	simm.s32 $0x0  }
0x7c: {  	s1 =	sand.u32 $0x70, s0;
	s26 =	sand.u32 $0x200, s0  }
0x7d: {  	s26 =	sor.u32 s1, s26;
	vm2 =	veq.s32 v1, $0x0  }
0x7e: {  	s1 =	simm.s32 $0x10;
	v1 =	vld [tilespmem:s26+$0x1E580];
	vm1 =	vmor vm1, vm2  }
.LBB2_8:
0x7f: {  	p0 =	sne.s32 s1, $0xF0  }
.Ltmp5:
0x80: {  	_ = 	snop;
	(pc) =	sbr.rel @p0 .LBB2_8-.Ltmp5, $4  }
0x81: {  	s0 =	sadd.s32 $0x40, s0  }
0x82: {  	s26 =	sand.u32 $0x70, s1;
	s28 =	sand.u32 $0x200, s0  }
0x83: {  	s26 =	sor.u32 s26, s28;
	vm2 =	veq.s32 v1, $0x0  }
0x84: {  	s1 =	sadd.s32 $0x10, s1;
	v1 =	vld [tilespmem:s26+$0x1E580];
	vm1 =	vmor vm1, vm2  }
0x85: {  	_ =	sdelay $0x3  }
0x86: {  	vm2 =	veq.s32 v1, $0x0  }
0x87: {  	vm1 =	vmor vm1, vm2  }
0x88: {  	v1 =	vsel vm1, $0x3F800000, v0  }
0x89: {  	(xrf0) =	vmax.scan.msk.f32 $0xffff, v1;
	_ =	sdelay $0x5  }
0x8a: {  	v1, _, _ =	vpop (xrf0)  }
0x8b: {  	(v2sf) =	vpush v1, $0xF;
	_ =	sdelay $0xe  }
0x8c: {  	s0 =	spop (v2sf)  }
0x8d: {  	_ =	swait.ge [sflag:s24], $0x4000  }
0x8e: {  	[sflag:s24] =	ssyncset.done $0x0  }
0x8f: {  	[sflag:s24] =	ssyncadd.s32 $0xFFFFC000  }
0x90: {  	_ =	swait.ge [sflag:s24], $0x4000  }
0x91: {  	[sflag:s24] =	ssyncset.done $0x0  }
0x92: {  	[sflag:s24] =	ssyncadd.s32 $0xFFFFC000  }
0x93: {  	p0 =	sgt.f32 s0, $0.0e+00;
	_ =	swait.ge [sflag:s24], $0x4000  }
.Ltmp6:
0x94: {  	[sflag:s24] =	ssyncset.done $0x0;
	(pc) =	sbr.rel @!p0 .LBB2_26-.Ltmp6, $4  }
0x95: {  	[sflag:s24] =	ssyncadd.s32 $0xFFFFC000  }
0x96: {  	_ =	swait.ge [sflag:s24], $0x4000  }
0x97: {  	[sflag:s24] =	ssyncset.done $0x0  }
0x98: {  	[sflag:s24] =	ssyncadd.s32 $0xFFFFC000  }
0x99: {  	s0 =	rddreg [dreg:$0x1];
	s1 =	simm.s32 $0x80  }
.Ltmp7:
0x9a: {  	s2 =	simm.s32 $0x400;
	s26 =	simm.s32 $0x1E000;
	(pc) =	sbr.rel .LBB2_11-.Ltmp7, $4  }
0x9b: {  	[tilespmem:s26], [sflag:$0x3] =	stream.strided.gather [hbm4b:s0+s1], $0x400, s2, s1, $0x38;
	[tilespmem:$0x1E800] =	vst v63  }
0x9c: {  	_ =	swait.ge [sflag:s22], $0x400  }
0x9d: {  	s31 =	simm.s32 $0x0;
	[sflag:s22] =	ssyncset.done $0x0  }
0x9e: {  	s1 =	simm.s32 $0x0;
	s0 =	simm.s32 $0x0;
	[sflag:s22] =	ssyncadd.s32 $0xFFFFFC00  }
.LBB2_13:
0x9f: {  	s31 =	sadd.s32 $0x800, s31  }
0xa0: {  	p0 =	sne.s32 s31, $0x8000  }
.Ltmp8:
0xa1: {  	_ = 	snop;
	(pc) =	sbr.rel @!p0 .LBB2_14-.Ltmp8, $2  }
0xa2: {  	_ =	sdelay $0x2  }
0xa3: {  	s0 =	sadd.s32 $0x40, s0;
	s1 =	sadd.s32 $0x10, s1  }
.LBB2_11:
0xa4: {  	s26 =	sand.u32 $0x70, s1;
	s28 =	sand.u32 $0x200, s0  }
0xa5: {  	s26 =	sor.u32 s26, s28  }
0xa6: {  	v1 =	vld [tilespmem:s26+$0x1E400];
	_ =	sdelay $0x4  }
0xa7: {  	vm1 =	veq.s32 v1, $0x0  }
0xa8: {  	v2 =	vsel vm1, $0x3F800000, v0  }
0xa9: {  	(xrf0) =	vmax.scan.msk.f32 $0xffff, v2;
	_ =	sdelay $0x5  }
0xaa: {  	v2, _, _ =	vpop (xrf0)  }
0xab: {  	(v2sf) =	vpush v2, $0xF;
	_ =	sdelay $0xe  }
0xac: {  	s29 =	spop (v2sf)  }
0xad: {  	p0 =	sgt.f32 s29, $0.0e+00  }
.Ltmp9:
0xae: {  	_ = 	snop;
	(pc) =	sbr.rel @!p0 .LBB2_13-.Ltmp9, $1  }
0xaf: {  	_ =	sdelay $0x3  }
0xb0: {  	(v2sf) =	vpush v1, $0x0;
	_ =	sdelay $0xe  }
0xb1: {  	s26 =	spop (v2sf)  }
0xb2: {  	p1 =	sne.s32 s26, $0x0  }
0xb3: {  	s26 =	sadd.s32 @!p1 s31, s21  }
0xb4: {  	s28 =	simm.s32 @!p1 $0x80;
	s29 =	simm.s32 @!p1 $0x400;
	s2 =	simm.s32 @!p1 $0x1E000  }
0xb5: {  	[hbm4b:s26+s28] =	stream.strided.scatter @!p1 [tilespmem:s2], [sflag:$0x4], $0x400, s29, s28, $0x38;
	[tilespmem:$0x1E800] =	vst v63  }
0xb6: {  	s2 =	simm.s32 @!p1 $0x4  }
0xb7: {  	_ =	swait.ge @!p1 [sflag:s2], $0x400  }
0xb8: {  	(v2sf) =	vpush v1, $0x1;
	_ =	sdelay $0xe  }
0xb9: {  	s29 =	spop (v2sf)  }
0xba: {  	[sflag:s2] =	ssyncset.done @!p1 $0x0;
	p0 =	sne.s32 s29, $0x0  }
0xbb: {  	[sflag:s2] =	ssyncadd.s32 @!p1 $0xFFFFFC00;
	s26 =	sadd.s32 @!p0 s31, s21;
	s28 =	simm.s32 @!p0 $0x400  }
0xbc: {  	s29 =	simm.s32 @!p0 $0x1E000;
	s2 =	sadd.s32 @!p0 $0x10, s26;
	s26 =	simm.s32 @!p0 $0x80  }
0xbd: {  	[hbm4b:s2+s26] =	stream.strided.scatter @!p0 [tilespmem:s29], [sflag:$0x4], $0x400, s28, s26, $0x38;
	[tilespmem:$0x1E800] =	vst v63  }
0xbe: {  	s2 =	simm.s32 @!p0 $0x4  }
0xbf: {  	_ =	swait.ge @!p0 [sflag:s2], $0x400  }
0xc0: {  	(v2sf) =	vpush v1, $0x2;
	_ =	sdelay $0xe  }
0xc1: {  	s28 =	spop (v2sf)  }
0xc2: {  	[sflag:s2] =	ssyncset.done @!p0 $0x0;
	p1 =	sne.s32 s28, $0x0  }
0xc3: {  	[sflag:s2] =	ssyncadd.s32 @!p0 $0xFFFFFC00;
	s26 =	sadd.s32 @!p1 s31, s21;
	s28 =	simm.s32 @!p1 $0x400  }
0xc4: {  	s29 =	simm.s32 @!p1 $0x1E000;
	s2 =	sadd.s32 @!p1 $0x20, s26;
	s26 =	simm.s32 @!p1 $0x80  }
0xc5: {  	[hbm4b:s2+s26] =	stream.strided.scatter @!p1 [tilespmem:s29], [sflag:$0x4], $0x400, s28, s26, $0x38;
	[tilespmem:$0x1E800] =	vst v63  }
0xc6: {  	s2 =	simm.s32 @!p1 $0x4  }
0xc7: {  	_ =	swait.ge @!p1 [sflag:s2], $0x400  }
0xc8: {  	(v2sf) =	vpush v1, $0x3;
	_ =	sdelay $0xe  }
0xc9: {  	s29 =	spop (v2sf)  }
0xca: {  	[sflag:s2] =	ssyncset.done @!p1 $0x0;
	p0 =	sne.s32 s29, $0x0  }
0xcb: {  	[sflag:s2] =	ssyncadd.s32 @!p1 $0xFFFFFC00;
	s26 =	sadd.s32 @!p0 s31, s21;
	s28 =	simm.s32 @!p0 $0x400  }
0xcc: {  	s29 =	simm.s32 @!p0 $0x1E000;
	s2 =	sadd.s32 @!p0 $0x30, s26;
	s26 =	simm.s32 @!p0 $0x80  }
0xcd: {  	[hbm4b:s2+s26] =	stream.strided.scatter @!p0 [tilespmem:s29], [sflag:$0x4], $0x400, s28, s26, $0x38;
	[tilespmem:$0x1E800] =	vst v63  }
0xce: {  	s2 =	simm.s32 @!p0 $0x4  }
0xcf: {  	_ =	swait.ge @!p0 [sflag:s2], $0x400  }
0xd0: {  	(v2sf) =	vpush v1, $0x4;
	_ =	sdelay $0xe  }
0xd1: {  	s28 =	spop (v2sf)  }
0xd2: {  	[sflag:s2] =	ssyncset.done @!p0 $0x0;
	p1 =	sne.s32 s28, $0x0  }
0xd3: {  	[sflag:s2] =	ssyncadd.s32 @!p0 $0xFFFFFC00;
	s26 =	sadd.s32 @!p1 s31, s21;
	s28 =	simm.s32 @!p1 $0x400  }
0xd4: {  	s29 =	simm.s32 @!p1 $0x1E000;
	s2 =	sadd.s32 @!p1 $0x40, s26;
	s26 =	simm.s32 @!p1 $0x80  }
0xd5: {  	[hbm4b:s2+s26] =	stream.strided.scatter @!p1 [tilespmem:s29], [sflag:$0x4], $0x400, s28, s26, $0x38;
	[tilespmem:$0x1E800] =	vst v63  }
0xd6: {  	s2 =	simm.s32 @!p1 $0x4  }
0xd7: {  	_ =	swait.ge @!p1 [sflag:s2], $0x400  }
0xd8: {  	(v2sf) =	vpush v1, $0x5;
	_ =	sdelay $0xe  }
0xd9: {  	s29 =	spop (v2sf)  }
0xda: {  	[sflag:s2] =	ssyncset.done @!p1 $0x0;
	p0 =	sne.s32 s29, $0x0  }
0xdb: {  	[sflag:s2] =	ssyncadd.s32 @!p1 $0xFFFFFC00;
	s26 =	sadd.s32 @!p0 s31, s21;
	s28 =	simm.s32 @!p0 $0x400  }
0xdc: {  	s29 =	simm.s32 @!p0 $0x1E000;
	s2 =	sadd.s32 @!p0 $0x50, s26;
	s26 =	simm.s32 @!p0 $0x80  }
0xdd: {  	[hbm4b:s2+s26] =	stream.strided.scatter @!p0 [tilespmem:s29], [sflag:$0x4], $0x400, s28, s26, $0x38;
	[tilespmem:$0x1E800] =	vst v63  }
0xde: {  	s2 =	simm.s32 @!p0 $0x4  }
0xdf: {  	_ =	swait.ge @!p0 [sflag:s2], $0x400  }
0xe0: {  	(v2sf) =	vpush v1, $0x6;
	_ =	sdelay $0xe  }
0xe1: {  	s28 =	spop (v2sf)  }
0xe2: {  	[sflag:s2] =	ssyncset.done @!p0 $0x0;
	p1 =	sne.s32 s28, $0x0  }
0xe3: {  	[sflag:s2] =	ssyncadd.s32 @!p0 $0xFFFFFC00;
	s26 =	sadd.s32 @!p1 s31, s21;
	s28 =	simm.s32 @!p1 $0x400  }
0xe4: {  	s29 =	simm.s32 @!p1 $0x1E000;
	s2 =	sadd.s32 @!p1 $0x60, s26;
	s26 =	simm.s32 @!p1 $0x80  }
0xe5: {  	[hbm4b:s2+s26] =	stream.strided.scatter @!p1 [tilespmem:s29], [sflag:$0x4], $0x400, s28, s26, $0x38;
	[tilespmem:$0x1E800] =	vst v63  }
0xe6: {  	s2 =	simm.s32 @!p1 $0x4  }
0xe7: {  	_ =	swait.ge @!p1 [sflag:s2], $0x400  }
0xe8: {  	(v2sf) =	vpush v1, $0x7;
	_ =	sdelay $0xe  }
0xe9: {  	s29 =	spop (v2sf)  }
0xea: {  	[sflag:s2] =	ssyncset.done @!p1 $0x0;
	p0 =	sne.s32 s29, $0x0  }
0xeb: {  	[sflag:s2] =	ssyncadd.s32 @!p1 $0xFFFFFC00;
	s26 =	sadd.s32 @!p0 s31, s21;
	s28 =	simm.s32 @!p0 $0x400  }
0xec: {  	s29 =	simm.s32 @!p0 $0x1E000;
	s2 =	sadd.s32 @!p0 $0x70, s26;
	s26 =	simm.s32 @!p0 $0x80  }
0xed: {  	[hbm4b:s2+s26] =	stream.strided.scatter @!p0 [tilespmem:s29], [sflag:$0x4], $0x400, s28, s26, $0x38;
	[tilespmem:$0x1E800] =	vst v63  }
0xee: {  	s2 =	simm.s32 @!p0 $0x4  }
0xef: {  	_ =	swait.ge @!p0 [sflag:s2], $0x400  }
0xf0: {  	(v2sf) =	vpush v1, $0x8;
	_ =	sdelay $0xe  }
0xf1: {  	s28 =	spop (v2sf)  }
0xf2: {  	[sflag:s2] =	ssyncset.done @!p0 $0x0;
	p1 =	sne.s32 s28, $0x0  }
0xf3: {  	[sflag:s2] =	ssyncadd.s32 @!p0 $0xFFFFFC00;
	s26 =	sadd.s32 @!p1 s31, s21;
	s28 =	simm.s32 @!p1 $0x400  }
0xf4: {  	s29 =	simm.s32 @!p1 $0x1E000;
	s2 =	sadd.s32 @!p1 $0x400, s26;
	s26 =	simm.s32 @!p1 $0x80  }
0xf5: {  	[hbm4b:s2+s26] =	stream.strided.scatter @!p1 [tilespmem:s29], [sflag:$0x4], $0x400, s28, s26, $0x38;
	[tilespmem:$0x1E800] =	vst v63  }
0xf6: {  	s2 =	simm.s32 @!p1 $0x4  }
0xf7: {  	_ =	swait.ge @!p1 [sflag:s2], $0x400  }
0xf8: {  	(v2sf) =	vpush v1, $0x9;
	_ =	sdelay $0xe  }
0xf9: {  	s29 =	spop (v2sf)  }
0xfa: {  	[sflag:s2] =	ssyncset.done @!p1 $0x0;
	p0 =	sne.s32 s29, $0x0  }
0xfb: {  	[sflag:s2] =	ssyncadd.s32 @!p1 $0xFFFFFC00;
	s26 =	sadd.s32 @!p0 s31, s21;
	s28 =	simm.s32 @!p0 $0x400  }
0xfc: {  	s29 =	simm.s32 @!p0 $0x1E000;
	s2 =	sadd.s32 @!p0 $0x410, s26;
	s26 =	simm.s32 @!p0 $0x80  }
0xfd: {  	[hbm4b:s2+s26] =	stream.strided.scatter @!p0 [tilespmem:s29], [sflag:$0x4], $0x400, s28, s26, $0x38;
	[tilespmem:$0x1E800] =	vst v63  }
0xfe: {  	s2 =	simm.s32 @!p0 $0x4  }
0xff: {  	_ =	swait.ge @!p0 [sflag:s2], $0x400  }
0x100: {  	(v2sf) =	vpush v1, $0xA;
	_ =	sdelay $0xe  }
0x101: {  	s28 =	spop (v2sf)  }
0x102: {  	[sflag:s2] =	ssyncset.done @!p0 $0x0;
	p1 =	sne.s32 s28, $0x0  }
0x103: {  	[sflag:s2] =	ssyncadd.s32 @!p0 $0xFFFFFC00;
	s26 =	sadd.s32 @!p1 s31, s21;
	s28 =	simm.s32 @!p1 $0x400  }
0x104: {  	s29 =	simm.s32 @!p1 $0x1E000;
	s2 =	sadd.s32 @!p1 $0x420, s26;
	s26 =	simm.s32 @!p1 $0x80  }
0x105: {  	[hbm4b:s2+s26] =	stream.strided.scatter @!p1 [tilespmem:s29], [sflag:$0x4], $0x400, s28, s26, $0x38;
	[tilespmem:$0x1E800] =	vst v63  }
0x106: {  	s2 =	simm.s32 @!p1 $0x4  }
0x107: {  	_ =	swait.ge @!p1 [sflag:s2], $0x400  }
0x108: {  	(v2sf) =	vpush v1, $0xB;
	_ =	sdelay $0xe  }
0x109: {  	s29 =	spop (v2sf)  }
0x10a: {  	[sflag:s2] =	ssyncset.done @!p1 $0x0;
	p0 =	sne.s32 s29, $0x0  }
0x10b: {  	[sflag:s2] =	ssyncadd.s32 @!p1 $0xFFFFFC00;
	s26 =	sadd.s32 @!p0 s31, s21;
	s28 =	simm.s32 @!p0 $0x400  }
0x10c: {  	s29 =	simm.s32 @!p0 $0x1E000;
	s2 =	sadd.s32 @!p0 $0x430, s26;
	s26 =	simm.s32 @!p0 $0x80  }
0x10d: {  	[hbm4b:s2+s26] =	stream.strided.scatter @!p0 [tilespmem:s29], [sflag:$0x4], $0x400, s28, s26, $0x38;
	[tilespmem:$0x1E800] =	vst v63  }
0x10e: {  	s2 =	simm.s32 @!p0 $0x4  }
0x10f: {  	_ =	swait.ge @!p0 [sflag:s2], $0x400  }
0x110: {  	(v2sf) =	vpush v1, $0xC;
	_ =	sdelay $0xe  }
0x111: {  	s28 =	spop (v2sf)  }
0x112: {  	[sflag:s2] =	ssyncset.done @!p0 $0x0;
	p1 =	sne.s32 s28, $0x0  }
0x113: {  	[sflag:s2] =	ssyncadd.s32 @!p0 $0xFFFFFC00;
	s26 =	sadd.s32 @!p1 s31, s21;
	s28 =	simm.s32 @!p1 $0x400  }
0x114: {  	s29 =	simm.s32 @!p1 $0x1E000;
	s2 =	sadd.s32 @!p1 $0x440, s26;
	s26 =	simm.s32 @!p1 $0x80  }
0x115: {  	[hbm4b:s2+s26] =	stream.strided.scatter @!p1 [tilespmem:s29], [sflag:$0x4], $0x400, s28, s26, $0x38;
	[tilespmem:$0x1E800] =	vst v63  }
0x116: {  	s2 =	simm.s32 @!p1 $0x4  }
0x117: {  	_ =	swait.ge @!p1 [sflag:s2], $0x400  }
0x118: {  	(v2sf) =	vpush v1, $0xD;
	_ =	sdelay $0xe  }
0x119: {  	s29 =	spop (v2sf)  }
0x11a: {  	[sflag:s2] =	ssyncset.done @!p1 $0x0;
	p0 =	sne.s32 s29, $0x0  }
0x11b: {  	[sflag:s2] =	ssyncadd.s32 @!p1 $0xFFFFFC00;
	s26 =	sadd.s32 @!p0 s31, s21;
	s28 =	simm.s32 @!p0 $0x400  }
0x11c: {  	s29 =	simm.s32 @!p0 $0x1E000;
	s2 =	sadd.s32 @!p0 $0x450, s26;
	s26 =	simm.s32 @!p0 $0x80  }
0x11d: {  	[hbm4b:s2+s26] =	stream.strided.scatter @!p0 [tilespmem:s29], [sflag:$0x4], $0x400, s28, s26, $0x38;
	[tilespmem:$0x1E800] =	vst v63  }
0x11e: {  	s2 =	simm.s32 @!p0 $0x4  }
0x11f: {  	_ =	swait.ge @!p0 [sflag:s2], $0x400  }
0x120: {  	(v2sf) =	vpush v1, $0xE;
	_ =	sdelay $0xe  }
0x121: {  	s28 =	spop (v2sf)  }
0x122: {  	[sflag:s2] =	ssyncset.done @!p0 $0x0;
	p1 =	sne.s32 s28, $0x0  }
0x123: {  	[sflag:s2] =	ssyncadd.s32 @!p0 $0xFFFFFC00;
	s26 =	sadd.s32 @!p1 s31, s21;
	s28 =	simm.s32 @!p1 $0x400  }
0x124: {  	s29 =	simm.s32 @!p1 $0x1E000;
	s2 =	sadd.s32 @!p1 $0x460, s26;
	s26 =	simm.s32 @!p1 $0x80  }
0x125: {  	[hbm4b:s2+s26] =	stream.strided.scatter @!p1 [tilespmem:s29], [sflag:$0x4], $0x400, s28, s26, $0x38;
	[tilespmem:$0x1E800] =	vst v63  }
0x126: {  	s2 =	simm.s32 @!p1 $0x4  }
0x127: {  	_ =	swait.ge @!p1 [sflag:s2], $0x400  }
0x128: {  	(v2sf) =	vpush v1, $0xF;
	_ =	sdelay $0xe  }
0x129: {  	s29 =	spop (v2sf)  }
0x12a: {  	[sflag:s2] =	ssyncset.done @!p1 $0x0;
	p0 =	sne.s32 s29, $0x0  }
0x12b: {  	[sflag:s2] =	ssyncadd.s32 @!p1 $0xFFFFFC00;
	s26 =	sadd.s32 @!p0 s31, s21;
	s28 =	simm.s32 @!p0 $0x400  }
0x12c: {  	s29 =	simm.s32 @!p0 $0x1E000;
	s2 =	sadd.s32 @!p0 $0x470, s26;
	s26 =	simm.s32 @!p0 $0x80  }
0x12d: {  	[hbm4b:s2+s26] =	stream.strided.scatter @!p0 [tilespmem:s29], [sflag:$0x3], $0x400, s28, s26, $0x38;
	[tilespmem:$0x1E800] =	vst v63  }
.Ltmp10:
0x12e: {  	_ = 	snop;
	(pc) =	sbr.rel .LBB2_13-.Ltmp10, $4  }
0x12f: {  	s2 =	simm.s32 @!p0 $0x3  }
0x130: {  	_ =	swait.ge @!p0 [sflag:s2], $0x400  }
0x131: {  	[sflag:s2] =	ssyncset.done @!p0 $0x0  }
0x132: {  	[sflag:s2] =	ssyncadd.s32 @!p0 $0xFFFFFC00  }
.LBB2_14:
.Ltmp11:
0x133: {  	(pc) =	sbr.rel .LBB2_15-.Ltmp11, $2  }
0x134: {  	_ =	sdelay $0x2  }
0x135: {  	s31 =	simm.s32 $0x0;
	s1 =	simm.s32 $0x0;
	s0 =	simm.s32 $0x0  }
.LBB2_17:
0x136: {  	s0 =	sadd.s32 $0x800, s0  }
0x137: {  	p0 =	sne.s32 s0, $0x8000  }
.Ltmp12:
0x138: {  	_ = 	snop;
	(pc) =	sbr.rel @!p0 .LBB2_18-.Ltmp12, $2  }
0x139: {  	_ =	sdelay $0x2  }
0x13a: {  	s1 =	sadd.s32 $0x40, s1;
	s31 =	sadd.s32 $0x10, s31  }
.LBB2_15:
0x13b: {  	s2 =	sand.u32 $0x70, s31;
	s26 =	sand.u32 $0x200, s1  }
0x13c: {  	s2 =	sor.u32 s2, s26  }
0x13d: {  	v1 =	vld [tilespmem:s2+$0x1E480];
	_ =	sdelay $0x4  }
0x13e: {  	vm1 =	veq.s32 v1, $0x0  }
0x13f: {  	v2 =	vsel vm1, $0x3F800000, v0  }
0x140: {  	(xrf0) =	vmax.scan.msk.f32 $0xffff, v2;
	_ =	sdelay $0x5  }
0x141: {  	v2, _, _ =	vpop (xrf0)  }
0x142: {  	(v2sf) =	vpush v2, $0xF;
	_ =	sdelay $0xe  }
0x143: {  	s29 =	spop (v2sf)  }
0x144: {  	p0 =	sgt.f32 s29, $0.0e+00  }
.Ltmp13:
0x145: {  	_ = 	snop;
	(pc) =	sbr.rel @!p0 .LBB2_17-.Ltmp13, $1  }
0x146: {  	_ =	sdelay $0x3  }
0x147: {  	(v2sf) =	vpush v1, $0x0;
	_ =	sdelay $0xe  }
0x148: {  	s2 =	spop (v2sf)  }
0x149: {  	p1 =	sne.s32 s2, $0x0  }
0x14a: {  	s2 =	sadd.s32 @!p1 s0, s21;
	s26 =	simm.s32 @!p1 $0x80  }
0x14b: {  	s28 =	simm.s32 @!p1 $0x400;
	s29 =	simm.s32 @!p1 $0x1E000;
	s2 =	sadd.s32 @!p1 $0x100000, s2  }
0x14c: {  	[hbm4b:s2+s26] =	stream.strided.scatter @!p1 [tilespmem:s29], [sflag:$0x4], $0x400, s28, s26, $0x38;
	[tilespmem:$0x1E800] =	vst v63  }
0x14d: {  	s2 =	simm.s32 @!p1 $0x4  }
0x14e: {  	_ =	swait.ge @!p1 [sflag:s2], $0x400  }
0x14f: {  	(v2sf) =	vpush v1, $0x1;
	_ =	sdelay $0xe  }
0x150: {  	s29 =	spop (v2sf)  }
0x151: {  	[sflag:s2] =	ssyncset.done @!p1 $0x0;
	p0 =	sne.s32 s29, $0x0  }
0x152: {  	[sflag:s2] =	ssyncadd.s32 @!p1 $0xFFFFFC00;
	s26 =	sadd.s32 @!p0 s0, s21;
	s28 =	simm.s32 @!p0 $0x400  }
0x153: {  	s29 =	simm.s32 @!p0 $0x1E000;
	s2 =	sadd.s32 @!p0 $0x100010, s26;
	s26 =	simm.s32 @!p0 $0x80  }
0x154: {  	[hbm4b:s2+s26] =	stream.strided.scatter @!p0 [tilespmem:s29], [sflag:$0x4], $0x400, s28, s26, $0x38;
	[tilespmem:$0x1E800] =	vst v63  }
0x155: {  	s2 =	simm.s32 @!p0 $0x4  }
0x156: {  	_ =	swait.ge @!p0 [sflag:s2], $0x400  }
0x157: {  	(v2sf) =	vpush v1, $0x2;
	_ =	sdelay $0xe  }
0x158: {  	s28 =	spop (v2sf)  }
0x159: {  	[sflag:s2] =	ssyncset.done @!p0 $0x0;
	p1 =	sne.s32 s28, $0x0  }
0x15a: {  	[sflag:s2] =	ssyncadd.s32 @!p0 $0xFFFFFC00;
	s26 =	sadd.s32 @!p1 s0, s21;
	s28 =	simm.s32 @!p1 $0x400  }
0x15b: {  	s29 =	simm.s32 @!p1 $0x1E000;
	s2 =	sadd.s32 @!p1 $0x100020, s26;
	s26 =	simm.s32 @!p1 $0x80  }
0x15c: {  	[hbm4b:s2+s26] =	stream.strided.scatter @!p1 [tilespmem:s29], [sflag:$0x4], $0x400, s28, s26, $0x38;
	[tilespmem:$0x1E800] =	vst v63  }
0x15d: {  	s2 =	simm.s32 @!p1 $0x4  }
0x15e: {  	_ =	swait.ge @!p1 [sflag:s2], $0x400  }
0x15f: {  	(v2sf) =	vpush v1, $0x3;
	_ =	sdelay $0xe  }
0x160: {  	s29 =	spop (v2sf)  }
0x161: {  	[sflag:s2] =	ssyncset.done @!p1 $0x0;
	p0 =	sne.s32 s29, $0x0  }
0x162: {  	[sflag:s2] =	ssyncadd.s32 @!p1 $0xFFFFFC00;
	s26 =	sadd.s32 @!p0 s0, s21;
	s28 =	simm.s32 @!p0 $0x400  }
0x163: {  	s29 =	simm.s32 @!p0 $0x1E000;
	s2 =	sadd.s32 @!p0 $0x100030, s26;
	s26 =	simm.s32 @!p0 $0x80  }
0x164: {  	[hbm4b:s2+s26] =	stream.strided.scatter @!p0 [tilespmem:s29], [sflag:$0x4], $0x400, s28, s26, $0x38;
	[tilespmem:$0x1E800] =	vst v63  }
0x165: {  	s2 =	simm.s32 @!p0 $0x4  }
0x166: {  	_ =	swait.ge @!p0 [sflag:s2], $0x400  }
0x167: {  	(v2sf) =	vpush v1, $0x4;
	_ =	sdelay $0xe  }
0x168: {  	s28 =	spop (v2sf)  }
0x169: {  	[sflag:s2] =	ssyncset.done @!p0 $0x0;
	p1 =	sne.s32 s28, $0x0  }
0x16a: {  	[sflag:s2] =	ssyncadd.s32 @!p0 $0xFFFFFC00;
	s26 =	sadd.s32 @!p1 s0, s21;
	s28 =	simm.s32 @!p1 $0x400  }
0x16b: {  	s29 =	simm.s32 @!p1 $0x1E000;
	s2 =	sadd.s32 @!p1 $0x100040, s26;
	s26 =	simm.s32 @!p1 $0x80  }
0x16c: {  	[hbm4b:s2+s26] =	stream.strided.scatter @!p1 [tilespmem:s29], [sflag:$0x4], $0x400, s28, s26, $0x38;
	[tilespmem:$0x1E800] =	vst v63  }
0x16d: {  	s2 =	simm.s32 @!p1 $0x4  }
0x16e: {  	_ =	swait.ge @!p1 [sflag:s2], $0x400  }
0x16f: {  	(v2sf) =	vpush v1, $0x5;
	_ =	sdelay $0xe  }
0x170: {  	s29 =	spop (v2sf)  }
0x171: {  	[sflag:s2] =	ssyncset.done @!p1 $0x0;
	p0 =	sne.s32 s29, $0x0  }
0x172: {  	[sflag:s2] =	ssyncadd.s32 @!p1 $0xFFFFFC00;
	s26 =	sadd.s32 @!p0 s0, s21;
	s28 =	simm.s32 @!p0 $0x400  }
0x173: {  	s29 =	simm.s32 @!p0 $0x1E000;
	s2 =	sadd.s32 @!p0 $0x100050, s26;
	s26 =	simm.s32 @!p0 $0x80  }
0x174: {  	[hbm4b:s2+s26] =	stream.strided.scatter @!p0 [tilespmem:s29], [sflag:$0x4], $0x400, s28, s26, $0x38;
	[tilespmem:$0x1E800] =	vst v63  }
0x175: {  	s2 =	simm.s32 @!p0 $0x4  }
0x176: {  	_ =	swait.ge @!p0 [sflag:s2], $0x400  }
0x177: {  	(v2sf) =	vpush v1, $0x6;
	_ =	sdelay $0xe  }
0x178: {  	s28 =	spop (v2sf)  }
0x179: {  	[sflag:s2] =	ssyncset.done @!p0 $0x0;
	p1 =	sne.s32 s28, $0x0  }
0x17a: {  	[sflag:s2] =	ssyncadd.s32 @!p0 $0xFFFFFC00;
	s26 =	sadd.s32 @!p1 s0, s21;
	s28 =	simm.s32 @!p1 $0x400  }
0x17b: {  	s29 =	simm.s32 @!p1 $0x1E000;
	s2 =	sadd.s32 @!p1 $0x100060, s26;
	s26 =	simm.s32 @!p1 $0x80  }
0x17c: {  	[hbm4b:s2+s26] =	stream.strided.scatter @!p1 [tilespmem:s29], [sflag:$0x4], $0x400, s28, s26, $0x38;
	[tilespmem:$0x1E800] =	vst v63  }
0x17d: {  	s2 =	simm.s32 @!p1 $0x4  }
0x17e: {  	_ =	swait.ge @!p1 [sflag:s2], $0x400  }
0x17f: {  	(v2sf) =	vpush v1, $0x7;
	_ =	sdelay $0xe  }
0x180: {  	s29 =	spop (v2sf)  }
0x181: {  	[sflag:s2] =	ssyncset.done @!p1 $0x0;
	p0 =	sne.s32 s29, $0x0  }
0x182: {  	[sflag:s2] =	ssyncadd.s32 @!p1 $0xFFFFFC00;
	s26 =	sadd.s32 @!p0 s0, s21;
	s28 =	simm.s32 @!p0 $0x400  }
0x183: {  	s29 =	simm.s32 @!p0 $0x1E000;
	s2 =	sadd.s32 @!p0 $0x100070, s26;
	s26 =	simm.s32 @!p0 $0x80  }
0x184: {  	[hbm4b:s2+s26] =	stream.strided.scatter @!p0 [tilespmem:s29], [sflag:$0x4], $0x400, s28, s26, $0x38;
	[tilespmem:$0x1E800] =	vst v63  }
0x185: {  	s2 =	simm.s32 @!p0 $0x4  }
0x186: {  	_ =	swait.ge @!p0 [sflag:s2], $0x400  }
0x187: {  	(v2sf) =	vpush v1, $0x8;
	_ =	sdelay $0xe  }
0x188: {  	s28 =	spop (v2sf)  }
0x189: {  	[sflag:s2] =	ssyncset.done @!p0 $0x0;
	p1 =	sne.s32 s28, $0x0  }
0x18a: {  	[sflag:s2] =	ssyncadd.s32 @!p0 $0xFFFFFC00;
	s26 =	sadd.s32 @!p1 s0, s21;
	s28 =	simm.s32 @!p1 $0x400  }
0x18b: {  	s29 =	simm.s32 @!p1 $0x1E000;
	s2 =	sadd.s32 @!p1 $0x100400, s26;
	s26 =	simm.s32 @!p1 $0x80  }
0x18c: {  	[hbm4b:s2+s26] =	stream.strided.scatter @!p1 [tilespmem:s29], [sflag:$0x4], $0x400, s28, s26, $0x38;
	[tilespmem:$0x1E800] =	vst v63  }
0x18d: {  	s2 =	simm.s32 @!p1 $0x4  }
0x18e: {  	_ =	swait.ge @!p1 [sflag:s2], $0x400  }
0x18f: {  	(v2sf) =	vpush v1, $0x9;
	_ =	sdelay $0xe  }
0x190: {  	s29 =	spop (v2sf)  }
0x191: {  	[sflag:s2] =	ssyncset.done @!p1 $0x0;
	p0 =	sne.s32 s29, $0x0  }
0x192: {  	[sflag:s2] =	ssyncadd.s32 @!p1 $0xFFFFFC00;
	s26 =	sadd.s32 @!p0 s0, s21;
	s28 =	simm.s32 @!p0 $0x400  }
0x193: {  	s29 =	simm.s32 @!p0 $0x1E000;
	s2 =	sadd.s32 @!p0 $0x100410, s26;
	s26 =	simm.s32 @!p0 $0x80  }
0x194: {  	[hbm4b:s2+s26] =	stream.strided.scatter @!p0 [tilespmem:s29], [sflag:$0x4], $0x400, s28, s26, $0x38;
	[tilespmem:$0x1E800] =	vst v63  }
0x195: {  	s2 =	simm.s32 @!p0 $0x4  }
0x196: {  	_ =	swait.ge @!p0 [sflag:s2], $0x400  }
0x197: {  	(v2sf) =	vpush v1, $0xA;
	_ =	sdelay $0xe  }
0x198: {  	s28 =	spop (v2sf)  }
0x199: {  	[sflag:s2] =	ssyncset.done @!p0 $0x0;
	p1 =	sne.s32 s28, $0x0  }
0x19a: {  	[sflag:s2] =	ssyncadd.s32 @!p0 $0xFFFFFC00;
	s26 =	sadd.s32 @!p1 s0, s21;
	s28 =	simm.s32 @!p1 $0x400  }
0x19b: {  	s29 =	simm.s32 @!p1 $0x1E000;
	s2 =	sadd.s32 @!p1 $0x100420, s26;
	s26 =	simm.s32 @!p1 $0x80  }
0x19c: {  	[hbm4b:s2+s26] =	stream.strided.scatter @!p1 [tilespmem:s29], [sflag:$0x4], $0x400, s28, s26, $0x38;
	[tilespmem:$0x1E800] =	vst v63  }
0x19d: {  	s2 =	simm.s32 @!p1 $0x4  }
0x19e: {  	_ =	swait.ge @!p1 [sflag:s2], $0x400  }
0x19f: {  	(v2sf) =	vpush v1, $0xB;
	_ =	sdelay $0xe  }
0x1a0: {  	s29 =	spop (v2sf)  }
0x1a1: {  	[sflag:s2] =	ssyncset.done @!p1 $0x0;
	p0 =	sne.s32 s29, $0x0  }
0x1a2: {  	[sflag:s2] =	ssyncadd.s32 @!p1 $0xFFFFFC00;
	s26 =	sadd.s32 @!p0 s0, s21;
	s28 =	simm.s32 @!p0 $0x400  }
0x1a3: {  	s29 =	simm.s32 @!p0 $0x1E000;
	s2 =	sadd.s32 @!p0 $0x100430, s26;
	s26 =	simm.s32 @!p0 $0x80  }
0x1a4: {  	[hbm4b:s2+s26] =	stream.strided.scatter @!p0 [tilespmem:s29], [sflag:$0x4], $0x400, s28, s26, $0x38;
	[tilespmem:$0x1E800] =	vst v63  }
0x1a5: {  	s2 =	simm.s32 @!p0 $0x4  }
0x1a6: {  	_ =	swait.ge @!p0 [sflag:s2], $0x400  }
0x1a7: {  	(v2sf) =	vpush v1, $0xC;
	_ =	sdelay $0xe  }
0x1a8: {  	s28 =	spop (v2sf)  }
0x1a9: {  	[sflag:s2] =	ssyncset.done @!p0 $0x0;
	p1 =	sne.s32 s28, $0x0  }
0x1aa: {  	[sflag:s2] =	ssyncadd.s32 @!p0 $0xFFFFFC00;
	s26 =	sadd.s32 @!p1 s0, s21;
	s28 =	simm.s32 @!p1 $0x400  }
0x1ab: {  	s29 =	simm.s32 @!p1 $0x1E000;
	s2 =	sadd.s32 @!p1 $0x100440, s26;
	s26 =	simm.s32 @!p1 $0x80  }
0x1ac: {  	[hbm4b:s2+s26] =	stream.strided.scatter @!p1 [tilespmem:s29], [sflag:$0x4], $0x400, s28, s26, $0x38;
	[tilespmem:$0x1E800] =	vst v63  }
0x1ad: {  	s2 =	simm.s32 @!p1 $0x4  }
0x1ae: {  	_ =	swait.ge @!p1 [sflag:s2], $0x400  }
0x1af: {  	(v2sf) =	vpush v1, $0xD;
	_ =	sdelay $0xe  }
0x1b0: {  	s29 =	spop (v2sf)  }
0x1b1: {  	[sflag:s2] =	ssyncset.done @!p1 $0x0;
	p0 =	sne.s32 s29, $0x0  }
0x1b2: {  	[sflag:s2] =	ssyncadd.s32 @!p1 $0xFFFFFC00;
	s26 =	sadd.s32 @!p0 s0, s21;
	s28 =	simm.s32 @!p0 $0x400  }
0x1b3: {  	s29 =	simm.s32 @!p0 $0x1E000;
	s2 =	sadd.s32 @!p0 $0x100450, s26;
	s26 =	simm.s32 @!p0 $0x80  }
0x1b4: {  	[hbm4b:s2+s26] =	stream.strided.scatter @!p0 [tilespmem:s29], [sflag:$0x4], $0x400, s28, s26, $0x38;
	[tilespmem:$0x1E800] =	vst v63  }
0x1b5: {  	s2 =	simm.s32 @!p0 $0x4  }
0x1b6: {  	_ =	swait.ge @!p0 [sflag:s2], $0x400  }
0x1b7: {  	(v2sf) =	vpush v1, $0xE;
	_ =	sdelay $0xe  }
0x1b8: {  	s28 =	spop (v2sf)  }
0x1b9: {  	[sflag:s2] =	ssyncset.done @!p0 $0x0;
	p1 =	sne.s32 s28, $0x0  }
0x1ba: {  	[sflag:s2] =	ssyncadd.s32 @!p0 $0xFFFFFC00;
	s26 =	sadd.s32 @!p1 s0, s21;
	s28 =	simm.s32 @!p1 $0x400  }
0x1bb: {  	s29 =	simm.s32 @!p1 $0x1E000;
	s2 =	sadd.s32 @!p1 $0x100460, s26;
	s26 =	simm.s32 @!p1 $0x80  }
0x1bc: {  	[hbm4b:s2+s26] =	stream.strided.scatter @!p1 [tilespmem:s29], [sflag:$0x4], $0x400, s28, s26, $0x38;
	[tilespmem:$0x1E800] =	vst v63  }
0x1bd: {  	s2 =	simm.s32 @!p1 $0x4  }
0x1be: {  	_ =	swait.ge @!p1 [sflag:s2], $0x400  }
0x1bf: {  	(v2sf) =	vpush v1, $0xF;
	_ =	sdelay $0xe  }
0x1c0: {  	s29 =	spop (v2sf)  }
0x1c1: {  	[sflag:s2] =	ssyncset.done @!p1 $0x0;
	p0 =	sne.s32 s29, $0x0  }
0x1c2: {  	[sflag:s2] =	ssyncadd.s32 @!p1 $0xFFFFFC00;
	s26 =	sadd.s32 @!p0 s0, s21;
	s28 =	simm.s32 @!p0 $0x400  }
0x1c3: {  	s29 =	simm.s32 @!p0 $0x1E000;
	s2 =	sadd.s32 @!p0 $0x100470, s26;
	s26 =	simm.s32 @!p0 $0x80  }
0x1c4: {  	[hbm4b:s2+s26] =	stream.strided.scatter @!p0 [tilespmem:s29], [sflag:$0x3], $0x400, s28, s26, $0x38;
	[tilespmem:$0x1E800] =	vst v63  }
.Ltmp14:
0x1c5: {  	_ = 	snop;
	(pc) =	sbr.rel .LBB2_17-.Ltmp14, $4  }
0x1c6: {  	s2 =	simm.s32 @!p0 $0x3  }
0x1c7: {  	_ =	swait.ge @!p0 [sflag:s2], $0x400  }
0x1c8: {  	[sflag:s2] =	ssyncset.done @!p0 $0x0  }
0x1c9: {  	[sflag:s2] =	ssyncadd.s32 @!p0 $0xFFFFFC00  }
.LBB2_18:
.Ltmp15:
0x1ca: {  	(pc) =	sbr.rel .LBB2_19-.Ltmp15, $2  }
0x1cb: {  	_ =	sdelay $0x2  }
0x1cc: {  	s31 =	simm.s32 $0x0;
	s1 =	simm.s32 $0x0;
	s0 =	simm.s32 $0x0  }
.LBB2_21:
0x1cd: {  	s0 =	sadd.s32 $0x800, s0  }
0x1ce: {  	p0 =	sne.s32 s0, $0x8000  }
.Ltmp16:
0x1cf: {  	_ = 	snop;
	(pc) =	sbr.rel @!p0 .LBB2_22-.Ltmp16, $2  }
0x1d0: {  	_ =	sdelay $0x2  }
0x1d1: {  	s1 =	sadd.s32 $0x40, s1;
	s31 =	sadd.s32 $0x10, s31  }
.LBB2_19:
0x1d2: {  	s2 =	sand.u32 $0x70, s31;
	s26 =	sand.u32 $0x200, s1  }
0x1d3: {  	s2 =	sor.u32 s2, s26  }
0x1d4: {  	v1 =	vld [tilespmem:s2+$0x1E500];
	_ =	sdelay $0x4  }
0x1d5: {  	vm1 =	veq.s32 v1, $0x0  }
0x1d6: {  	v2 =	vsel vm1, $0x3F800000, v0  }
0x1d7: {  	(xrf0) =	vmax.scan.msk.f32 $0xffff, v2;
	_ =	sdelay $0x5  }
0x1d8: {  	v2, _, _ =	vpop (xrf0)  }
0x1d9: {  	(v2sf) =	vpush v2, $0xF;
	_ =	sdelay $0xe  }
0x1da: {  	s29 =	spop (v2sf)  }
0x1db: {  	p0 =	sgt.f32 s29, $0.0e+00  }
.Ltmp17:
0x1dc: {  	_ = 	snop;
	(pc) =	sbr.rel @!p0 .LBB2_21-.Ltmp17, $1  }
0x1dd: {  	_ =	sdelay $0x3  }
0x1de: {  	(v2sf) =	vpush v1, $0x0;
	_ =	sdelay $0xe  }
0x1df: {  	s2 =	spop (v2sf)  }
0x1e0: {  	p1 =	sne.s32 s2, $0x0  }
0x1e1: {  	s2 =	sadd.s32 @!p1 s0, s21;
	s26 =	simm.s32 @!p1 $0x80  }
0x1e2: {  	s28 =	simm.s32 @!p1 $0x400;
	s29 =	simm.s32 @!p1 $0x1E000;
	s2 =	sadd.s32 @!p1 $0x200000, s2  }
0x1e3: {  	[hbm4b:s2+s26] =	stream.strided.scatter @!p1 [tilespmem:s29], [sflag:$0x4], $0x400, s28, s26, $0x38;
	[tilespmem:$0x1E800] =	vst v63  }
0x1e4: {  	s2 =	simm.s32 @!p1 $0x4  }
0x1e5: {  	_ =	swait.ge @!p1 [sflag:s2], $0x400  }
0x1e6: {  	(v2sf) =	vpush v1, $0x1;
	_ =	sdelay $0xe  }
0x1e7: {  	s29 =	spop (v2sf)  }
0x1e8: {  	[sflag:s2] =	ssyncset.done @!p1 $0x0;
	p0 =	sne.s32 s29, $0x0  }
0x1e9: {  	[sflag:s2] =	ssyncadd.s32 @!p1 $0xFFFFFC00;
	s26 =	sadd.s32 @!p0 s0, s21;
	s28 =	simm.s32 @!p0 $0x400  }
0x1ea: {  	s29 =	simm.s32 @!p0 $0x1E000;
	s2 =	sadd.s32 @!p0 $0x200010, s26;
	s26 =	simm.s32 @!p0 $0x80  }
0x1eb: {  	[hbm4b:s2+s26] =	stream.strided.scatter @!p0 [tilespmem:s29], [sflag:$0x4], $0x400, s28, s26, $0x38;
	[tilespmem:$0x1E800] =	vst v63  }
0x1ec: {  	s2 =	simm.s32 @!p0 $0x4  }
0x1ed: {  	_ =	swait.ge @!p0 [sflag:s2], $0x400  }
0x1ee: {  	(v2sf) =	vpush v1, $0x2;
	_ =	sdelay $0xe  }
0x1ef: {  	s28 =	spop (v2sf)  }
0x1f0: {  	[sflag:s2] =	ssyncset.done @!p0 $0x0;
	p1 =	sne.s32 s28, $0x0  }
0x1f1: {  	[sflag:s2] =	ssyncadd.s32 @!p0 $0xFFFFFC00;
	s26 =	sadd.s32 @!p1 s0, s21;
	s28 =	simm.s32 @!p1 $0x400  }
0x1f2: {  	s29 =	simm.s32 @!p1 $0x1E000;
	s2 =	sadd.s32 @!p1 $0x200020, s26;
	s26 =	simm.s32 @!p1 $0x80  }
0x1f3: {  	[hbm4b:s2+s26] =	stream.strided.scatter @!p1 [tilespmem:s29], [sflag:$0x4], $0x400, s28, s26, $0x38;
	[tilespmem:$0x1E800] =	vst v63  }
0x1f4: {  	s2 =	simm.s32 @!p1 $0x4  }
0x1f5: {  	_ =	swait.ge @!p1 [sflag:s2], $0x400  }
0x1f6: {  	(v2sf) =	vpush v1, $0x3;
	_ =	sdelay $0xe  }
0x1f7: {  	s29 =	spop (v2sf)  }
0x1f8: {  	[sflag:s2] =	ssyncset.done @!p1 $0x0;
	p0 =	sne.s32 s29, $0x0  }
0x1f9: {  	[sflag:s2] =	ssyncadd.s32 @!p1 $0xFFFFFC00;
	s26 =	sadd.s32 @!p0 s0, s21;
	s28 =	simm.s32 @!p0 $0x400  }
0x1fa: {  	s29 =	simm.s32 @!p0 $0x1E000;
	s2 =	sadd.s32 @!p0 $0x200030, s26;
	s26 =	simm.s32 @!p0 $0x80  }
0x1fb: {  	[hbm4b:s2+s26] =	stream.strided.scatter @!p0 [tilespmem:s29], [sflag:$0x4], $0x400, s28, s26, $0x38;
	[tilespmem:$0x1E800] =	vst v63  }
0x1fc: {  	s2 =	simm.s32 @!p0 $0x4  }
0x1fd: {  	_ =	swait.ge @!p0 [sflag:s2], $0x400  }
0x1fe: {  	(v2sf) =	vpush v1, $0x4;
	_ =	sdelay $0xe  }
0x1ff: {  	s28 =	spop (v2sf)  }
0x200: {  	[sflag:s2] =	ssyncset.done @!p0 $0x0;
	p1 =	sne.s32 s28, $0x0  }
0x201: {  	[sflag:s2] =	ssyncadd.s32 @!p0 $0xFFFFFC00;
	s26 =	sadd.s32 @!p1 s0, s21;
	s28 =	simm.s32 @!p1 $0x400  }
0x202: {  	s29 =	simm.s32 @!p1 $0x1E000;
	s2 =	sadd.s32 @!p1 $0x200040, s26;
	s26 =	simm.s32 @!p1 $0x80  }
0x203: {  	[hbm4b:s2+s26] =	stream.strided.scatter @!p1 [tilespmem:s29], [sflag:$0x4], $0x400, s28, s26, $0x38;
	[tilespmem:$0x1E800] =	vst v63  }
0x204: {  	s2 =	simm.s32 @!p1 $0x4  }
0x205: {  	_ =	swait.ge @!p1 [sflag:s2], $0x400  }
0x206: {  	(v2sf) =	vpush v1, $0x5;
	_ =	sdelay $0xe  }
0x207: {  	s29 =	spop (v2sf)  }
0x208: {  	[sflag:s2] =	ssyncset.done @!p1 $0x0;
	p0 =	sne.s32 s29, $0x0  }
0x209: {  	[sflag:s2] =	ssyncadd.s32 @!p1 $0xFFFFFC00;
	s26 =	sadd.s32 @!p0 s0, s21;
	s28 =	simm.s32 @!p0 $0x400  }
0x20a: {  	s29 =	simm.s32 @!p0 $0x1E000;
	s2 =	sadd.s32 @!p0 $0x200050, s26;
	s26 =	simm.s32 @!p0 $0x80  }
0x20b: {  	[hbm4b:s2+s26] =	stream.strided.scatter @!p0 [tilespmem:s29], [sflag:$0x4], $0x400, s28, s26, $0x38;
	[tilespmem:$0x1E800] =	vst v63  }
0x20c: {  	s2 =	simm.s32 @!p0 $0x4  }
0x20d: {  	_ =	swait.ge @!p0 [sflag:s2], $0x400  }
0x20e: {  	(v2sf) =	vpush v1, $0x6;
	_ =	sdelay $0xe  }
0x20f: {  	s28 =	spop (v2sf)  }
0x210: {  	[sflag:s2] =	ssyncset.done @!p0 $0x0;
	p1 =	sne.s32 s28, $0x0  }
0x211: {  	[sflag:s2] =	ssyncadd.s32 @!p0 $0xFFFFFC00;
	s26 =	sadd.s32 @!p1 s0, s21;
	s28 =	simm.s32 @!p1 $0x400  }
0x212: {  	s29 =	simm.s32 @!p1 $0x1E000;
	s2 =	sadd.s32 @!p1 $0x200060, s26;
	s26 =	simm.s32 @!p1 $0x80  }
0x213: {  	[hbm4b:s2+s26] =	stream.strided.scatter @!p1 [tilespmem:s29], [sflag:$0x4], $0x400, s28, s26, $0x38;
	[tilespmem:$0x1E800] =	vst v63  }
0x214: {  	s2 =	simm.s32 @!p1 $0x4  }
0x215: {  	_ =	swait.ge @!p1 [sflag:s2], $0x400  }
0x216: {  	(v2sf) =	vpush v1, $0x7;
	_ =	sdelay $0xe  }
0x217: {  	s29 =	spop (v2sf)  }
0x218: {  	[sflag:s2] =	ssyncset.done @!p1 $0x0;
	p0 =	sne.s32 s29, $0x0  }
0x219: {  	[sflag:s2] =	ssyncadd.s32 @!p1 $0xFFFFFC00;
	s26 =	sadd.s32 @!p0 s0, s21;
	s28 =	simm.s32 @!p0 $0x400  }
0x21a: {  	s29 =	simm.s32 @!p0 $0x1E000;
	s2 =	sadd.s32 @!p0 $0x200070, s26;
	s26 =	simm.s32 @!p0 $0x80  }
0x21b: {  	[hbm4b:s2+s26] =	stream.strided.scatter @!p0 [tilespmem:s29], [sflag:$0x4], $0x400, s28, s26, $0x38;
	[tilespmem:$0x1E800] =	vst v63  }
0x21c: {  	s2 =	simm.s32 @!p0 $0x4  }
0x21d: {  	_ =	swait.ge @!p0 [sflag:s2], $0x400  }
0x21e: {  	(v2sf) =	vpush v1, $0x8;
	_ =	sdelay $0xe  }
0x21f: {  	s28 =	spop (v2sf)  }
0x220: {  	[sflag:s2] =	ssyncset.done @!p0 $0x0;
	p1 =	sne.s32 s28, $0x0  }
0x221: {  	[sflag:s2] =	ssyncadd.s32 @!p0 $0xFFFFFC00;
	s26 =	sadd.s32 @!p1 s0, s21;
	s28 =	simm.s32 @!p1 $0x400  }
0x222: {  	s29 =	simm.s32 @!p1 $0x1E000;
	s2 =	sadd.s32 @!p1 $0x200400, s26;
	s26 =	simm.s32 @!p1 $0x80  }
0x223: {  	[hbm4b:s2+s26] =	stream.strided.scatter @!p1 [tilespmem:s29], [sflag:$0x4], $0x400, s28, s26, $0x38;
	[tilespmem:$0x1E800] =	vst v63  }
0x224: {  	s2 =	simm.s32 @!p1 $0x4  }
0x225: {  	_ =	swait.ge @!p1 [sflag:s2], $0x400  }
0x226: {  	(v2sf) =	vpush v1, $0x9;
	_ =	sdelay $0xe  }
0x227: {  	s29 =	spop (v2sf)  }
0x228: {  	[sflag:s2] =	ssyncset.done @!p1 $0x0;
	p0 =	sne.s32 s29, $0x0  }
0x229: {  	[sflag:s2] =	ssyncadd.s32 @!p1 $0xFFFFFC00;
	s26 =	sadd.s32 @!p0 s0, s21;
	s28 =	simm.s32 @!p0 $0x400  }
0x22a: {  	s29 =	simm.s32 @!p0 $0x1E000;
	s2 =	sadd.s32 @!p0 $0x200410, s26;
	s26 =	simm.s32 @!p0 $0x80  }
0x22b: {  	[hbm4b:s2+s26] =	stream.strided.scatter @!p0 [tilespmem:s29], [sflag:$0x4], $0x400, s28, s26, $0x38;
	[tilespmem:$0x1E800] =	vst v63  }
0x22c: {  	s2 =	simm.s32 @!p0 $0x4  }
0x22d: {  	_ =	swait.ge @!p0 [sflag:s2], $0x400  }
0x22e: {  	(v2sf) =	vpush v1, $0xA;
	_ =	sdelay $0xe  }
0x22f: {  	s28 =	spop (v2sf)  }
0x230: {  	[sflag:s2] =	ssyncset.done @!p0 $0x0;
	p1 =	sne.s32 s28, $0x0  }
0x231: {  	[sflag:s2] =	ssyncadd.s32 @!p0 $0xFFFFFC00;
	s26 =	sadd.s32 @!p1 s0, s21;
	s28 =	simm.s32 @!p1 $0x400  }
0x232: {  	s29 =	simm.s32 @!p1 $0x1E000;
	s2 =	sadd.s32 @!p1 $0x200420, s26;
	s26 =	simm.s32 @!p1 $0x80  }
0x233: {  	[hbm4b:s2+s26] =	stream.strided.scatter @!p1 [tilespmem:s29], [sflag:$0x4], $0x400, s28, s26, $0x38;
	[tilespmem:$0x1E800] =	vst v63  }
0x234: {  	s2 =	simm.s32 @!p1 $0x4  }
0x235: {  	_ =	swait.ge @!p1 [sflag:s2], $0x400  }
0x236: {  	(v2sf) =	vpush v1, $0xB;
	_ =	sdelay $0xe  }
0x237: {  	s29 =	spop (v2sf)  }
0x238: {  	[sflag:s2] =	ssyncset.done @!p1 $0x0;
	p0 =	sne.s32 s29, $0x0  }
0x239: {  	[sflag:s2] =	ssyncadd.s32 @!p1 $0xFFFFFC00;
	s26 =	sadd.s32 @!p0 s0, s21;
	s28 =	simm.s32 @!p0 $0x400  }
0x23a: {  	s29 =	simm.s32 @!p0 $0x1E000;
	s2 =	sadd.s32 @!p0 $0x200430, s26;
	s26 =	simm.s32 @!p0 $0x80  }
0x23b: {  	[hbm4b:s2+s26] =	stream.strided.scatter @!p0 [tilespmem:s29], [sflag:$0x4], $0x400, s28, s26, $0x38;
	[tilespmem:$0x1E800] =	vst v63  }
0x23c: {  	s2 =	simm.s32 @!p0 $0x4  }
0x23d: {  	_ =	swait.ge @!p0 [sflag:s2], $0x400  }
0x23e: {  	(v2sf) =	vpush v1, $0xC;
	_ =	sdelay $0xe  }
0x23f: {  	s28 =	spop (v2sf)  }
0x240: {  	[sflag:s2] =	ssyncset.done @!p0 $0x0;
	p1 =	sne.s32 s28, $0x0  }
0x241: {  	[sflag:s2] =	ssyncadd.s32 @!p0 $0xFFFFFC00;
	s26 =	sadd.s32 @!p1 s0, s21;
	s28 =	simm.s32 @!p1 $0x400  }
0x242: {  	s29 =	simm.s32 @!p1 $0x1E000;
	s2 =	sadd.s32 @!p1 $0x200440, s26;
	s26 =	simm.s32 @!p1 $0x80  }
0x243: {  	[hbm4b:s2+s26] =	stream.strided.scatter @!p1 [tilespmem:s29], [sflag:$0x4], $0x400, s28, s26, $0x38;
	[tilespmem:$0x1E800] =	vst v63  }
0x244: {  	s2 =	simm.s32 @!p1 $0x4  }
0x245: {  	_ =	swait.ge @!p1 [sflag:s2], $0x400  }
0x246: {  	(v2sf) =	vpush v1, $0xD;
	_ =	sdelay $0xe  }
0x247: {  	s29 =	spop (v2sf)  }
0x248: {  	[sflag:s2] =	ssyncset.done @!p1 $0x0;
	p0 =	sne.s32 s29, $0x0  }
0x249: {  	[sflag:s2] =	ssyncadd.s32 @!p1 $0xFFFFFC00;
	s26 =	sadd.s32 @!p0 s0, s21;
	s28 =	simm.s32 @!p0 $0x400  }
0x24a: {  	s29 =	simm.s32 @!p0 $0x1E000;
	s2 =	sadd.s32 @!p0 $0x200450, s26;
	s26 =	simm.s32 @!p0 $0x80  }
0x24b: {  	[hbm4b:s2+s26] =	stream.strided.scatter @!p0 [tilespmem:s29], [sflag:$0x4], $0x400, s28, s26, $0x38;
	[tilespmem:$0x1E800] =	vst v63  }
0x24c: {  	s2 =	simm.s32 @!p0 $0x4  }
0x24d: {  	_ =	swait.ge @!p0 [sflag:s2], $0x400  }
0x24e: {  	(v2sf) =	vpush v1, $0xE;
	_ =	sdelay $0xe  }
0x24f: {  	s28 =	spop (v2sf)  }
0x250: {  	[sflag:s2] =	ssyncset.done @!p0 $0x0;
	p1 =	sne.s32 s28, $0x0  }
0x251: {  	[sflag:s2] =	ssyncadd.s32 @!p0 $0xFFFFFC00;
	s26 =	sadd.s32 @!p1 s0, s21;
	s28 =	simm.s32 @!p1 $0x400  }
0x252: {  	s29 =	simm.s32 @!p1 $0x1E000;
	s2 =	sadd.s32 @!p1 $0x200460, s26;
	s26 =	simm.s32 @!p1 $0x80  }
0x253: {  	[hbm4b:s2+s26] =	stream.strided.scatter @!p1 [tilespmem:s29], [sflag:$0x4], $0x400, s28, s26, $0x38;
	[tilespmem:$0x1E800] =	vst v63  }
0x254: {  	s2 =	simm.s32 @!p1 $0x4  }
0x255: {  	_ =	swait.ge @!p1 [sflag:s2], $0x400  }
0x256: {  	(v2sf) =	vpush v1, $0xF;
	_ =	sdelay $0xe  }
0x257: {  	s29 =	spop (v2sf)  }
0x258: {  	[sflag:s2] =	ssyncset.done @!p1 $0x0;
	p0 =	sne.s32 s29, $0x0  }
0x259: {  	[sflag:s2] =	ssyncadd.s32 @!p1 $0xFFFFFC00;
	s26 =	sadd.s32 @!p0 s0, s21;
	s28 =	simm.s32 @!p0 $0x400  }
0x25a: {  	s29 =	simm.s32 @!p0 $0x1E000;
	s2 =	sadd.s32 @!p0 $0x200470, s26;
	s26 =	simm.s32 @!p0 $0x80  }
0x25b: {  	[hbm4b:s2+s26] =	stream.strided.scatter @!p0 [tilespmem:s29], [sflag:$0x3], $0x400, s28, s26, $0x38;
	[tilespmem:$0x1E800] =	vst v63  }
.Ltmp18:
0x25c: {  	_ = 	snop;
	(pc) =	sbr.rel .LBB2_21-.Ltmp18, $4  }
0x25d: {  	s2 =	simm.s32 @!p0 $0x3  }
0x25e: {  	_ =	swait.ge @!p0 [sflag:s2], $0x400  }
0x25f: {  	[sflag:s2] =	ssyncset.done @!p0 $0x0  }
0x260: {  	[sflag:s2] =	ssyncadd.s32 @!p0 $0xFFFFFC00  }
.LBB2_22:
.Ltmp19:
0x261: {  	(pc) =	sbr.rel .LBB2_23-.Ltmp19, $2  }
0x262: {  	_ =	sdelay $0x2  }
0x263: {  	s31 =	simm.s32 $0x0;
	s1 =	simm.s32 $0x0;
	s0 =	simm.s32 $0x0  }
.LBB2_25:
0x264: {  	s0 =	sadd.s32 $0x800, s0  }
0x265: {  	p0 =	sne.s32 s0, $0x8000  }
.Ltmp20:
0x266: {  	_ = 	snop;
	(pc) =	sbr.rel @!p0 .LBB2_26-.Ltmp20, $2  }
0x267: {  	_ =	sdelay $0x2  }
0x268: {  	s1 =	sadd.s32 $0x40, s1;
	s31 =	sadd.s32 $0x10, s31  }
.LBB2_23:
0x269: {  	s2 =	sand.u32 $0x70, s31;
	s26 =	sand.u32 $0x200, s1  }
0x26a: {  	s2 =	sor.u32 s2, s26  }
0x26b: {  	v1 =	vld [tilespmem:s2+$0x1E580];
	_ =	sdelay $0x4  }
0x26c: {  	vm1 =	veq.s32 v1, $0x0  }
0x26d: {  	v2 =	vsel vm1, $0x3F800000, v0  }
0x26e: {  	(xrf0) =	vmax.scan.msk.f32 $0xffff, v2;
	_ =	sdelay $0x5  }
0x26f: {  	v2, _, _ =	vpop (xrf0)  }
0x270: {  	(v2sf) =	vpush v2, $0xF;
	_ =	sdelay $0xe  }
0x271: {  	s29 =	spop (v2sf)  }
0x272: {  	p0 =	sgt.f32 s29, $0.0e+00  }
.Ltmp21:
0x273: {  	_ = 	snop;
	(pc) =	sbr.rel @!p0 .LBB2_25-.Ltmp21, $1  }
0x274: {  	_ =	sdelay $0x3  }
0x275: {  	(v2sf) =	vpush v1, $0x0;
	_ =	sdelay $0xe  }
0x276: {  	s2 =	spop (v2sf)  }
0x277: {  	p1 =	sne.s32 s2, $0x0  }
0x278: {  	s2 =	sadd.s32 @!p1 s0, s21;
	s26 =	simm.s32 @!p1 $0x80  }
0x279: {  	s28 =	simm.s32 @!p1 $0x400;
	s29 =	simm.s32 @!p1 $0x1E000;
	s2 =	sadd.s32 @!p1 $0x300000, s2  }
0x27a: {  	[hbm4b:s2+s26] =	stream.strided.scatter @!p1 [tilespmem:s29], [sflag:$0x4], $0x400, s28, s26, $0x38;
	[tilespmem:$0x1E800] =	vst v63  }
0x27b: {  	s2 =	simm.s32 @!p1 $0x4  }
0x27c: {  	_ =	swait.ge @!p1 [sflag:s2], $0x400  }
0x27d: {  	(v2sf) =	vpush v1, $0x1;
	_ =	sdelay $0xe  }
0x27e: {  	s29 =	spop (v2sf)  }
0x27f: {  	[sflag:s2] =	ssyncset.done @!p1 $0x0;
	p0 =	sne.s32 s29, $0x0  }
0x280: {  	[sflag:s2] =	ssyncadd.s32 @!p1 $0xFFFFFC00;
	s26 =	sadd.s32 @!p0 s0, s21;
	s28 =	simm.s32 @!p0 $0x400  }
0x281: {  	s29 =	simm.s32 @!p0 $0x1E000;
	s2 =	sadd.s32 @!p0 $0x300010, s26;
	s26 =	simm.s32 @!p0 $0x80  }
0x282: {  	[hbm4b:s2+s26] =	stream.strided.scatter @!p0 [tilespmem:s29], [sflag:$0x4], $0x400, s28, s26, $0x38;
	[tilespmem:$0x1E800] =	vst v63  }
0x283: {  	s2 =	simm.s32 @!p0 $0x4  }
0x284: {  	_ =	swait.ge @!p0 [sflag:s2], $0x400  }
0x285: {  	(v2sf) =	vpush v1, $0x2;
	_ =	sdelay $0xe  }
0x286: {  	s28 =	spop (v2sf)  }
0x287: {  	[sflag:s2] =	ssyncset.done @!p0 $0x0;
	p1 =	sne.s32 s28, $0x0  }
0x288: {  	[sflag:s2] =	ssyncadd.s32 @!p0 $0xFFFFFC00;
	s26 =	sadd.s32 @!p1 s0, s21;
	s28 =	simm.s32 @!p1 $0x400  }
0x289: {  	s29 =	simm.s32 @!p1 $0x1E000;
	s2 =	sadd.s32 @!p1 $0x300020, s26;
	s26 =	simm.s32 @!p1 $0x80  }
0x28a: {  	[hbm4b:s2+s26] =	stream.strided.scatter @!p1 [tilespmem:s29], [sflag:$0x4], $0x400, s28, s26, $0x38;
	[tilespmem:$0x1E800] =	vst v63  }
0x28b: {  	s2 =	simm.s32 @!p1 $0x4  }
0x28c: {  	_ =	swait.ge @!p1 [sflag:s2], $0x400  }
0x28d: {  	(v2sf) =	vpush v1, $0x3;
	_ =	sdelay $0xe  }
0x28e: {  	s29 =	spop (v2sf)  }
0x28f: {  	[sflag:s2] =	ssyncset.done @!p1 $0x0;
	p0 =	sne.s32 s29, $0x0  }
0x290: {  	[sflag:s2] =	ssyncadd.s32 @!p1 $0xFFFFFC00;
	s26 =	sadd.s32 @!p0 s0, s21;
	s28 =	simm.s32 @!p0 $0x400  }
0x291: {  	s29 =	simm.s32 @!p0 $0x1E000;
	s2 =	sadd.s32 @!p0 $0x300030, s26;
	s26 =	simm.s32 @!p0 $0x80  }
0x292: {  	[hbm4b:s2+s26] =	stream.strided.scatter @!p0 [tilespmem:s29], [sflag:$0x4], $0x400, s28, s26, $0x38;
	[tilespmem:$0x1E800] =	vst v63  }
0x293: {  	s2 =	simm.s32 @!p0 $0x4  }
0x294: {  	_ =	swait.ge @!p0 [sflag:s2], $0x400  }
0x295: {  	(v2sf) =	vpush v1, $0x4;
	_ =	sdelay $0xe  }
0x296: {  	s28 =	spop (v2sf)  }
0x297: {  	[sflag:s2] =	ssyncset.done @!p0 $0x0;
	p1 =	sne.s32 s28, $0x0  }
0x298: {  	[sflag:s2] =	ssyncadd.s32 @!p0 $0xFFFFFC00;
	s26 =	sadd.s32 @!p1 s0, s21;
	s28 =	simm.s32 @!p1 $0x400  }
0x299: {  	s29 =	simm.s32 @!p1 $0x1E000;
	s2 =	sadd.s32 @!p1 $0x300040, s26;
	s26 =	simm.s32 @!p1 $0x80  }
0x29a: {  	[hbm4b:s2+s26] =	stream.strided.scatter @!p1 [tilespmem:s29], [sflag:$0x4], $0x400, s28, s26, $0x38;
	[tilespmem:$0x1E800] =	vst v63  }
0x29b: {  	s2 =	simm.s32 @!p1 $0x4  }
0x29c: {  	_ =	swait.ge @!p1 [sflag:s2], $0x400  }
0x29d: {  	(v2sf) =	vpush v1, $0x5;
	_ =	sdelay $0xe  }
0x29e: {  	s29 =	spop (v2sf)  }
0x29f: {  	[sflag:s2] =	ssyncset.done @!p1 $0x0;
	p0 =	sne.s32 s29, $0x0  }
0x2a0: {  	[sflag:s2] =	ssyncadd.s32 @!p1 $0xFFFFFC00;
	s26 =	sadd.s32 @!p0 s0, s21;
	s28 =	simm.s32 @!p0 $0x400  }
0x2a1: {  	s29 =	simm.s32 @!p0 $0x1E000;
	s2 =	sadd.s32 @!p0 $0x300050, s26;
	s26 =	simm.s32 @!p0 $0x80  }
0x2a2: {  	[hbm4b:s2+s26] =	stream.strided.scatter @!p0 [tilespmem:s29], [sflag:$0x4], $0x400, s28, s26, $0x38;
	[tilespmem:$0x1E800] =	vst v63  }
0x2a3: {  	s2 =	simm.s32 @!p0 $0x4  }
0x2a4: {  	_ =	swait.ge @!p0 [sflag:s2], $0x400  }
0x2a5: {  	(v2sf) =	vpush v1, $0x6;
	_ =	sdelay $0xe  }
0x2a6: {  	s28 =	spop (v2sf)  }
0x2a7: {  	[sflag:s2] =	ssyncset.done @!p0 $0x0;
	p1 =	sne.s32 s28, $0x0  }
0x2a8: {  	[sflag:s2] =	ssyncadd.s32 @!p0 $0xFFFFFC00;
	s26 =	sadd.s32 @!p1 s0, s21;
	s28 =	simm.s32 @!p1 $0x400  }
0x2a9: {  	s29 =	simm.s32 @!p1 $0x1E000;
	s2 =	sadd.s32 @!p1 $0x300060, s26;
	s26 =	simm.s32 @!p1 $0x80  }
0x2aa: {  	[hbm4b:s2+s26] =	stream.strided.scatter @!p1 [tilespmem:s29], [sflag:$0x4], $0x400, s28, s26, $0x38;
	[tilespmem:$0x1E800] =	vst v63  }
0x2ab: {  	s2 =	simm.s32 @!p1 $0x4  }
0x2ac: {  	_ =	swait.ge @!p1 [sflag:s2], $0x400  }
0x2ad: {  	(v2sf) =	vpush v1, $0x7;
	_ =	sdelay $0xe  }
0x2ae: {  	s29 =	spop (v2sf)  }
0x2af: {  	[sflag:s2] =	ssyncset.done @!p1 $0x0;
	p0 =	sne.s32 s29, $0x0  }
0x2b0: {  	[sflag:s2] =	ssyncadd.s32 @!p1 $0xFFFFFC00;
	s26 =	sadd.s32 @!p0 s0, s21;
	s28 =	simm.s32 @!p0 $0x400  }
0x2b1: {  	s29 =	simm.s32 @!p0 $0x1E000;
	s2 =	sadd.s32 @!p0 $0x300070, s26;
	s26 =	simm.s32 @!p0 $0x80  }
0x2b2: {  	[hbm4b:s2+s26] =	stream.strided.scatter @!p0 [tilespmem:s29], [sflag:$0x4], $0x400, s28, s26, $0x38;
	[tilespmem:$0x1E800] =	vst v63  }
0x2b3: {  	s2 =	simm.s32 @!p0 $0x4  }
0x2b4: {  	_ =	swait.ge @!p0 [sflag:s2], $0x400  }
0x2b5: {  	(v2sf) =	vpush v1, $0x8;
	_ =	sdelay $0xe  }
0x2b6: {  	s28 =	spop (v2sf)  }
0x2b7: {  	[sflag:s2] =	ssyncset.done @!p0 $0x0;
	p1 =	sne.s32 s28, $0x0  }
0x2b8: {  	[sflag:s2] =	ssyncadd.s32 @!p0 $0xFFFFFC00;
	s26 =	sadd.s32 @!p1 s0, s21;
	s28 =	simm.s32 @!p1 $0x400  }
0x2b9: {  	s29 =	simm.s32 @!p1 $0x1E000;
	s2 =	sadd.s32 @!p1 $0x300400, s26;
	s26 =	simm.s32 @!p1 $0x80  }
0x2ba: {  	[hbm4b:s2+s26] =	stream.strided.scatter @!p1 [tilespmem:s29], [sflag:$0x4], $0x400, s28, s26, $0x38;
	[tilespmem:$0x1E800] =	vst v63  }
0x2bb: {  	s2 =	simm.s32 @!p1 $0x4  }
0x2bc: {  	_ =	swait.ge @!p1 [sflag:s2], $0x400  }
0x2bd: {  	(v2sf) =	vpush v1, $0x9;
	_ =	sdelay $0xe  }
0x2be: {  	s29 =	spop (v2sf)  }
0x2bf: {  	[sflag:s2] =	ssyncset.done @!p1 $0x0;
	p0 =	sne.s32 s29, $0x0  }
0x2c0: {  	[sflag:s2] =	ssyncadd.s32 @!p1 $0xFFFFFC00;
	s26 =	sadd.s32 @!p0 s0, s21;
	s28 =	simm.s32 @!p0 $0x400  }
0x2c1: {  	s29 =	simm.s32 @!p0 $0x1E000;
	s2 =	sadd.s32 @!p0 $0x300410, s26;
	s26 =	simm.s32 @!p0 $0x80  }
0x2c2: {  	[hbm4b:s2+s26] =	stream.strided.scatter @!p0 [tilespmem:s29], [sflag:$0x4], $0x400, s28, s26, $0x38;
	[tilespmem:$0x1E800] =	vst v63  }
0x2c3: {  	s2 =	simm.s32 @!p0 $0x4  }
0x2c4: {  	_ =	swait.ge @!p0 [sflag:s2], $0x400  }
0x2c5: {  	(v2sf) =	vpush v1, $0xA;
	_ =	sdelay $0xe  }
0x2c6: {  	s28 =	spop (v2sf)  }
0x2c7: {  	[sflag:s2] =	ssyncset.done @!p0 $0x0;
	p1 =	sne.s32 s28, $0x0  }
0x2c8: {  	[sflag:s2] =	ssyncadd.s32 @!p0 $0xFFFFFC00;
	s26 =	sadd.s32 @!p1 s0, s21;
	s28 =	simm.s32 @!p1 $0x400  }
0x2c9: {  	s29 =	simm.s32 @!p1 $0x1E000;
	s2 =	sadd.s32 @!p1 $0x300420, s26;
	s26 =	simm.s32 @!p1 $0x80  }
0x2ca: {  	[hbm4b:s2+s26] =	stream.strided.scatter @!p1 [tilespmem:s29], [sflag:$0x4], $0x400, s28, s26, $0x38;
	[tilespmem:$0x1E800] =	vst v63  }
0x2cb: {  	s2 =	simm.s32 @!p1 $0x4  }
0x2cc: {  	_ =	swait.ge @!p1 [sflag:s2], $0x400  }
0x2cd: {  	(v2sf) =	vpush v1, $0xB;
	_ =	sdelay $0xe  }
0x2ce: {  	s29 =	spop (v2sf)  }
0x2cf: {  	[sflag:s2] =	ssyncset.done @!p1 $0x0;
	p0 =	sne.s32 s29, $0x0  }
0x2d0: {  	[sflag:s2] =	ssyncadd.s32 @!p1 $0xFFFFFC00;
	s26 =	sadd.s32 @!p0 s0, s21;
	s28 =	simm.s32 @!p0 $0x400  }
0x2d1: {  	s29 =	simm.s32 @!p0 $0x1E000;
	s2 =	sadd.s32 @!p0 $0x300430, s26;
	s26 =	simm.s32 @!p0 $0x80  }
0x2d2: {  	[hbm4b:s2+s26] =	stream.strided.scatter @!p0 [tilespmem:s29], [sflag:$0x4], $0x400, s28, s26, $0x38;
	[tilespmem:$0x1E800] =	vst v63  }
0x2d3: {  	s2 =	simm.s32 @!p0 $0x4  }
0x2d4: {  	_ =	swait.ge @!p0 [sflag:s2], $0x400  }
0x2d5: {  	(v2sf) =	vpush v1, $0xC;
	_ =	sdelay $0xe  }
0x2d6: {  	s28 =	spop (v2sf)  }
0x2d7: {  	[sflag:s2] =	ssyncset.done @!p0 $0x0;
	p1 =	sne.s32 s28, $0x0  }
0x2d8: {  	[sflag:s2] =	ssyncadd.s32 @!p0 $0xFFFFFC00;
	s26 =	sadd.s32 @!p1 s0, s21;
	s28 =	simm.s32 @!p1 $0x400  }
0x2d9: {  	s29 =	simm.s32 @!p1 $0x1E000;
	s2 =	sadd.s32 @!p1 $0x300440, s26;
	s26 =	simm.s32 @!p1 $0x80  }
0x2da: {  	[hbm4b:s2+s26] =	stream.strided.scatter @!p1 [tilespmem:s29], [sflag:$0x4], $0x400, s28, s26, $0x38;
	[tilespmem:$0x1E800] =	vst v63  }
0x2db: {  	s2 =	simm.s32 @!p1 $0x4  }
0x2dc: {  	_ =	swait.ge @!p1 [sflag:s2], $0x400  }
0x2dd: {  	(v2sf) =	vpush v1, $0xD;
	_ =	sdelay $0xe  }
0x2de: {  	s29 =	spop (v2sf)  }
0x2df: {  	[sflag:s2] =	ssyncset.done @!p1 $0x0;
	p0 =	sne.s32 s29, $0x0  }
0x2e0: {  	[sflag:s2] =	ssyncadd.s32 @!p1 $0xFFFFFC00;
	s26 =	sadd.s32 @!p0 s0, s21;
	s28 =	simm.s32 @!p0 $0x400  }
0x2e1: {  	s29 =	simm.s32 @!p0 $0x1E000;
	s2 =	sadd.s32 @!p0 $0x300450, s26;
	s26 =	simm.s32 @!p0 $0x80  }
0x2e2: {  	[hbm4b:s2+s26] =	stream.strided.scatter @!p0 [tilespmem:s29], [sflag:$0x4], $0x400, s28, s26, $0x38;
	[tilespmem:$0x1E800] =	vst v63  }
0x2e3: {  	s2 =	simm.s32 @!p0 $0x4  }
0x2e4: {  	_ =	swait.ge @!p0 [sflag:s2], $0x400  }
0x2e5: {  	(v2sf) =	vpush v1, $0xE;
	_ =	sdelay $0xe  }
0x2e6: {  	s28 =	spop (v2sf)  }
0x2e7: {  	[sflag:s2] =	ssyncset.done @!p0 $0x0;
	p1 =	sne.s32 s28, $0x0  }
0x2e8: {  	[sflag:s2] =	ssyncadd.s32 @!p0 $0xFFFFFC00;
	s26 =	sadd.s32 @!p1 s0, s21;
	s28 =	simm.s32 @!p1 $0x400  }
0x2e9: {  	s29 =	simm.s32 @!p1 $0x1E000;
	s2 =	sadd.s32 @!p1 $0x300460, s26;
	s26 =	simm.s32 @!p1 $0x80  }
0x2ea: {  	[hbm4b:s2+s26] =	stream.strided.scatter @!p1 [tilespmem:s29], [sflag:$0x4], $0x400, s28, s26, $0x38;
	[tilespmem:$0x1E800] =	vst v63  }
0x2eb: {  	s2 =	simm.s32 @!p1 $0x4  }
0x2ec: {  	_ =	swait.ge @!p1 [sflag:s2], $0x400  }
0x2ed: {  	(v2sf) =	vpush v1, $0xF;
	_ =	sdelay $0xe  }
0x2ee: {  	s29 =	spop (v2sf)  }
0x2ef: {  	[sflag:s2] =	ssyncset.done @!p1 $0x0;
	p0 =	sne.s32 s29, $0x0  }
0x2f0: {  	[sflag:s2] =	ssyncadd.s32 @!p1 $0xFFFFFC00;
	s26 =	sadd.s32 @!p0 s0, s21;
	s28 =	simm.s32 @!p0 $0x400  }
0x2f1: {  	s29 =	simm.s32 @!p0 $0x1E000;
	s2 =	sadd.s32 @!p0 $0x300470, s26;
	s26 =	simm.s32 @!p0 $0x80  }
0x2f2: {  	[hbm4b:s2+s26] =	stream.strided.scatter @!p0 [tilespmem:s29], [sflag:$0x3], $0x400, s28, s26, $0x38;
	[tilespmem:$0x1E800] =	vst v63  }
.Ltmp22:
0x2f3: {  	_ = 	snop;
	(pc) =	sbr.rel .LBB2_25-.Ltmp22, $4  }
0x2f4: {  	s2 =	simm.s32 @!p0 $0x3  }
0x2f5: {  	_ =	swait.ge @!p0 [sflag:s2], $0x400  }
0x2f6: {  	[sflag:s2] =	ssyncset.done @!p0 $0x0  }
0x2f7: {  	[sflag:s2] =	ssyncadd.s32 @!p0 $0xFFFFFC00  }
.LBB2_27:
0x2f8: {  	_ =	sfence.sel $0x180000  }
0x2f9: {  	[bflag:$0x0] =	sbarrier.arrive $0xFFFF  }
0x2fa: {  	_ =	strace $0x90000047  }
0x2fb: {  	s0 =	stileid.u32;
	[bflag:$0x2] =	sbarrier.arrive $0xFFFF  }
0x2fc: {  	p0 =	sne.s32 s0, $0x0;
	s0 =	rddreg [dreg:$0x3]  }
0x2fd: {  	s0 =	sadd.s32 @!p0 $0x100000, s0  }
0x2fe: {  	[sflag:s0] =	ssyncadd.tile.s32 @!p0 $0x1;
	_ =	shalt  }
.Lfunc_end2:
_tile_overlayer_lowered:
.L_overlay_start_2:
0x2ff: {  	(tag) =	ssettag $0x2  }
0x300: {  	s0 =	rddreg [dreg:$0x0];
	s2 =	stileid.u32  }
0x301: {  	s1 =	rddreg [dreg:$0x1];
	p0 =	sne.s32 s2, $0x0  }
0x302: {  	s3 =	rddreg [dreg:$0x2];
	[bflag:$0x3] =	sbarrier.arrive $0xFFFF;
	s2 =	simm.s32 @!p0 $0x1C03  }
0x303: {  	[timem:s3], [sflag:s2] =	dma.local @!p0 [hbm:s0], s1  }
0x304: {  	s0 =	simm.s32 @!p0 $0x3  }
0x305: {  	_ =	swait.ge @!p0 [sflag:s0], s1  }
0x306: {  	s1 =	ssub.s32 @!p0 $0x0, s1;
	[sflag:s0] =	ssyncset.done @!p0 $0x0  }
0x307: {  	[sflag:s0] =	ssyncadd.s32 @!p0 s1  }
0x308: {  	[bflag:$0x3] =	sbarrier.arrive $0xFFFF  }
0x309: {  	_ =	shalt  }

</sc_bundles>
